<compile_context>
chip_gen: v7x
topology: tpu7x:2x2x1
jax: 0.10.2.dev20260603
libtpu: 0.0.44.dev20260713+nightly
codegen_flags: <defaults>
</compile_context>

<pallas_src>
import functools

import numpy as np
import jax
import jax.numpy as jnp
from jax import lax
from jax.experimental import pallas as pl
from jax.experimental.pallas import tpu as pltpu
from jax.experimental.pallas import tpu_sc as plsc

N_COLS = 100000
N_S = 4096
N_CH = 3
NW = 32
S_PER_W = N_S // NW


def _build_tables():
    rng = np.random.default_rng(0)
    a_idx = rng.permutation(N_COLS)[:N_S].astype(np.int64)
    b_idx = rng.permutation(N_COLS)[:N_S].astype(np.int64)

    q = np.arange(S_PER_W, dtype=np.int64)
    s, rloc = q // 16, q % 16
    p_a = rloc * 8 + s
    gidx_a = np.empty((NW * N_CH, S_PER_W), np.int32)
    gidx_b = np.empty((NW * N_CH, S_PER_W), np.int32)
    for w in range(NW):
        for c in range(N_CH):
            gidx_a[w * N_CH + c] = c * N_COLS + a_idx[w * S_PER_W + p_a]
            gidx_b[w * N_CH + c] = 6 * N_COLS + c * N_COLS + b_idx[w * S_PER_W + q]
    return gidx_a, gidx_b


_GIDX_A, _GIDX_B = _build_tables()


def _sc_gather_body(ab_hbm, gidx_a, gidx_b, out_a, out_b,
                    idx_v, vals_v, prep_v, gsem, osem):
    wid = lax.axis_index("s") * 2 + lax.axis_index("c")

    pltpu.sync_copy(gidx_a.at[pl.ds(wid * N_CH, N_CH)], idx_v.at[0])
    pltpu.sync_copy(gidx_b.at[pl.ds(wid * N_CH, N_CH)], idx_v.at[1])
    gathers = []
    for side in range(2):
        for c in range(N_CH):
            gathers.append(pltpu.async_copy(
                ab_hbm.at[idx_v.at[side, c]], vals_v.at[side, c], gsem))
    for g in gathers:
        g.wait()

    outs = []
    for c in range(N_CH):
        for s in range(8):
            outs.append(pltpu.async_copy(
                vals_v.at[0, c, pl.ds(s * 16, 16)],
                out_a.at[c, s, pl.ds(wid * 16, 16)],
                osem))

    for k in range(S_PER_W // 16):
        v0 = vals_v[1, 0, pl.ds(k * 16, 16)]
        v1 = vals_v[1, 1, pl.ds(k * 16, 16)]
        v2 = vals_v[1, 2, pl.ds(k * 16, 16)]
        prep_v[0, pl.ds(k * 16, 16)] = -2.0 * v0
        prep_v[1, pl.ds(k * 16, 16)] = -2.0 * v1
        prep_v[2, pl.ds(k * 16, 16)] = -2.0 * v2
        prep_v[3, pl.ds(k * 16, 16)] = v0 * v0 + v1 * v1 + v2 * v2
    for c in range(4):
        outs.append(pltpu.async_copy(
            prep_v.at[c], out_b.at[c, pl.ds(wid * S_PER_W, S_PER_W)], osem))
    for o in outs:
        o.wait()


@functools.cache
def _sc_gather():
    return pl.kernel(
        _sc_gather_body,
        mesh=plsc.VectorSubcoreMesh(core_axis_name="c", subcore_axis_name="s"),
        compiler_params=pltpu.CompilerParams(
            needs_layout_passes=False, use_tc_tiling_on_sc=False),
        out_type=[
            jax.ShapeDtypeStruct((N_CH, 8, N_S // 8), jnp.float32),
            jax.ShapeDtypeStruct((4, N_S), jnp.float32),
        ],
        scratch_types=[
            pltpu.VMEM((2, N_CH, S_PER_W), jnp.int32),
            pltpu.VMEM((2, N_CH, S_PER_W), jnp.float32),
            pltpu.VMEM((4, S_PER_W), jnp.float32),
            pltpu.SemaphoreType.DMA,
            pltpu.SemaphoreType.DMA,
        ],
    )


A_BLK = 32
N_ABLK = N_S // A_BLK
N_BBLK = N_S // 128


def _tc_chamfer_body(a_ref, b_ref, out_ref, bb_ref, ab_ref, mb_ref):
    for c in range(4):
        bb_ref[c] = jnp.broadcast_to(b_ref[c:c + 1, :], (8, N_S))

    def abuild(k2, carry):
        for half in range(2):
            k = k2 * 2 + half
            base = pl.multiple_of((k // 8) * 128, 128)
            sh = (k % 8) * 16
            for c in range(N_CH):
                av = pltpu.roll(a_ref[c, :, pl.ds(base, 128)], -sh, 1)
                for u in range(16):
                    ab_ref[c, k * 16 + u] = jnp.broadcast_to(
                        av[:, u:u + 1], (8, 128))
        return carry

    lax.fori_loop(0, N_S // 8 // 32, abuild, 0)

    def blk_step(blk, carry):
        grp = []
        accs = []
        for g in range(4):
            rr = blk * 4 + g
            grp.append((ab_ref[0, rr], ab_ref[1, rr], ab_ref[2, rr]))
            accs.append(jnp.full((8, 128), jnp.inf, dtype=jnp.float32))
        def bb_step(bb, accs):
            off = pl.multiple_of(bb * 128, 128)
            b0 = bb_ref[0, :, pl.ds(off, 128)]
            b1 = bb_ref[1, :, pl.ds(off, 128)]
            b2 = bb_ref[2, :, pl.ds(off, 128)]
            nb = bb_ref[3, :, pl.ds(off, 128)]
            out = []
            for g in range(4):
                a0, a1, a2 = grp[g]
                v = nb + b0 * a0 + b1 * a1 + b2 * a2
                out.append(jnp.minimum(accs[g], v))
            return tuple(out)

        accs = lax.fori_loop(0, N_BBLK, bb_step, tuple(accs), unroll=4)
        for g in range(4):
            a0, a1, a2 = grp[g]
            na = a0 * a0 + a1 * a1 + a2 * a2
            mb_ref[blk * 4 + g] = accs[g] + na
        return carry

    lax.fori_loop(0, N_ABLK, blk_step, 0)

    def fin_step(i, sacc):
        return sacc + jnp.min(mb_ref[i], axis=1, keepdims=True)

    sacc = lax.fori_loop(0, N_S // 8, fin_step,
                         jnp.zeros((8, 1), dtype=jnp.float32), unroll=16)
    out_ref[0, 0] = jnp.sum(sacc)


_tc_chamfer = pl.pallas_call(
    _tc_chamfer_body,
    out_shape=jax.ShapeDtypeStruct((1, 1), jnp.float32),
    in_specs=[
        pl.BlockSpec(memory_space=pltpu.VMEM),
        pl.BlockSpec(memory_space=pltpu.VMEM),
    ],
    out_specs=pl.BlockSpec(memory_space=pltpu.SMEM),
    scratch_shapes=[
        pltpu.VMEM((4, 8, N_S), jnp.float32),
        pltpu.VMEM((N_CH, N_S // 8, 8, 128), jnp.float32),
        pltpu.VMEM((N_S // 8, 8, 128), jnp.float32),
    ],
)


@jax.jit
def kernel(a, b):
    ab_flat = jnp.concatenate([a.reshape(6 * N_COLS), b.reshape(6 * N_COLS)])
    a_g, b_g = _sc_gather()(
        ab_flat, jnp.asarray(_GIDX_A), jnp.asarray(_GIDX_B))
    return _tc_chamfer(a_g, b_g)[0, 0]

# --- scband reference (transcript-rebuilt; emitter-appended) ---
"""Pipeline reference for scband-sample-chamfer-67740224192625 (READ-ONLY COPY).

The authoritative reference and input builder live on the scoring server;
editing this copy changes nothing except your own understanding.
"""

import jax, jax.numpy as jnp
import numpy as np

N_SAMPLES = 4096

def setup_inputs(seed: int = 0) -> dict:
    key = jax.random.key(seed)
    k1, k2 = jax.random.split(key)
    a = jax.random.normal(k1, (6, 100000), dtype=jnp.float32)
    b = jax.random.normal(k2, (6, 100000), dtype=jnp.float32)
    return {"a": a, "b": b}

def reference(a, b):
    # Faithful translation of SampleChamfer.chamfer with deterministic shuffles
    # (the torch original uses global np.random.shuffle; we fix the seed so the
    #  sampled column indices are reproducible).
    rng = np.random.default_rng(0)
    a_indices = rng.permutation(a.shape[-1])[:N_SAMPLES]
    b_indices = rng.permutation(b.shape[-1])[:N_SAMPLES]
    a_idx = jnp.asarray(a_indices, dtype=jnp.int32)
    b_idx = jnp.asarray(b_indices, dtype=jnp.int32)
    a_s = jnp.take(a, a_idx, axis=1).T  # [S, C]
    b_s = jnp.take(b, b_idx, axis=1).T  # [S, C]
    # torch: mma[i, j] = a_s[j, 0:3]; mmb[i, j] = b_s[i, 0:3]
    # d[i, j] = ||a_s[j, :3] - b_s[i, :3]||^2
    d = jnp.sum((a_s[None, :, 0:3] - b_s[:, None, 0:3]) ** 2, axis=2)  # [S, S]
    d = jnp.squeeze(d)
    return jnp.min(d, axis=0).sum()

if __name__ == "__main__":
    import jax
    _d = setup_inputs()
    print(jax.jit(kernel)(*tuple(_d.values())))

</pallas_src>

<mosaic_0001>
#map = affine_map<(d0, d1) -> (0)>
#map1 = affine_map<(d0, d1) -> (0, 0)>
#map2 = affine_map<(d0, d1) -> (0, 0, 0)>
module attributes {stable_mosaic.version = 14 : i64} {
  func.func @_sc_gather_body(%arg0: i32, %arg1: i32, %arg2: memref<1200000xf32, #tpu.memory_space<hbm>>, %arg3: memref<96x128xi32, #tpu.memory_space<hbm>>, %arg4: memref<96x128xi32, #tpu.memory_space<hbm>>, %arg5: memref<3x8x512xf32, #tpu.memory_space<hbm>>, %arg6: memref<4x4096xf32, #tpu.memory_space<hbm>>, %arg7: memref<2x3x128xi32, #tpu.memory_space<vmem>>, %arg8: memref<2x3x128xf32, #tpu.memory_space<vmem>>, %arg9: memref<4x128xf32, #tpu.memory_space<vmem>>, %arg10: memref<!tpu.dma_semaphore, #tpu.memory_space<semaphore_mem>>, %arg11: memref<!tpu.dma_semaphore, #tpu.memory_space<semaphore_mem>>) attributes {dimension_semantics = [#tpu.dimension_semantics<core_parallel>, #tpu.dimension_semantics<subcore_parallel>], iteration_bounds = array<i64: 2, 16>, scalar_prefetch = 0 : i64, scratch_operands = 5 : i64, tpu.core_type = #tpu.core_type<sc_vector_subcore>, window_params = [{transform_indices = #map}, {transform_indices = #map1}, {transform_indices = #map1}, {transform_indices = #map2}, {transform_indices = #map1}]} {
    %mul3A = arith.constant 2 : i32
    %mul3A_0 = arith.muli %arg1, %mul3A : i32
    %add3A = arith.addi %mul3A_0, %arg0 : i32
    %mul3A_1 = arith.constant 3 : i32
    %mul3A_2 = arith.muli %add3A, %mul3A_1 : i32
    %run_scoped3A = arith.constant 0 : i32
    "tpu.region"() ({
      %run_scoped3A_1354 = tpu.sem_alloc : memref<!tpu.dma_semaphore, #tpu.memory_space<semaphore_mem>>
      %dma_start3A_1355 = arith.constant 0 : i32
      %dma_start3A_1356 = arith.constant 0 : i32
      %dma_start3A_1357 = tpu.memref_slice %arg7[%run_scoped3A, %dma_start3A_1355, %dma_start3A_1356] : memref<2x3x128xi32, #tpu.memory_space<vmem>> -> memref<1x3x128xi32, #tpu.memory_space<vmem>>
      %dma_start3A_1358 = tpu.memref_squeeze %dma_start3A_1357 : memref<1x3x128xi32, #tpu.memory_space<vmem>> -> memref<3x128xi32, #tpu.memory_space<vmem>>
      %dma_start3A_1359 = arith.constant 0 : i32
      %dma_start3A_1360 = tpu.memref_slice %arg3[%mul3A_2, %dma_start3A_1359] : memref<96x128xi32, #tpu.memory_space<hbm>> -> memref<3x128xi32, #tpu.memory_space<hbm>>
      %dma_start3A_1361 = arith.constant 0 : i32
      %dma_start3A_1362 = arith.constant 0 : i32
      %dma_start3A_1363 = tpu.memref_slice %arg7[%run_scoped3A, %dma_start3A_1361, %dma_start3A_1362] : memref<2x3x128xi32, #tpu.memory_space<vmem>> -> memref<1x3x128xi32, #tpu.memory_space<vmem>>
      %dma_start3A_1364 = tpu.memref_squeeze %dma_start3A_1363 : memref<1x3x128xi32, #tpu.memory_space<vmem>> -> memref<3x128xi32, #tpu.memory_space<vmem>>
      %dma_start3A_1365 = arith.constant 0 : i32
      %dma_start3A_1366 = tpu.memref_slice %arg3[%mul3A_2, %dma_start3A_1365] : memref<96x128xi32, #tpu.memory_space<hbm>> -> memref<3x128xi32, #tpu.memory_space<hbm>>
      tpu.enqueue_dma source(%dma_start3A_1366 : memref<3x128xi32, #tpu.memory_space<hbm>>) target(%dma_start3A_1364 : memref<3x128xi32, #tpu.memory_space<vmem>>) target_semaphore(%run_scoped3A_1354 : memref<!tpu.dma_semaphore, #tpu.memory_space<semaphore_mem>>)
      %dma_wait3A_1367 = arith.constant 0 : i32
      %dma_wait3A_1368 = arith.constant 0 : i32
      %dma_wait3A_1369 = tpu.memref_slice %arg7[%run_scoped3A, %dma_wait3A_1367, %dma_wait3A_1368] : memref<2x3x128xi32, #tpu.memory_space<vmem>> -> memref<1x3x128xi32, #tpu.memory_space<vmem>>
      %dma_wait3A_1370 = tpu.memref_squeeze %dma_wait3A_1369 : memref<1x3x128xi32, #tpu.memory_space<vmem>> -> memref<3x128xi32, #tpu.memory_space<vmem>>
      %dma_wait3A_1371 = arith.constant 0 : i32
      %dma_wait3A_1372 = tpu.memref_slice %arg3[%mul3A_2, %dma_wait3A_1371] : memref<96x128xi32, #tpu.memory_space<hbm>> -> memref<3x128xi32, #tpu.memory_space<hbm>>
      %dma_wait3A_1373 = arith.constant 0 : i32
      %dma_wait3A_1374 = arith.constant 0 : i32
      %dma_wait3A_1375 = tpu.memref_slice %arg7[%run_scoped3A, %dma_wait3A_1373, %dma_wait3A_1374] : memref<2x3x128xi32, #tpu.memory_space<vmem>> -> memref<1x3x128xi32, #tpu.memory_space<vmem>>
      %dma_wait3A_1376 = tpu.memref_squeeze %dma_wait3A_1375 : memref<1x3x128xi32, #tpu.memory_space<vmem>> -> memref<3x128xi32, #tpu.memory_space<vmem>>
      %dma_wait3A_1377 = arith.constant 0 : i32
      %dma_wait3A_1378 = tpu.memref_slice %arg3[%mul3A_2, %dma_wait3A_1377] : memref<96x128xi32, #tpu.memory_space<hbm>> -> memref<3x128xi32, #tpu.memory_space<hbm>>
      tpu.wait_dma2 semaphore(%run_scoped3A_1354 : memref<!tpu.dma_semaphore, #tpu.memory_space<semaphore_mem>>) src(%dma_wait3A_1378 : memref<3x128xi32, #tpu.memory_space<hbm>>) dst(%dma_wait3A_1376 : memref<3x128xi32, #tpu.memory_space<vmem>>)
      tpu.yield
    }) : () -> ()
    %mul3A_3 = arith.constant 3 : i32
    %mul3A_4 = arith.muli %add3A, %mul3A_3 : i32
    %run_scoped3A_5 = arith.constant 1 : i32
    "tpu.region"() ({
      %run_scoped3A_1354 = tpu.sem_alloc : memref<!tpu.dma_semaphore, #tpu.memory_space<semaphore_mem>>
      %dma_start3A_1355 = arith.constant 0 : i32
      %dma_start3A_1356 = arith.constant 0 : i32
      %dma_start3A_1357 = tpu.memref_slice %arg7[%run_scoped3A_5, %dma_start3A_1355, %dma_start3A_1356] : memref<2x3x128xi32, #tpu.memory_space<vmem>> -> memref<1x3x128xi32, #tpu.memory_space<vmem>>
      %dma_start3A_1358 = tpu.memref_squeeze %dma_start3A_1357 : memref<1x3x128xi32, #tpu.memory_space<vmem>> -> memref<3x128xi32, #tpu.memory_space<vmem>>
      %dma_start3A_1359 = arith.constant 0 : i32
      %dma_start3A_1360 = tpu.memref_slice %arg4[%mul3A_4, %dma_start3A_1359] : memref<96x128xi32, #tpu.memory_space<hbm>> -> memref<3x128xi32, #tpu.memory_space<hbm>>
      %dma_start3A_1361 = arith.constant 0 : i32
      %dma_start3A_1362 = arith.constant 0 : i32
      %dma_start3A_1363 = tpu.memref_slice %arg7[%run_scoped3A_5, %dma_start3A_1361, %dma_start3A_1362] : memref<2x3x128xi32, #tpu.memory_space<vmem>> -> memref<1x3x128xi32, #tpu.memory_space<vmem>>
      %dma_start3A_1364 = tpu.memref_squeeze %dma_start3A_1363 : memref<1x3x128xi32, #tpu.memory_space<vmem>> -> memref<3x128xi32, #tpu.memory_space<vmem>>
      %dma_start3A_1365 = arith.constant 0 : i32
      %dma_start3A_1366 = tpu.memref_slice %arg4[%mul3A_4, %dma_start3A_1365] : memref<96x128xi32, #tpu.memory_space<hbm>> -> memref<3x128xi32, #tpu.memory_space<hbm>>
      tpu.enqueue_dma source(%dma_start3A_1366 : memref<3x128xi32, #tpu.memory_space<hbm>>) target(%dma_start3A_1364 : memref<3x128xi32, #tpu.memory_space<vmem>>) target_semaphore(%run_scoped3A_1354 : memref<!tpu.dma_semaphore, #tpu.memory_space<semaphore_mem>>)
      %dma_wait3A_1367 = arith.constant 0 : i32
      %dma_wait3A_1368 = arith.constant 0 : i32
      %dma_wait3A_1369 = tpu.memref_slice %arg7[%run_scoped3A_5, %dma_wait3A_1367, %dma_wait3A_1368] : memref<2x3x128xi32, #tpu.memory_space<vmem>> -> memref<1x3x128xi32, #tpu.memory_space<vmem>>
      %dma_wait3A_1370 = tpu.memref_squeeze %dma_wait3A_1369 : memref<1x3x128xi32, #tpu.memory_space<vmem>> -> memref<3x128xi32, #tpu.memory_space<vmem>>
      %dma_wait3A_1371 = arith.constant 0 : i32
      %dma_wait3A_1372 = tpu.memref_slice %arg4[%mul3A_4, %dma_wait3A_1371] : memref<96x128xi32, #tpu.memory_space<hbm>> -> memref<3x128xi32, #tpu.memory_space<hbm>>
      %dma_wait3A_1373 = arith.constant 0 : i32
      %dma_wait3A_1374 = arith.constant 0 : i32
      %dma_wait3A_1375 = tpu.memref_slice %arg7[%run_scoped3A_5, %dma_wait3A_1373, %dma_wait3A_1374] : memref<2x3x128xi32, #tpu.memory_space<vmem>> -> memref<1x3x128xi32, #tpu.memory_space<vmem>>
      %dma_wait3A_1376 = tpu.memref_squeeze %dma_wait3A_1375 : memref<1x3x128xi32, #tpu.memory_space<vmem>> -> memref<3x128xi32, #tpu.memory_space<vmem>>
      %dma_wait3A_1377 = arith.constant 0 : i32
      %dma_wait3A_1378 = tpu.memref_slice %arg4[%mul3A_4, %dma_wait3A_1377] : memref<96x128xi32, #tpu.memory_space<hbm>> -> memref<3x128xi32, #tpu.memory_space<hbm>>
      tpu.wait_dma2 semaphore(%run_scoped3A_1354 : memref<!tpu.dma_semaphore, #tpu.memory_space<semaphore_mem>>) src(%dma_wait3A_1378 : memref<3x128xi32, #tpu.memory_space<hbm>>) dst(%dma_wait3A_1376 : memref<3x128xi32, #tpu.memory_space<vmem>>)
      tpu.yield
    }) : () -> ()
    %dma_start3A = arith.constant 0 : i32
    %dma_start3A_6 = arith.constant 0 : i32
    %dma_start3A_7 = arith.constant 0 : i32
    %dma_start3A_8 = arith.constant 0 : i32
    %dma_start3A_9 = arith.constant 0 : i32
    %dma_start3A_10 = tpu.memref_slice %arg8[%dma_start3A_7, %dma_start3A_8, %dma_start3A_9] : memref<2x3x128xf32, #tpu.memory_space<vmem>> -> memref<1x1x128xf32, #tpu.memory_space<vmem>>
    %dma_start3A_11 = tpu.memref_squeeze %dma_start3A_10 : memref<1x1x128xf32, #tpu.memory_space<vmem>> -> memref<128xf32, #tpu.memory_space<vmem>>
    %dma_start3A_12 = arith.constant 0 : i32
    %dma_start3A_13 = tpu.memref_slice %arg7[%dma_start3A, %dma_start3A_6, %dma_start3A_12] : memref<2x3x128xi32, #tpu.memory_space<vmem>> -> memref<1x1x128xi32, #tpu.memory_space<vmem>>
    %dma_start3A_14 = tpu.memref_squeeze %dma_start3A_13 : memref<1x1x128xi32, #tpu.memory_space<vmem>> -> memref<128xi32, #tpu.memory_space<vmem>>
    %dma_start3A_15 = arith.constant 0 : i32
    %dma_start3A_16 = tpu.memref_slice %arg2[%dma_start3A_15] : memref<1200000xf32, #tpu.memory_space<hbm>> -> memref<1200000xf32, #tpu.memory_space<hbm>>
    tpu.enqueue_indirect_dma source(%dma_start3A_16 : memref<1200000xf32, #tpu.memory_space<hbm>>) target(%dma_start3A_11 : memref<128xf32, #tpu.memory_space<vmem>>) offsets(%dma_start3A_14 : memref<128xi32, #tpu.memory_space<vmem>>) semaphore(%arg10 : memref<!tpu.dma_semaphore, #tpu.memory_space<semaphore_mem>>)
    %dma_start3A_17 = arith.constant 0 : i32
    %dma_start3A_18 = arith.constant 1 : i32
    %dma_start3A_19 = arith.constant 0 : i32
    %dma_start3A_20 = arith.constant 1 : i32
    %dma_start3A_21 = arith.constant 0 : i32
    %dma_start3A_22 = tpu.memref_slice %arg8[%dma_start3A_19, %dma_start3A_20, %dma_start3A_21] : memref<2x3x128xf32, #tpu.memory_space<vmem>> -> memref<1x1x128xf32, #tpu.memory_space<vmem>>
    %dma_start3A_23 = tpu.memref_squeeze %dma_start3A_22 : memref<1x1x128xf32, #tpu.memory_space<vmem>> -> memref<128xf32, #tpu.memory_space<vmem>>
    %dma_start3A_24 = arith.constant 0 : i32
    %dma_start3A_25 = tpu.memref_slice %arg7[%dma_start3A_17, %dma_start3A_18, %dma_start3A_24] : memref<2x3x128xi32, #tpu.memory_space<vmem>> -> memref<1x1x128xi32, #tpu.memory_space<vmem>>
    %dma_start3A_26 = tpu.memref_squeeze %dma_start3A_25 : memref<1x1x128xi32, #tpu.memory_space<vmem>> -> memref<128xi32, #tpu.memory_space<vmem>>
    %dma_start3A_27 = arith.constant 0 : i32
    %dma_start3A_28 = tpu.memref_slice %arg2[%dma_start3A_27] : memref<1200000xf32, #tpu.memory_space<hbm>> -> memref<1200000xf32, #tpu.memory_space<hbm>>
    tpu.enqueue_indirect_dma source(%dma_start3A_28 : memref<1200000xf32, #tpu.memory_space<hbm>>) target(%dma_start3A_23 : memref<128xf32, #tpu.memory_space<vmem>>) offsets(%dma_start3A_26 : memref<128xi32, #tpu.memory_space<vmem>>) semaphore(%arg10 : memref<!tpu.dma_semaphore, #tpu.memory_space<semaphore_mem>>)
    %dma_start3A_29 = arith.constant 0 : i32
    %dma_start3A_30 = arith.constant 2 : i32
    %dma_start3A_31 = arith.constant 0 : i32
    %dma_start3A_32 = arith.constant 2 : i32
    %dma_start3A_33 = arith.constant 0 : i32
    %dma_start3A_34 = tpu.memref_slice %arg8[%dma_start3A_31, %dma_start3A_32, %dma_start3A_33] : memref<2x3x128xf32, #tpu.memory_space<vmem>> -> memref<1x1x128xf32, #tpu.memory_space<vmem>>
    %dma_start3A_35 = tpu.memref_squeeze %dma_start3A_34 : memref<1x1x128xf32, #tpu.memory_space<vmem>> -> memref<128xf32, #tpu.memory_space<vmem>>
    %dma_start3A_36 = arith.constant 0 : i32
    %dma_start3A_37 = tpu.memref_slice %arg7[%dma_start3A_29, %dma_start3A_30, %dma_start3A_36] : memref<2x3x128xi32, #tpu.memory_space<vmem>> -> memref<1x1x128xi32, #tpu.memory_space<vmem>>
    %dma_start3A_38 = tpu.memref_squeeze %dma_start3A_37 : memref<1x1x128xi32, #tpu.memory_space<vmem>> -> memref<128xi32, #tpu.memory_space<vmem>>
    %dma_start3A_39 = arith.constant 0 : i32
    %dma_start3A_40 = tpu.memref_slice %arg2[%dma_start3A_39] : memref<1200000xf32, #tpu.memory_space<hbm>> -> memref<1200000xf32, #tpu.memory_space<hbm>>
    tpu.enqueue_indirect_dma source(%dma_start3A_40 : memref<1200000xf32, #tpu.memory_space<hbm>>) target(%dma_start3A_35 : memref<128xf32, #tpu.memory_space<vmem>>) offsets(%dma_start3A_38 : memref<128xi32, #tpu.memory_space<vmem>>) semaphore(%arg10 : memref<!tpu.dma_semaphore, #tpu.memory_space<semaphore_mem>>)
    %dma_start3A_41 = arith.constant 1 : i32
    %dma_start3A_42 = arith.constant 0 : i32
    %dma_start3A_43 = arith.constant 1 : i32
    %dma_start3A_44 = arith.constant 0 : i32
    %dma_start3A_45 = arith.constant 0 : i32
    %dma_start3A_46 = tpu.memref_slice %arg8[%dma_start3A_43, %dma_start3A_44, %dma_start3A_45] : memref<2x3x128xf32, #tpu.memory_space<vmem>> -> memref<1x1x128xf32, #tpu.memory_space<vmem>>
    %dma_start3A_47 = tpu.memref_squeeze %dma_start3A_46 : memref<1x1x128xf32, #tpu.memory_space<vmem>> -> memref<128xf32, #tpu.memory_space<vmem>>
    %dma_start3A_48 = arith.constant 0 : i32
    %dma_start3A_49 = tpu.memref_slice %arg7[%dma_start3A_41, %dma_start3A_42, %dma_start3A_48] : memref<2x3x128xi32, #tpu.memory_space<vmem>> -> memref<1x1x128xi32, #tpu.memory_space<vmem>>
    %dma_start3A_50 = tpu.memref_squeeze %dma_start3A_49 : memref<1x1x128xi32, #tpu.memory_space<vmem>> -> memref<128xi32, #tpu.memory_space<vmem>>
    %dma_start3A_51 = arith.constant 0 : i32
    %dma_start3A_52 = tpu.memref_slice %arg2[%dma_start3A_51] : memref<1200000xf32, #tpu.memory_space<hbm>> -> memref<1200000xf32, #tpu.memory_space<hbm>>
    tpu.enqueue_indirect_dma source(%dma_start3A_52 : memref<1200000xf32, #tpu.memory_space<hbm>>) target(%dma_start3A_47 : memref<128xf32, #tpu.memory_space<vmem>>) offsets(%dma_start3A_50 : memref<128xi32, #tpu.memory_space<vmem>>) semaphore(%arg10 : memref<!tpu.dma_semaphore, #tpu.memory_space<semaphore_mem>>)
    %dma_start3A_53 = arith.constant 1 : i32
    %dma_start3A_54 = arith.constant 1 : i32
    %dma_start3A_55 = arith.constant 1 : i32
    %dma_start3A_56 = arith.constant 1 : i32
    %dma_start3A_57 = arith.constant 0 : i32
    %dma_start3A_58 = tpu.memref_slice %arg8[%dma_start3A_55, %dma_start3A_56, %dma_start3A_57] : memref<2x3x128xf32, #tpu.memory_space<vmem>> -> memref<1x1x128xf32, #tpu.memory_space<vmem>>
    %dma_start3A_59 = tpu.memref_squeeze %dma_start3A_58 : memref<1x1x128xf32, #tpu.memory_space<vmem>> -> memref<128xf32, #tpu.memory_space<vmem>>
    %dma_start3A_60 = arith.constant 0 : i32
    %dma_start3A_61 = tpu.memref_slice %arg7[%dma_start3A_53, %dma_start3A_54, %dma_start3A_60] : memref<2x3x128xi32, #tpu.memory_space<vmem>> -> memref<1x1x128xi32, #tpu.memory_space<vmem>>
    %dma_start3A_62 = tpu.memref_squeeze %dma_start3A_61 : memref<1x1x128xi32, #tpu.memory_space<vmem>> -> memref<128xi32, #tpu.memory_space<vmem>>
    %dma_start3A_63 = arith.constant 0 : i32
    %dma_start3A_64 = tpu.memref_slice %arg2[%dma_start3A_63] : memref<1200000xf32, #tpu.memory_space<hbm>> -> memref<1200000xf32, #tpu.memory_space<hbm>>
    tpu.enqueue_indirect_dma source(%dma_start3A_64 : memref<1200000xf32, #tpu.memory_space<hbm>>) target(%dma_start3A_59 : memref<128xf32, #tpu.memory_space<vmem>>) offsets(%dma_start3A_62 : memref<128xi32, #tpu.memory_space<vmem>>) semaphore(%arg10 : memref<!tpu.dma_semaphore, #tpu.memory_space<semaphore_mem>>)
    %dma_start3A_65 = arith.constant 1 : i32
    %dma_start3A_66 = arith.constant 2 : i32
    %dma_start3A_67 = arith.constant 1 : i32
    %dma_start3A_68 = arith.constant 2 : i32
    %dma_start3A_69 = arith.constant 0 : i32
    %dma_start3A_70 = tpu.memref_slice %arg8[%dma_start3A_67, %dma_start3A_68, %dma_start3A_69] : memref<2x3x128xf32, #tpu.memory_space<vmem>> -> memref<1x1x128xf32, #tpu.memory_space<vmem>>
    %dma_start3A_71 = tpu.memref_squeeze %dma_start3A_70 : memref<1x1x128xf32, #tpu.memory_space<vmem>> -> memref<128xf32, #tpu.memory_space<vmem>>
    %dma_start3A_72 = arith.constant 0 : i32
    %dma_start3A_73 = tpu.memref_slice %arg7[%dma_start3A_65, %dma_start3A_66, %dma_start3A_72] : memref<2x3x128xi32, #tpu.memory_space<vmem>> -> memref<1x1x128xi32, #tpu.memory_space<vmem>>
    %dma_start3A_74 = tpu.memref_squeeze %dma_start3A_73 : memref<1x1x128xi32, #tpu.memory_space<vmem>> -> memref<128xi32, #tpu.memory_space<vmem>>
    %dma_start3A_75 = arith.constant 0 : i32
    %dma_start3A_76 = tpu.memref_slice %arg2[%dma_start3A_75] : memref<1200000xf32, #tpu.memory_space<hbm>> -> memref<1200000xf32, #tpu.memory_space<hbm>>
    tpu.enqueue_indirect_dma source(%dma_start3A_76 : memref<1200000xf32, #tpu.memory_space<hbm>>) target(%dma_start3A_71 : memref<128xf32, #tpu.memory_space<vmem>>) offsets(%dma_start3A_74 : memref<128xi32, #tpu.memory_space<vmem>>) semaphore(%arg10 : memref<!tpu.dma_semaphore, #tpu.memory_space<semaphore_mem>>)
    %dma_wait3A = arith.constant 0 : i32
    %dma_wait3A_77 = arith.constant 0 : i32
    %dma_wait3A_78 = arith.constant 0 : i32
    %dma_wait3A_79 = arith.constant 0 : i32
    %dma_wait3A_80 = arith.constant 0 : i32
    %dma_wait3A_81 = tpu.memref_slice %arg8[%dma_wait3A_78, %dma_wait3A_79, %dma_wait3A_80] : memref<2x3x128xf32, #tpu.memory_space<vmem>> -> memref<1x1x128xf32, #tpu.memory_space<vmem>>
    %dma_wait3A_82 = tpu.memref_squeeze %dma_wait3A_81 : memref<1x1x128xf32, #tpu.memory_space<vmem>> -> memref<128xf32, #tpu.memory_space<vmem>>
    %dma_wait3A_83 = arith.constant 0 : i32
    %dma_wait3A_84 = tpu.memref_slice %arg7[%dma_wait3A, %dma_wait3A_77, %dma_wait3A_83] : memref<2x3x128xi32, #tpu.memory_space<vmem>> -> memref<1x1x128xi32, #tpu.memory_space<vmem>>
    %dma_wait3A_85 = tpu.memref_squeeze %dma_wait3A_84 : memref<1x1x128xi32, #tpu.memory_space<vmem>> -> memref<128xi32, #tpu.memory_space<vmem>>
    %dma_wait3A_86 = arith.constant 0 : i32
    %dma_wait3A_87 = tpu.memref_slice %arg2[%dma_wait3A_86] : memref<1200000xf32, #tpu.memory_space<hbm>> -> memref<1200000xf32, #tpu.memory_space<hbm>>
    tpu.wait_indirect_dma semaphore(%arg10 : memref<!tpu.dma_semaphore, #tpu.memory_space<semaphore_mem>>) src(%dma_wait3A_87 : memref<1200000xf32, #tpu.memory_space<hbm>>) dst(%dma_wait3A_82 : memref<128xf32, #tpu.memory_space<vmem>>)
    %dma_wait3A_88 = arith.constant 0 : i32
    %dma_wait3A_89 = arith.constant 1 : i32
    %dma_wait3A_90 = arith.constant 0 : i32
    %dma_wait3A_91 = arith.constant 1 : i32
    %dma_wait3A_92 = arith.constant 0 : i32
    %dma_wait3A_93 = tpu.memref_slice %arg8[%dma_wait3A_90, %dma_wait3A_91, %dma_wait3A_92] : memref<2x3x128xf32, #tpu.memory_space<vmem>> -> memref<1x1x128xf32, #tpu.memory_space<vmem>>
    %dma_wait3A_94 = tpu.memref_squeeze %dma_wait3A_93 : memref<1x1x128xf32, #tpu.memory_space<vmem>> -> memref<128xf32, #tpu.memory_space<vmem>>
    %dma_wait3A_95 = arith.constant 0 : i32
    %dma_wait3A_96 = tpu.memref_slice %arg7[%dma_wait3A_88, %dma_wait3A_89, %dma_wait3A_95] : memref<2x3x128xi32, #tpu.memory_space<vmem>> -> memref<1x1x128xi32, #tpu.memory_space<vmem>>
    %dma_wait3A_97 = tpu.memref_squeeze %dma_wait3A_96 : memref<1x1x128xi32, #tpu.memory_space<vmem>> -> memref<128xi32, #tpu.memory_space<vmem>>
    %dma_wait3A_98 = arith.constant 0 : i32
    %dma_wait3A_99 = tpu.memref_slice %arg2[%dma_wait3A_98] : memref<1200000xf32, #tpu.memory_space<hbm>> -> memref<1200000xf32, #tpu.memory_space<hbm>>
    tpu.wait_indirect_dma semaphore(%arg10 : memref<!tpu.dma_semaphore, #tpu.memory_space<semaphore_mem>>) src(%dma_wait3A_99 : memref<1200000xf32, #tpu.memory_space<hbm>>) dst(%dma_wait3A_94 : memref<128xf32, #tpu.memory_space<vmem>>)
    %dma_wait3A_100 = arith.constant 0 : i32
    %dma_wait3A_101 = arith.constant 2 : i32
    %dma_wait3A_102 = arith.constant 0 : i32
    %dma_wait3A_103 = arith.constant 2 : i32
    %dma_wait3A_104 = arith.constant 0 : i32
    %dma_wait3A_105 = tpu.memref_slice %arg8[%dma_wait3A_102, %dma_wait3A_103, %dma_wait3A_104] : memref<2x3x128xf32, #tpu.memory_space<vmem>> -> memref<1x1x128xf32, #tpu.memory_space<vmem>>
    %dma_wait3A_106 = tpu.memref_squeeze %dma_wait3A_105 : memref<1x1x128xf32, #tpu.memory_space<vmem>> -> memref<128xf32, #tpu.memory_space<vmem>>
    %dma_wait3A_107 = arith.constant 0 : i32
    %dma_wait3A_108 = tpu.memref_slice %arg7[%dma_wait3A_100, %dma_wait3A_101, %dma_wait3A_107] : memref<2x3x128xi32, #tpu.memory_space<vmem>> -> memref<1x1x128xi32, #tpu.memory_space<vmem>>
    %dma_wait3A_109 = tpu.memref_squeeze %dma_wait3A_108 : memref<1x1x128xi32, #tpu.memory_space<vmem>> -> memref<128xi32, #tpu.memory_space<vmem>>
    %dma_wait3A_110 = arith.constant 0 : i32
    %dma_wait3A_111 = tpu.memref_slice %arg2[%dma_wait3A_110] : memref<1200000xf32, #tpu.memory_space<hbm>> -> memref<1200000xf32, #tpu.memory_space<hbm>>
    tpu.wait_indirect_dma semaphore(%arg10 : memref<!tpu.dma_semaphore, #tpu.memory_space<semaphore_mem>>) src(%dma_wait3A_111 : memref<1200000xf32, #tpu.memory_space<hbm>>) dst(%dma_wait3A_106 : memref<128xf32, #tpu.memory_space<vmem>>)
    %dma_wait3A_112 = arith.constant 1 : i32
    %dma_wait3A_113 = arith.constant 0 : i32
    %dma_wait3A_114 = arith.constant 1 : i32
    %dma_wait3A_115 = arith.constant 0 : i32
    %dma_wait3A_116 = arith.constant 0 : i32
    %dma_wait3A_117 = tpu.memref_slice %arg8[%dma_wait3A_114, %dma_wait3A_115, %dma_wait3A_116] : memref<2x3x128xf32, #tpu.memory_space<vmem>> -> memref<1x1x128xf32, #tpu.memory_space<vmem>>
    %dma_wait3A_118 = tpu.memref_squeeze %dma_wait3A_117 : memref<1x1x128xf32, #tpu.memory_space<vmem>> -> memref<128xf32, #tpu.memory_space<vmem>>
    %dma_wait3A_119 = arith.constant 0 : i32
    %dma_wait3A_120 = tpu.memref_slice %arg7[%dma_wait3A_112, %dma_wait3A_113, %dma_wait3A_119] : memref<2x3x128xi32, #tpu.memory_space<vmem>> -> memref<1x1x128xi32, #tpu.memory_space<vmem>>
    %dma_wait3A_121 = tpu.memref_squeeze %dma_wait3A_120 : memref<1x1x128xi32, #tpu.memory_space<vmem>> -> memref<128xi32, #tpu.memory_space<vmem>>
    %dma_wait3A_122 = arith.constant 0 : i32
    %dma_wait3A_123 = tpu.memref_slice %arg2[%dma_wait3A_122] : memref<1200000xf32, #tpu.memory_space<hbm>> -> memref<1200000xf32, #tpu.memory_space<hbm>>
    tpu.wait_indirect_dma semaphore(%arg10 : memref<!tpu.dma_semaphore, #tpu.memory_space<semaphore_mem>>) src(%dma_wait3A_123 : memref<1200000xf32, #tpu.memory_space<hbm>>) dst(%dma_wait3A_118 : memref<128xf32, #tpu.memory_space<vmem>>)
    %dma_wait3A_124 = arith.constant 1 : i32
    %dma_wait3A_125 = arith.constant 1 : i32
    %dma_wait3A_126 = arith.constant 1 : i32
    %dma_wait3A_127 = arith.constant 1 : i32
    %dma_wait3A_128 = arith.constant 0 : i32
    %dma_wait3A_129 = tpu.memref_slice %arg8[%dma_wait3A_126, %dma_wait3A_127, %dma_wait3A_128] : memref<2x3x128xf32, #tpu.memory_space<vmem>> -> memref<1x1x128xf32, #tpu.memory_space<vmem>>
    %dma_wait3A_130 = tpu.memref_squeeze %dma_wait3A_129 : memref<1x1x128xf32, #tpu.memory_space<vmem>> -> memref<128xf32, #tpu.memory_space<vmem>>
    %dma_wait3A_131 = arith.constant 0 : i32
    %dma_wait3A_132 = tpu.memref_slice %arg7[%dma_wait3A_124, %dma_wait3A_125, %dma_wait3A_131] : memref<2x3x128xi32, #tpu.memory_space<vmem>> -> memref<1x1x128xi32, #tpu.memory_space<vmem>>
    %dma_wait3A_133 = tpu.memref_squeeze %dma_wait3A_132 : memref<1x1x128xi32, #tpu.memory_space<vmem>> -> memref<128xi32, #tpu.memory_space<vmem>>
    %dma_wait3A_134 = arith.constant 0 : i32
    %dma_wait3A_135 = tpu.memref_slice %arg2[%dma_wait3A_134] : memref<1200000xf32, #tpu.memory_space<hbm>> -> memref<1200000xf32, #tpu.memory_space<hbm>>
    tpu.wait_indirect_dma semaphore(%arg10 : memref<!tpu.dma_semaphore, #tpu.memory_space<semaphore_mem>>) src(%dma_wait3A_135 : memref<1200000xf32, #tpu.memory_space<hbm>>) dst(%dma_wait3A_130 : memref<128xf32, #tpu.memory_space<vmem>>)
    %dma_wait3A_136 = arith.constant 1 : i32
    %dma_wait3A_137 = arith.constant 2 : i32
    %dma_wait3A_138 = arith.constant 1 : i32
    %dma_wait3A_139 = arith.constant 2 : i32
    %dma_wait3A_140 = arith.constant 0 : i32
    %dma_wait3A_141 = tpu.memref_slice %arg8[%dma_wait3A_138, %dma_wait3A_139, %dma_wait3A_140] : memref<2x3x128xf32, #tpu.memory_space<vmem>> -> memref<1x1x128xf32, #tpu.memory_space<vmem>>
    %dma_wait3A_142 = tpu.memref_squeeze %dma_wait3A_141 : memref<1x1x128xf32, #tpu.memory_space<vmem>> -> memref<128xf32, #tpu.memory_space<vmem>>
    %dma_wait3A_143 = arith.constant 0 : i32
    %dma_wait3A_144 = tpu.memref_slice %arg7[%dma_wait3A_136, %dma_wait3A_137, %dma_wait3A_143] : memref<2x3x128xi32, #tpu.memory_space<vmem>> -> memref<1x1x128xi32, #tpu.memory_space<vmem>>
    %dma_wait3A_145 = tpu.memref_squeeze %dma_wait3A_144 : memref<1x1x128xi32, #tpu.memory_space<vmem>> -> memref<128xi32, #tpu.memory_space<vmem>>
    %dma_wait3A_146 = arith.constant 0 : i32
    %dma_wait3A_147 = tpu.memref_slice %arg2[%dma_wait3A_146] : memref<1200000xf32, #tpu.memory_space<hbm>> -> memref<1200000xf32, #tpu.memory_space<hbm>>
    tpu.wait_indirect_dma semaphore(%arg10 : memref<!tpu.dma_semaphore, #tpu.memory_space<semaphore_mem>>) src(%dma_wait3A_147 : memref<1200000xf32, #tpu.memory_space<hbm>>) dst(%dma_wait3A_142 : memref<128xf32, #tpu.memory_space<vmem>>)
    %mul3A_148 = arith.constant 16 : i32
    %mul3A_149 = arith.muli %add3A, %mul3A_148 : i32
    %dma_start3A_150 = arith.constant 0 : i32
    %dma_start3A_151 = arith.constant 0 : i32
    %dma_start3A_152 = arith.constant 0 : i32
    %dma_start3A_153 = arith.constant 0 : i32
    %dma_start3A_154 = arith.constant 0 : i32
    %dma_start3A_155 = tpu.memref_slice %arg8[%dma_start3A_150, %dma_start3A_151, %dma_start3A_154] : memref<2x3x128xf32, #tpu.memory_space<vmem>> -> memref<1x1x16xf32, #tpu.memory_space<vmem>>
    %dma_start3A_156 = tpu.memref_squeeze %dma_start3A_155 : memref<1x1x16xf32, #tpu.memory_space<vmem>> -> memref<16xf32, #tpu.memory_space<vmem>>
    %dma_start3A_157 = tpu.memref_slice %arg5[%dma_start3A_152, %dma_start3A_153, %mul3A_149] : memref<3x8x512xf32, #tpu.memory_space<hbm>> -> memref<1x1x16xf32, #tpu.memory_space<hbm>>
    %dma_start3A_158 = tpu.memref_squeeze %dma_start3A_157 : memref<1x1x16xf32, #tpu.memory_space<hbm>> -> memref<16xf32, #tpu.memory_space<hbm>>
    %dma_start3A_159 = tpu.memref_slice %arg5[%dma_start3A_152, %dma_start3A_153, %mul3A_149] : memref<3x8x512xf32, #tpu.memory_space<hbm>> -> memref<1x1x16xf32, #tpu.memory_space<hbm>>
    %dma_start3A_160 = tpu.memref_squeeze %dma_start3A_159 : memref<1x1x16xf32, #tpu.memory_space<hbm>> -> memref<16xf32, #tpu.memory_space<hbm>>
    %dma_start3A_161 = arith.constant 0 : i32
    %dma_start3A_162 = tpu.memref_slice %arg8[%dma_start3A_150, %dma_start3A_151, %dma_start3A_161] : memref<2x3x128xf32, #tpu.memory_space<vmem>> -> memref<1x1x16xf32, #tpu.memory_space<vmem>>
    %dma_start3A_163 = tpu.memref_squeeze %dma_start3A_162 : memref<1x1x16xf32, #tpu.memory_space<vmem>> -> memref<16xf32, #tpu.memory_space<vmem>>
    tpu.enqueue_dma source(%dma_start3A_163 : memref<16xf32, #tpu.memory_space<vmem>>) target(%dma_start3A_160 : memref<16xf32, #tpu.memory_space<hbm>>) target_semaphore(%arg11 : memref<!tpu.dma_semaphore, #tpu.memory_space<semaphore_mem>>)
    %mul3A_164 = arith.constant 16 : i32
    %mul3A_165 = arith.muli %add3A, %mul3A_164 : i32
    %dma_start3A_166 = arith.constant 0 : i32
    %dma_start3A_167 = arith.constant 0 : i32
    %dma_start3A_168 = arith.constant 0 : i32
    %dma_start3A_169 = arith.constant 1 : i32
    %dma_start3A_170 = arith.constant 16 : i32
    %dma_start3A_171 = tpu.memref_slice %arg8[%dma_start3A_166, %dma_start3A_167, %dma_start3A_170] : memref<2x3x128xf32, #tpu.memory_space<vmem>> -> memref<1x1x16xf32, #tpu.memory_space<vmem>>
    %dma_start3A_172 = tpu.memref_squeeze %dma_start3A_171 : memref<1x1x16xf32, #tpu.memory_space<vmem>> -> memref<16xf32, #tpu.memory_space<vmem>>
    %dma_start3A_173 = tpu.memref_slice %arg5[%dma_start3A_168, %dma_start3A_169, %mul3A_165] : memref<3x8x512xf32, #tpu.memory_space<hbm>> -> memref<1x1x16xf32, #tpu.memory_space<hbm>>
    %dma_start3A_174 = tpu.memref_squeeze %dma_start3A_173 : memref<1x1x16xf32, #tpu.memory_space<hbm>> -> memref<16xf32, #tpu.memory_space<hbm>>
    %dma_start3A_175 = tpu.memref_slice %arg5[%dma_start3A_168, %dma_start3A_169, %mul3A_165] : memref<3x8x512xf32, #tpu.memory_space<hbm>> -> memref<1x1x16xf32, #tpu.memory_space<hbm>>
    %dma_start3A_176 = tpu.memref_squeeze %dma_start3A_175 : memref<1x1x16xf32, #tpu.memory_space<hbm>> -> memref<16xf32, #tpu.memory_space<hbm>>
    %dma_start3A_177 = arith.constant 16 : i32
    %dma_start3A_178 = tpu.memref_slice %arg8[%dma_start3A_166, %dma_start3A_167, %dma_start3A_177] : memref<2x3x128xf32, #tpu.memory_space<vmem>> -> memref<1x1x16xf32, #tpu.memory_space<vmem>>
    %dma_start3A_179 = tpu.memref_squeeze %dma_start3A_178 : memref<1x1x16xf32, #tpu.memory_space<vmem>> -> memref<16xf32, #tpu.memory_space<vmem>>
    tpu.enqueue_dma source(%dma_start3A_179 : memref<16xf32, #tpu.memory_space<vmem>>) target(%dma_start3A_176 : memref<16xf32, #tpu.memory_space<hbm>>) target_semaphore(%arg11 : memref<!tpu.dma_semaphore, #tpu.memory_space<semaphore_mem>>)
    %mul3A_180 = arith.constant 16 : i32
    %mul3A_181 = arith.muli %add3A, %mul3A_180 : i32
    %dma_start3A_182 = arith.constant 0 : i32
    %dma_start3A_183 = arith.constant 0 : i32
    %dma_start3A_184 = arith.constant 0 : i32
    %dma_start3A_185 = arith.constant 2 : i32
    %dma_start3A_186 = arith.constant 32 : i32
    %dma_start3A_187 = tpu.memref_slice %arg8[%dma_start3A_182, %dma_start3A_183, %dma_start3A_186] : memref<2x3x128xf32, #tpu.memory_space<vmem>> -> memref<1x1x16xf32, #tpu.memory_space<vmem>>
    %dma_start3A_188 = tpu.memref_squeeze %dma_start3A_187 : memref<1x1x16xf32, #tpu.memory_space<vmem>> -> memref<16xf32, #tpu.memory_space<vmem>>
    %dma_start3A_189 = tpu.memref_slice %arg5[%dma_start3A_184, %dma_start3A_185, %mul3A_181] : memref<3x8x512xf32, #tpu.memory_space<hbm>> -> memref<1x1x16xf32, #tpu.memory_space<hbm>>
    %dma_start3A_190 = tpu.memref_squeeze %dma_start3A_189 : memref<1x1x16xf32, #tpu.memory_space<hbm>> -> memref<16xf32, #tpu.memory_space<hbm>>
    %dma_start3A_191 = tpu.memref_slice %arg5[%dma_start3A_184, %dma_start3A_185, %mul3A_181] : memref<3x8x512xf32, #tpu.memory_space<hbm>> -> memref<1x1x16xf32, #tpu.memory_space<hbm>>
    %dma_start3A_192 = tpu.memref_squeeze %dma_start3A_191 : memref<1x1x16xf32, #tpu.memory_space<hbm>> -> memref<16xf32, #tpu.memory_space<hbm>>
    %dma_start3A_193 = arith.constant 32 : i32
    %dma_start3A_194 = tpu.memref_slice %arg8[%dma_start3A_182, %dma_start3A_183, %dma_start3A_193] : memref<2x3x128xf32, #tpu.memory_space<vmem>> -> memref<1x1x16xf32, #tpu.memory_space<vmem>>
    %dma_start3A_195 = tpu.memref_squeeze %dma_start3A_194 : memref<1x1x16xf32, #tpu.memory_space<vmem>> -> memref<16xf32, #tpu.memory_space<vmem>>
    tpu.enqueue_dma source(%dma_start3A_195 : memref<16xf32, #tpu.memory_space<vmem>>) target(%dma_start3A_192 : memref<16xf32, #tpu.memory_space<hbm>>) target_semaphore(%arg11 : memref<!tpu.dma_semaphore, #tpu.memory_space<semaphore_mem>>)
    %mul3A_196 = arith.constant 16 : i32
    %mul3A_197 = arith.muli %add3A, %mul3A_196 : i32
    %dma_start3A_198 = arith.constant 0 : i32
    %dma_start3A_199 = arith.constant 0 : i32
    %dma_start3A_200 = arith.constant 0 : i32
    %dma_start3A_201 = arith.constant 3 : i32
    %dma_start3A_202 = arith.constant 48 : i32
    %dma_start3A_203 = tpu.memref_slice %arg8[%dma_start3A_198, %dma_start3A_199, %dma_start3A_202] : memref<2x3x128xf32, #tpu.memory_space<vmem>> -> memref<1x1x16xf32, #tpu.memory_space<vmem>>
    %dma_start3A_204 = tpu.memref_squeeze %dma_start3A_203 : memref<1x1x16xf32, #tpu.memory_space<vmem>> -> memref<16xf32, #tpu.memory_space<vmem>>
    %dma_start3A_205 = tpu.memref_slice %arg5[%dma_start3A_200, %dma_start3A_201, %mul3A_197] : memref<3x8x512xf32, #tpu.memory_space<hbm>> -> memref<1x1x16xf32, #tpu.memory_space<hbm>>
    %dma_start3A_206 = tpu.memref_squeeze %dma_start3A_205 : memref<1x1x16xf32, #tpu.memory_space<hbm>> -> memref<16xf32, #tpu.memory_space<hbm>>
    %dma_start3A_207 = tpu.memref_slice %arg5[%dma_start3A_200, %dma_start3A_201, %mul3A_197] : memref<3x8x512xf32, #tpu.memory_space<hbm>> -> memref<1x1x16xf32, #tpu.memory_space<hbm>>
    %dma_start3A_208 = tpu.memref_squeeze %dma_start3A_207 : memref<1x1x16xf32, #tpu.memory_space<hbm>> -> memref<16xf32, #tpu.memory_space<hbm>>
    %dma_start3A_209 = arith.constant 48 : i32
    %dma_start3A_210 = tpu.memref_slice %arg8[%dma_start3A_198, %dma_start3A_199, %dma_start3A_209] : memref<2x3x128xf32, #tpu.memory_space<vmem>> -> memref<1x1x16xf32, #tpu.memory_space<vmem>>
    %dma_start3A_211 = tpu.memref_squeeze %dma_start3A_210 : memref<1x1x16xf32, #tpu.memory_space<vmem>> -> memref<16xf32, #tpu.memory_space<vmem>>
    tpu.enqueue_dma source(%dma_start3A_211 : memref<16xf32, #tpu.memory_space<vmem>>) target(%dma_start3A_208 : memref<16xf32, #tpu.memory_space<hbm>>) target_semaphore(%arg11 : memref<!tpu.dma_semaphore, #tpu.memory_space<semaphore_mem>>)
    %mul3A_212 = arith.constant 16 : i32
    %mul3A_213 = arith.muli %add3A, %mul3A_212 : i32
    %dma_start3A_214 = arith.constant 0 : i32
    %dma_start3A_215 = arith.constant 0 : i32
    %dma_start3A_216 = arith.constant 0 : i32
    %dma_start3A_217 = arith.constant 4 : i32
    %dma_start3A_218 = arith.constant 64 : i32
    %dma_start3A_219 = tpu.memref_slice %arg8[%dma_start3A_214, %dma_start3A_215, %dma_start3A_218] : memref<2x3x128xf32, #tpu.memory_space<vmem>> -> memref<1x1x16xf32, #tpu.memory_space<vmem>>
    %dma_start3A_220 = tpu.memref_squeeze %dma_start3A_219 : memref<1x1x16xf32, #tpu.memory_space<vmem>> -> memref<16xf32, #tpu.memory_space<vmem>>
    %dma_start3A_221 = tpu.memref_slice %arg5[%dma_start3A_216, %dma_start3A_217, %mul3A_213] : memref<3x8x512xf32, #tpu.memory_space<hbm>> -> memref<1x1x16xf32, #tpu.memory_space<hbm>>
    %dma_start3A_222 = tpu.memref_squeeze %dma_start3A_221 : memref<1x1x16xf32, #tpu.memory_space<hbm>> -> memref<16xf32, #tpu.memory_space<hbm>>
    %dma_start3A_223 = tpu.memref_slice %arg5[%dma_start3A_216, %dma_start3A_217, %mul3A_213] : memref<3x8x512xf32, #tpu.memory_space<hbm>> -> memref<1x1x16xf32, #tpu.memory_space<hbm>>
    %dma_start3A_224 = tpu.memref_squeeze %dma_start3A_223 : memref<1x1x16xf32, #tpu.memory_space<hbm>> -> memref<16xf32, #tpu.memory_space<hbm>>
    %dma_start3A_225 = arith.constant 64 : i32
    %dma_start3A_226 = tpu.memref_slice %arg8[%dma_start3A_214, %dma_start3A_215, %dma_start3A_225] : memref<2x3x128xf32, #tpu.memory_space<vmem>> -> memref<1x1x16xf32, #tpu.memory_space<vmem>>
    %dma_start3A_227 = tpu.memref_squeeze %dma_start3A_226 : memref<1x1x16xf32, #tpu.memory_space<vmem>> -> memref<16xf32, #tpu.memory_space<vmem>>
    tpu.enqueue_dma source(%dma_start3A_227 : memref<16xf32, #tpu.memory_space<vmem>>) target(%dma_start3A_224 : memref<16xf32, #tpu.memory_space<hbm>>) target_semaphore(%arg11 : memref<!tpu.dma_semaphore, #tpu.memory_space<semaphore_mem>>)
    %mul3A_228 = arith.constant 16 : i32
    %mul3A_229 = arith.muli %add3A, %mul3A_228 : i32
    %dma_start3A_230 = arith.constant 0 : i32
    %dma_start3A_231 = arith.constant 0 : i32
    %dma_start3A_232 = arith.constant 0 : i32
    %dma_start3A_233 = arith.constant 5 : i32
    %dma_start3A_234 = arith.constant 80 : i32
    %dma_start3A_235 = tpu.memref_slice %arg8[%dma_start3A_230, %dma_start3A_231, %dma_start3A_234] : memref<2x3x128xf32, #tpu.memory_space<vmem>> -> memref<1x1x16xf32, #tpu.memory_space<vmem>>
    %dma_start3A_236 = tpu.memref_squeeze %dma_start3A_235 : memref<1x1x16xf32, #tpu.memory_space<vmem>> -> memref<16xf32, #tpu.memory_space<vmem>>
    %dma_start3A_237 = tpu.memref_slice %arg5[%dma_start3A_232, %dma_start3A_233, %mul3A_229] : memref<3x8x512xf32, #tpu.memory_space<hbm>> -> memref<1x1x16xf32, #tpu.memory_space<hbm>>
    %dma_start3A_238 = tpu.memref_squeeze %dma_start3A_237 : memref<1x1x16xf32, #tpu.memory_space<hbm>> -> memref<16xf32, #tpu.memory_space<hbm>>
    %dma_start3A_239 = tpu.memref_slice %arg5[%dma_start3A_232, %dma_start3A_233, %mul3A_229] : memref<3x8x512xf32, #tpu.memory_space<hbm>> -> memref<1x1x16xf32, #tpu.memory_space<hbm>>
    %dma_start3A_240 = tpu.memref_squeeze %dma_start3A_239 : memref<1x1x16xf32, #tpu.memory_space<hbm>> -> memref<16xf32, #tpu.memory_space<hbm>>
    %dma_start3A_241 = arith.constant 80 : i32
    %dma_start3A_242 = tpu.memref_slice %arg8[%dma_start3A_230, %dma_start3A_231, %dma_start3A_241] : memref<2x3x128xf32, #tpu.memory_space<vmem>> -> memref<1x1x16xf32, #tpu.memory_space<vmem>>
    %dma_start3A_243 = tpu.memref_squeeze %dma_start3A_242 : memref<1x1x16xf32, #tpu.memory_space<vmem>> -> memref<16xf32, #tpu.memory_space<vmem>>
    tpu.enqueue_dma source(%dma_start3A_243 : memref<16xf32, #tpu.memory_space<vmem>>) target(%dma_start3A_240 : memref<16xf32, #tpu.memory_space<hbm>>) target_semaphore(%arg11 : memref<!tpu.dma_semaphore, #tpu.memory_space<semaphore_mem>>)
    %mul3A_244 = arith.constant 16 : i32
    %mul3A_245 = arith.muli %add3A, %mul3A_244 : i32
    %dma_start3A_246 = arith.constant 0 : i32
    %dma_start3A_247 = arith.constant 0 : i32
    %dma_start3A_248 = arith.constant 0 : i32
    %dma_start3A_249 = arith.constant 6 : i32
    %dma_start3A_250 = arith.constant 96 : i32
    %dma_start3A_251 = tpu.memref_slice %arg8[%dma_start3A_246, %dma_start3A_247, %dma_start3A_250] : memref<2x3x128xf32, #tpu.memory_space<vmem>> -> memref<1x1x16xf32, #tpu.memory_space<vmem>>
    %dma_start3A_252 = tpu.memref_squeeze %dma_start3A_251 : memref<1x1x16xf32, #tpu.memory_space<vmem>> -> memref<16xf32, #tpu.memory_space<vmem>>
    %dma_start3A_253 = tpu.memref_slice %arg5[%dma_start3A_248, %dma_start3A_249, %mul3A_245] : memref<3x8x512xf32, #tpu.memory_space<hbm>> -> memref<1x1x16xf32, #tpu.memory_space<hbm>>
    %dma_start3A_254 = tpu.memref_squeeze %dma_start3A_253 : memref<1x1x16xf32, #tpu.memory_space<hbm>> -> memref<16xf32, #tpu.memory_space<hbm>>
    %dma_start3A_255 = tpu.memref_slice %arg5[%dma_start3A_248, %dma_start3A_249, %mul3A_245] : memref<3x8x512xf32, #tpu.memory_space<hbm>> -> memref<1x1x16xf32, #tpu.memory_space<hbm>>
    %dma_start3A_256 = tpu.memref_squeeze %dma_start3A_255 : memref<1x1x16xf32, #tpu.memory_space<hbm>> -> memref<16xf32, #tpu.memory_space<hbm>>
    %dma_start3A_257 = arith.constant 96 : i32
    %dma_start3A_258 = tpu.memref_slice %arg8[%dma_start3A_246, %dma_start3A_247, %dma_start3A_257] : memref<2x3x128xf32, #tpu.memory_space<vmem>> -> memref<1x1x16xf32, #tpu.memory_space<vmem>>
    %dma_start3A_259 = tpu.memref_squeeze %dma_start3A_258 : memref<1x1x16xf32, #tpu.memory_space<vmem>> -> memref<16xf32, #tpu.memory_space<vmem>>
    tpu.enqueue_dma source(%dma_start3A_259 : memref<16xf32, #tpu.memory_space<vmem>>) target(%dma_start3A_256 : memref<16xf32, #tpu.memory_space<hbm>>) target_semaphore(%arg11 : memref<!tpu.dma_semaphore, #tpu.memory_space<semaphore_mem>>)
    %mul3A_260 = arith.constant 16 : i32
    %mul3A_261 = arith.muli %add3A, %mul3A_260 : i32
    %dma_start3A_262 = arith.constant 0 : i32
    %dma_start3A_263 = arith.constant 0 : i32
    %dma_start3A_264 = arith.constant 0 : i32
    %dma_start3A_265 = arith.constant 7 : i32
    %dma_start3A_266 = arith.constant 112 : i32
    %dma_start3A_267 = tpu.memref_slice %arg8[%dma_start3A_262, %dma_start3A_263, %dma_start3A_266] : memref<2x3x128xf32, #tpu.memory_space<vmem>> -> memref<1x1x16xf32, #tpu.memory_space<vmem>>
    %dma_start3A_268 = tpu.memref_squeeze %dma_start3A_267 : memref<1x1x16xf32, #tpu.memory_space<vmem>> -> memref<16xf32, #tpu.memory_space<vmem>>
    %dma_start3A_269 = tpu.memref_slice %arg5[%dma_start3A_264, %dma_start3A_265, %mul3A_261] : memref<3x8x512xf32, #tpu.memory_space<hbm>> -> memref<1x1x16xf32, #tpu.memory_space<hbm>>
    %dma_start3A_270 = tpu.memref_squeeze %dma_start3A_269 : memref<1x1x16xf32, #tpu.memory_space<hbm>> -> memref<16xf32, #tpu.memory_space<hbm>>
    %dma_start3A_271 = tpu.memref_slice %arg5[%dma_start3A_264, %dma_start3A_265, %mul3A_261] : memref<3x8x512xf32, #tpu.memory_space<hbm>> -> memref<1x1x16xf32, #tpu.memory_space<hbm>>
    %dma_start3A_272 = tpu.memref_squeeze %dma_start3A_271 : memref<1x1x16xf32, #tpu.memory_space<hbm>> -> memref<16xf32, #tpu.memory_space<hbm>>
    %dma_start3A_273 = arith.constant 112 : i32
    %dma_start3A_274 = tpu.memref_slice %arg8[%dma_start3A_262, %dma_start3A_263, %dma_start3A_273] : memref<2x3x128xf32, #tpu.memory_space<vmem>> -> memref<1x1x16xf32, #tpu.memory_space<vmem>>
    %dma_start3A_275 = tpu.memref_squeeze %dma_start3A_274 : memref<1x1x16xf32, #tpu.memory_space<vmem>> -> memref<16xf32, #tpu.memory_space<vmem>>
    tpu.enqueue_dma source(%dma_start3A_275 : memref<16xf32, #tpu.memory_space<vmem>>) target(%dma_start3A_272 : memref<16xf32, #tpu.memory_space<hbm>>) target_semaphore(%arg11 : memref<!tpu.dma_semaphore, #tpu.memory_space<semaphore_mem>>)
    %mul3A_276 = arith.constant 16 : i32
    %mul3A_277 = arith.muli %add3A, %mul3A_276 : i32
    %dma_start3A_278 = arith.constant 0 : i32
    %dma_start3A_279 = arith.constant 1 : i32
    %dma_start3A_280 = arith.constant 1 : i32
    %dma_start3A_281 = arith.constant 0 : i32
    %dma_start3A_282 = arith.constant 0 : i32
    %dma_start3A_283 = tpu.memref_slice %arg8[%dma_start3A_278, %dma_start3A_279, %dma_start3A_282] : memref<2x3x128xf32, #tpu.memory_space<vmem>> -> memref<1x1x16xf32, #tpu.memory_space<vmem>>
    %dma_start3A_284 = tpu.memref_squeeze %dma_start3A_283 : memref<1x1x16xf32, #tpu.memory_space<vmem>> -> memref<16xf32, #tpu.memory_space<vmem>>
    %dma_start3A_285 = tpu.memref_slice %arg5[%dma_start3A_280, %dma_start3A_281, %mul3A_277] : memref<3x8x512xf32, #tpu.memory_space<hbm>> -> memref<1x1x16xf32, #tpu.memory_space<hbm>>
    %dma_start3A_286 = tpu.memref_squeeze %dma_start3A_285 : memref<1x1x16xf32, #tpu.memory_space<hbm>> -> memref<16xf32, #tpu.memory_space<hbm>>
    %dma_start3A_287 = tpu.memref_slice %arg5[%dma_start3A_280, %dma_start3A_281, %mul3A_277] : memref<3x8x512xf32, #tpu.memory_space<hbm>> -> memref<1x1x16xf32, #tpu.memory_space<hbm>>
    %dma_start3A_288 = tpu.memref_squeeze %dma_start3A_287 : memref<1x1x16xf32, #tpu.memory_space<hbm>> -> memref<16xf32, #tpu.memory_space<hbm>>
    %dma_start3A_289 = arith.constant 0 : i32
    %dma_start3A_290 = tpu.memref_slice %arg8[%dma_start3A_278, %dma_start3A_279, %dma_start3A_289] : memref<2x3x128xf32, #tpu.memory_space<vmem>> -> memref<1x1x16xf32, #tpu.memory_space<vmem>>
    %dma_start3A_291 = tpu.memref_squeeze %dma_start3A_290 : memref<1x1x16xf32, #tpu.memory_space<vmem>> -> memref<16xf32, #tpu.memory_space<vmem>>
    tpu.enqueue_dma source(%dma_start3A_291 : memref<16xf32, #tpu.memory_space<vmem>>) target(%dma_start3A_288 : memref<16xf32, #tpu.memory_space<hbm>>) target_semaphore(%arg11 : memref<!tpu.dma_semaphore, #tpu.memory_space<semaphore_mem>>)
    %mul3A_292 = arith.constant 16 : i32
    %mul3A_293 = arith.muli %add3A, %mul3A_292 : i32
    %dma_start3A_294 = arith.constant 0 : i32
    %dma_start3A_295 = arith.constant 1 : i32
    %dma_start3A_296 = arith.constant 1 : i32
    %dma_start3A_297 = arith.constant 1 : i32
    %dma_start3A_298 = arith.constant 16 : i32
    %dma_start3A_299 = tpu.memref_slice %arg8[%dma_start3A_294, %dma_start3A_295, %dma_start3A_298] : memref<2x3x128xf32, #tpu.memory_space<vmem>> -> memref<1x1x16xf32, #tpu.memory_space<vmem>>
    %dma_start3A_300 = tpu.memref_squeeze %dma_start3A_299 : memref<1x1x16xf32, #tpu.memory_space<vmem>> -> memref<16xf32, #tpu.memory_space<vmem>>
    %dma_start3A_301 = tpu.memref_slice %arg5[%dma_start3A_296, %dma_start3A_297, %mul3A_293] : memref<3x8x512xf32, #tpu.memory_space<hbm>> -> memref<1x1x16xf32, #tpu.memory_space<hbm>>
    %dma_start3A_302 = tpu.memref_squeeze %dma_start3A_301 : memref<1x1x16xf32, #tpu.memory_space<hbm>> -> memref<16xf32, #tpu.memory_space<hbm>>
    %dma_start3A_303 = tpu.memref_slice %arg5[%dma_start3A_296, %dma_start3A_297, %mul3A_293] : memref<3x8x512xf32, #tpu.memory_space<hbm>> -> memref<1x1x16xf32, #tpu.memory_space<hbm>>
    %dma_start3A_304 = tpu.memref_squeeze %dma_start3A_303 : memref<1x1x16xf32, #tpu.memory_space<hbm>> -> memref<16xf32, #tpu.memory_space<hbm>>
    %dma_start3A_305 = arith.constant 16 : i32
    %dma_start3A_306 = tpu.memref_slice %arg8[%dma_start3A_294, %dma_start3A_295, %dma_start3A_305] : memref<2x3x128xf32, #tpu.memory_space<vmem>> -> memref<1x1x16xf32, #tpu.memory_space<vmem>>
    %dma_start3A_307 = tpu.memref_squeeze %dma_start3A_306 : memref<1x1x16xf32, #tpu.memory_space<vmem>> -> memref<16xf32, #tpu.memory_space<vmem>>
    tpu.enqueue_dma source(%dma_start3A_307 : memref<16xf32, #tpu.memory_space<vmem>>) target(%dma_start3A_304 : memref<16xf32, #tpu.memory_space<hbm>>) target_semaphore(%arg11 : memref<!tpu.dma_semaphore, #tpu.memory_space<semaphore_mem>>)
    %mul3A_308 = arith.constant 16 : i32
    %mul3A_309 = arith.muli %add3A, %mul3A_308 : i32
    %dma_start3A_310 = arith.constant 0 : i32
    %dma_start3A_311 = arith.constant 1 : i32
    %dma_start3A_312 = arith.constant 1 : i32
    %dma_start3A_313 = arith.constant 2 : i32
    %dma_start3A_314 = arith.constant 32 : i32
    %dma_start3A_315 = tpu.memref_slice %arg8[%dma_start3A_310, %dma_start3A_311, %dma_start3A_314] : memref<2x3x128xf32, #tpu.memory_space<vmem>> -> memref<1x1x16xf32, #tpu.memory_space<vmem>>
    %dma_start3A_316 = tpu.memref_squeeze %dma_start3A_315 : memref<1x1x16xf32, #tpu.memory_space<vmem>> -> memref<16xf32, #tpu.memory_space<vmem>>
    %dma_start3A_317 = tpu.memref_slice %arg5[%dma_start3A_312, %dma_start3A_313, %mul3A_309] : memref<3x8x512xf32, #tpu.memory_space<hbm>> -> memref<1x1x16xf32, #tpu.memory_space<hbm>>
    %dma_start3A_318 = tpu.memref_squeeze %dma_start3A_317 : memref<1x1x16xf32, #tpu.memory_space<hbm>> -> memref<16xf32, #tpu.memory_space<hbm>>
    %dma_start3A_319 = tpu.memref_slice %arg5[%dma_start3A_312, %dma_start3A_313, %mul3A_309] : memref<3x8x512xf32, #tpu.memory_space<hbm>> -> memref<1x1x16xf32, #tpu.memory_space<hbm>>
    %dma_start3A_320 = tpu.memref_squeeze %dma_start3A_319 : memref<1x1x16xf32, #tpu.memory_space<hbm>> -> memref<16xf32, #tpu.memory_space<hbm>>
    %dma_start3A_321 = arith.constant 32 : i32
    %dma_start3A_322 = tpu.memref_slice %arg8[%dma_start3A_310, %dma_start3A_311, %dma_start3A_321] : memref<2x3x128xf32, #tpu.memory_space<vmem>> -> memref<1x1x16xf32, #tpu.memory_space<vmem>>
    %dma_start3A_323 = tpu.memref_squeeze %dma_start3A_322 : memref<1x1x16xf32, #tpu.memory_space<vmem>> -> memref<16xf32, #tpu.memory_space<vmem>>
    tpu.enqueue_dma source(%dma_start3A_323 : memref<16xf32, #tpu.memory_space<vmem>>) target(%dma_start3A_320 : memref<16xf32, #tpu.memory_space<hbm>>) target_semaphore(%arg11 : memref<!tpu.dma_semaphore, #tpu.memory_space<semaphore_mem>>)
    %mul3A_324 = arith.constant 16 : i32
    %mul3A_325 = arith.muli %add3A, %mul3A_324 : i32
    %dma_start3A_326 = arith.constant 0 : i32
    %dma_start3A_327 = arith.constant 1 : i32
    %dma_start3A_328 = arith.constant 1 : i32
    %dma_start3A_329 = arith.constant 3 : i32
    %dma_start3A_330 = arith.constant 48 : i32
    %dma_start3A_331 = tpu.memref_slice %arg8[%dma_start3A_326, %dma_start3A_327, %dma_start3A_330] : memref<2x3x128xf32, #tpu.memory_space<vmem>> -> memref<1x1x16xf32, #tpu.memory_space<vmem>>
    %dma_start3A_332 = tpu.memref_squeeze %dma_start3A_331 : memref<1x1x16xf32, #tpu.memory_space<vmem>> -> memref<16xf32, #tpu.memory_space<vmem>>
    %dma_start3A_333 = tpu.memref_slice %arg5[%dma_start3A_328, %dma_start3A_329, %mul3A_325] : memref<3x8x512xf32, #tpu.memory_space<hbm>> -> memref<1x1x16xf32, #tpu.memory_space<hbm>>
    %dma_start3A_334 = tpu.memref_squeeze %dma_start3A_333 : memref<1x1x16xf32, #tpu.memory_space<hbm>> -> memref<16xf32, #tpu.memory_space<hbm>>
    %dma_start3A_335 = tpu.memref_slice %arg5[%dma_start3A_328, %dma_start3A_329, %mul3A_325] : memref<3x8x512xf32, #tpu.memory_space<hbm>> -> memref<1x1x16xf32, #tpu.memory_space<hbm>>
    %dma_start3A_336 = tpu.memref_squeeze %dma_start3A_335 : memref<1x1x16xf32, #tpu.memory_space<hbm>> -> memref<16xf32, #tpu.memory_space<hbm>>
    %dma_start3A_337 = arith.constant 48 : i32
    %dma_start3A_338 = tpu.memref_slice %arg8[%dma_start3A_326, %dma_start3A_327, %dma_start3A_337] : memref<2x3x128xf32, #tpu.memory_space<vmem>> -> memref<1x1x16xf32, #tpu.memory_space<vmem>>
    %dma_start3A_339 = tpu.memref_squeeze %dma_start3A_338 : memref<1x1x16xf32, #tpu.memory_space<vmem>> -> memref<16xf32, #tpu.memory_space<vmem>>
    tpu.enqueue_dma source(%dma_start3A_339 : memref<16xf32, #tpu.memory_space<vmem>>) target(%dma_start3A_336 : memref<16xf32, #tpu.memory_space<hbm>>) target_semaphore(%arg11 : memref<!tpu.dma_semaphore, #tpu.memory_space<semaphore_mem>>)
    %mul3A_340 = arith.constant 16 : i32
    %mul3A_341 = arith.muli %add3A, %mul3A_340 : i32
    %dma_start3A_342 = arith.constant 0 : i32
    %dma_start3A_343 = arith.constant 1 : i32
    %dma_start3A_344 = arith.constant 1 : i32
    %dma_start3A_345 = arith.constant 4 : i32
    %dma_start3A_346 = arith.constant 64 : i32
    %dma_start3A_347 = tpu.memref_slice %arg8[%dma_start3A_342, %dma_start3A_343, %dma_start3A_346] : memref<2x3x128xf32, #tpu.memory_space<vmem>> -> memref<1x1x16xf32, #tpu.memory_space<vmem>>
    %dma_start3A_348 = tpu.memref_squeeze %dma_start3A_347 : memref<1x1x16xf32, #tpu.memory_space<vmem>> -> memref<16xf32, #tpu.memory_space<vmem>>
    %dma_start3A_349 = tpu.memref_slice %arg5[%dma_start3A_344, %dma_start3A_345, %mul3A_341] : memref<3x8x512xf32, #tpu.memory_space<hbm>> -> memref<1x1x16xf32, #tpu.memory_space<hbm>>
    %dma_start3A_350 = tpu.memref_squeeze %dma_start3A_349 : memref<1x1x16xf32, #tpu.memory_space<hbm>> -> memref<16xf32, #tpu.memory_space<hbm>>
    %dma_start3A_351 = tpu.memref_slice %arg5[%dma_start3A_344, %dma_start3A_345, %mul3A_341] : memref<3x8x512xf32, #tpu.memory_space<hbm>> -> memref<1x1x16xf32, #tpu.memory_space<hbm>>
    %dma_start3A_352 = tpu.memref_squeeze %dma_start3A_351 : memref<1x1x16xf32, #tpu.memory_space<hbm>> -> memref<16xf32, #tpu.memory_space<hbm>>
    %dma_start3A_353 = arith.constant 64 : i32
    %dma_start3A_354 = tpu.memref_slice %arg8[%dma_start3A_342, %dma_start3A_343, %dma_start3A_353] : memref<2x3x128xf32, #tpu.memory_space<vmem>> -> memref<1x1x16xf32, #tpu.memory_space<vmem>>
    %dma_start3A_355 = tpu.memref_squeeze %dma_start3A_354 : memref<1x1x16xf32, #tpu.memory_space<vmem>> -> memref<16xf32, #tpu.memory_space<vmem>>
    tpu.enqueue_dma source(%dma_start3A_355 : memref<16xf32, #tpu.memory_space<vmem>>) target(%dma_start3A_352 : memref<16xf32, #tpu.memory_space<hbm>>) target_semaphore(%arg11 : memref<!tpu.dma_semaphore, #tpu.memory_space<semaphore_mem>>)
    %mul3A_356 = arith.constant 16 : i32
    %mul3A_357 = arith.muli %add3A, %mul3A_356 : i32
    %dma_start3A_358 = arith.constant 0 : i32
    %dma_start3A_359 = arith.constant 1 : i32
    %dma_start3A_360 = arith.constant 1 : i32
    %dma_start3A_361 = arith.constant 5 : i32
    %dma_start3A_362 = arith.constant 80 : i32
    %dma_start3A_363 = tpu.memref_slice %arg8[%dma_start3A_358, %dma_start3A_359, %dma_start3A_362] : memref<2x3x128xf32, #tpu.memory_space<vmem>> -> memref<1x1x16xf32, #tpu.memory_space<vmem>>
    %dma_start3A_364 = tpu.memref_squeeze %dma_start3A_363 : memref<1x1x16xf32, #tpu.memory_space<vmem>> -> memref<16xf32, #tpu.memory_space<vmem>>
    %dma_start3A_365 = tpu.memref_slice %arg5[%dma_start3A_360, %dma_start3A_361, %mul3A_357] : memref<3x8x512xf32, #tpu.memory_space<hbm>> -> memref<1x1x16xf32, #tpu.memory_space<hbm>>
    %dma_start3A_366 = tpu.memref_squeeze %dma_start3A_365 : memref<1x1x16xf32, #tpu.memory_space<hbm>> -> memref<16xf32, #tpu.memory_space<hbm>>
    %dma_start3A_367 = tpu.memref_slice %arg5[%dma_start3A_360, %dma_start3A_361, %mul3A_357] : memref<3x8x512xf32, #tpu.memory_space<hbm>> -> memref<1x1x16xf32, #tpu.memory_space<hbm>>
    %dma_start3A_368 = tpu.memref_squeeze %dma_start3A_367 : memref<1x1x16xf32, #tpu.memory_space<hbm>> -> memref<16xf32, #tpu.memory_space<hbm>>
    %dma_start3A_369 = arith.constant 80 : i32
    %dma_start3A_370 = tpu.memref_slice %arg8[%dma_start3A_358, %dma_start3A_359, %dma_start3A_369] : memref<2x3x128xf32, #tpu.memory_space<vmem>> -> memref<1x1x16xf32, #tpu.memory_space<vmem>>
    %dma_start3A_371 = tpu.memref_squeeze %dma_start3A_370 : memref<1x1x16xf32, #tpu.memory_space<vmem>> -> memref<16xf32, #tpu.memory_space<vmem>>
    tpu.enqueue_dma source(%dma_start3A_371 : memref<16xf32, #tpu.memory_space<vmem>>) target(%dma_start3A_368 : memref<16xf32, #tpu.memory_space<hbm>>) target_semaphore(%arg11 : memref<!tpu.dma_semaphore, #tpu.memory_space<semaphore_mem>>)
    %mul3A_372 = arith.constant 16 : i32
    %mul3A_373 = arith.muli %add3A, %mul3A_372 : i32
    %dma_start3A_374 = arith.constant 0 : i32
    %dma_start3A_375 = arith.constant 1 : i32
    %dma_start3A_376 = arith.constant 1 : i32
    %dma_start3A_377 = arith.constant 6 : i32
    %dma_start3A_378 = arith.constant 96 : i32
    %dma_start3A_379 = tpu.memref_slice %arg8[%dma_start3A_374, %dma_start3A_375, %dma_start3A_378] : memref<2x3x128xf32, #tpu.memory_space<vmem>> -> memref<1x1x16xf32, #tpu.memory_space<vmem>>
    %dma_start3A_380 = tpu.memref_squeeze %dma_start3A_379 : memref<1x1x16xf32, #tpu.memory_space<vmem>> -> memref<16xf32, #tpu.memory_space<vmem>>
    %dma_start3A_381 = tpu.memref_slice %arg5[%dma_start3A_376, %dma_start3A_377, %mul3A_373] : memref<3x8x512xf32, #tpu.memory_space<hbm>> -> memref<1x1x16xf32, #tpu.memory_space<hbm>>
    %dma_start3A_382 = tpu.memref_squeeze %dma_start3A_381 : memref<1x1x16xf32, #tpu.memory_space<hbm>> -> memref<16xf32, #tpu.memory_space<hbm>>
    %dma_start3A_383 = tpu.memref_slice %arg5[%dma_start3A_376, %dma_start3A_377, %mul3A_373] : memref<3x8x512xf32, #tpu.memory_space<hbm>> -> memref<1x1x16xf32, #tpu.memory_space<hbm>>
    %dma_start3A_384 = tpu.memref_squeeze %dma_start3A_383 : memref<1x1x16xf32, #tpu.memory_space<hbm>> -> memref<16xf32, #tpu.memory_space<hbm>>
    %dma_start3A_385 = arith.constant 96 : i32
    %dma_start3A_386 = tpu.memref_slice %arg8[%dma_start3A_374, %dma_start3A_375, %dma_start3A_385] : memref<2x3x128xf32, #tpu.memory_space<vmem>> -> memref<1x1x16xf32, #tpu.memory_space<vmem>>
    %dma_start3A_387 = tpu.memref_squeeze %dma_start3A_386 : memref<1x1x16xf32, #tpu.memory_space<vmem>> -> memref<16xf32, #tpu.memory_space<vmem>>
    tpu.enqueue_dma source(%dma_start3A_387 : memref<16xf32, #tpu.memory_space<vmem>>) target(%dma_start3A_384 : memref<16xf32, #tpu.memory_space<hbm>>) target_semaphore(%arg11 : memref<!tpu.dma_semaphore, #tpu.memory_space<semaphore_mem>>)
    %mul3A_388 = arith.constant 16 : i32
    %mul3A_389 = arith.muli %add3A, %mul3A_388 : i32
    %dma_start3A_390 = arith.constant 0 : i32
    %dma_start3A_391 = arith.constant 1 : i32
    %dma_start3A_392 = arith.constant 1 : i32
    %dma_start3A_393 = arith.constant 7 : i32
    %dma_start3A_394 = arith.constant 112 : i32
    %dma_start3A_395 = tpu.memref_slice %arg8[%dma_start3A_390, %dma_start3A_391, %dma_start3A_394] : memref<2x3x128xf32, #tpu.memory_space<vmem>> -> memref<1x1x16xf32, #tpu.memory_space<vmem>>
    %dma_start3A_396 = tpu.memref_squeeze %dma_start3A_395 : memref<1x1x16xf32, #tpu.memory_space<vmem>> -> memref<16xf32, #tpu.memory_space<vmem>>
    %dma_start3A_397 = tpu.memref_slice %arg5[%dma_start3A_392, %dma_start3A_393, %mul3A_389] : memref<3x8x512xf32, #tpu.memory_space<hbm>> -> memref<1x1x16xf32, #tpu.memory_space<hbm>>
    %dma_start3A_398 = tpu.memref_squeeze %dma_start3A_397 : memref<1x1x16xf32, #tpu.memory_space<hbm>> -> memref<16xf32, #tpu.memory_space<hbm>>
    %dma_start3A_399 = tpu.memref_slice %arg5[%dma_start3A_392, %dma_start3A_393, %mul3A_389] : memref<3x8x512xf32, #tpu.memory_space<hbm>> -> memref<1x1x16xf32, #tpu.memory_space<hbm>>
    %dma_start3A_400 = tpu.memref_squeeze %dma_start3A_399 : memref<1x1x16xf32, #tpu.memory_space<hbm>> -> memref<16xf32, #tpu.memory_space<hbm>>
    %dma_start3A_401 = arith.constant 112 : i32
    %dma_start3A_402 = tpu.memref_slice %arg8[%dma_start3A_390, %dma_start3A_391, %dma_start3A_401] : memref<2x3x128xf32, #tpu.memory_space<vmem>> -> memref<1x1x16xf32, #tpu.memory_space<vmem>>
    %dma_start3A_403 = tpu.memref_squeeze %dma_start3A_402 : memref<1x1x16xf32, #tpu.memory_space<vmem>> -> memref<16xf32, #tpu.memory_space<vmem>>
    tpu.enqueue_dma source(%dma_start3A_403 : memref<16xf32, #tpu.memory_space<vmem>>) target(%dma_start3A_400 : memref<16xf32, #tpu.memory_space<hbm>>) target_semaphore(%arg11 : memref<!tpu.dma_semaphore, #tpu.memory_space<semaphore_mem>>)
    %mul3A_404 = arith.constant 16 : i32
    %mul3A_405 = arith.muli %add3A, %mul3A_404 : i32
    %dma_start3A_406 = arith.constant 0 : i32
    %dma_start3A_407 = arith.constant 2 : i32
    %dma_start3A_408 = arith.constant 2 : i32
    %dma_start3A_409 = arith.constant 0 : i32
    %dma_start3A_410 = arith.constant 0 : i32
    %dma_start3A_411 = tpu.memref_slice %arg8[%dma_start3A_406, %dma_start3A_407, %dma_start3A_410] : memref<2x3x128xf32, #tpu.memory_space<vmem>> -> memref<1x1x16xf32, #tpu.memory_space<vmem>>
    %dma_start3A_412 = tpu.memref_squeeze %dma_start3A_411 : memref<1x1x16xf32, #tpu.memory_space<vmem>> -> memref<16xf32, #tpu.memory_space<vmem>>
    %dma_start3A_413 = tpu.memref_slice %arg5[%dma_start3A_408, %dma_start3A_409, %mul3A_405] : memref<3x8x512xf32, #tpu.memory_space<hbm>> -> memref<1x1x16xf32, #tpu.memory_space<hbm>>
    %dma_start3A_414 = tpu.memref_squeeze %dma_start3A_413 : memref<1x1x16xf32, #tpu.memory_space<hbm>> -> memref<16xf32, #tpu.memory_space<hbm>>
    %dma_start3A_415 = tpu.memref_slice %arg5[%dma_start3A_408, %dma_start3A_409, %mul3A_405] : memref<3x8x512xf32, #tpu.memory_space<hbm>> -> memref<1x1x16xf32, #tpu.memory_space<hbm>>
    %dma_start3A_416 = tpu.memref_squeeze %dma_start3A_415 : memref<1x1x16xf32, #tpu.memory_space<hbm>> -> memref<16xf32, #tpu.memory_space<hbm>>
    %dma_start3A_417 = arith.constant 0 : i32
    %dma_start3A_418 = tpu.memref_slice %arg8[%dma_start3A_406, %dma_start3A_407, %dma_start3A_417] : memref<2x3x128xf32, #tpu.memory_space<vmem>> -> memref<1x1x16xf32, #tpu.memory_space<vmem>>
    %dma_start3A_419 = tpu.memref_squeeze %dma_start3A_418 : memref<1x1x16xf32, #tpu.memory_space<vmem>> -> memref<16xf32, #tpu.memory_space<vmem>>
    tpu.enqueue_dma source(%dma_start3A_419 : memref<16xf32, #tpu.memory_space<vmem>>) target(%dma_start3A_416 : memref<16xf32, #tpu.memory_space<hbm>>) target_semaphore(%arg11 : memref<!tpu.dma_semaphore, #tpu.memory_space<semaphore_mem>>)
    %mul3A_420 = arith.constant 16 : i32
    %mul3A_421 = arith.muli %add3A, %mul3A_420 : i32
    %dma_start3A_422 = arith.constant 0 : i32
    %dma_start3A_423 = arith.constant 2 : i32
    %dma_start3A_424 = arith.constant 2 : i32
    %dma_start3A_425 = arith.constant 1 : i32
    %dma_start3A_426 = arith.constant 16 : i32
    %dma_start3A_427 = tpu.memref_slice %arg8[%dma_start3A_422, %dma_start3A_423, %dma_start3A_426] : memref<2x3x128xf32, #tpu.memory_space<vmem>> -> memref<1x1x16xf32, #tpu.memory_space<vmem>>
    %dma_start3A_428 = tpu.memref_squeeze %dma_start3A_427 : memref<1x1x16xf32, #tpu.memory_space<vmem>> -> memref<16xf32, #tpu.memory_space<vmem>>
    %dma_start3A_429 = tpu.memref_slice %arg5[%dma_start3A_424, %dma_start3A_425, %mul3A_421] : memref<3x8x512xf32, #tpu.memory_space<hbm>> -> memref<1x1x16xf32, #tpu.memory_space<hbm>>
    %dma_start3A_430 = tpu.memref_squeeze %dma_start3A_429 : memref<1x1x16xf32, #tpu.memory_space<hbm>> -> memref<16xf32, #tpu.memory_space<hbm>>
    %dma_start3A_431 = tpu.memref_slice %arg5[%dma_start3A_424, %dma_start3A_425, %mul3A_421] : memref<3x8x512xf32, #tpu.memory_space<hbm>> -> memref<1x1x16xf32, #tpu.memory_space<hbm>>
    %dma_start3A_432 = tpu.memref_squeeze %dma_start3A_431 : memref<1x1x16xf32, #tpu.memory_space<hbm>> -> memref<16xf32, #tpu.memory_space<hbm>>
    %dma_start3A_433 = arith.constant 16 : i32
    %dma_start3A_434 = tpu.memref_slice %arg8[%dma_start3A_422, %dma_start3A_423, %dma_start3A_433] : memref<2x3x128xf32, #tpu.memory_space<vmem>> -> memref<1x1x16xf32, #tpu.memory_space<vmem>>
    %dma_start3A_435 = tpu.memref_squeeze %dma_start3A_434 : memref<1x1x16xf32, #tpu.memory_space<vmem>> -> memref<16xf32, #tpu.memory_space<vmem>>
    tpu.enqueue_dma source(%dma_start3A_435 : memref<16xf32, #tpu.memory_space<vmem>>) target(%dma_start3A_432 : memref<16xf32, #tpu.memory_space<hbm>>) target_semaphore(%arg11 : memref<!tpu.dma_semaphore, #tpu.memory_space<semaphore_mem>>)
    %mul3A_436 = arith.constant 16 : i32
    %mul3A_437 = arith.muli %add3A, %mul3A_436 : i32
    %dma_start3A_438 = arith.constant 0 : i32
    %dma_start3A_439 = arith.constant 2 : i32
    %dma_start3A_440 = arith.constant 2 : i32
    %dma_start3A_441 = arith.constant 2 : i32
    %dma_start3A_442 = arith.constant 32 : i32
    %dma_start3A_443 = tpu.memref_slice %arg8[%dma_start3A_438, %dma_start3A_439, %dma_start3A_442] : memref<2x3x128xf32, #tpu.memory_space<vmem>> -> memref<1x1x16xf32, #tpu.memory_space<vmem>>
    %dma_start3A_444 = tpu.memref_squeeze %dma_start3A_443 : memref<1x1x16xf32, #tpu.memory_space<vmem>> -> memref<16xf32, #tpu.memory_space<vmem>>
    %dma_start3A_445 = tpu.memref_slice %arg5[%dma_start3A_440, %dma_start3A_441, %mul3A_437] : memref<3x8x512xf32, #tpu.memory_space<hbm>> -> memref<1x1x16xf32, #tpu.memory_space<hbm>>
    %dma_start3A_446 = tpu.memref_squeeze %dma_start3A_445 : memref<1x1x16xf32, #tpu.memory_space<hbm>> -> memref<16xf32, #tpu.memory_space<hbm>>
    %dma_start3A_447 = tpu.memref_slice %arg5[%dma_start3A_440, %dma_start3A_441, %mul3A_437] : memref<3x8x512xf32, #tpu.memory_space<hbm>> -> memref<1x1x16xf32, #tpu.memory_space<hbm>>
    %dma_start3A_448 = tpu.memref_squeeze %dma_start3A_447 : memref<1x1x16xf32, #tpu.memory_space<hbm>> -> memref<16xf32, #tpu.memory_space<hbm>>
    %dma_start3A_449 = arith.constant 32 : i32
    %dma_start3A_450 = tpu.memref_slice %arg8[%dma_start3A_438, %dma_start3A_439, %dma_start3A_449] : memref<2x3x128xf32, #tpu.memory_space<vmem>> -> memref<1x1x16xf32, #tpu.memory_space<vmem>>
    %dma_start3A_451 = tpu.memref_squeeze %dma_start3A_450 : memref<1x1x16xf32, #tpu.memory_space<vmem>> -> memref<16xf32, #tpu.memory_space<vmem>>
    tpu.enqueue_dma source(%dma_start3A_451 : memref<16xf32, #tpu.memory_space<vmem>>) target(%dma_start3A_448 : memref<16xf32, #tpu.memory_space<hbm>>) target_semaphore(%arg11 : memref<!tpu.dma_semaphore, #tpu.memory_space<semaphore_mem>>)
    %mul3A_452 = arith.constant 16 : i32
    %mul3A_453 = arith.muli %add3A, %mul3A_452 : i32
    %dma_start3A_454 = arith.constant 0 : i32
    %dma_start3A_455 = arith.constant 2 : i32
    %dma_start3A_456 = arith.constant 2 : i32
    %dma_start3A_457 = arith.constant 3 : i32
    %dma_start3A_458 = arith.constant 48 : i32
    %dma_start3A_459 = tpu.memref_slice %arg8[%dma_start3A_454, %dma_start3A_455, %dma_start3A_458] : memref<2x3x128xf32, #tpu.memory_space<vmem>> -> memref<1x1x16xf32, #tpu.memory_space<vmem>>
    %dma_start3A_460 = tpu.memref_squeeze %dma_start3A_459 : memref<1x1x16xf32, #tpu.memory_space<vmem>> -> memref<16xf32, #tpu.memory_space<vmem>>
    %dma_start3A_461 = tpu.memref_slice %arg5[%dma_start3A_456, %dma_start3A_457, %mul3A_453] : memref<3x8x512xf32, #tpu.memory_space<hbm>> -> memref<1x1x16xf32, #tpu.memory_space<hbm>>
    %dma_start3A_462 = tpu.memref_squeeze %dma_start3A_461 : memref<1x1x16xf32, #tpu.memory_space<hbm>> -> memref<16xf32, #tpu.memory_space<hbm>>
    %dma_start3A_463 = tpu.memref_slice %arg5[%dma_start3A_456, %dma_start3A_457, %mul3A_453] : memref<3x8x512xf32, #tpu.memory_space<hbm>> -> memref<1x1x16xf32, #tpu.memory_space<hbm>>
    %dma_start3A_464 = tpu.memref_squeeze %dma_start3A_463 : memref<1x1x16xf32, #tpu.memory_space<hbm>> -> memref<16xf32, #tpu.memory_space<hbm>>
    %dma_start3A_465 = arith.constant 48 : i32
    %dma_start3A_466 = tpu.memref_slice %arg8[%dma_start3A_454, %dma_start3A_455, %dma_start3A_465] : memref<2x3x128xf32, #tpu.memory_space<vmem>> -> memref<1x1x16xf32, #tpu.memory_space<vmem>>
    %dma_start3A_467 = tpu.memref_squeeze %dma_start3A_466 : memref<1x1x16xf32, #tpu.memory_space<vmem>> -> memref<16xf32, #tpu.memory_space<vmem>>
    tpu.enqueue_dma source(%dma_start3A_467 : memref<16xf32, #tpu.memory_space<vmem>>) target(%dma_start3A_464 : memref<16xf32, #tpu.memory_space<hbm>>) target_semaphore(%arg11 : memref<!tpu.dma_semaphore, #tpu.memory_space<semaphore_mem>>)
    %mul3A_468 = arith.constant 16 : i32
    %mul3A_469 = arith.muli %add3A, %mul3A_468 : i32
    %dma_start3A_470 = arith.constant 0 : i32
    %dma_start3A_471 = arith.constant 2 : i32
    %dma_start3A_472 = arith.constant 2 : i32
    %dma_start3A_473 = arith.constant 4 : i32
    %dma_start3A_474 = arith.constant 64 : i32
    %dma_start3A_475 = tpu.memref_slice %arg8[%dma_start3A_470, %dma_start3A_471, %dma_start3A_474] : memref<2x3x128xf32, #tpu.memory_space<vmem>> -> memref<1x1x16xf32, #tpu.memory_space<vmem>>
    %dma_start3A_476 = tpu.memref_squeeze %dma_start3A_475 : memref<1x1x16xf32, #tpu.memory_space<vmem>> -> memref<16xf32, #tpu.memory_space<vmem>>
    %dma_start3A_477 = tpu.memref_slice %arg5[%dma_start3A_472, %dma_start3A_473, %mul3A_469] : memref<3x8x512xf32, #tpu.memory_space<hbm>> -> memref<1x1x16xf32, #tpu.memory_space<hbm>>
    %dma_start3A_478 = tpu.memref_squeeze %dma_start3A_477 : memref<1x1x16xf32, #tpu.memory_space<hbm>> -> memref<16xf32, #tpu.memory_space<hbm>>
    %dma_start3A_479 = tpu.memref_slice %arg5[%dma_start3A_472, %dma_start3A_473, %mul3A_469] : memref<3x8x512xf32, #tpu.memory_space<hbm>> -> memref<1x1x16xf32, #tpu.memory_space<hbm>>
    %dma_start3A_480 = tpu.memref_squeeze %dma_start3A_479 : memref<1x1x16xf32, #tpu.memory_space<hbm>> -> memref<16xf32, #tpu.memory_space<hbm>>
    %dma_start3A_481 = arith.constant 64 : i32
    %dma_start3A_482 = tpu.memref_slice %arg8[%dma_start3A_470, %dma_start3A_471, %dma_start3A_481] : memref<2x3x128xf32, #tpu.memory_space<vmem>> -> memref<1x1x16xf32, #tpu.memory_space<vmem>>
    %dma_start3A_483 = tpu.memref_squeeze %dma_start3A_482 : memref<1x1x16xf32, #tpu.memory_space<vmem>> -> memref<16xf32, #tpu.memory_space<vmem>>
    tpu.enqueue_dma source(%dma_start3A_483 : memref<16xf32, #tpu.memory_space<vmem>>) target(%dma_start3A_480 : memref<16xf32, #tpu.memory_space<hbm>>) target_semaphore(%arg11 : memref<!tpu.dma_semaphore, #tpu.memory_space<semaphore_mem>>)
    %mul3A_484 = arith.constant 16 : i32
    %mul3A_485 = arith.muli %add3A, %mul3A_484 : i32
    %dma_start3A_486 = arith.constant 0 : i32
    %dma_start3A_487 = arith.constant 2 : i32
    %dma_start3A_488 = arith.constant 2 : i32
    %dma_start3A_489 = arith.constant 5 : i32
    %dma_start3A_490 = arith.constant 80 : i32
    %dma_start3A_491 = tpu.memref_slice %arg8[%dma_start3A_486, %dma_start3A_487, %dma_start3A_490] : memref<2x3x128xf32, #tpu.memory_space<vmem>> -> memref<1x1x16xf32, #tpu.memory_space<vmem>>
    %dma_start3A_492 = tpu.memref_squeeze %dma_start3A_491 : memref<1x1x16xf32, #tpu.memory_space<vmem>> -> memref<16xf32, #tpu.memory_space<vmem>>
    %dma_start3A_493 = tpu.memref_slice %arg5[%dma_start3A_488, %dma_start3A_489, %mul3A_485] : memref<3x8x512xf32, #tpu.memory_space<hbm>> -> memref<1x1x16xf32, #tpu.memory_space<hbm>>
    %dma_start3A_494 = tpu.memref_squeeze %dma_start3A_493 : memref<1x1x16xf32, #tpu.memory_space<hbm>> -> memref<16xf32, #tpu.memory_space<hbm>>
    %dma_start3A_495 = tpu.memref_slice %arg5[%dma_start3A_488, %dma_start3A_489, %mul3A_485] : memref<3x8x512xf32, #tpu.memory_space<hbm>> -> memref<1x1x16xf32, #tpu.memory_space<hbm>>
    %dma_start3A_496 = tpu.memref_squeeze %dma_start3A_495 : memref<1x1x16xf32, #tpu.memory_space<hbm>> -> memref<16xf32, #tpu.memory_space<hbm>>
    %dma_start3A_497 = arith.constant 80 : i32
    %dma_start3A_498 = tpu.memref_slice %arg8[%dma_start3A_486, %dma_start3A_487, %dma_start3A_497] : memref<2x3x128xf32, #tpu.memory_space<vmem>> -> memref<1x1x16xf32, #tpu.memory_space<vmem>>
    %dma_start3A_499 = tpu.memref_squeeze %dma_start3A_498 : memref<1x1x16xf32, #tpu.memory_space<vmem>> -> memref<16xf32, #tpu.memory_space<vmem>>
    tpu.enqueue_dma source(%dma_start3A_499 : memref<16xf32, #tpu.memory_space<vmem>>) target(%dma_start3A_496 : memref<16xf32, #tpu.memory_space<hbm>>) target_semaphore(%arg11 : memref<!tpu.dma_semaphore, #tpu.memory_space<semaphore_mem>>)
    %mul3A_500 = arith.constant 16 : i32
    %mul3A_501 = arith.muli %add3A, %mul3A_500 : i32
    %dma_start3A_502 = arith.constant 0 : i32
    %dma_start3A_503 = arith.constant 2 : i32
    %dma_start3A_504 = arith.constant 2 : i32
    %dma_start3A_505 = arith.constant 6 : i32
    %dma_start3A_506 = arith.constant 96 : i32
    %dma_start3A_507 = tpu.memref_slice %arg8[%dma_start3A_502, %dma_start3A_503, %dma_start3A_506] : memref<2x3x128xf32, #tpu.memory_space<vmem>> -> memref<1x1x16xf32, #tpu.memory_space<vmem>>
    %dma_start3A_508 = tpu.memref_squeeze %dma_start3A_507 : memref<1x1x16xf32, #tpu.memory_space<vmem>> -> memref<16xf32, #tpu.memory_space<vmem>>
    %dma_start3A_509 = tpu.memref_slice %arg5[%dma_start3A_504, %dma_start3A_505, %mul3A_501] : memref<3x8x512xf32, #tpu.memory_space<hbm>> -> memref<1x1x16xf32, #tpu.memory_space<hbm>>
    %dma_start3A_510 = tpu.memref_squeeze %dma_start3A_509 : memref<1x1x16xf32, #tpu.memory_space<hbm>> -> memref<16xf32, #tpu.memory_space<hbm>>
    %dma_start3A_511 = tpu.memref_slice %arg5[%dma_start3A_504, %dma_start3A_505, %mul3A_501] : memref<3x8x512xf32, #tpu.memory_space<hbm>> -> memref<1x1x16xf32, #tpu.memory_space<hbm>>
    %dma_start3A_512 = tpu.memref_squeeze %dma_start3A_511 : memref<1x1x16xf32, #tpu.memory_space<hbm>> -> memref<16xf32, #tpu.memory_space<hbm>>
    %dma_start3A_513 = arith.constant 96 : i32
    %dma_start3A_514 = tpu.memref_slice %arg8[%dma_start3A_502, %dma_start3A_503, %dma_start3A_513] : memref<2x3x128xf32, #tpu.memory_space<vmem>> -> memref<1x1x16xf32, #tpu.memory_space<vmem>>
    %dma_start3A_515 = tpu.memref_squeeze %dma_start3A_514 : memref<1x1x16xf32, #tpu.memory_space<vmem>> -> memref<16xf32, #tpu.memory_space<vmem>>
    tpu.enqueue_dma source(%dma_start3A_515 : memref<16xf32, #tpu.memory_space<vmem>>) target(%dma_start3A_512 : memref<16xf32, #tpu.memory_space<hbm>>) target_semaphore(%arg11 : memref<!tpu.dma_semaphore, #tpu.memory_space<semaphore_mem>>)
    %mul3A_516 = arith.constant 16 : i32
    %mul3A_517 = arith.muli %add3A, %mul3A_516 : i32
    %dma_start3A_518 = arith.constant 0 : i32
    %dma_start3A_519 = arith.constant 2 : i32
    %dma_start3A_520 = arith.constant 2 : i32
    %dma_start3A_521 = arith.constant 7 : i32
    %dma_start3A_522 = arith.constant 112 : i32
    %dma_start3A_523 = tpu.memref_slice %arg8[%dma_start3A_518, %dma_start3A_519, %dma_start3A_522] : memref<2x3x128xf32, #tpu.memory_space<vmem>> -> memref<1x1x16xf32, #tpu.memory_space<vmem>>
    %dma_start3A_524 = tpu.memref_squeeze %dma_start3A_523 : memref<1x1x16xf32, #tpu.memory_space<vmem>> -> memref<16xf32, #tpu.memory_space<vmem>>
    %dma_start3A_525 = tpu.memref_slice %arg5[%dma_start3A_520, %dma_start3A_521, %mul3A_517] : memref<3x8x512xf32, #tpu.memory_space<hbm>> -> memref<1x1x16xf32, #tpu.memory_space<hbm>>
    %dma_start3A_526 = tpu.memref_squeeze %dma_start3A_525 : memref<1x1x16xf32, #tpu.memory_space<hbm>> -> memref<16xf32, #tpu.memory_space<hbm>>
    %dma_start3A_527 = tpu.memref_slice %arg5[%dma_start3A_520, %dma_start3A_521, %mul3A_517] : memref<3x8x512xf32, #tpu.memory_space<hbm>> -> memref<1x1x16xf32, #tpu.memory_space<hbm>>
    %dma_start3A_528 = tpu.memref_squeeze %dma_start3A_527 : memref<1x1x16xf32, #tpu.memory_space<hbm>> -> memref<16xf32, #tpu.memory_space<hbm>>
    %dma_start3A_529 = arith.constant 112 : i32
    %dma_start3A_530 = tpu.memref_slice %arg8[%dma_start3A_518, %dma_start3A_519, %dma_start3A_529] : memref<2x3x128xf32, #tpu.memory_space<vmem>> -> memref<1x1x16xf32, #tpu.memory_space<vmem>>
    %dma_start3A_531 = tpu.memref_squeeze %dma_start3A_530 : memref<1x1x16xf32, #tpu.memory_space<vmem>> -> memref<16xf32, #tpu.memory_space<vmem>>
    tpu.enqueue_dma source(%dma_start3A_531 : memref<16xf32, #tpu.memory_space<vmem>>) target(%dma_start3A_528 : memref<16xf32, #tpu.memory_space<hbm>>) target_semaphore(%arg11 : memref<!tpu.dma_semaphore, #tpu.memory_space<semaphore_mem>>)
    %get3A = arith.constant 1 : i32
    %get3A_532 = arith.constant 0 : i32
    %get3A_533 = arith.index_cast %get3A : i32 to index
    %get3A_534 = arith.index_cast %get3A_532 : i32 to index
    %get3A_535 = arith.constant 0 : index
    %get3A_536 = tpu.vector_load %arg8[%get3A_533, %get3A_534, %get3A_535] {strides = array<i32>} : memref<2x3x128xf32, #tpu.memory_space<vmem>>, vector<16xf32>,
    %get3A_537 = arith.constant 1 : i32
    %get3A_538 = arith.constant 1 : i32
    %get3A_539 = arith.index_cast %get3A_537 : i32 to index
    %get3A_540 = arith.index_cast %get3A_538 : i32 to index
    %get3A_541 = arith.constant 0 : index
    %get3A_542 = tpu.vector_load %arg8[%get3A_539, %get3A_540, %get3A_541] {strides = array<i32>} : memref<2x3x128xf32, #tpu.memory_space<vmem>>, vector<16xf32>,
    %get3A_543 = arith.constant 1 : i32
    %get3A_544 = arith.constant 2 : i32
    %get3A_545 = arith.index_cast %get3A_543 : i32 to index
    %get3A_546 = arith.index_cast %get3A_544 : i32 to index
    %get3A_547 = arith.constant 0 : index
    %get3A_548 = tpu.vector_load %arg8[%get3A_545, %get3A_546, %get3A_547] {strides = array<i32>} : memref<2x3x128xf32, #tpu.memory_space<vmem>>, vector<16xf32>,
    %mul3A_549 = arith.constant -2.000000e+00 : f32
    %mul3A_550 = vector.broadcast %mul3A_549 : f32 to vector<16xf32>
    %mul3A_551 = arith.mulf %mul3A_550, %get3A_536 : vector<16xf32>
    %swap3A = arith.constant 0 : i32
    %swap3A_552 = arith.index_cast %swap3A : i32 to index
    %swap3A_553 = arith.constant 0 : index
    %swap3A_554 = tpu.vector_load %arg9[%swap3A_552, %swap3A_553] {strides = array<i32>} : memref<4x128xf32, #tpu.memory_space<vmem>>, vector<16xf32>,
    tpu.vector_store %arg9[%swap3A_552, %swap3A_553], %mul3A_551 {strides = array<i32>} : memref<4x128xf32, #tpu.memory_space<vmem>>, vector<16xf32>,
    %mul3A_555 = arith.constant -2.000000e+00 : f32
    %mul3A_556 = vector.broadcast %mul3A_555 : f32 to vector<16xf32>
    %mul3A_557 = arith.mulf %mul3A_556, %get3A_542 : vector<16xf32>
    %swap3A_558 = arith.constant 1 : i32
    %swap3A_559 = arith.index_cast %swap3A_558 : i32 to index
    %swap3A_560 = arith.constant 0 : index
    %swap3A_561 = tpu.vector_load %arg9[%swap3A_559, %swap3A_560] {strides = array<i32>} : memref<4x128xf32, #tpu.memory_space<vmem>>, vector<16xf32>,
    tpu.vector_store %arg9[%swap3A_559, %swap3A_560], %mul3A_557 {strides = array<i32>} : memref<4x128xf32, #tpu.memory_space<vmem>>, vector<16xf32>,
    %mul3A_562 = arith.constant -2.000000e+00 : f32
    %mul3A_563 = vector.broadcast %mul3A_562 : f32 to vector<16xf32>
    %mul3A_564 = arith.mulf %mul3A_563, %get3A_548 : vector<16xf32>
    %swap3A_565 = arith.constant 2 : i32
    %swap3A_566 = arith.index_cast %swap3A_565 : i32 to index
    %swap3A_567 = arith.constant 0 : index
    %swap3A_568 = tpu.vector_load %arg9[%swap3A_566, %swap3A_567] {strides = array<i32>} : memref<4x128xf32, #tpu.memory_space<vmem>>, vector<16xf32>,
    tpu.vector_store %arg9[%swap3A_566, %swap3A_567], %mul3A_564 {strides = array<i32>} : memref<4x128xf32, #tpu.memory_space<vmem>>, vector<16xf32>,
    %mul3A_569 = arith.mulf %get3A_536, %get3A_536 : vector<16xf32>
    %mul3A_570 = arith.mulf %get3A_542, %get3A_542 : vector<16xf32>
    %add3A_571 = arith.addf %mul3A_569, %mul3A_570 : vector<16xf32>
    %mul3A_572 = arith.mulf %get3A_548, %get3A_548 : vector<16xf32>
    %add3A_573 = arith.addf %add3A_571, %mul3A_572 : vector<16xf32>
    %swap3A_574 = arith.constant 3 : i32
    %swap3A_575 = arith.index_cast %swap3A_574 : i32 to index
    %swap3A_576 = arith.constant 0 : index
    %swap3A_577 = tpu.vector_load %arg9[%swap3A_575, %swap3A_576] {strides = array<i32>} : memref<4x128xf32, #tpu.memory_space<vmem>>, vector<16xf32>,
    tpu.vector_store %arg9[%swap3A_575, %swap3A_576], %add3A_573 {strides = array<i32>} : memref<4x128xf32, #tpu.memory_space<vmem>>, vector<16xf32>,
    %get3A_578 = arith.constant 1 : i32
    %get3A_579 = arith.constant 0 : i32
    %get3A_580 = arith.index_cast %get3A_578 : i32 to index
    %get3A_581 = arith.index_cast %get3A_579 : i32 to index
    %get3A_582 = arith.constant 16 : index
    %get3A_583 = tpu.vector_load %arg8[%get3A_580, %get3A_581, %get3A_582] {strides = array<i32>} : memref<2x3x128xf32, #tpu.memory_space<vmem>>, vector<16xf32>,
    %get3A_584 = arith.constant 1 : i32
    %get3A_585 = arith.constant 1 : i32
    %get3A_586 = arith.index_cast %get3A_584 : i32 to index
    %get3A_587 = arith.index_cast %get3A_585 : i32 to index
    %get3A_588 = arith.constant 16 : index
    %get3A_589 = tpu.vector_load %arg8[%get3A_586, %get3A_587, %get3A_588] {strides = array<i32>} : memref<2x3x128xf32, #tpu.memory_space<vmem>>, vector<16xf32>,
    %get3A_590 = arith.constant 1 : i32
    %get3A_591 = arith.constant 2 : i32
    %get3A_592 = arith.index_cast %get3A_590 : i32 to index
    %get3A_593 = arith.index_cast %get3A_591 : i32 to index
    %get3A_594 = arith.constant 16 : index
    %get3A_595 = tpu.vector_load %arg8[%get3A_592, %get3A_593, %get3A_594] {strides = array<i32>} : memref<2x3x128xf32, #tpu.memory_space<vmem>>, vector<16xf32>,
    %mul3A_596 = arith.constant -2.000000e+00 : f32
    %mul3A_597 = vector.broadcast %mul3A_596 : f32 to vector<16xf32>
    %mul3A_598 = arith.mulf %mul3A_597, %get3A_583 : vector<16xf32>
    %swap3A_599 = arith.constant 0 : i32
    %swap3A_600 = arith.index_cast %swap3A_599 : i32 to index
    %swap3A_601 = arith.constant 16 : index
    %swap3A_602 = tpu.vector_load %arg9[%swap3A_600, %swap3A_601] {strides = array<i32>} : memref<4x128xf32, #tpu.memory_space<vmem>>, vector<16xf32>,
    tpu.vector_store %arg9[%swap3A_600, %swap3A_601], %mul3A_598 {strides = array<i32>} : memref<4x128xf32, #tpu.memory_space<vmem>>, vector<16xf32>,
    %mul3A_603 = arith.constant -2.000000e+00 : f32
    %mul3A_604 = vector.broadcast %mul3A_603 : f32 to vector<16xf32>
    %mul3A_605 = arith.mulf %mul3A_604, %get3A_589 : vector<16xf32>
    %swap3A_606 = arith.constant 1 : i32
    %swap3A_607 = arith.index_cast %swap3A_606 : i32 to index
    %swap3A_608 = arith.constant 16 : index
    %swap3A_609 = tpu.vector_load %arg9[%swap3A_607, %swap3A_608] {strides = array<i32>} : memref<4x128xf32, #tpu.memory_space<vmem>>, vector<16xf32>,
    tpu.vector_store %arg9[%swap3A_607, %swap3A_608], %mul3A_605 {strides = array<i32>} : memref<4x128xf32, #tpu.memory_space<vmem>>, vector<16xf32>,
    %mul3A_610 = arith.constant -2.000000e+00 : f32
    %mul3A_611 = vector.broadcast %mul3A_610 : f32 to vector<16xf32>
    %mul3A_612 = arith.mulf %mul3A_611, %get3A_595 : vector<16xf32>
    %swap3A_613 = arith.constant 2 : i32
    %swap3A_614 = arith.index_cast %swap3A_613 : i32 to index
    %swap3A_615 = arith.constant 16 : index
    %swap3A_616 = tpu.vector_load %arg9[%swap3A_614, %swap3A_615] {strides = array<i32>} : memref<4x128xf32, #tpu.memory_space<vmem>>, vector<16xf32>,
    tpu.vector_store %arg9[%swap3A_614, %swap3A_615], %mul3A_612 {strides = array<i32>} : memref<4x128xf32, #tpu.memory_space<vmem>>, vector<16xf32>,
    %mul3A_617 = arith.mulf %get3A_583, %get3A_583 : vector<16xf32>
    %mul3A_618 = arith.mulf %get3A_589, %get3A_589 : vector<16xf32>
    %add3A_619 = arith.addf %mul3A_617, %mul3A_618 : vector<16xf32>
    %mul3A_620 = arith.mulf %get3A_595, %get3A_595 : vector<16xf32>
    %add3A_621 = arith.addf %add3A_619, %mul3A_620 : vector<16xf32>
    %swap3A_622 = arith.constant 3 : i32
    %swap3A_623 = arith.index_cast %swap3A_622 : i32 to index
    %swap3A_624 = arith.constant 16 : index
    %swap3A_625 = tpu.vector_load %arg9[%swap3A_623, %swap3A_624] {strides = array<i32>} : memref<4x128xf32, #tpu.memory_space<vmem>>, vector<16xf32>,
    tpu.vector_store %arg9[%swap3A_623, %swap3A_624], %add3A_621 {strides = array<i32>} : memref<4x128xf32, #tpu.memory_space<vmem>>, vector<16xf32>,
    %get3A_626 = arith.constant 1 : i32
    %get3A_627 = arith.constant 0 : i32
    %get3A_628 = arith.index_cast %get3A_626 : i32 to index
    %get3A_629 = arith.index_cast %get3A_627 : i32 to index
    %get3A_630 = arith.constant 32 : index
    %get3A_631 = tpu.vector_load %arg8[%get3A_628, %get3A_629, %get3A_630] {strides = array<i32>} : memref<2x3x128xf32, #tpu.memory_space<vmem>>, vector<16xf32>,
    %get3A_632 = arith.constant 1 : i32
    %get3A_633 = arith.constant 1 : i32
    %get3A_634 = arith.index_cast %get3A_632 : i32 to index
    %get3A_635 = arith.index_cast %get3A_633 : i32 to index
    %get3A_636 = arith.constant 32 : index
    %get3A_637 = tpu.vector_load %arg8[%get3A_634, %get3A_635, %get3A_636] {strides = array<i32>} : memref<2x3x128xf32, #tpu.memory_space<vmem>>, vector<16xf32>,
    %get3A_638 = arith.constant 1 : i32
    %get3A_639 = arith.constant 2 : i32
    %get3A_640 = arith.index_cast %get3A_638 : i32 to index
    %get3A_641 = arith.index_cast %get3A_639 : i32 to index
    %get3A_642 = arith.constant 32 : index
    %get3A_643 = tpu.vector_load %arg8[%get3A_640, %get3A_641, %get3A_642] {strides = array<i32>} : memref<2x3x128xf32, #tpu.memory_space<vmem>>, vector<16xf32>,
    %mul3A_644 = arith.constant -2.000000e+00 : f32
    %mul3A_645 = vector.broadcast %mul3A_644 : f32 to vector<16xf32>
    %mul3A_646 = arith.mulf %mul3A_645, %get3A_631 : vector<16xf32>
    %swap3A_647 = arith.constant 0 : i32
    %swap3A_648 = arith.index_cast %swap3A_647 : i32 to index
    %swap3A_649 = arith.constant 32 : index
    %swap3A_650 = tpu.vector_load %arg9[%swap3A_648, %swap3A_649] {strides = array<i32>} : memref<4x128xf32, #tpu.memory_space<vmem>>, vector<16xf32>,
    tpu.vector_store %arg9[%swap3A_648, %swap3A_649], %mul3A_646 {strides = array<i32>} : memref<4x128xf32, #tpu.memory_space<vmem>>, vector<16xf32>,
    %mul3A_651 = arith.constant -2.000000e+00 : f32
    %mul3A_652 = vector.broadcast %mul3A_651 : f32 to vector<16xf32>
    %mul3A_653 = arith.mulf %mul3A_652, %get3A_637 : vector<16xf32>
    %swap3A_654 = arith.constant 1 : i32
    %swap3A_655 = arith.index_cast %swap3A_654 : i32 to index
    %swap3A_656 = arith.constant 32 : index
    %swap3A_657 = tpu.vector_load %arg9[%swap3A_655, %swap3A_656] {strides = array<i32>} : memref<4x128xf32, #tpu.memory_space<vmem>>, vector<16xf32>,
    tpu.vector_store %arg9[%swap3A_655, %swap3A_656], %mul3A_653 {strides = array<i32>} : memref<4x128xf32, #tpu.memory_space<vmem>>, vector<16xf32>,
    %mul3A_658 = arith.constant -2.000000e+00 : f32
    %mul3A_659 = vector.broadcast %mul3A_658 : f32 to vector<16xf32>
    %mul3A_660 = arith.mulf %mul3A_659, %get3A_643 : vector<16xf32>
    %swap3A_661 = arith.constant 2 : i32
    %swap3A_662 = arith.index_cast %swap3A_661 : i32 to index
    %swap3A_663 = arith.constant 32 : index
    %swap3A_664 = tpu.vector_load %arg9[%swap3A_662, %swap3A_663] {strides = array<i32>} : memref<4x128xf32, #tpu.memory_space<vmem>>, vector<16xf32>,
    tpu.vector_store %arg9[%swap3A_662, %swap3A_663], %mul3A_660 {strides = array<i32>} : memref<4x128xf32, #tpu.memory_space<vmem>>, vector<16xf32>,
    %mul3A_665 = arith.mulf %get3A_631, %get3A_631 : vector<16xf32>
    %mul3A_666 = arith.mulf %get3A_637, %get3A_637 : vector<16xf32>
    %add3A_667 = arith.addf %mul3A_665, %mul3A_666 : vector<16xf32>
    %mul3A_668 = arith.mulf %get3A_643, %get3A_643 : vector<16xf32>
    %add3A_669 = arith.addf %add3A_667, %mul3A_668 : vector<16xf32>
    %swap3A_670 = arith.constant 3 : i32
    %swap3A_671 = arith.index_cast %swap3A_670 : i32 to index
    %swap3A_672 = arith.constant 32 : index
    %swap3A_673 = tpu.vector_load %arg9[%swap3A_671, %swap3A_672] {strides = array<i32>} : memref<4x128xf32, #tpu.memory_space<vmem>>, vector<16xf32>,
    tpu.vector_store %arg9[%swap3A_671, %swap3A_672], %add3A_669 {strides = array<i32>} : memref<4x128xf32, #tpu.memory_space<vmem>>, vector<16xf32>,
    %get3A_674 = arith.constant 1 : i32
    %get3A_675 = arith.constant 0 : i32
    %get3A_676 = arith.index_cast %get3A_674 : i32 to index
    %get3A_677 = arith.index_cast %get3A_675 : i32 to index
    %get3A_678 = arith.constant 48 : index
    %get3A_679 = tpu.vector_load %arg8[%get3A_676, %get3A_677, %get3A_678] {strides = array<i32>} : memref<2x3x128xf32, #tpu.memory_space<vmem>>, vector<16xf32>,
    %get3A_680 = arith.constant 1 : i32
    %get3A_681 = arith.constant 1 : i32
    %get3A_682 = arith.index_cast %get3A_680 : i32 to index
    %get3A_683 = arith.index_cast %get3A_681 : i32 to index
    %get3A_684 = arith.constant 48 : index
    %get3A_685 = tpu.vector_load %arg8[%get3A_682, %get3A_683, %get3A_684] {strides = array<i32>} : memref<2x3x128xf32, #tpu.memory_space<vmem>>, vector<16xf32>,
    %get3A_686 = arith.constant 1 : i32
    %get3A_687 = arith.constant 2 : i32
    %get3A_688 = arith.index_cast %get3A_686 : i32 to index
    %get3A_689 = arith.index_cast %get3A_687 : i32 to index
    %get3A_690 = arith.constant 48 : index
    %get3A_691 = tpu.vector_load %arg8[%get3A_688, %get3A_689, %get3A_690] {strides = array<i32>} : memref<2x3x128xf32, #tpu.memory_space<vmem>>, vector<16xf32>,
    %mul3A_692 = arith.constant -2.000000e+00 : f32
    %mul3A_693 = vector.broadcast %mul3A_692 : f32 to vector<16xf32>
    %mul3A_694 = arith.mulf %mul3A_693, %get3A_679 : vector<16xf32>
    %swap3A_695 = arith.constant 0 : i32
    %swap3A_696 = arith.index_cast %swap3A_695 : i32 to index
    %swap3A_697 = arith.constant 48 : index
    %swap3A_698 = tpu.vector_load %arg9[%swap3A_696, %swap3A_697] {strides = array<i32>} : memref<4x128xf32, #tpu.memory_space<vmem>>, vector<16xf32>,
    tpu.vector_store %arg9[%swap3A_696, %swap3A_697], %mul3A_694 {strides = array<i32>} : memref<4x128xf32, #tpu.memory_space<vmem>>, vector<16xf32>,
    %mul3A_699 = arith.constant -2.000000e+00 : f32
    %mul3A_700 = vector.broadcast %mul3A_699 : f32 to vector<16xf32>
    %mul3A_701 = arith.mulf %mul3A_700, %get3A_685 : vector<16xf32>
    %swap3A_702 = arith.constant 1 : i32
    %swap3A_703 = arith.index_cast %swap3A_702 : i32 to index
    %swap3A_704 = arith.constant 48 : index
    %swap3A_705 = tpu.vector_load %arg9[%swap3A_703, %swap3A_704] {strides = array<i32>} : memref<4x128xf32, #tpu.memory_space<vmem>>, vector<16xf32>,
    tpu.vector_store %arg9[%swap3A_703, %swap3A_704], %mul3A_701 {strides = array<i32>} : memref<4x128xf32, #tpu.memory_space<vmem>>, vector<16xf32>,
    %mul3A_706 = arith.constant -2.000000e+00 : f32
    %mul3A_707 = vector.broadcast %mul3A_706 : f32 to vector<16xf32>
    %mul3A_708 = arith.mulf %mul3A_707, %get3A_691 : vector<16xf32>
    %swap3A_709 = arith.constant 2 : i32
    %swap3A_710 = arith.index_cast %swap3A_709 : i32 to index
    %swap3A_711 = arith.constant 48 : index
    %swap3A_712 = tpu.vector_load %arg9[%swap3A_710, %swap3A_711] {strides = array<i32>} : memref<4x128xf32, #tpu.memory_space<vmem>>, vector<16xf32>,
    tpu.vector_store %arg9[%swap3A_710, %swap3A_711], %mul3A_708 {strides = array<i32>} : memref<4x128xf32, #tpu.memory_space<vmem>>, vector<16xf32>,
    %mul3A_713 = arith.mulf %get3A_679, %get3A_679 : vector<16xf32>
    %mul3A_714 = arith.mulf %get3A_685, %get3A_685 : vector<16xf32>
    %add3A_715 = arith.addf %mul3A_713, %mul3A_714 : vector<16xf32>
    %mul3A_716 = arith.mulf %get3A_691, %get3A_691 : vector<16xf32>
    %add3A_717 = arith.addf %add3A_715, %mul3A_716 : vector<16xf32>
    %swap3A_718 = arith.constant 3 : i32
    %swap3A_719 = arith.index_cast %swap3A_718 : i32 to index
    %swap3A_720 = arith.constant 48 : index
    %swap3A_721 = tpu.vector_load %arg9[%swap3A_719, %swap3A_720] {strides = array<i32>} : memref<4x128xf32, #tpu.memory_space<vmem>>, vector<16xf32>,
    tpu.vector_store %arg9[%swap3A_719, %swap3A_720], %add3A_717 {strides = array<i32>} : memref<4x128xf32, #tpu.memory_space<vmem>>, vector<16xf32>,
    %get3A_722 = arith.constant 1 : i32
    %get3A_723 = arith.constant 0 : i32
    %get3A_724 = arith.index_cast %get3A_722 : i32 to index
    %get3A_725 = arith.index_cast %get3A_723 : i32 to index
    %get3A_726 = arith.constant 64 : index
    %get3A_727 = tpu.vector_load %arg8[%get3A_724, %get3A_725, %get3A_726] {strides = array<i32>} : memref<2x3x128xf32, #tpu.memory_space<vmem>>, vector<16xf32>,
    %get3A_728 = arith.constant 1 : i32
    %get3A_729 = arith.constant 1 : i32
    %get3A_730 = arith.index_cast %get3A_728 : i32 to index
    %get3A_731 = arith.index_cast %get3A_729 : i32 to index
    %get3A_732 = arith.constant 64 : index
    %get3A_733 = tpu.vector_load %arg8[%get3A_730, %get3A_731, %get3A_732] {strides = array<i32>} : memref<2x3x128xf32, #tpu.memory_space<vmem>>, vector<16xf32>,
    %get3A_734 = arith.constant 1 : i32
    %get3A_735 = arith.constant 2 : i32
    %get3A_736 = arith.index_cast %get3A_734 : i32 to index
    %get3A_737 = arith.index_cast %get3A_735 : i32 to index
    %get3A_738 = arith.constant 64 : index
    %get3A_739 = tpu.vector_load %arg8[%get3A_736, %get3A_737, %get3A_738] {strides = array<i32>} : memref<2x3x128xf32, #tpu.memory_space<vmem>>, vector<16xf32>,
    %mul3A_740 = arith.constant -2.000000e+00 : f32
    %mul3A_741 = vector.broadcast %mul3A_740 : f32 to vector<16xf32>
    %mul3A_742 = arith.mulf %mul3A_741, %get3A_727 : vector<16xf32>
    %swap3A_743 = arith.constant 0 : i32
    %swap3A_744 = arith.index_cast %swap3A_743 : i32 to index
    %swap3A_745 = arith.constant 64 : index
    %swap3A_746 = tpu.vector_load %arg9[%swap3A_744, %swap3A_745] {strides = array<i32>} : memref<4x128xf32, #tpu.memory_space<vmem>>, vector<16xf32>,
    tpu.vector_store %arg9[%swap3A_744, %swap3A_745], %mul3A_742 {strides = array<i32>} : memref<4x128xf32, #tpu.memory_space<vmem>>, vector<16xf32>,
    %mul3A_747 = arith.constant -2.000000e+00 : f32
    %mul3A_748 = vector.broadcast %mul3A_747 : f32 to vector<16xf32>
    %mul3A_749 = arith.mulf %mul3A_748, %get3A_733 : vector<16xf32>
    %swap3A_750 = arith.constant 1 : i32
    %swap3A_751 = arith.index_cast %swap3A_750 : i32 to index
    %swap3A_752 = arith.constant 64 : index
    %swap3A_753 = tpu.vector_load %arg9[%swap3A_751, %swap3A_752] {strides = array<i32>} : memref<4x128xf32, #tpu.memory_space<vmem>>, vector<16xf32>,
    tpu.vector_store %arg9[%swap3A_751, %swap3A_752], %mul3A_749 {strides = array<i32>} : memref<4x128xf32, #tpu.memory_space<vmem>>, vector<16xf32>,
    %mul3A_754 = arith.constant -2.000000e+00 : f32
    %mul3A_755 = vector.broadcast %mul3A_754 : f32 to vector<16xf32>
    %mul3A_756 = arith.mulf %mul3A_755, %get3A_739 : vector<16xf32>
    %swap3A_757 = arith.constant 2 : i32
    %swap3A_758 = arith.index_cast %swap3A_757 : i32 to index
    %swap3A_759 = arith.constant 64 : index
    %swap3A_760 = tpu.vector_load %arg9[%swap3A_758, %swap3A_759] {strides = array<i32>} : memref<4x128xf32, #tpu.memory_space<vmem>>, vector<16xf32>,
    tpu.vector_store %arg9[%swap3A_758, %swap3A_759], %mul3A_756 {strides = array<i32>} : memref<4x128xf32, #tpu.memory_space<vmem>>, vector<16xf32>,
    %mul3A_761 = arith.mulf %get3A_727, %get3A_727 : vector<16xf32>
    %mul3A_762 = arith.mulf %get3A_733, %get3A_733 : vector<16xf32>
    %add3A_763 = arith.addf %mul3A_761, %mul3A_762 : vector<16xf32>
    %mul3A_764 = arith.mulf %get3A_739, %get3A_739 : vector<16xf32>
    %add3A_765 = arith.addf %add3A_763, %mul3A_764 : vector<16xf32>
    %swap3A_766 = arith.constant 3 : i32
    %swap3A_767 = arith.index_cast %swap3A_766 : i32 to index
    %swap3A_768 = arith.constant 64 : index
    %swap3A_769 = tpu.vector_load %arg9[%swap3A_767, %swap3A_768] {strides = array<i32>} : memref<4x128xf32, #tpu.memory_space<vmem>>, vector<16xf32>,
    tpu.vector_store %arg9[%swap3A_767, %swap3A_768], %add3A_765 {strides = array<i32>} : memref<4x128xf32, #tpu.memory_space<vmem>>, vector<16xf32>,
    %get3A_770 = arith.constant 1 : i32
    %get3A_771 = arith.constant 0 : i32
    %get3A_772 = arith.index_cast %get3A_770 : i32 to index
    %get3A_773 = arith.index_cast %get3A_771 : i32 to index
    %get3A_774 = arith.constant 80 : index
    %get3A_775 = tpu.vector_load %arg8[%get3A_772, %get3A_773, %get3A_774] {strides = array<i32>} : memref<2x3x128xf32, #tpu.memory_space<vmem>>, vector<16xf32>,
    %get3A_776 = arith.constant 1 : i32
    %get3A_777 = arith.constant 1 : i32
    %get3A_778 = arith.index_cast %get3A_776 : i32 to index
    %get3A_779 = arith.index_cast %get3A_777 : i32 to index
    %get3A_780 = arith.constant 80 : index
    %get3A_781 = tpu.vector_load %arg8[%get3A_778, %get3A_779, %get3A_780] {strides = array<i32>} : memref<2x3x128xf32, #tpu.memory_space<vmem>>, vector<16xf32>,
    %get3A_782 = arith.constant 1 : i32
    %get3A_783 = arith.constant 2 : i32
    %get3A_784 = arith.index_cast %get3A_782 : i32 to index
    %get3A_785 = arith.index_cast %get3A_783 : i32 to index
    %get3A_786 = arith.constant 80 : index
    %get3A_787 = tpu.vector_load %arg8[%get3A_784, %get3A_785, %get3A_786] {strides = array<i32>} : memref<2x3x128xf32, #tpu.memory_space<vmem>>, vector<16xf32>,
    %mul3A_788 = arith.constant -2.000000e+00 : f32
    %mul3A_789 = vector.broadcast %mul3A_788 : f32 to vector<16xf32>
    %mul3A_790 = arith.mulf %mul3A_789, %get3A_775 : vector<16xf32>
    %swap3A_791 = arith.constant 0 : i32
    %swap3A_792 = arith.index_cast %swap3A_791 : i32 to index
    %swap3A_793 = arith.constant 80 : index
    %swap3A_794 = tpu.vector_load %arg9[%swap3A_792, %swap3A_793] {strides = array<i32>} : memref<4x128xf32, #tpu.memory_space<vmem>>, vector<16xf32>,
    tpu.vector_store %arg9[%swap3A_792, %swap3A_793], %mul3A_790 {strides = array<i32>} : memref<4x128xf32, #tpu.memory_space<vmem>>, vector<16xf32>,
    %mul3A_795 = arith.constant -2.000000e+00 : f32
    %mul3A_796 = vector.broadcast %mul3A_795 : f32 to vector<16xf32>
    %mul3A_797 = arith.mulf %mul3A_796, %get3A_781 : vector<16xf32>
    %swap3A_798 = arith.constant 1 : i32
    %swap3A_799 = arith.index_cast %swap3A_798 : i32 to index
    %swap3A_800 = arith.constant 80 : index
    %swap3A_801 = tpu.vector_load %arg9[%swap3A_799, %swap3A_800] {strides = array<i32>} : memref<4x128xf32, #tpu.memory_space<vmem>>, vector<16xf32>,
    tpu.vector_store %arg9[%swap3A_799, %swap3A_800], %mul3A_797 {strides = array<i32>} : memref<4x128xf32, #tpu.memory_space<vmem>>, vector<16xf32>,
    %mul3A_802 = arith.constant -2.000000e+00 : f32
    %mul3A_803 = vector.broadcast %mul3A_802 : f32 to vector<16xf32>
    %mul3A_804 = arith.mulf %mul3A_803, %get3A_787 : vector<16xf32>
    %swap3A_805 = arith.constant 2 : i32
    %swap3A_806 = arith.index_cast %swap3A_805 : i32 to index
    %swap3A_807 = arith.constant 80 : index
    %swap3A_808 = tpu.vector_load %arg9[%swap3A_806, %swap3A_807] {strides = array<i32>} : memref<4x128xf32, #tpu.memory_space<vmem>>, vector<16xf32>,
    tpu.vector_store %arg9[%swap3A_806, %swap3A_807], %mul3A_804 {strides = array<i32>} : memref<4x128xf32, #tpu.memory_space<vmem>>, vector<16xf32>,
    %mul3A_809 = arith.mulf %get3A_775, %get3A_775 : vector<16xf32>
    %mul3A_810 = arith.mulf %get3A_781, %get3A_781 : vector<16xf32>
    %add3A_811 = arith.addf %mul3A_809, %mul3A_810 : vector<16xf32>
    %mul3A_812 = arith.mulf %get3A_787, %get3A_787 : vector<16xf32>
    %add3A_813 = arith.addf %add3A_811, %mul3A_812 : vector<16xf32>
    %swap3A_814 = arith.constant 3 : i32
    %swap3A_815 = arith.index_cast %swap3A_814 : i32 to index
    %swap3A_816 = arith.constant 80 : index
    %swap3A_817 = tpu.vector_load %arg9[%swap3A_815, %swap3A_816] {strides = array<i32>} : memref<4x128xf32, #tpu.memory_space<vmem>>, vector<16xf32>,
    tpu.vector_store %arg9[%swap3A_815, %swap3A_816], %add3A_813 {strides = array<i32>} : memref<4x128xf32, #tpu.memory_space<vmem>>, vector<16xf32>,
    %get3A_818 = arith.constant 1 : i32
    %get3A_819 = arith.constant 0 : i32
    %get3A_820 = arith.index_cast %get3A_818 : i32 to index
    %get3A_821 = arith.index_cast %get3A_819 : i32 to index
    %get3A_822 = arith.constant 96 : index
    %get3A_823 = tpu.vector_load %arg8[%get3A_820, %get3A_821, %get3A_822] {strides = array<i32>} : memref<2x3x128xf32, #tpu.memory_space<vmem>>, vector<16xf32>,
    %get3A_824 = arith.constant 1 : i32
    %get3A_825 = arith.constant 1 : i32
    %get3A_826 = arith.index_cast %get3A_824 : i32 to index
    %get3A_827 = arith.index_cast %get3A_825 : i32 to index
    %get3A_828 = arith.constant 96 : index
    %get3A_829 = tpu.vector_load %arg8[%get3A_826, %get3A_827, %get3A_828] {strides = array<i32>} : memref<2x3x128xf32, #tpu.memory_space<vmem>>, vector<16xf32>,
    %get3A_830 = arith.constant 1 : i32
    %get3A_831 = arith.constant 2 : i32
    %get3A_832 = arith.index_cast %get3A_830 : i32 to index
    %get3A_833 = arith.index_cast %get3A_831 : i32 to index
    %get3A_834 = arith.constant 96 : index
    %get3A_835 = tpu.vector_load %arg8[%get3A_832, %get3A_833, %get3A_834] {strides = array<i32>} : memref<2x3x128xf32, #tpu.memory_space<vmem>>, vector<16xf32>,
    %mul3A_836 = arith.constant -2.000000e+00 : f32
    %mul3A_837 = vector.broadcast %mul3A_836 : f32 to vector<16xf32>
    %mul3A_838 = arith.mulf %mul3A_837, %get3A_823 : vector<16xf32>
    %swap3A_839 = arith.constant 0 : i32
    %swap3A_840 = arith.index_cast %swap3A_839 : i32 to index
    %swap3A_841 = arith.constant 96 : index
    %swap3A_842 = tpu.vector_load %arg9[%swap3A_840, %swap3A_841] {strides = array<i32>} : memref<4x128xf32, #tpu.memory_space<vmem>>, vector<16xf32>,
    tpu.vector_store %arg9[%swap3A_840, %swap3A_841], %mul3A_838 {strides = array<i32>} : memref<4x128xf32, #tpu.memory_space<vmem>>, vector<16xf32>,
    %mul3A_843 = arith.constant -2.000000e+00 : f32
    %mul3A_844 = vector.broadcast %mul3A_843 : f32 to vector<16xf32>
    %mul3A_845 = arith.mulf %mul3A_844, %get3A_829 : vector<16xf32>
    %swap3A_846 = arith.constant 1 : i32
    %swap3A_847 = arith.index_cast %swap3A_846 : i32 to index
    %swap3A_848 = arith.constant 96 : index
    %swap3A_849 = tpu.vector_load %arg9[%swap3A_847, %swap3A_848] {strides = array<i32>} : memref<4x128xf32, #tpu.memory_space<vmem>>, vector<16xf32>,
    tpu.vector_store %arg9[%swap3A_847, %swap3A_848], %mul3A_845 {strides = array<i32>} : memref<4x128xf32, #tpu.memory_space<vmem>>, vector<16xf32>,
    %mul3A_850 = arith.constant -2.000000e+00 : f32
    %mul3A_851 = vector.broadcast %mul3A_850 : f32 to vector<16xf32>
    %mul3A_852 = arith.mulf %mul3A_851, %get3A_835 : vector<16xf32>
    %swap3A_853 = arith.constant 2 : i32
    %swap3A_854 = arith.index_cast %swap3A_853 : i32 to index
    %swap3A_855 = arith.constant 96 : index
    %swap3A_856 = tpu.vector_load %arg9[%swap3A_854, %swap3A_855] {strides = array<i32>} : memref<4x128xf32, #tpu.memory_space<vmem>>, vector<16xf32>,
    tpu.vector_store %arg9[%swap3A_854, %swap3A_855], %mul3A_852 {strides = array<i32>} : memref<4x128xf32, #tpu.memory_space<vmem>>, vector<16xf32>,
    %mul3A_857 = arith.mulf %get3A_823, %get3A_823 : vector<16xf32>
    %mul3A_858 = arith.mulf %get3A_829, %get3A_829 : vector<16xf32>
    %add3A_859 = arith.addf %mul3A_857, %mul3A_858 : vector<16xf32>
    %mul3A_860 = arith.mulf %get3A_835, %get3A_835 : vector<16xf32>
    %add3A_861 = arith.addf %add3A_859, %mul3A_860 : vector<16xf32>
    %swap3A_862 = arith.constant 3 : i32
    %swap3A_863 = arith.index_cast %swap3A_862 : i32 to index
    %swap3A_864 = arith.constant 96 : index
    %swap3A_865 = tpu.vector_load %arg9[%swap3A_863, %swap3A_864] {strides = array<i32>} : memref<4x128xf32, #tpu.memory_space<vmem>>, vector<16xf32>,
    tpu.vector_store %arg9[%swap3A_863, %swap3A_864], %add3A_861 {strides = array<i32>} : memref<4x128xf32, #tpu.memory_space<vmem>>, vector<16xf32>,
    %get3A_866 = arith.constant 1 : i32
    %get3A_867 = arith.constant 0 : i32
    %get3A_868 = arith.index_cast %get3A_866 : i32 to index
    %get3A_869 = arith.index_cast %get3A_867 : i32 to index
    %get3A_870 = arith.constant 112 : index
    %get3A_871 = tpu.vector_load %arg8[%get3A_868, %get3A_869, %get3A_870] {strides = array<i32>} : memref<2x3x128xf32, #tpu.memory_space<vmem>>, vector<16xf32>,
    %get3A_872 = arith.constant 1 : i32
    %get3A_873 = arith.constant 1 : i32
    %get3A_874 = arith.index_cast %get3A_872 : i32 to index
    %get3A_875 = arith.index_cast %get3A_873 : i32 to index
    %get3A_876 = arith.constant 112 : index
    %get3A_877 = tpu.vector_load %arg8[%get3A_874, %get3A_875, %get3A_876] {strides = array<i32>} : memref<2x3x128xf32, #tpu.memory_space<vmem>>, vector<16xf32>,
    %get3A_878 = arith.constant 1 : i32
    %get3A_879 = arith.constant 2 : i32
    %get3A_880 = arith.index_cast %get3A_878 : i32 to index
    %get3A_881 = arith.index_cast %get3A_879 : i32 to index
    %get3A_882 = arith.constant 112 : index
    %get3A_883 = tpu.vector_load %arg8[%get3A_880, %get3A_881, %get3A_882] {strides = array<i32>} : memref<2x3x128xf32, #tpu.memory_space<vmem>>, vector<16xf32>,
    %mul3A_884 = arith.constant -2.000000e+00 : f32
    %mul3A_885 = vector.broadcast %mul3A_884 : f32 to vector<16xf32>
    %mul3A_886 = arith.mulf %mul3A_885, %get3A_871 : vector<16xf32>
    %swap3A_887 = arith.constant 0 : i32
    %swap3A_888 = arith.index_cast %swap3A_887 : i32 to index
    %swap3A_889 = arith.constant 112 : index
    %swap3A_890 = tpu.vector_load %arg9[%swap3A_888, %swap3A_889] {strides = array<i32>} : memref<4x128xf32, #tpu.memory_space<vmem>>, vector<16xf32>,
    tpu.vector_store %arg9[%swap3A_888, %swap3A_889], %mul3A_886 {strides = array<i32>} : memref<4x128xf32, #tpu.memory_space<vmem>>, vector<16xf32>,
    %mul3A_891 = arith.constant -2.000000e+00 : f32
    %mul3A_892 = vector.broadcast %mul3A_891 : f32 to vector<16xf32>
    %mul3A_893 = arith.mulf %mul3A_892, %get3A_877 : vector<16xf32>
    %swap3A_894 = arith.constant 1 : i32
    %swap3A_895 = arith.index_cast %swap3A_894 : i32 to index
    %swap3A_896 = arith.constant 112 : index
    %swap3A_897 = tpu.vector_load %arg9[%swap3A_895, %swap3A_896] {strides = array<i32>} : memref<4x128xf32, #tpu.memory_space<vmem>>, vector<16xf32>,
    tpu.vector_store %arg9[%swap3A_895, %swap3A_896], %mul3A_893 {strides = array<i32>} : memref<4x128xf32, #tpu.memory_space<vmem>>, vector<16xf32>,
    %mul3A_898 = arith.constant -2.000000e+00 : f32
    %mul3A_899 = vector.broadcast %mul3A_898 : f32 to vector<16xf32>
    %mul3A_900 = arith.mulf %mul3A_899, %get3A_883 : vector<16xf32>
    %swap3A_901 = arith.constant 2 : i32
    %swap3A_902 = arith.index_cast %swap3A_901 : i32 to index
    %swap3A_903 = arith.constant 112 : index
    %swap3A_904 = tpu.vector_load %arg9[%swap3A_902, %swap3A_903] {strides = array<i32>} : memref<4x128xf32, #tpu.memory_space<vmem>>, vector<16xf32>,
    tpu.vector_store %arg9[%swap3A_902, %swap3A_903], %mul3A_900 {strides = array<i32>} : memref<4x128xf32, #tpu.memory_space<vmem>>, vector<16xf32>,
    %mul3A_905 = arith.mulf %get3A_871, %get3A_871 : vector<16xf32>
    %mul3A_906 = arith.mulf %get3A_877, %get3A_877 : vector<16xf32>
    %add3A_907 = arith.addf %mul3A_905, %mul3A_906 : vector<16xf32>
    %mul3A_908 = arith.mulf %get3A_883, %get3A_883 : vector<16xf32>
    %add3A_909 = arith.addf %add3A_907, %mul3A_908 : vector<16xf32>
    %swap3A_910 = arith.constant 3 : i32
    %swap3A_911 = arith.index_cast %swap3A_910 : i32 to index
    %swap3A_912 = arith.constant 112 : index
    %swap3A_913 = tpu.vector_load %arg9[%swap3A_911, %swap3A_912] {strides = array<i32>} : memref<4x128xf32, #tpu.memory_space<vmem>>, vector<16xf32>,
    tpu.vector_store %arg9[%swap3A_911, %swap3A_912], %add3A_909 {strides = array<i32>} : memref<4x128xf32, #tpu.memory_space<vmem>>, vector<16xf32>,
    %mul3A_914 = arith.constant 128 : i32
    %mul3A_915 = arith.muli %add3A, %mul3A_914 : i32
    %dma_start3A_916 = arith.constant 0 : i32
    %dma_start3A_917 = arith.constant 0 : i32
    %dma_start3A_918 = arith.constant 0 : i32
    %dma_start3A_919 = tpu.memref_slice %arg9[%dma_start3A_916, %dma_start3A_918] : memref<4x128xf32, #tpu.memory_space<vmem>> -> memref<1x128xf32, #tpu.memory_space<vmem>>
    %dma_start3A_920 = tpu.memref_squeeze %dma_start3A_919 : memref<1x128xf32, #tpu.memory_space<vmem>> -> memref<128xf32, #tpu.memory_space<vmem>>
    %dma_start3A_921 = tpu.memref_slice %arg6[%dma_start3A_917, %mul3A_915] : memref<4x4096xf32, #tpu.memory_space<hbm>> -> memref<1x128xf32, #tpu.memory_space<hbm>>
    %dma_start3A_922 = tpu.memref_squeeze %dma_start3A_921 : memref<1x128xf32, #tpu.memory_space<hbm>> -> memref<128xf32, #tpu.memory_space<hbm>>
    %dma_start3A_923 = tpu.memref_slice %arg6[%dma_start3A_917, %mul3A_915] : memref<4x4096xf32, #tpu.memory_space<hbm>> -> memref<1x128xf32, #tpu.memory_space<hbm>>
    %dma_start3A_924 = tpu.memref_squeeze %dma_start3A_923 : memref<1x128xf32, #tpu.memory_space<hbm>> -> memref<128xf32, #tpu.memory_space<hbm>>
    %dma_start3A_925 = arith.constant 0 : i32
    %dma_start3A_926 = tpu.memref_slice %arg9[%dma_start3A_916, %dma_start3A_925] : memref<4x128xf32, #tpu.memory_space<vmem>> -> memref<1x128xf32, #tpu.memory_space<vmem>>
    %dma_start3A_927 = tpu.memref_squeeze %dma_start3A_926 : memref<1x128xf32, #tpu.memory_space<vmem>> -> memref<128xf32, #tpu.memory_space<vmem>>
    tpu.enqueue_dma source(%dma_start3A_927 : memref<128xf32, #tpu.memory_space<vmem>>) target(%dma_start3A_924 : memref<128xf32, #tpu.memory_space<hbm>>) target_semaphore(%arg11 : memref<!tpu.dma_semaphore, #tpu.memory_space<semaphore_mem>>)
    %mul3A_928 = arith.constant 128 : i32
    %mul3A_929 = arith.muli %add3A, %mul3A_928 : i32
    %dma_start3A_930 = arith.constant 1 : i32
    %dma_start3A_931 = arith.constant 1 : i32
    %dma_start3A_932 = arith.constant 0 : i32
    %dma_start3A_933 = tpu.memref_slice %arg9[%dma_start3A_930, %dma_start3A_932] : memref<4x128xf32, #tpu.memory_space<vmem>> -> memref<1x128xf32, #tpu.memory_space<vmem>>
    %dma_start3A_934 = tpu.memref_squeeze %dma_start3A_933 : memref<1x128xf32, #tpu.memory_space<vmem>> -> memref<128xf32, #tpu.memory_space<vmem>>
    %dma_start3A_935 = tpu.memref_slice %arg6[%dma_start3A_931, %mul3A_929] : memref<4x4096xf32, #tpu.memory_space<hbm>> -> memref<1x128xf32, #tpu.memory_space<hbm>>
    %dma_start3A_936 = tpu.memref_squeeze %dma_start3A_935 : memref<1x128xf32, #tpu.memory_space<hbm>> -> memref<128xf32, #tpu.memory_space<hbm>>
    %dma_start3A_937 = tpu.memref_slice %arg6[%dma_start3A_931, %mul3A_929] : memref<4x4096xf32, #tpu.memory_space<hbm>> -> memref<1x128xf32, #tpu.memory_space<hbm>>
    %dma_start3A_938 = tpu.memref_squeeze %dma_start3A_937 : memref<1x128xf32, #tpu.memory_space<hbm>> -> memref<128xf32, #tpu.memory_space<hbm>>
    %dma_start3A_939 = arith.constant 0 : i32
    %dma_start3A_940 = tpu.memref_slice %arg9[%dma_start3A_930, %dma_start3A_939] : memref<4x128xf32, #tpu.memory_space<vmem>> -> memref<1x128xf32, #tpu.memory_space<vmem>>
    %dma_start3A_941 = tpu.memref_squeeze %dma_start3A_940 : memref<1x128xf32, #tpu.memory_space<vmem>> -> memref<128xf32, #tpu.memory_space<vmem>>
    tpu.enqueue_dma source(%dma_start3A_941 : memref<128xf32, #tpu.memory_space<vmem>>) target(%dma_start3A_938 : memref<128xf32, #tpu.memory_space<hbm>>) target_semaphore(%arg11 : memref<!tpu.dma_semaphore, #tpu.memory_space<semaphore_mem>>)
    %mul3A_942 = arith.constant 128 : i32
    %mul3A_943 = arith.muli %add3A, %mul3A_942 : i32
    %dma_start3A_944 = arith.constant 2 : i32
    %dma_start3A_945 = arith.constant 2 : i32
    %dma_start3A_946 = arith.constant 0 : i32
    %dma_start3A_947 = tpu.memref_slice %arg9[%dma_start3A_944, %dma_start3A_946] : memref<4x128xf32, #tpu.memory_space<vmem>> -> memref<1x128xf32, #tpu.memory_space<vmem>>
    %dma_start3A_948 = tpu.memref_squeeze %dma_start3A_947 : memref<1x128xf32, #tpu.memory_space<vmem>> -> memref<128xf32, #tpu.memory_space<vmem>>
    %dma_start3A_949 = tpu.memref_slice %arg6[%dma_start3A_945, %mul3A_943] : memref<4x4096xf32, #tpu.memory_space<hbm>> -> memref<1x128xf32, #tpu.memory_space<hbm>>
    %dma_start3A_950 = tpu.memref_squeeze %dma_start3A_949 : memref<1x128xf32, #tpu.memory_space<hbm>> -> memref<128xf32, #tpu.memory_space<hbm>>
    %dma_start3A_951 = tpu.memref_slice %arg6[%dma_start3A_945, %mul3A_943] : memref<4x4096xf32, #tpu.memory_space<hbm>> -> memref<1x128xf32, #tpu.memory_space<hbm>>
    %dma_start3A_952 = tpu.memref_squeeze %dma_start3A_951 : memref<1x128xf32, #tpu.memory_space<hbm>> -> memref<128xf32, #tpu.memory_space<hbm>>
    %dma_start3A_953 = arith.constant 0 : i32
    %dma_start3A_954 = tpu.memref_slice %arg9[%dma_start3A_944, %dma_start3A_953] : memref<4x128xf32, #tpu.memory_space<vmem>> -> memref<1x128xf32, #tpu.memory_space<vmem>>
    %dma_start3A_955 = tpu.memref_squeeze %dma_start3A_954 : memref<1x128xf32, #tpu.memory_space<vmem>> -> memref<128xf32, #tpu.memory_space<vmem>>
    tpu.enqueue_dma source(%dma_start3A_955 : memref<128xf32, #tpu.memory_space<vmem>>) target(%dma_start3A_952 : memref<128xf32, #tpu.memory_space<hbm>>) target_semaphore(%arg11 : memref<!tpu.dma_semaphore, #tpu.memory_space<semaphore_mem>>)
    %mul3A_956 = arith.constant 128 : i32
    %mul3A_957 = arith.muli %add3A, %mul3A_956 : i32
    %dma_start3A_958 = arith.constant 3 : i32
    %dma_start3A_959 = arith.constant 3 : i32
    %dma_start3A_960 = arith.constant 0 : i32
    %dma_start3A_961 = tpu.memref_slice %arg9[%dma_start3A_958, %dma_start3A_960] : memref<4x128xf32, #tpu.memory_space<vmem>> -> memref<1x128xf32, #tpu.memory_space<vmem>>
    %dma_start3A_962 = tpu.memref_squeeze %dma_start3A_961 : memref<1x128xf32, #tpu.memory_space<vmem>> -> memref<128xf32, #tpu.memory_space<vmem>>
    %dma_start3A_963 = tpu.memref_slice %arg6[%dma_start3A_959, %mul3A_957] : memref<4x4096xf32, #tpu.memory_space<hbm>> -> memref<1x128xf32, #tpu.memory_space<hbm>>
    %dma_start3A_964 = tpu.memref_squeeze %dma_start3A_963 : memref<1x128xf32, #tpu.memory_space<hbm>> -> memref<128xf32, #tpu.memory_space<hbm>>
    %dma_start3A_965 = tpu.memref_slice %arg6[%dma_start3A_959, %mul3A_957] : memref<4x4096xf32, #tpu.memory_space<hbm>> -> memref<1x128xf32, #tpu.memory_space<hbm>>
    %dma_start3A_966 = tpu.memref_squeeze %dma_start3A_965 : memref<1x128xf32, #tpu.memory_space<hbm>> -> memref<128xf32, #tpu.memory_space<hbm>>
    %dma_start3A_967 = arith.constant 0 : i32
    %dma_start3A_968 = tpu.memref_slice %arg9[%dma_start3A_958, %dma_start3A_967] : memref<4x128xf32, #tpu.memory_space<vmem>> -> memref<1x128xf32, #tpu.memory_space<vmem>>
    %dma_start3A_969 = tpu.memref_squeeze %dma_start3A_968 : memref<1x128xf32, #tpu.memory_space<vmem>> -> memref<128xf32, #tpu.memory_space<vmem>>
    tpu.enqueue_dma source(%dma_start3A_969 : memref<128xf32, #tpu.memory_space<vmem>>) target(%dma_start3A_966 : memref<128xf32, #tpu.memory_space<hbm>>) target_semaphore(%arg11 : memref<!tpu.dma_semaphore, #tpu.memory_space<semaphore_mem>>)
    %dma_wait3A_970 = arith.constant 0 : i32
    %dma_wait3A_971 = arith.constant 0 : i32
    %dma_wait3A_972 = arith.constant 0 : i32
    %dma_wait3A_973 = arith.constant 0 : i32
    %dma_wait3A_974 = arith.constant 0 : i32
    %dma_wait3A_975 = tpu.memref_slice %arg8[%dma_wait3A_970, %dma_wait3A_971, %dma_wait3A_974] : memref<2x3x128xf32, #tpu.memory_space<vmem>> -> memref<1x1x16xf32, #tpu.memory_space<vmem>>
    %dma_wait3A_976 = tpu.memref_squeeze %dma_wait3A_975 : memref<1x1x16xf32, #tpu.memory_space<vmem>> -> memref<16xf32, #tpu.memory_space<vmem>>
    %dma_wait3A_977 = tpu.memref_slice %arg5[%dma_wait3A_972, %dma_wait3A_973, %mul3A_149] : memref<3x8x512xf32, #tpu.memory_space<hbm>> -> memref<1x1x16xf32, #tpu.memory_space<hbm>>
    %dma_wait3A_978 = tpu.memref_squeeze %dma_wait3A_977 : memref<1x1x16xf32, #tpu.memory_space<hbm>> -> memref<16xf32, #tpu.memory_space<hbm>>
    %dma_wait3A_979 = tpu.memref_slice %arg5[%dma_wait3A_972, %dma_wait3A_973, %mul3A_149] : memref<3x8x512xf32, #tpu.memory_space<hbm>> -> memref<1x1x16xf32, #tpu.memory_space<hbm>>
    %dma_wait3A_980 = tpu.memref_squeeze %dma_wait3A_979 : memref<1x1x16xf32, #tpu.memory_space<hbm>> -> memref<16xf32, #tpu.memory_space<hbm>>
    %dma_wait3A_981 = arith.constant 0 : i32
    %dma_wait3A_982 = tpu.memref_slice %arg8[%dma_wait3A_970, %dma_wait3A_971, %dma_wait3A_981] : memref<2x3x128xf32, #tpu.memory_space<vmem>> -> memref<1x1x16xf32, #tpu.memory_space<vmem>>
    %dma_wait3A_983 = tpu.memref_squeeze %dma_wait3A_982 : memref<1x1x16xf32, #tpu.memory_space<vmem>> -> memref<16xf32, #tpu.memory_space<vmem>>
    tpu.wait_dma2 semaphore(%arg11 : memref<!tpu.dma_semaphore, #tpu.memory_space<semaphore_mem>>) src(%dma_wait3A_983 : memref<16xf32, #tpu.memory_space<vmem>>) dst(%dma_wait3A_980 : memref<16xf32, #tpu.memory_space<hbm>>)
    %dma_wait3A_984 = arith.constant 0 : i32
    %dma_wait3A_985 = arith.constant 0 : i32
    %dma_wait3A_986 = arith.constant 0 : i32
    %dma_wait3A_987 = arith.constant 1 : i32
    %dma_wait3A_988 = arith.constant 16 : i32
    %dma_wait3A_989 = tpu.memref_slice %arg8[%dma_wait3A_984, %dma_wait3A_985, %dma_wait3A_988] : memref<2x3x128xf32, #tpu.memory_space<vmem>> -> memref<1x1x16xf32, #tpu.memory_space<vmem>>
    %dma_wait3A_990 = tpu.memref_squeeze %dma_wait3A_989 : memref<1x1x16xf32, #tpu.memory_space<vmem>> -> memref<16xf32, #tpu.memory_space<vmem>>
    %dma_wait3A_991 = tpu.memref_slice %arg5[%dma_wait3A_986, %dma_wait3A_987, %mul3A_165] : memref<3x8x512xf32, #tpu.memory_space<hbm>> -> memref<1x1x16xf32, #tpu.memory_space<hbm>>
    %dma_wait3A_992 = tpu.memref_squeeze %dma_wait3A_991 : memref<1x1x16xf32, #tpu.memory_space<hbm>> -> memref<16xf32, #tpu.memory_space<hbm>>
    %dma_wait3A_993 = tpu.memref_slice %arg5[%dma_wait3A_986, %dma_wait3A_987, %mul3A_165] : memref<3x8x512xf32, #tpu.memory_space<hbm>> -> memref<1x1x16xf32, #tpu.memory_space<hbm>>
    %dma_wait3A_994 = tpu.memref_squeeze %dma_wait3A_993 : memref<1x1x16xf32, #tpu.memory_space<hbm>> -> memref<16xf32, #tpu.memory_space<hbm>>
    %dma_wait3A_995 = arith.constant 16 : i32
    %dma_wait3A_996 = tpu.memref_slice %arg8[%dma_wait3A_984, %dma_wait3A_985, %dma_wait3A_995] : memref<2x3x128xf32, #tpu.memory_space<vmem>> -> memref<1x1x16xf32, #tpu.memory_space<vmem>>
    %dma_wait3A_997 = tpu.memref_squeeze %dma_wait3A_996 : memref<1x1x16xf32, #tpu.memory_space<vmem>> -> memref<16xf32, #tpu.memory_space<vmem>>
    tpu.wait_dma2 semaphore(%arg11 : memref<!tpu.dma_semaphore, #tpu.memory_space<semaphore_mem>>) src(%dma_wait3A_997 : memref<16xf32, #tpu.memory_space<vmem>>) dst(%dma_wait3A_994 : memref<16xf32, #tpu.memory_space<hbm>>)
    %dma_wait3A_998 = arith.constant 0 : i32
    %dma_wait3A_999 = arith.constant 0 : i32
    %dma_wait3A_1000 = arith.constant 0 : i32
    %dma_wait3A_1001 = arith.constant 2 : i32
    %dma_wait3A_1002 = arith.constant 32 : i32
    %dma_wait3A_1003 = tpu.memref_slice %arg8[%dma_wait3A_998, %dma_wait3A_999, %dma_wait3A_1002] : memref<2x3x128xf32, #tpu.memory_space<vmem>> -> memref<1x1x16xf32, #tpu.memory_space<vmem>>
    %dma_wait3A_1004 = tpu.memref_squeeze %dma_wait3A_1003 : memref<1x1x16xf32, #tpu.memory_space<vmem>> -> memref<16xf32, #tpu.memory_space<vmem>>
    %dma_wait3A_1005 = tpu.memref_slice %arg5[%dma_wait3A_1000, %dma_wait3A_1001, %mul3A_181] : memref<3x8x512xf32, #tpu.memory_space<hbm>> -> memref<1x1x16xf32, #tpu.memory_space<hbm>>
    %dma_wait3A_1006 = tpu.memref_squeeze %dma_wait3A_1005 : memref<1x1x16xf32, #tpu.memory_space<hbm>> -> memref<16xf32, #tpu.memory_space<hbm>>
    %dma_wait3A_1007 = tpu.memref_slice %arg5[%dma_wait3A_1000, %dma_wait3A_1001, %mul3A_181] : memref<3x8x512xf32, #tpu.memory_space<hbm>> -> memref<1x1x16xf32, #tpu.memory_space<hbm>>
    %dma_wait3A_1008 = tpu.memref_squeeze %dma_wait3A_1007 : memref<1x1x16xf32, #tpu.memory_space<hbm>> -> memref<16xf32, #tpu.memory_space<hbm>>
    %dma_wait3A_1009 = arith.constant 32 : i32
    %dma_wait3A_1010 = tpu.memref_slice %arg8[%dma_wait3A_998, %dma_wait3A_999, %dma_wait3A_1009] : memref<2x3x128xf32, #tpu.memory_space<vmem>> -> memref<1x1x16xf32, #tpu.memory_space<vmem>>
    %dma_wait3A_1011 = tpu.memref_squeeze %dma_wait3A_1010 : memref<1x1x16xf32, #tpu.memory_space<vmem>> -> memref<16xf32, #tpu.memory_space<vmem>>
    tpu.wait_dma2 semaphore(%arg11 : memref<!tpu.dma_semaphore, #tpu.memory_space<semaphore_mem>>) src(%dma_wait3A_1011 : memref<16xf32, #tpu.memory_space<vmem>>) dst(%dma_wait3A_1008 : memref<16xf32, #tpu.memory_space<hbm>>)
    %dma_wait3A_1012 = arith.constant 0 : i32
    %dma_wait3A_1013 = arith.constant 0 : i32
    %dma_wait3A_1014 = arith.constant 0 : i32
    %dma_wait3A_1015 = arith.constant 3 : i32
    %dma_wait3A_1016 = arith.constant 48 : i32
    %dma_wait3A_1017 = tpu.memref_slice %arg8[%dma_wait3A_1012, %dma_wait3A_1013, %dma_wait3A_1016] : memref<2x3x128xf32, #tpu.memory_space<vmem>> -> memref<1x1x16xf32, #tpu.memory_space<vmem>>
    %dma_wait3A_1018 = tpu.memref_squeeze %dma_wait3A_1017 : memref<1x1x16xf32, #tpu.memory_space<vmem>> -> memref<16xf32, #tpu.memory_space<vmem>>
    %dma_wait3A_1019 = tpu.memref_slice %arg5[%dma_wait3A_1014, %dma_wait3A_1015, %mul3A_197] : memref<3x8x512xf32, #tpu.memory_space<hbm>> -> memref<1x1x16xf32, #tpu.memory_space<hbm>>
    %dma_wait3A_1020 = tpu.memref_squeeze %dma_wait3A_1019 : memref<1x1x16xf32, #tpu.memory_space<hbm>> -> memref<16xf32, #tpu.memory_space<hbm>>
    %dma_wait3A_1021 = tpu.memref_slice %arg5[%dma_wait3A_1014, %dma_wait3A_1015, %mul3A_197] : memref<3x8x512xf32, #tpu.memory_space<hbm>> -> memref<1x1x16xf32, #tpu.memory_space<hbm>>
    %dma_wait3A_1022 = tpu.memref_squeeze %dma_wait3A_1021 : memref<1x1x16xf32, #tpu.memory_space<hbm>> -> memref<16xf32, #tpu.memory_space<hbm>>
    %dma_wait3A_1023 = arith.constant 48 : i32
    %dma_wait3A_1024 = tpu.memref_slice %arg8[%dma_wait3A_1012, %dma_wait3A_1013, %dma_wait3A_1023] : memref<2x3x128xf32, #tpu.memory_space<vmem>> -> memref<1x1x16xf32, #tpu.memory_space<vmem>>
    %dma_wait3A_1025 = tpu.memref_squeeze %dma_wait3A_1024 : memref<1x1x16xf32, #tpu.memory_space<vmem>> -> memref<16xf32, #tpu.memory_space<vmem>>
    tpu.wait_dma2 semaphore(%arg11 : memref<!tpu.dma_semaphore, #tpu.memory_space<semaphore_mem>>) src(%dma_wait3A_1025 : memref<16xf32, #tpu.memory_space<vmem>>) dst(%dma_wait3A_1022 : memref<16xf32, #tpu.memory_space<hbm>>)
    %dma_wait3A_1026 = arith.constant 0 : i32
    %dma_wait3A_1027 = arith.constant 0 : i32
    %dma_wait3A_1028 = arith.constant 0 : i32
    %dma_wait3A_1029 = arith.constant 4 : i32
    %dma_wait3A_1030 = arith.constant 64 : i32
    %dma_wait3A_1031 = tpu.memref_slice %arg8[%dma_wait3A_1026, %dma_wait3A_1027, %dma_wait3A_1030] : memref<2x3x128xf32, #tpu.memory_space<vmem>> -> memref<1x1x16xf32, #tpu.memory_space<vmem>>
    %dma_wait3A_1032 = tpu.memref_squeeze %dma_wait3A_1031 : memref<1x1x16xf32, #tpu.memory_space<vmem>> -> memref<16xf32, #tpu.memory_space<vmem>>
    %dma_wait3A_1033 = tpu.memref_slice %arg5[%dma_wait3A_1028, %dma_wait3A_1029, %mul3A_213] : memref<3x8x512xf32, #tpu.memory_space<hbm>> -> memref<1x1x16xf32, #tpu.memory_space<hbm>>
    %dma_wait3A_1034 = tpu.memref_squeeze %dma_wait3A_1033 : memref<1x1x16xf32, #tpu.memory_space<hbm>> -> memref<16xf32, #tpu.memory_space<hbm>>
    %dma_wait3A_1035 = tpu.memref_slice %arg5[%dma_wait3A_1028, %dma_wait3A_1029, %mul3A_213] : memref<3x8x512xf32, #tpu.memory_space<hbm>> -> memref<1x1x16xf32, #tpu.memory_space<hbm>>
    %dma_wait3A_1036 = tpu.memref_squeeze %dma_wait3A_1035 : memref<1x1x16xf32, #tpu.memory_space<hbm>> -> memref<16xf32, #tpu.memory_space<hbm>>
    %dma_wait3A_1037 = arith.constant 64 : i32
    %dma_wait3A_1038 = tpu.memref_slice %arg8[%dma_wait3A_1026, %dma_wait3A_1027, %dma_wait3A_1037] : memref<2x3x128xf32, #tpu.memory_space<vmem>> -> memref<1x1x16xf32, #tpu.memory_space<vmem>>
    %dma_wait3A_1039 = tpu.memref_squeeze %dma_wait3A_1038 : memref<1x1x16xf32, #tpu.memory_space<vmem>> -> memref<16xf32, #tpu.memory_space<vmem>>
    tpu.wait_dma2 semaphore(%arg11 : memref<!tpu.dma_semaphore, #tpu.memory_space<semaphore_mem>>) src(%dma_wait3A_1039 : memref<16xf32, #tpu.memory_space<vmem>>) dst(%dma_wait3A_1036 : memref<16xf32, #tpu.memory_space<hbm>>)
    %dma_wait3A_1040 = arith.constant 0 : i32
    %dma_wait3A_1041 = arith.constant 0 : i32
    %dma_wait3A_1042 = arith.constant 0 : i32
    %dma_wait3A_1043 = arith.constant 5 : i32
    %dma_wait3A_1044 = arith.constant 80 : i32
    %dma_wait3A_1045 = tpu.memref_slice %arg8[%dma_wait3A_1040, %dma_wait3A_1041, %dma_wait3A_1044] : memref<2x3x128xf32, #tpu.memory_space<vmem>> -> memref<1x1x16xf32, #tpu.memory_space<vmem>>
    %dma_wait3A_1046 = tpu.memref_squeeze %dma_wait3A_1045 : memref<1x1x16xf32, #tpu.memory_space<vmem>> -> memref<16xf32, #tpu.memory_space<vmem>>
    %dma_wait3A_1047 = tpu.memref_slice %arg5[%dma_wait3A_1042, %dma_wait3A_1043, %mul3A_229] : memref<3x8x512xf32, #tpu.memory_space<hbm>> -> memref<1x1x16xf32, #tpu.memory_space<hbm>>
    %dma_wait3A_1048 = tpu.memref_squeeze %dma_wait3A_1047 : memref<1x1x16xf32, #tpu.memory_space<hbm>> -> memref<16xf32, #tpu.memory_space<hbm>>
    %dma_wait3A_1049 = tpu.memref_slice %arg5[%dma_wait3A_1042, %dma_wait3A_1043, %mul3A_229] : memref<3x8x512xf32, #tpu.memory_space<hbm>> -> memref<1x1x16xf32, #tpu.memory_space<hbm>>
    %dma_wait3A_1050 = tpu.memref_squeeze %dma_wait3A_1049 : memref<1x1x16xf32, #tpu.memory_space<hbm>> -> memref<16xf32, #tpu.memory_space<hbm>>
    %dma_wait3A_1051 = arith.constant 80 : i32
    %dma_wait3A_1052 = tpu.memref_slice %arg8[%dma_wait3A_1040, %dma_wait3A_1041, %dma_wait3A_1051] : memref<2x3x128xf32, #tpu.memory_space<vmem>> -> memref<1x1x16xf32, #tpu.memory_space<vmem>>
    %dma_wait3A_1053 = tpu.memref_squeeze %dma_wait3A_1052 : memref<1x1x16xf32, #tpu.memory_space<vmem>> -> memref<16xf32, #tpu.memory_space<vmem>>
    tpu.wait_dma2 semaphore(%arg11 : memref<!tpu.dma_semaphore, #tpu.memory_space<semaphore_mem>>) src(%dma_wait3A_1053 : memref<16xf32, #tpu.memory_space<vmem>>) dst(%dma_wait3A_1050 : memref<16xf32, #tpu.memory_space<hbm>>)
    %dma_wait3A_1054 = arith.constant 0 : i32
    %dma_wait3A_1055 = arith.constant 0 : i32
    %dma_wait3A_1056 = arith.constant 0 : i32
    %dma_wait3A_1057 = arith.constant 6 : i32
    %dma_wait3A_1058 = arith.constant 96 : i32
    %dma_wait3A_1059 = tpu.memref_slice %arg8[%dma_wait3A_1054, %dma_wait3A_1055, %dma_wait3A_1058] : memref<2x3x128xf32, #tpu.memory_space<vmem>> -> memref<1x1x16xf32, #tpu.memory_space<vmem>>
    %dma_wait3A_1060 = tpu.memref_squeeze %dma_wait3A_1059 : memref<1x1x16xf32, #tpu.memory_space<vmem>> -> memref<16xf32, #tpu.memory_space<vmem>>
    %dma_wait3A_1061 = tpu.memref_slice %arg5[%dma_wait3A_1056, %dma_wait3A_1057, %mul3A_245] : memref<3x8x512xf32, #tpu.memory_space<hbm>> -> memref<1x1x16xf32, #tpu.memory_space<hbm>>
    %dma_wait3A_1062 = tpu.memref_squeeze %dma_wait3A_1061 : memref<1x1x16xf32, #tpu.memory_space<hbm>> -> memref<16xf32, #tpu.memory_space<hbm>>
    %dma_wait3A_1063 = tpu.memref_slice %arg5[%dma_wait3A_1056, %dma_wait3A_1057, %mul3A_245] : memref<3x8x512xf32, #tpu.memory_space<hbm>> -> memref<1x1x16xf32, #tpu.memory_space<hbm>>
    %dma_wait3A_1064 = tpu.memref_squeeze %dma_wait3A_1063 : memref<1x1x16xf32, #tpu.memory_space<hbm>> -> memref<16xf32, #tpu.memory_space<hbm>>
    %dma_wait3A_1065 = arith.constant 96 : i32
    %dma_wait3A_1066 = tpu.memref_slice %arg8[%dma_wait3A_1054, %dma_wait3A_1055, %dma_wait3A_1065] : memref<2x3x128xf32, #tpu.memory_space<vmem>> -> memref<1x1x16xf32, #tpu.memory_space<vmem>>
    %dma_wait3A_1067 = tpu.memref_squeeze %dma_wait3A_1066 : memref<1x1x16xf32, #tpu.memory_space<vmem>> -> memref<16xf32, #tpu.memory_space<vmem>>
    tpu.wait_dma2 semaphore(%arg11 : memref<!tpu.dma_semaphore, #tpu.memory_space<semaphore_mem>>) src(%dma_wait3A_1067 : memref<16xf32, #tpu.memory_space<vmem>>) dst(%dma_wait3A_1064 : memref<16xf32, #tpu.memory_space<hbm>>)
    %dma_wait3A_1068 = arith.constant 0 : i32
    %dma_wait3A_1069 = arith.constant 0 : i32
    %dma_wait3A_1070 = arith.constant 0 : i32
    %dma_wait3A_1071 = arith.constant 7 : i32
    %dma_wait3A_1072 = arith.constant 112 : i32
    %dma_wait3A_1073 = tpu.memref_slice %arg8[%dma_wait3A_1068, %dma_wait3A_1069, %dma_wait3A_1072] : memref<2x3x128xf32, #tpu.memory_space<vmem>> -> memref<1x1x16xf32, #tpu.memory_space<vmem>>
    %dma_wait3A_1074 = tpu.memref_squeeze %dma_wait3A_1073 : memref<1x1x16xf32, #tpu.memory_space<vmem>> -> memref<16xf32, #tpu.memory_space<vmem>>
    %dma_wait3A_1075 = tpu.memref_slice %arg5[%dma_wait3A_1070, %dma_wait3A_1071, %mul3A_261] : memref<3x8x512xf32, #tpu.memory_space<hbm>> -> memref<1x1x16xf32, #tpu.memory_space<hbm>>
    %dma_wait3A_1076 = tpu.memref_squeeze %dma_wait3A_1075 : memref<1x1x16xf32, #tpu.memory_space<hbm>> -> memref<16xf32, #tpu.memory_space<hbm>>
    %dma_wait3A_1077 = tpu.memref_slice %arg5[%dma_wait3A_1070, %dma_wait3A_1071, %mul3A_261] : memref<3x8x512xf32, #tpu.memory_space<hbm>> -> memref<1x1x16xf32, #tpu.memory_space<hbm>>
    %dma_wait3A_1078 = tpu.memref_squeeze %dma_wait3A_1077 : memref<1x1x16xf32, #tpu.memory_space<hbm>> -> memref<16xf32, #tpu.memory_space<hbm>>
    %dma_wait3A_1079 = arith.constant 112 : i32
    %dma_wait3A_1080 = tpu.memref_slice %arg8[%dma_wait3A_1068, %dma_wait3A_1069, %dma_wait3A_1079] : memref<2x3x128xf32, #tpu.memory_space<vmem>> -> memref<1x1x16xf32, #tpu.memory_space<vmem>>
    %dma_wait3A_1081 = tpu.memref_squeeze %dma_wait3A_1080 : memref<1x1x16xf32, #tpu.memory_space<vmem>> -> memref<16xf32, #tpu.memory_space<vmem>>
    tpu.wait_dma2 semaphore(%arg11 : memref<!tpu.dma_semaphore, #tpu.memory_space<semaphore_mem>>) src(%dma_wait3A_1081 : memref<16xf32, #tpu.memory_space<vmem>>) dst(%dma_wait3A_1078 : memref<16xf32, #tpu.memory_space<hbm>>)
    %dma_wait3A_1082 = arith.constant 0 : i32
    %dma_wait3A_1083 = arith.constant 1 : i32
    %dma_wait3A_1084 = arith.constant 1 : i32
    %dma_wait3A_1085 = arith.constant 0 : i32
    %dma_wait3A_1086 = arith.constant 0 : i32
    %dma_wait3A_1087 = tpu.memref_slice %arg8[%dma_wait3A_1082, %dma_wait3A_1083, %dma_wait3A_1086] : memref<2x3x128xf32, #tpu.memory_space<vmem>> -> memref<1x1x16xf32, #tpu.memory_space<vmem>>
    %dma_wait3A_1088 = tpu.memref_squeeze %dma_wait3A_1087 : memref<1x1x16xf32, #tpu.memory_space<vmem>> -> memref<16xf32, #tpu.memory_space<vmem>>
    %dma_wait3A_1089 = tpu.memref_slice %arg5[%dma_wait3A_1084, %dma_wait3A_1085, %mul3A_277] : memref<3x8x512xf32, #tpu.memory_space<hbm>> -> memref<1x1x16xf32, #tpu.memory_space<hbm>>
    %dma_wait3A_1090 = tpu.memref_squeeze %dma_wait3A_1089 : memref<1x1x16xf32, #tpu.memory_space<hbm>> -> memref<16xf32, #tpu.memory_space<hbm>>
    %dma_wait3A_1091 = tpu.memref_slice %arg5[%dma_wait3A_1084, %dma_wait3A_1085, %mul3A_277] : memref<3x8x512xf32, #tpu.memory_space<hbm>> -> memref<1x1x16xf32, #tpu.memory_space<hbm>>
    %dma_wait3A_1092 = tpu.memref_squeeze %dma_wait3A_1091 : memref<1x1x16xf32, #tpu.memory_space<hbm>> -> memref<16xf32, #tpu.memory_space<hbm>>
    %dma_wait3A_1093 = arith.constant 0 : i32
    %dma_wait3A_1094 = tpu.memref_slice %arg8[%dma_wait3A_1082, %dma_wait3A_1083, %dma_wait3A_1093] : memref<2x3x128xf32, #tpu.memory_space<vmem>> -> memref<1x1x16xf32, #tpu.memory_space<vmem>>
    %dma_wait3A_1095 = tpu.memref_squeeze %dma_wait3A_1094 : memref<1x1x16xf32, #tpu.memory_space<vmem>> -> memref<16xf32, #tpu.memory_space<vmem>>
    tpu.wait_dma2 semaphore(%arg11 : memref<!tpu.dma_semaphore, #tpu.memory_space<semaphore_mem>>) src(%dma_wait3A_1095 : memref<16xf32, #tpu.memory_space<vmem>>) dst(%dma_wait3A_1092 : memref<16xf32, #tpu.memory_space<hbm>>)
    %dma_wait3A_1096 = arith.constant 0 : i32
    %dma_wait3A_1097 = arith.constant 1 : i32
    %dma_wait3A_1098 = arith.constant 1 : i32
    %dma_wait3A_1099 = arith.constant 1 : i32
    %dma_wait3A_1100 = arith.constant 16 : i32
    %dma_wait3A_1101 = tpu.memref_slice %arg8[%dma_wait3A_1096, %dma_wait3A_1097, %dma_wait3A_1100] : memref<2x3x128xf32, #tpu.memory_space<vmem>> -> memref<1x1x16xf32, #tpu.memory_space<vmem>>
    %dma_wait3A_1102 = tpu.memref_squeeze %dma_wait3A_1101 : memref<1x1x16xf32, #tpu.memory_space<vmem>> -> memref<16xf32, #tpu.memory_space<vmem>>
    %dma_wait3A_1103 = tpu.memref_slice %arg5[%dma_wait3A_1098, %dma_wait3A_1099, %mul3A_293] : memref<3x8x512xf32, #tpu.memory_space<hbm>> -> memref<1x1x16xf32, #tpu.memory_space<hbm>>
    %dma_wait3A_1104 = tpu.memref_squeeze %dma_wait3A_1103 : memref<1x1x16xf32, #tpu.memory_space<hbm>> -> memref<16xf32, #tpu.memory_space<hbm>>
    %dma_wait3A_1105 = tpu.memref_slice %arg5[%dma_wait3A_1098, %dma_wait3A_1099, %mul3A_293] : memref<3x8x512xf32, #tpu.memory_space<hbm>> -> memref<1x1x16xf32, #tpu.memory_space<hbm>>
    %dma_wait3A_1106 = tpu.memref_squeeze %dma_wait3A_1105 : memref<1x1x16xf32, #tpu.memory_space<hbm>> -> memref<16xf32, #tpu.memory_space<hbm>>
    %dma_wait3A_1107 = arith.constant 16 : i32
    %dma_wait3A_1108 = tpu.memref_slice %arg8[%dma_wait3A_1096, %dma_wait3A_1097, %dma_wait3A_1107] : memref<2x3x128xf32, #tpu.memory_space<vmem>> -> memref<1x1x16xf32, #tpu.memory_space<vmem>>
    %dma_wait3A_1109 = tpu.memref_squeeze %dma_wait3A_1108 : memref<1x1x16xf32, #tpu.memory_space<vmem>> -> memref<16xf32, #tpu.memory_space<vmem>>
    tpu.wait_dma2 semaphore(%arg11 : memref<!tpu.dma_semaphore, #tpu.memory_space<semaphore_mem>>) src(%dma_wait3A_1109 : memref<16xf32, #tpu.memory_space<vmem>>) dst(%dma_wait3A_1106 : memref<16xf32, #tpu.memory_space<hbm>>)
    %dma_wait3A_1110 = arith.constant 0 : i32
    %dma_wait3A_1111 = arith.constant 1 : i32
    %dma_wait3A_1112 = arith.constant 1 : i32
    %dma_wait3A_1113 = arith.constant 2 : i32
    %dma_wait3A_1114 = arith.constant 32 : i32
    %dma_wait3A_1115 = tpu.memref_slice %arg8[%dma_wait3A_1110, %dma_wait3A_1111, %dma_wait3A_1114] : memref<2x3x128xf32, #tpu.memory_space<vmem>> -> memref<1x1x16xf32, #tpu.memory_space<vmem>>
    %dma_wait3A_1116 = tpu.memref_squeeze %dma_wait3A_1115 : memref<1x1x16xf32, #tpu.memory_space<vmem>> -> memref<16xf32, #tpu.memory_space<vmem>>
    %dma_wait3A_1117 = tpu.memref_slice %arg5[%dma_wait3A_1112, %dma_wait3A_1113, %mul3A_309] : memref<3x8x512xf32, #tpu.memory_space<hbm>> -> memref<1x1x16xf32, #tpu.memory_space<hbm>>
    %dma_wait3A_1118 = tpu.memref_squeeze %dma_wait3A_1117 : memref<1x1x16xf32, #tpu.memory_space<hbm>> -> memref<16xf32, #tpu.memory_space<hbm>>
    %dma_wait3A_1119 = tpu.memref_slice %arg5[%dma_wait3A_1112, %dma_wait3A_1113, %mul3A_309] : memref<3x8x512xf32, #tpu.memory_space<hbm>> -> memref<1x1x16xf32, #tpu.memory_space<hbm>>
    %dma_wait3A_1120 = tpu.memref_squeeze %dma_wait3A_1119 : memref<1x1x16xf32, #tpu.memory_space<hbm>> -> memref<16xf32, #tpu.memory_space<hbm>>
    %dma_wait3A_1121 = arith.constant 32 : i32
    %dma_wait3A_1122 = tpu.memref_slice %arg8[%dma_wait3A_1110, %dma_wait3A_1111, %dma_wait3A_1121] : memref<2x3x128xf32, #tpu.memory_space<vmem>> -> memref<1x1x16xf32, #tpu.memory_space<vmem>>
    %dma_wait3A_1123 = tpu.memref_squeeze %dma_wait3A_1122 : memref<1x1x16xf32, #tpu.memory_space<vmem>> -> memref<16xf32, #tpu.memory_space<vmem>>
    tpu.wait_dma2 semaphore(%arg11 : memref<!tpu.dma_semaphore, #tpu.memory_space<semaphore_mem>>) src(%dma_wait3A_1123 : memref<16xf32, #tpu.memory_space<vmem>>) dst(%dma_wait3A_1120 : memref<16xf32, #tpu.memory_space<hbm>>)
    %dma_wait3A_1124 = arith.constant 0 : i32
    %dma_wait3A_1125 = arith.constant 1 : i32
    %dma_wait3A_1126 = arith.constant 1 : i32
    %dma_wait3A_1127 = arith.constant 3 : i32
    %dma_wait3A_1128 = arith.constant 48 : i32
    %dma_wait3A_1129 = tpu.memref_slice %arg8[%dma_wait3A_1124, %dma_wait3A_1125, %dma_wait3A_1128] : memref<2x3x128xf32, #tpu.memory_space<vmem>> -> memref<1x1x16xf32, #tpu.memory_space<vmem>>
    %dma_wait3A_1130 = tpu.memref_squeeze %dma_wait3A_1129 : memref<1x1x16xf32, #tpu.memory_space<vmem>> -> memref<16xf32, #tpu.memory_space<vmem>>
    %dma_wait3A_1131 = tpu.memref_slice %arg5[%dma_wait3A_1126, %dma_wait3A_1127, %mul3A_325] : memref<3x8x512xf32, #tpu.memory_space<hbm>> -> memref<1x1x16xf32, #tpu.memory_space<hbm>>
    %dma_wait3A_1132 = tpu.memref_squeeze %dma_wait3A_1131 : memref<1x1x16xf32, #tpu.memory_space<hbm>> -> memref<16xf32, #tpu.memory_space<hbm>>
    %dma_wait3A_1133 = tpu.memref_slice %arg5[%dma_wait3A_1126, %dma_wait3A_1127, %mul3A_325] : memref<3x8x512xf32, #tpu.memory_space<hbm>> -> memref<1x1x16xf32, #tpu.memory_space<hbm>>
    %dma_wait3A_1134 = tpu.memref_squeeze %dma_wait3A_1133 : memref<1x1x16xf32, #tpu.memory_space<hbm>> -> memref<16xf32, #tpu.memory_space<hbm>>
    %dma_wait3A_1135 = arith.constant 48 : i32
    %dma_wait3A_1136 = tpu.memref_slice %arg8[%dma_wait3A_1124, %dma_wait3A_1125, %dma_wait3A_1135] : memref<2x3x128xf32, #tpu.memory_space<vmem>> -> memref<1x1x16xf32, #tpu.memory_space<vmem>>
    %dma_wait3A_1137 = tpu.memref_squeeze %dma_wait3A_1136 : memref<1x1x16xf32, #tpu.memory_space<vmem>> -> memref<16xf32, #tpu.memory_space<vmem>>
    tpu.wait_dma2 semaphore(%arg11 : memref<!tpu.dma_semaphore, #tpu.memory_space<semaphore_mem>>) src(%dma_wait3A_1137 : memref<16xf32, #tpu.memory_space<vmem>>) dst(%dma_wait3A_1134 : memref<16xf32, #tpu.memory_space<hbm>>)
    %dma_wait3A_1138 = arith.constant 0 : i32
    %dma_wait3A_1139 = arith.constant 1 : i32
    %dma_wait3A_1140 = arith.constant 1 : i32
    %dma_wait3A_1141 = arith.constant 4 : i32
    %dma_wait3A_1142 = arith.constant 64 : i32
    %dma_wait3A_1143 = tpu.memref_slice %arg8[%dma_wait3A_1138, %dma_wait3A_1139, %dma_wait3A_1142] : memref<2x3x128xf32, #tpu.memory_space<vmem>> -> memref<1x1x16xf32, #tpu.memory_space<vmem>>
    %dma_wait3A_1144 = tpu.memref_squeeze %dma_wait3A_1143 : memref<1x1x16xf32, #tpu.memory_space<vmem>> -> memref<16xf32, #tpu.memory_space<vmem>>
    %dma_wait3A_1145 = tpu.memref_slice %arg5[%dma_wait3A_1140, %dma_wait3A_1141, %mul3A_341] : memref<3x8x512xf32, #tpu.memory_space<hbm>> -> memref<1x1x16xf32, #tpu.memory_space<hbm>>
    %dma_wait3A_1146 = tpu.memref_squeeze %dma_wait3A_1145 : memref<1x1x16xf32, #tpu.memory_space<hbm>> -> memref<16xf32, #tpu.memory_space<hbm>>
    %dma_wait3A_1147 = tpu.memref_slice %arg5[%dma_wait3A_1140, %dma_wait3A_1141, %mul3A_341] : memref<3x8x512xf32, #tpu.memory_space<hbm>> -> memref<1x1x16xf32, #tpu.memory_space<hbm>>
    %dma_wait3A_1148 = tpu.memref_squeeze %dma_wait3A_1147 : memref<1x1x16xf32, #tpu.memory_space<hbm>> -> memref<16xf32, #tpu.memory_space<hbm>>
    %dma_wait3A_1149 = arith.constant 64 : i32
    %dma_wait3A_1150 = tpu.memref_slice %arg8[%dma_wait3A_1138, %dma_wait3A_1139, %dma_wait3A_1149] : memref<2x3x128xf32, #tpu.memory_space<vmem>> -> memref<1x1x16xf32, #tpu.memory_space<vmem>>
    %dma_wait3A_1151 = tpu.memref_squeeze %dma_wait3A_1150 : memref<1x1x16xf32, #tpu.memory_space<vmem>> -> memref<16xf32, #tpu.memory_space<vmem>>
    tpu.wait_dma2 semaphore(%arg11 : memref<!tpu.dma_semaphore, #tpu.memory_space<semaphore_mem>>) src(%dma_wait3A_1151 : memref<16xf32, #tpu.memory_space<vmem>>) dst(%dma_wait3A_1148 : memref<16xf32, #tpu.memory_space<hbm>>)
    %dma_wait3A_1152 = arith.constant 0 : i32
    %dma_wait3A_1153 = arith.constant 1 : i32
    %dma_wait3A_1154 = arith.constant 1 : i32
    %dma_wait3A_1155 = arith.constant 5 : i32
    %dma_wait3A_1156 = arith.constant 80 : i32
    %dma_wait3A_1157 = tpu.memref_slice %arg8[%dma_wait3A_1152, %dma_wait3A_1153, %dma_wait3A_1156] : memref<2x3x128xf32, #tpu.memory_space<vmem>> -> memref<1x1x16xf32, #tpu.memory_space<vmem>>
    %dma_wait3A_1158 = tpu.memref_squeeze %dma_wait3A_1157 : memref<1x1x16xf32, #tpu.memory_space<vmem>> -> memref<16xf32, #tpu.memory_space<vmem>>
    %dma_wait3A_1159 = tpu.memref_slice %arg5[%dma_wait3A_1154, %dma_wait3A_1155, %mul3A_357] : memref<3x8x512xf32, #tpu.memory_space<hbm>> -> memref<1x1x16xf32, #tpu.memory_space<hbm>>
    %dma_wait3A_1160 = tpu.memref_squeeze %dma_wait3A_1159 : memref<1x1x16xf32, #tpu.memory_space<hbm>> -> memref<16xf32, #tpu.memory_space<hbm>>
    %dma_wait3A_1161 = tpu.memref_slice %arg5[%dma_wait3A_1154, %dma_wait3A_1155, %mul3A_357] : memref<3x8x512xf32, #tpu.memory_space<hbm>> -> memref<1x1x16xf32, #tpu.memory_space<hbm>>
    %dma_wait3A_1162 = tpu.memref_squeeze %dma_wait3A_1161 : memref<1x1x16xf32, #tpu.memory_space<hbm>> -> memref<16xf32, #tpu.memory_space<hbm>>
    %dma_wait3A_1163 = arith.constant 80 : i32
    %dma_wait3A_1164 = tpu.memref_slice %arg8[%dma_wait3A_1152, %dma_wait3A_1153, %dma_wait3A_1163] : memref<2x3x128xf32, #tpu.memory_space<vmem>> -> memref<1x1x16xf32, #tpu.memory_space<vmem>>
    %dma_wait3A_1165 = tpu.memref_squeeze %dma_wait3A_1164 : memref<1x1x16xf32, #tpu.memory_space<vmem>> -> memref<16xf32, #tpu.memory_space<vmem>>
    tpu.wait_dma2 semaphore(%arg11 : memref<!tpu.dma_semaphore, #tpu.memory_space<semaphore_mem>>) src(%dma_wait3A_1165 : memref<16xf32, #tpu.memory_space<vmem>>) dst(%dma_wait3A_1162 : memref<16xf32, #tpu.memory_space<hbm>>)
    %dma_wait3A_1166 = arith.constant 0 : i32
    %dma_wait3A_1167 = arith.constant 1 : i32
    %dma_wait3A_1168 = arith.constant 1 : i32
    %dma_wait3A_1169 = arith.constant 6 : i32
    %dma_wait3A_1170 = arith.constant 96 : i32
    %dma_wait3A_1171 = tpu.memref_slice %arg8[%dma_wait3A_1166, %dma_wait3A_1167, %dma_wait3A_1170] : memref<2x3x128xf32, #tpu.memory_space<vmem>> -> memref<1x1x16xf32, #tpu.memory_space<vmem>>
    %dma_wait3A_1172 = tpu.memref_squeeze %dma_wait3A_1171 : memref<1x1x16xf32, #tpu.memory_space<vmem>> -> memref<16xf32, #tpu.memory_space<vmem>>
    %dma_wait3A_1173 = tpu.memref_slice %arg5[%dma_wait3A_1168, %dma_wait3A_1169, %mul3A_373] : memref<3x8x512xf32, #tpu.memory_space<hbm>> -> memref<1x1x16xf32, #tpu.memory_space<hbm>>
    %dma_wait3A_1174 = tpu.memref_squeeze %dma_wait3A_1173 : memref<1x1x16xf32, #tpu.memory_space<hbm>> -> memref<16xf32, #tpu.memory_space<hbm>>
    %dma_wait3A_1175 = tpu.memref_slice %arg5[%dma_wait3A_1168, %dma_wait3A_1169, %mul3A_373] : memref<3x8x512xf32, #tpu.memory_space<hbm>> -> memref<1x1x16xf32, #tpu.memory_space<hbm>>
    %dma_wait3A_1176 = tpu.memref_squeeze %dma_wait3A_1175 : memref<1x1x16xf32, #tpu.memory_space<hbm>> -> memref<16xf32, #tpu.memory_space<hbm>>
    %dma_wait3A_1177 = arith.constant 96 : i32
    %dma_wait3A_1178 = tpu.memref_slice %arg8[%dma_wait3A_1166, %dma_wait3A_1167, %dma_wait3A_1177] : memref<2x3x128xf32, #tpu.memory_space<vmem>> -> memref<1x1x16xf32, #tpu.memory_space<vmem>>
    %dma_wait3A_1179 = tpu.memref_squeeze %dma_wait3A_1178 : memref<1x1x16xf32, #tpu.memory_space<vmem>> -> memref<16xf32, #tpu.memory_space<vmem>>
    tpu.wait_dma2 semaphore(%arg11 : memref<!tpu.dma_semaphore, #tpu.memory_space<semaphore_mem>>) src(%dma_wait3A_1179 : memref<16xf32, #tpu.memory_space<vmem>>) dst(%dma_wait3A_1176 : memref<16xf32, #tpu.memory_space<hbm>>)
    %dma_wait3A_1180 = arith.constant 0 : i32
    %dma_wait3A_1181 = arith.constant 1 : i32
    %dma_wait3A_1182 = arith.constant 1 : i32
    %dma_wait3A_1183 = arith.constant 7 : i32
    %dma_wait3A_1184 = arith.constant 112 : i32
    %dma_wait3A_1185 = tpu.memref_slice %arg8[%dma_wait3A_1180, %dma_wait3A_1181, %dma_wait3A_1184] : memref<2x3x128xf32, #tpu.memory_space<vmem>> -> memref<1x1x16xf32, #tpu.memory_space<vmem>>
    %dma_wait3A_1186 = tpu.memref_squeeze %dma_wait3A_1185 : memref<1x1x16xf32, #tpu.memory_space<vmem>> -> memref<16xf32, #tpu.memory_space<vmem>>
    %dma_wait3A_1187 = tpu.memref_slice %arg5[%dma_wait3A_1182, %dma_wait3A_1183, %mul3A_389] : memref<3x8x512xf32, #tpu.memory_space<hbm>> -> memref<1x1x16xf32, #tpu.memory_space<hbm>>
    %dma_wait3A_1188 = tpu.memref_squeeze %dma_wait3A_1187 : memref<1x1x16xf32, #tpu.memory_space<hbm>> -> memref<16xf32, #tpu.memory_space<hbm>>
    %dma_wait3A_1189 = tpu.memref_slice %arg5[%dma_wait3A_1182, %dma_wait3A_1183, %mul3A_389] : memref<3x8x512xf32, #tpu.memory_space<hbm>> -> memref<1x1x16xf32, #tpu.memory_space<hbm>>
    %dma_wait3A_1190 = tpu.memref_squeeze %dma_wait3A_1189 : memref<1x1x16xf32, #tpu.memory_space<hbm>> -> memref<16xf32, #tpu.memory_space<hbm>>
    %dma_wait3A_1191 = arith.constant 112 : i32
    %dma_wait3A_1192 = tpu.memref_slice %arg8[%dma_wait3A_1180, %dma_wait3A_1181, %dma_wait3A_1191] : memref<2x3x128xf32, #tpu.memory_space<vmem>> -> memref<1x1x16xf32, #tpu.memory_space<vmem>>
    %dma_wait3A_1193 = tpu.memref_squeeze %dma_wait3A_1192 : memref<1x1x16xf32, #tpu.memory_space<vmem>> -> memref<16xf32, #tpu.memory_space<vmem>>
    tpu.wait_dma2 semaphore(%arg11 : memref<!tpu.dma_semaphore, #tpu.memory_space<semaphore_mem>>) src(%dma_wait3A_1193 : memref<16xf32, #tpu.memory_space<vmem>>) dst(%dma_wait3A_1190 : memref<16xf32, #tpu.memory_space<hbm>>)
    %dma_wait3A_1194 = arith.constant 0 : i32
    %dma_wait3A_1195 = arith.constant 2 : i32
    %dma_wait3A_1196 = arith.constant 2 : i32
    %dma_wait3A_1197 = arith.constant 0 : i32
    %dma_wait3A_1198 = arith.constant 0 : i32
    %dma_wait3A_1199 = tpu.memref_slice %arg8[%dma_wait3A_1194, %dma_wait3A_1195, %dma_wait3A_1198] : memref<2x3x128xf32, #tpu.memory_space<vmem>> -> memref<1x1x16xf32, #tpu.memory_space<vmem>>
    %dma_wait3A_1200 = tpu.memref_squeeze %dma_wait3A_1199 : memref<1x1x16xf32, #tpu.memory_space<vmem>> -> memref<16xf32, #tpu.memory_space<vmem>>
    %dma_wait3A_1201 = tpu.memref_slice %arg5[%dma_wait3A_1196, %dma_wait3A_1197, %mul3A_405] : memref<3x8x512xf32, #tpu.memory_space<hbm>> -> memref<1x1x16xf32, #tpu.memory_space<hbm>>
    %dma_wait3A_1202 = tpu.memref_squeeze %dma_wait3A_1201 : memref<1x1x16xf32, #tpu.memory_space<hbm>> -> memref<16xf32, #tpu.memory_space<hbm>>
    %dma_wait3A_1203 = tpu.memref_slice %arg5[%dma_wait3A_1196, %dma_wait3A_1197, %mul3A_405] : memref<3x8x512xf32, #tpu.memory_space<hbm>> -> memref<1x1x16xf32, #tpu.memory_space<hbm>>
    %dma_wait3A_1204 = tpu.memref_squeeze %dma_wait3A_1203 : memref<1x1x16xf32, #tpu.memory_space<hbm>> -> memref<16xf32, #tpu.memory_space<hbm>>
    %dma_wait3A_1205 = arith.constant 0 : i32
    %dma_wait3A_1206 = tpu.memref_slice %arg8[%dma_wait3A_1194, %dma_wait3A_1195, %dma_wait3A_1205] : memref<2x3x128xf32, #tpu.memory_space<vmem>> -> memref<1x1x16xf32, #tpu.memory_space<vmem>>
    %dma_wait3A_1207 = tpu.memref_squeeze %dma_wait3A_1206 : memref<1x1x16xf32, #tpu.memory_space<vmem>> -> memref<16xf32, #tpu.memory_space<vmem>>
    tpu.wait_dma2 semaphore(%arg11 : memref<!tpu.dma_semaphore, #tpu.memory_space<semaphore_mem>>) src(%dma_wait3A_1207 : memref<16xf32, #tpu.memory_space<vmem>>) dst(%dma_wait3A_1204 : memref<16xf32, #tpu.memory_space<hbm>>)
    %dma_wait3A_1208 = arith.constant 0 : i32
    %dma_wait3A_1209 = arith.constant 2 : i32
    %dma_wait3A_1210 = arith.constant 2 : i32
    %dma_wait3A_1211 = arith.constant 1 : i32
    %dma_wait3A_1212 = arith.constant 16 : i32
    %dma_wait3A_1213 = tpu.memref_slice %arg8[%dma_wait3A_1208, %dma_wait3A_1209, %dma_wait3A_1212] : memref<2x3x128xf32, #tpu.memory_space<vmem>> -> memref<1x1x16xf32, #tpu.memory_space<vmem>>
    %dma_wait3A_1214 = tpu.memref_squeeze %dma_wait3A_1213 : memref<1x1x16xf32, #tpu.memory_space<vmem>> -> memref<16xf32, #tpu.memory_space<vmem>>
    %dma_wait3A_1215 = tpu.memref_slice %arg5[%dma_wait3A_1210, %dma_wait3A_1211, %mul3A_421] : memref<3x8x512xf32, #tpu.memory_space<hbm>> -> memref<1x1x16xf32, #tpu.memory_space<hbm>>
    %dma_wait3A_1216 = tpu.memref_squeeze %dma_wait3A_1215 : memref<1x1x16xf32, #tpu.memory_space<hbm>> -> memref<16xf32, #tpu.memory_space<hbm>>
    %dma_wait3A_1217 = tpu.memref_slice %arg5[%dma_wait3A_1210, %dma_wait3A_1211, %mul3A_421] : memref<3x8x512xf32, #tpu.memory_space<hbm>> -> memref<1x1x16xf32, #tpu.memory_space<hbm>>
    %dma_wait3A_1218 = tpu.memref_squeeze %dma_wait3A_1217 : memref<1x1x16xf32, #tpu.memory_space<hbm>> -> memref<16xf32, #tpu.memory_space<hbm>>
    %dma_wait3A_1219 = arith.constant 16 : i32
    %dma_wait3A_1220 = tpu.memref_slice %arg8[%dma_wait3A_1208, %dma_wait3A_1209, %dma_wait3A_1219] : memref<2x3x128xf32, #tpu.memory_space<vmem>> -> memref<1x1x16xf32, #tpu.memory_space<vmem>>
    %dma_wait3A_1221 = tpu.memref_squeeze %dma_wait3A_1220 : memref<1x1x16xf32, #tpu.memory_space<vmem>> -> memref<16xf32, #tpu.memory_space<vmem>>
    tpu.wait_dma2 semaphore(%arg11 : memref<!tpu.dma_semaphore, #tpu.memory_space<semaphore_mem>>) src(%dma_wait3A_1221 : memref<16xf32, #tpu.memory_space<vmem>>) dst(%dma_wait3A_1218 : memref<16xf32, #tpu.memory_space<hbm>>)
    %dma_wait3A_1222 = arith.constant 0 : i32
    %dma_wait3A_1223 = arith.constant 2 : i32
    %dma_wait3A_1224 = arith.constant 2 : i32
    %dma_wait3A_1225 = arith.constant 2 : i32
    %dma_wait3A_1226 = arith.constant 32 : i32
    %dma_wait3A_1227 = tpu.memref_slice %arg8[%dma_wait3A_1222, %dma_wait3A_1223, %dma_wait3A_1226] : memref<2x3x128xf32, #tpu.memory_space<vmem>> -> memref<1x1x16xf32, #tpu.memory_space<vmem>>
    %dma_wait3A_1228 = tpu.memref_squeeze %dma_wait3A_1227 : memref<1x1x16xf32, #tpu.memory_space<vmem>> -> memref<16xf32, #tpu.memory_space<vmem>>
    %dma_wait3A_1229 = tpu.memref_slice %arg5[%dma_wait3A_1224, %dma_wait3A_1225, %mul3A_437] : memref<3x8x512xf32, #tpu.memory_space<hbm>> -> memref<1x1x16xf32, #tpu.memory_space<hbm>>
    %dma_wait3A_1230 = tpu.memref_squeeze %dma_wait3A_1229 : memref<1x1x16xf32, #tpu.memory_space<hbm>> -> memref<16xf32, #tpu.memory_space<hbm>>
    %dma_wait3A_1231 = tpu.memref_slice %arg5[%dma_wait3A_1224, %dma_wait3A_1225, %mul3A_437] : memref<3x8x512xf32, #tpu.memory_space<hbm>> -> memref<1x1x16xf32, #tpu.memory_space<hbm>>
    %dma_wait3A_1232 = tpu.memref_squeeze %dma_wait3A_1231 : memref<1x1x16xf32, #tpu.memory_space<hbm>> -> memref<16xf32, #tpu.memory_space<hbm>>
    %dma_wait3A_1233 = arith.constant 32 : i32
    %dma_wait3A_1234 = tpu.memref_slice %arg8[%dma_wait3A_1222, %dma_wait3A_1223, %dma_wait3A_1233] : memref<2x3x128xf32, #tpu.memory_space<vmem>> -> memref<1x1x16xf32, #tpu.memory_space<vmem>>
    %dma_wait3A_1235 = tpu.memref_squeeze %dma_wait3A_1234 : memref<1x1x16xf32, #tpu.memory_space<vmem>> -> memref<16xf32, #tpu.memory_space<vmem>>
    tpu.wait_dma2 semaphore(%arg11 : memref<!tpu.dma_semaphore, #tpu.memory_space<semaphore_mem>>) src(%dma_wait3A_1235 : memref<16xf32, #tpu.memory_space<vmem>>) dst(%dma_wait3A_1232 : memref<16xf32, #tpu.memory_space<hbm>>)
    %dma_wait3A_1236 = arith.constant 0 : i32
    %dma_wait3A_1237 = arith.constant 2 : i32
    %dma_wait3A_1238 = arith.constant 2 : i32
    %dma_wait3A_1239 = arith.constant 3 : i32
    %dma_wait3A_1240 = arith.constant 48 : i32
    %dma_wait3A_1241 = tpu.memref_slice %arg8[%dma_wait3A_1236, %dma_wait3A_1237, %dma_wait3A_1240] : memref<2x3x128xf32, #tpu.memory_space<vmem>> -> memref<1x1x16xf32, #tpu.memory_space<vmem>>
    %dma_wait3A_1242 = tpu.memref_squeeze %dma_wait3A_1241 : memref<1x1x16xf32, #tpu.memory_space<vmem>> -> memref<16xf32, #tpu.memory_space<vmem>>
    %dma_wait3A_1243 = tpu.memref_slice %arg5[%dma_wait3A_1238, %dma_wait3A_1239, %mul3A_453] : memref<3x8x512xf32, #tpu.memory_space<hbm>> -> memref<1x1x16xf32, #tpu.memory_space<hbm>>
    %dma_wait3A_1244 = tpu.memref_squeeze %dma_wait3A_1243 : memref<1x1x16xf32, #tpu.memory_space<hbm>> -> memref<16xf32, #tpu.memory_space<hbm>>
    %dma_wait3A_1245 = tpu.memref_slice %arg5[%dma_wait3A_1238, %dma_wait3A_1239, %mul3A_453] : memref<3x8x512xf32, #tpu.memory_space<hbm>> -> memref<1x1x16xf32, #tpu.memory_space<hbm>>
    %dma_wait3A_1246 = tpu.memref_squeeze %dma_wait3A_1245 : memref<1x1x16xf32, #tpu.memory_space<hbm>> -> memref<16xf32, #tpu.memory_space<hbm>>
    %dma_wait3A_1247 = arith.constant 48 : i32
    %dma_wait3A_1248 = tpu.memref_slice %arg8[%dma_wait3A_1236, %dma_wait3A_1237, %dma_wait3A_1247] : memref<2x3x128xf32, #tpu.memory_space<vmem>> -> memref<1x1x16xf32, #tpu.memory_space<vmem>>
    %dma_wait3A_1249 = tpu.memref_squeeze %dma_wait3A_1248 : memref<1x1x16xf32, #tpu.memory_space<vmem>> -> memref<16xf32, #tpu.memory_space<vmem>>
    tpu.wait_dma2 semaphore(%arg11 : memref<!tpu.dma_semaphore, #tpu.memory_space<semaphore_mem>>) src(%dma_wait3A_1249 : memref<16xf32, #tpu.memory_space<vmem>>) dst(%dma_wait3A_1246 : memref<16xf32, #tpu.memory_space<hbm>>)
    %dma_wait3A_1250 = arith.constant 0 : i32
    %dma_wait3A_1251 = arith.constant 2 : i32
    %dma_wait3A_1252 = arith.constant 2 : i32
    %dma_wait3A_1253 = arith.constant 4 : i32
    %dma_wait3A_1254 = arith.constant 64 : i32
    %dma_wait3A_1255 = tpu.memref_slice %arg8[%dma_wait3A_1250, %dma_wait3A_1251, %dma_wait3A_1254] : memref<2x3x128xf32, #tpu.memory_space<vmem>> -> memref<1x1x16xf32, #tpu.memory_space<vmem>>
    %dma_wait3A_1256 = tpu.memref_squeeze %dma_wait3A_1255 : memref<1x1x16xf32, #tpu.memory_space<vmem>> -> memref<16xf32, #tpu.memory_space<vmem>>
    %dma_wait3A_1257 = tpu.memref_slice %arg5[%dma_wait3A_1252, %dma_wait3A_1253, %mul3A_469] : memref<3x8x512xf32, #tpu.memory_space<hbm>> -> memref<1x1x16xf32, #tpu.memory_space<hbm>>
    %dma_wait3A_1258 = tpu.memref_squeeze %dma_wait3A_1257 : memref<1x1x16xf32, #tpu.memory_space<hbm>> -> memref<16xf32, #tpu.memory_space<hbm>>
    %dma_wait3A_1259 = tpu.memref_slice %arg5[%dma_wait3A_1252, %dma_wait3A_1253, %mul3A_469] : memref<3x8x512xf32, #tpu.memory_space<hbm>> -> memref<1x1x16xf32, #tpu.memory_space<hbm>>
    %dma_wait3A_1260 = tpu.memref_squeeze %dma_wait3A_1259 : memref<1x1x16xf32, #tpu.memory_space<hbm>> -> memref<16xf32, #tpu.memory_space<hbm>>
    %dma_wait3A_1261 = arith.constant 64 : i32
    %dma_wait3A_1262 = tpu.memref_slice %arg8[%dma_wait3A_1250, %dma_wait3A_1251, %dma_wait3A_1261] : memref<2x3x128xf32, #tpu.memory_space<vmem>> -> memref<1x1x16xf32, #tpu.memory_space<vmem>>
    %dma_wait3A_1263 = tpu.memref_squeeze %dma_wait3A_1262 : memref<1x1x16xf32, #tpu.memory_space<vmem>> -> memref<16xf32, #tpu.memory_space<vmem>>
    tpu.wait_dma2 semaphore(%arg11 : memref<!tpu.dma_semaphore, #tpu.memory_space<semaphore_mem>>) src(%dma_wait3A_1263 : memref<16xf32, #tpu.memory_space<vmem>>) dst(%dma_wait3A_1260 : memref<16xf32, #tpu.memory_space<hbm>>)
    %dma_wait3A_1264 = arith.constant 0 : i32
    %dma_wait3A_1265 = arith.constant 2 : i32
    %dma_wait3A_1266 = arith.constant 2 : i32
    %dma_wait3A_1267 = arith.constant 5 : i32
    %dma_wait3A_1268 = arith.constant 80 : i32
    %dma_wait3A_1269 = tpu.memref_slice %arg8[%dma_wait3A_1264, %dma_wait3A_1265, %dma_wait3A_1268] : memref<2x3x128xf32, #tpu.memory_space<vmem>> -> memref<1x1x16xf32, #tpu.memory_space<vmem>>
    %dma_wait3A_1270 = tpu.memref_squeeze %dma_wait3A_1269 : memref<1x1x16xf32, #tpu.memory_space<vmem>> -> memref<16xf32, #tpu.memory_space<vmem>>
    %dma_wait3A_1271 = tpu.memref_slice %arg5[%dma_wait3A_1266, %dma_wait3A_1267, %mul3A_485] : memref<3x8x512xf32, #tpu.memory_space<hbm>> -> memref<1x1x16xf32, #tpu.memory_space<hbm>>
    %dma_wait3A_1272 = tpu.memref_squeeze %dma_wait3A_1271 : memref<1x1x16xf32, #tpu.memory_space<hbm>> -> memref<16xf32, #tpu.memory_space<hbm>>
    %dma_wait3A_1273 = tpu.memref_slice %arg5[%dma_wait3A_1266, %dma_wait3A_1267, %mul3A_485] : memref<3x8x512xf32, #tpu.memory_space<hbm>> -> memref<1x1x16xf32, #tpu.memory_space<hbm>>
    %dma_wait3A_1274 = tpu.memref_squeeze %dma_wait3A_1273 : memref<1x1x16xf32, #tpu.memory_space<hbm>> -> memref<16xf32, #tpu.memory_space<hbm>>
    %dma_wait3A_1275 = arith.constant 80 : i32
    %dma_wait3A_1276 = tpu.memref_slice %arg8[%dma_wait3A_1264, %dma_wait3A_1265, %dma_wait3A_1275] : memref<2x3x128xf32, #tpu.memory_space<vmem>> -> memref<1x1x16xf32, #tpu.memory_space<vmem>>
    %dma_wait3A_1277 = tpu.memref_squeeze %dma_wait3A_1276 : memref<1x1x16xf32, #tpu.memory_space<vmem>> -> memref<16xf32, #tpu.memory_space<vmem>>
    tpu.wait_dma2 semaphore(%arg11 : memref<!tpu.dma_semaphore, #tpu.memory_space<semaphore_mem>>) src(%dma_wait3A_1277 : memref<16xf32, #tpu.memory_space<vmem>>) dst(%dma_wait3A_1274 : memref<16xf32, #tpu.memory_space<hbm>>)
    %dma_wait3A_1278 = arith.constant 0 : i32
    %dma_wait3A_1279 = arith.constant 2 : i32
    %dma_wait3A_1280 = arith.constant 2 : i32
    %dma_wait3A_1281 = arith.constant 6 : i32
    %dma_wait3A_1282 = arith.constant 96 : i32
    %dma_wait3A_1283 = tpu.memref_slice %arg8[%dma_wait3A_1278, %dma_wait3A_1279, %dma_wait3A_1282] : memref<2x3x128xf32, #tpu.memory_space<vmem>> -> memref<1x1x16xf32, #tpu.memory_space<vmem>>
    %dma_wait3A_1284 = tpu.memref_squeeze %dma_wait3A_1283 : memref<1x1x16xf32, #tpu.memory_space<vmem>> -> memref<16xf32, #tpu.memory_space<vmem>>
    %dma_wait3A_1285 = tpu.memref_slice %arg5[%dma_wait3A_1280, %dma_wait3A_1281, %mul3A_501] : memref<3x8x512xf32, #tpu.memory_space<hbm>> -> memref<1x1x16xf32, #tpu.memory_space<hbm>>
    %dma_wait3A_1286 = tpu.memref_squeeze %dma_wait3A_1285 : memref<1x1x16xf32, #tpu.memory_space<hbm>> -> memref<16xf32, #tpu.memory_space<hbm>>
    %dma_wait3A_1287 = tpu.memref_slice %arg5[%dma_wait3A_1280, %dma_wait3A_1281, %mul3A_501] : memref<3x8x512xf32, #tpu.memory_space<hbm>> -> memref<1x1x16xf32, #tpu.memory_space<hbm>>
    %dma_wait3A_1288 = tpu.memref_squeeze %dma_wait3A_1287 : memref<1x1x16xf32, #tpu.memory_space<hbm>> -> memref<16xf32, #tpu.memory_space<hbm>>
    %dma_wait3A_1289 = arith.constant 96 : i32
    %dma_wait3A_1290 = tpu.memref_slice %arg8[%dma_wait3A_1278, %dma_wait3A_1279, %dma_wait3A_1289] : memref<2x3x128xf32, #tpu.memory_space<vmem>> -> memref<1x1x16xf32, #tpu.memory_space<vmem>>
    %dma_wait3A_1291 = tpu.memref_squeeze %dma_wait3A_1290 : memref<1x1x16xf32, #tpu.memory_space<vmem>> -> memref<16xf32, #tpu.memory_space<vmem>>
    tpu.wait_dma2 semaphore(%arg11 : memref<!tpu.dma_semaphore, #tpu.memory_space<semaphore_mem>>) src(%dma_wait3A_1291 : memref<16xf32, #tpu.memory_space<vmem>>) dst(%dma_wait3A_1288 : memref<16xf32, #tpu.memory_space<hbm>>)
    %dma_wait3A_1292 = arith.constant 0 : i32
    %dma_wait3A_1293 = arith.constant 2 : i32
    %dma_wait3A_1294 = arith.constant 2 : i32
    %dma_wait3A_1295 = arith.constant 7 : i32
    %dma_wait3A_1296 = arith.constant 112 : i32
    %dma_wait3A_1297 = tpu.memref_slice %arg8[%dma_wait3A_1292, %dma_wait3A_1293, %dma_wait3A_1296] : memref<2x3x128xf32, #tpu.memory_space<vmem>> -> memref<1x1x16xf32, #tpu.memory_space<vmem>>
    %dma_wait3A_1298 = tpu.memref_squeeze %dma_wait3A_1297 : memref<1x1x16xf32, #tpu.memory_space<vmem>> -> memref<16xf32, #tpu.memory_space<vmem>>
    %dma_wait3A_1299 = tpu.memref_slice %arg5[%dma_wait3A_1294, %dma_wait3A_1295, %mul3A_517] : memref<3x8x512xf32, #tpu.memory_space<hbm>> -> memref<1x1x16xf32, #tpu.memory_space<hbm>>
    %dma_wait3A_1300 = tpu.memref_squeeze %dma_wait3A_1299 : memref<1x1x16xf32, #tpu.memory_space<hbm>> -> memref<16xf32, #tpu.memory_space<hbm>>
    %dma_wait3A_1301 = tpu.memref_slice %arg5[%dma_wait3A_1294, %dma_wait3A_1295, %mul3A_517] : memref<3x8x512xf32, #tpu.memory_space<hbm>> -> memref<1x1x16xf32, #tpu.memory_space<hbm>>
    %dma_wait3A_1302 = tpu.memref_squeeze %dma_wait3A_1301 : memref<1x1x16xf32, #tpu.memory_space<hbm>> -> memref<16xf32, #tpu.memory_space<hbm>>
    %dma_wait3A_1303 = arith.constant 112 : i32
    %dma_wait3A_1304 = tpu.memref_slice %arg8[%dma_wait3A_1292, %dma_wait3A_1293, %dma_wait3A_1303] : memref<2x3x128xf32, #tpu.memory_space<vmem>> -> memref<1x1x16xf32, #tpu.memory_space<vmem>>
    %dma_wait3A_1305 = tpu.memref_squeeze %dma_wait3A_1304 : memref<1x1x16xf32, #tpu.memory_space<vmem>> -> memref<16xf32, #tpu.memory_space<vmem>>
    tpu.wait_dma2 semaphore(%arg11 : memref<!tpu.dma_semaphore, #tpu.memory_space<semaphore_mem>>) src(%dma_wait3A_1305 : memref<16xf32, #tpu.memory_space<vmem>>) dst(%dma_wait3A_1302 : memref<16xf32, #tpu.memory_space<hbm>>)
    %dma_wait3A_1306 = arith.constant 0 : i32
    %dma_wait3A_1307 = arith.constant 0 : i32
    %dma_wait3A_1308 = arith.constant 0 : i32
    %dma_wait3A_1309 = tpu.memref_slice %arg9[%dma_wait3A_1306, %dma_wait3A_1308] : memref<4x128xf32, #tpu.memory_space<vmem>> -> memref<1x128xf32, #tpu.memory_space<vmem>>
    %dma_wait3A_1310 = tpu.memref_squeeze %dma_wait3A_1309 : memref<1x128xf32, #tpu.memory_space<vmem>> -> memref<128xf32, #tpu.memory_space<vmem>>
    %dma_wait3A_1311 = tpu.memref_slice %arg6[%dma_wait3A_1307, %mul3A_915] : memref<4x4096xf32, #tpu.memory_space<hbm>> -> memref<1x128xf32, #tpu.memory_space<hbm>>
    %dma_wait3A_1312 = tpu.memref_squeeze %dma_wait3A_1311 : memref<1x128xf32, #tpu.memory_space<hbm>> -> memref<128xf32, #tpu.memory_space<hbm>>
    %dma_wait3A_1313 = tpu.memref_slice %arg6[%dma_wait3A_1307, %mul3A_915] : memref<4x4096xf32, #tpu.memory_space<hbm>> -> memref<1x128xf32, #tpu.memory_space<hbm>>
    %dma_wait3A_1314 = tpu.memref_squeeze %dma_wait3A_1313 : memref<1x128xf32, #tpu.memory_space<hbm>> -> memref<128xf32, #tpu.memory_space<hbm>>
    %dma_wait3A_1315 = arith.constant 0 : i32
    %dma_wait3A_1316 = tpu.memref_slice %arg9[%dma_wait3A_1306, %dma_wait3A_1315] : memref<4x128xf32, #tpu.memory_space<vmem>> -> memref<1x128xf32, #tpu.memory_space<vmem>>
    %dma_wait3A_1317 = tpu.memref_squeeze %dma_wait3A_1316 : memref<1x128xf32, #tpu.memory_space<vmem>> -> memref<128xf32, #tpu.memory_space<vmem>>
    tpu.wait_dma2 semaphore(%arg11 : memref<!tpu.dma_semaphore, #tpu.memory_space<semaphore_mem>>) src(%dma_wait3A_1317 : memref<128xf32, #tpu.memory_space<vmem>>) dst(%dma_wait3A_1314 : memref<128xf32, #tpu.memory_space<hbm>>)
    %dma_wait3A_1318 = arith.constant 1 : i32
    %dma_wait3A_1319 = arith.constant 1 : i32
    %dma_wait3A_1320 = arith.constant 0 : i32
    %dma_wait3A_1321 = tpu.memref_slice %arg9[%dma_wait3A_1318, %dma_wait3A_1320] : memref<4x128xf32, #tpu.memory_space<vmem>> -> memref<1x128xf32, #tpu.memory_space<vmem>>
    %dma_wait3A_1322 = tpu.memref_squeeze %dma_wait3A_1321 : memref<1x128xf32, #tpu.memory_space<vmem>> -> memref<128xf32, #tpu.memory_space<vmem>>
    %dma_wait3A_1323 = tpu.memref_slice %arg6[%dma_wait3A_1319, %mul3A_929] : memref<4x4096xf32, #tpu.memory_space<hbm>> -> memref<1x128xf32, #tpu.memory_space<hbm>>
    %dma_wait3A_1324 = tpu.memref_squeeze %dma_wait3A_1323 : memref<1x128xf32, #tpu.memory_space<hbm>> -> memref<128xf32, #tpu.memory_space<hbm>>
    %dma_wait3A_1325 = tpu.memref_slice %arg6[%dma_wait3A_1319, %mul3A_929] : memref<4x4096xf32, #tpu.memory_space<hbm>> -> memref<1x128xf32, #tpu.memory_space<hbm>>
    %dma_wait3A_1326 = tpu.memref_squeeze %dma_wait3A_1325 : memref<1x128xf32, #tpu.memory_space<hbm>> -> memref<128xf32, #tpu.memory_space<hbm>>
    %dma_wait3A_1327 = arith.constant 0 : i32
    %dma_wait3A_1328 = tpu.memref_slice %arg9[%dma_wait3A_1318, %dma_wait3A_1327] : memref<4x128xf32, #tpu.memory_space<vmem>> -> memref<1x128xf32, #tpu.memory_space<vmem>>
    %dma_wait3A_1329 = tpu.memref_squeeze %dma_wait3A_1328 : memref<1x128xf32, #tpu.memory_space<vmem>> -> memref<128xf32, #tpu.memory_space<vmem>>
    tpu.wait_dma2 semaphore(%arg11 : memref<!tpu.dma_semaphore, #tpu.memory_space<semaphore_mem>>) src(%dma_wait3A_1329 : memref<128xf32, #tpu.memory_space<vmem>>) dst(%dma_wait3A_1326 : memref<128xf32, #tpu.memory_space<hbm>>)
    %dma_wait3A_1330 = arith.constant 2 : i32
    %dma_wait3A_1331 = arith.constant 2 : i32
    %dma_wait3A_1332 = arith.constant 0 : i32
    %dma_wait3A_1333 = tpu.memref_slice %arg9[%dma_wait3A_1330, %dma_wait3A_1332] : memref<4x128xf32, #tpu.memory_space<vmem>> -> memref<1x128xf32, #tpu.memory_space<vmem>>
    %dma_wait3A_1334 = tpu.memref_squeeze %dma_wait3A_1333 : memref<1x128xf32, #tpu.memory_space<vmem>> -> memref<128xf32, #tpu.memory_space<vmem>>
    %dma_wait3A_1335 = tpu.memref_slice %arg6[%dma_wait3A_1331, %mul3A_943] : memref<4x4096xf32, #tpu.memory_space<hbm>> -> memref<1x128xf32, #tpu.memory_space<hbm>>
    %dma_wait3A_1336 = tpu.memref_squeeze %dma_wait3A_1335 : memref<1x128xf32, #tpu.memory_space<hbm>> -> memref<128xf32, #tpu.memory_space<hbm>>
    %dma_wait3A_1337 = tpu.memref_slice %arg6[%dma_wait3A_1331, %mul3A_943] : memref<4x4096xf32, #tpu.memory_space<hbm>> -> memref<1x128xf32, #tpu.memory_space<hbm>>
    %dma_wait3A_1338 = tpu.memref_squeeze %dma_wait3A_1337 : memref<1x128xf32, #tpu.memory_space<hbm>> -> memref<128xf32, #tpu.memory_space<hbm>>
    %dma_wait3A_1339 = arith.constant 0 : i32
    %dma_wait3A_1340 = tpu.memref_slice %arg9[%dma_wait3A_1330, %dma_wait3A_1339] : memref<4x128xf32, #tpu.memory_space<vmem>> -> memref<1x128xf32, #tpu.memory_space<vmem>>
    %dma_wait3A_1341 = tpu.memref_squeeze %dma_wait3A_1340 : memref<1x128xf32, #tpu.memory_space<vmem>> -> memref<128xf32, #tpu.memory_space<vmem>>
    tpu.wait_dma2 semaphore(%arg11 : memref<!tpu.dma_semaphore, #tpu.memory_space<semaphore_mem>>) src(%dma_wait3A_1341 : memref<128xf32, #tpu.memory_space<vmem>>) dst(%dma_wait3A_1338 : memref<128xf32, #tpu.memory_space<hbm>>)
    %dma_wait3A_1342 = arith.constant 3 : i32
    %dma_wait3A_1343 = arith.constant 3 : i32
    %dma_wait3A_1344 = arith.constant 0 : i32
    %dma_wait3A_1345 = tpu.memref_slice %arg9[%dma_wait3A_1342, %dma_wait3A_1344] : memref<4x128xf32, #tpu.memory_space<vmem>> -> memref<1x128xf32, #tpu.memory_space<vmem>>
    %dma_wait3A_1346 = tpu.memref_squeeze %dma_wait3A_1345 : memref<1x128xf32, #tpu.memory_space<vmem>> -> memref<128xf32, #tpu.memory_space<vmem>>
    %dma_wait3A_1347 = tpu.memref_slice %arg6[%dma_wait3A_1343, %mul3A_957] : memref<4x4096xf32, #tpu.memory_space<hbm>> -> memref<1x128xf32, #tpu.memory_space<hbm>>
    %dma_wait3A_1348 = tpu.memref_squeeze %dma_wait3A_1347 : memref<1x128xf32, #tpu.memory_space<hbm>> -> memref<128xf32, #tpu.memory_space<hbm>>
    %dma_wait3A_1349 = tpu.memref_slice %arg6[%dma_wait3A_1343, %mul3A_957] : memref<4x4096xf32, #tpu.memory_space<hbm>> -> memref<1x128xf32, #tpu.memory_space<hbm>>
    %dma_wait3A_1350 = tpu.memref_squeeze %dma_wait3A_1349 : memref<1x128xf32, #tpu.memory_space<hbm>> -> memref<128xf32, #tpu.memory_space<hbm>>
    %dma_wait3A_1351 = arith.constant 0 : i32
    %dma_wait3A_1352 = tpu.memref_slice %arg9[%dma_wait3A_1342, %dma_wait3A_1351] : memref<4x128xf32, #tpu.memory_space<vmem>> -> memref<1x128xf32, #tpu.memory_space<vmem>>
    %dma_wait3A_1353 = tpu.memref_squeeze %dma_wait3A_1352 : memref<1x128xf32, #tpu.memory_space<vmem>> -> memref<128xf32, #tpu.memory_space<vmem>>
    tpu.wait_dma2 semaphore(%arg11 : memref<!tpu.dma_semaphore, #tpu.memory_space<semaphore_mem>>) src(%dma_wait3A_1353 : memref<128xf32, #tpu.memory_space<vmem>>) dst(%dma_wait3A_1350 : memref<128xf32, #tpu.memory_space<hbm>>)
    return
  }
}

module attributes {stable_mosaic.version = 14 : i64} {
  func.func @_tc_chamfer_body(%arg0: memref<3x8x512xf32, #tpu.memory_space<vmem>>, %arg1: memref<4x4096xf32, #tpu.memory_space<vmem>>, %arg2: memref<1x1xf32, #tpu.memory_space<smem>>, %arg3: memref<4x8x4096xf32, #tpu.memory_space<vmem>>, %arg4: memref<3x512x8x128xf32, #tpu.memory_space<vmem>>, %arg5: memref<512x8x128xf32, #tpu.memory_space<vmem>>) attributes {dimension_semantics = [], scalar_prefetch = 0 : i64, scratch_operands = 3 : i64, tpu.core_type = #tpu.core_type<tc>} {
    %get3A = arith.constant 0 : index
    %get3A_0 = arith.constant 0 : index
    %get3A_1 = vector.load %arg1[%get3A, %get3A_0] : memref<4x4096xf32, #tpu.memory_space<vmem>>, vector<1x4096xf32>
    %broadcast_in_dim3A = vector.shape_cast %get3A_1 : vector<1x4096xf32> to vector<1x4096xf32>
    %broadcast_in_dim3A_2 = vector.broadcast %broadcast_in_dim3A : vector<1x4096xf32> to vector<8x4096xf32>
    %swap3A = arith.constant 0 : index
    %swap3A_3 = arith.constant 0 : index
    %swap3A_4 = arith.constant 0 : index
    %swap3A_5 = vector.load %arg3[%swap3A, %swap3A_3, %swap3A_4] : memref<4x8x4096xf32, #tpu.memory_space<vmem>>, vector<1x8x4096xf32>
    %swap3A_6 = vector.shape_cast %swap3A_5 : vector<1x8x4096xf32> to vector<8x4096xf32>
    %swap3A_7 = vector.shape_cast %broadcast_in_dim3A_2 : vector<8x4096xf32> to vector<1x8x4096xf32>
    tpu.vector_store %arg3[%swap3A, %swap3A_3, %swap3A_4], %swap3A_7 {strides = array<i32>} : memref<4x8x4096xf32, #tpu.memory_space<vmem>>, vector<1x8x4096xf32>,
    %get3A_8 = arith.constant 1 : index
    %get3A_9 = arith.constant 0 : index
    %get3A_10 = vector.load %arg1[%get3A_8, %get3A_9] : memref<4x4096xf32, #tpu.memory_space<vmem>>, vector<1x4096xf32>
    %broadcast_in_dim3A_11 = vector.shape_cast %get3A_10 : vector<1x4096xf32> to vector<1x4096xf32>
    %broadcast_in_dim3A_12 = vector.broadcast %broadcast_in_dim3A_11 : vector<1x4096xf32> to vector<8x4096xf32>
    %swap3A_13 = arith.constant 1 : index
    %swap3A_14 = arith.constant 0 : index
    %swap3A_15 = arith.constant 0 : index
    %swap3A_16 = vector.load %arg3[%swap3A_13, %swap3A_14, %swap3A_15] : memref<4x8x4096xf32, #tpu.memory_space<vmem>>, vector<1x8x4096xf32>
    %swap3A_17 = vector.shape_cast %swap3A_16 : vector<1x8x4096xf32> to vector<8x4096xf32>
    %swap3A_18 = vector.shape_cast %broadcast_in_dim3A_12 : vector<8x4096xf32> to vector<1x8x4096xf32>
    tpu.vector_store %arg3[%swap3A_13, %swap3A_14, %swap3A_15], %swap3A_18 {strides = array<i32>} : memref<4x8x4096xf32, #tpu.memory_space<vmem>>, vector<1x8x4096xf32>,
    %get3A_19 = arith.constant 2 : index
    %get3A_20 = arith.constant 0 : index
    %get3A_21 = vector.load %arg1[%get3A_19, %get3A_20] : memref<4x4096xf32, #tpu.memory_space<vmem>>, vector<1x4096xf32>
    %broadcast_in_dim3A_22 = vector.shape_cast %get3A_21 : vector<1x4096xf32> to vector<1x4096xf32>
    %broadcast_in_dim3A_23 = vector.broadcast %broadcast_in_dim3A_22 : vector<1x4096xf32> to vector<8x4096xf32>
    %swap3A_24 = arith.constant 2 : index
    %swap3A_25 = arith.constant 0 : index
    %swap3A_26 = arith.constant 0 : index
    %swap3A_27 = vector.load %arg3[%swap3A_24, %swap3A_25, %swap3A_26] : memref<4x8x4096xf32, #tpu.memory_space<vmem>>, vector<1x8x4096xf32>
    %swap3A_28 = vector.shape_cast %swap3A_27 : vector<1x8x4096xf32> to vector<8x4096xf32>
    %swap3A_29 = vector.shape_cast %broadcast_in_dim3A_23 : vector<8x4096xf32> to vector<1x8x4096xf32>
    tpu.vector_store %arg3[%swap3A_24, %swap3A_25, %swap3A_26], %swap3A_29 {strides = array<i32>} : memref<4x8x4096xf32, #tpu.memory_space<vmem>>, vector<1x8x4096xf32>,
    %get3A_30 = arith.constant 3 : index
    %get3A_31 = arith.constant 0 : index
    %get3A_32 = vector.load %arg1[%get3A_30, %get3A_31] : memref<4x4096xf32, #tpu.memory_space<vmem>>, vector<1x4096xf32>
    %broadcast_in_dim3A_33 = vector.shape_cast %get3A_32 : vector<1x4096xf32> to vector<1x4096xf32>
    %broadcast_in_dim3A_34 = vector.broadcast %broadcast_in_dim3A_33 : vector<1x4096xf32> to vector<8x4096xf32>
    %swap3A_35 = arith.constant 3 : index
    %swap3A_36 = arith.constant 0 : index
    %swap3A_37 = arith.constant 0 : index
    %swap3A_38 = vector.load %arg3[%swap3A_35, %swap3A_36, %swap3A_37] : memref<4x8x4096xf32, #tpu.memory_space<vmem>>, vector<1x8x4096xf32>
    %swap3A_39 = vector.shape_cast %swap3A_38 : vector<1x8x4096xf32> to vector<8x4096xf32>
    %swap3A_40 = vector.shape_cast %broadcast_in_dim3A_34 : vector<8x4096xf32> to vector<1x8x4096xf32>
    tpu.vector_store %arg3[%swap3A_35, %swap3A_36, %swap3A_37], %swap3A_40 {strides = array<i32>} : memref<4x8x4096xf32, #tpu.memory_space<vmem>>, vector<1x8x4096xf32>,
    %scan3A = arith.constant 0 : i32
    %scan3A_41 = arith.constant 16 : i32
    %scan3A_42 = arith.addi %scan3A, %scan3A_41 : i32
    %scan3A_43 = arith.constant 1 : i32
    scf.for %scan3A_65 = %scan3A to %scan3A_42 step %scan3A_43  : i32 {
      %mul3A = arith.constant 2 : i32
      %mul3A_66 = arith.muli %scan3A_65, %mul3A : i32
      %add3A = arith.constant 0 : i32
      %add3A_67 = arith.addi %mul3A_66, %add3A : i32
      %jit3A = arith.constant 8 : i32
      %div3A = arith.divsi %add3A_67, %jit3A : i32
      %sign3A = arith.constant 0 : i32
      %sign3A_68 = arith.cmpi sgt, %add3A_67, %sign3A : i32
      %sign3A_69 = arith.extui %sign3A_68 : i1 to i32
      %sign3A_70 = arith.constant 0 : i32
      %sign3A_71 = arith.cmpi slt, %add3A_67, %sign3A_70 : i32
      %sign3A_72 = arith.extui %sign3A_71 : i1 to i32
      %sign3A_73 = arith.subi %sign3A_69, %sign3A_72 : i32
      %sign3A_74 = arith.constant 0 : i32
      %sign3A_75 = arith.cmpi sgt, %jit3A, %sign3A_74 : i32
      %sign3A_76 = arith.extui %sign3A_75 : i1 to i32
      %sign3A_77 = arith.constant 0 : i32
      %sign3A_78 = arith.cmpi slt, %jit3A, %sign3A_77 : i32
      %sign3A_79 = arith.extui %sign3A_78 : i1 to i32
      %sign3A_80 = arith.subi %sign3A_76, %sign3A_79 : i32
      %ne3A = arith.cmpi ne, %sign3A_73, %sign3A_80 : i32
      %rem3A = arith.remsi %add3A_67, %jit3A : i32
      %ne3A_81 = arith.constant 0 : i32
      %ne3A_82 = arith.cmpi ne, %rem3A, %ne3A_81 : i32
      %and3A = arith.andi %ne3A, %ne3A_82 : i1
      %sub3A = arith.constant 1 : i32
      %sub3A_83 = arith.subi %div3A, %sub3A : i32
      %select_n3A = arith.select %and3A, %sub3A_83, %div3A : i32
      %mul3A_84 = arith.constant 128 : i32
      %mul3A_85 = arith.muli %select_n3A, %mul3A_84 : i32
      %multiple_of3A = tpu.assume_multiple %mul3A_85, 128 : i32
      %jit3A_86 = arith.constant 8 : i32
      %eq3A = arith.constant 0 : i32
      %eq3A_87 = arith.cmpi eq, %jit3A_86, %eq3A : i32
      %jit3A_88 = arith.constant 1 : i32
      %select_n3A_89 = arith.select %eq3A_87, %jit3A_88, %jit3A_86 : i32
      %rem3A_90 = arith.remsi %add3A_67, %select_n3A_89 : i32
      %ne3A_91 = arith.constant 0 : i32
      %ne3A_92 = arith.cmpi ne, %rem3A_90, %ne3A_91 : i32
      %lt3A = arith.constant 0 : i32
      %lt3A_93 = arith.cmpi slt, %rem3A_90, %lt3A : i32
      %lt3A_94 = arith.constant 0 : i32
      %lt3A_95 = arith.cmpi slt, %select_n3A_89, %lt3A_94 : i32
      %ne3A_96 = arith.xori %lt3A_93, %lt3A_95 : i1
      %and3A_97 = arith.andi %ne3A_96, %ne3A_92 : i1
      %add3A_98 = arith.addi %rem3A_90, %select_n3A_89 : i32
      %select_n3A_99 = arith.select %and3A_97, %add3A_98, %rem3A_90 : i32
      %mul3A_100 = arith.constant 16 : i32
      %mul3A_101 = arith.muli %select_n3A_99, %mul3A_100 : i32
      %get3A_102 = arith.constant 0 : index
      %get3A_103 = arith.constant 0 : index
      %get3A_104 = arith.index_cast %multiple_of3A : i32 to index
      %get3A_105 = vector.load %arg0[%get3A_102, %get3A_103, %get3A_104] : memref<3x8x512xf32, #tpu.memory_space<vmem>>, vector<1x8x128xf32>
      %get3A_106 = vector.shape_cast %get3A_105 : vector<1x8x128xf32> to vector<8x128xf32>
      %neg3A = arith.constant 0 : i32
      %neg3A_107 = arith.subi %neg3A, %mul3A_101 : i32
      %roll3A = tpu.dynamic_rotate %get3A_106 by %neg3A_107 dim 1 : vector<8x128xf32>, i32 -> vector<8x128xf32>
      %slice3A = vector.extract_strided_slice %roll3A {offsets = [0, 0], sizes = [8, 1], strides = [1, 1]} : vector<8x128xf32> to vector<8x1xf32>
      %broadcast_in_dim3A_108 = vector.shape_cast %slice3A : vector<8x1xf32> to vector<8x1xf32>
      %broadcast_in_dim3A_109 = vector.broadcast %broadcast_in_dim3A_108 : vector<8x1xf32> to vector<8x128xf32>
      %mul3A_110 = arith.constant 16 : i32
      %mul3A_111 = arith.muli %add3A_67, %mul3A_110 : i32
      %add3A_112 = arith.constant 0 : i32
      %add3A_113 = arith.addi %mul3A_111, %add3A_112 : i32
      %swap3A_114 = arith.constant 0 : index
      %swap3A_115 = arith.index_cast %add3A_113 : i32 to index
      %swap3A_116 = arith.constant 0 : index
      %swap3A_117 = arith.constant 0 : index
      %swap3A_118 = vector.load %arg4[%swap3A_114, %swap3A_115, %swap3A_116, %swap3A_117] : memref<3x512x8x128xf32, #tpu.memory_space<vmem>>, vector<1x1x8x128xf32>
      %swap3A_119 = vector.shape_cast %swap3A_118 : vector<1x1x8x128xf32> to vector<8x128xf32>
      %swap3A_120 = vector.shape_cast %broadcast_in_dim3A_109 : vector<8x128xf32> to vector<1x1x8x128xf32>
      tpu.vector_store %arg4[%swap3A_114, %swap3A_115, %swap3A_116, %swap3A_117], %swap3A_120 {strides = array<i32>} : memref<3x512x8x128xf32, #tpu.memory_space<vmem>>, vector<1x1x8x128xf32>,
      %slice3A_121 = vector.extract_strided_slice %roll3A {offsets = [0, 1], sizes = [8, 1], strides = [1, 1]} : vector<8x128xf32> to vector<8x1xf32>
      %broadcast_in_dim3A_122 = vector.shape_cast %slice3A_121 : vector<8x1xf32> to vector<8x1xf32>
      %broadcast_in_dim3A_123 = vector.broadcast %broadcast_in_dim3A_122 : vector<8x1xf32> to vector<8x128xf32>
      %mul3A_124 = arith.constant 16 : i32
      %mul3A_125 = arith.muli %add3A_67, %mul3A_124 : i32
      %add3A_126 = arith.constant 1 : i32
      %add3A_127 = arith.addi %mul3A_125, %add3A_126 : i32
      %swap3A_128 = arith.constant 0 : index
      %swap3A_129 = arith.index_cast %add3A_127 : i32 to index
      %swap3A_130 = arith.constant 0 : index
      %swap3A_131 = arith.constant 0 : index
      %swap3A_132 = vector.load %arg4[%swap3A_128, %swap3A_129, %swap3A_130, %swap3A_131] : memref<3x512x8x128xf32, #tpu.memory_space<vmem>>, vector<1x1x8x128xf32>
      %swap3A_133 = vector.shape_cast %swap3A_132 : vector<1x1x8x128xf32> to vector<8x128xf32>
      %swap3A_134 = vector.shape_cast %broadcast_in_dim3A_123 : vector<8x128xf32> to vector<1x1x8x128xf32>
      tpu.vector_store %arg4[%swap3A_128, %swap3A_129, %swap3A_130, %swap3A_131], %swap3A_134 {strides = array<i32>} : memref<3x512x8x128xf32, #tpu.memory_space<vmem>>, vector<1x1x8x128xf32>,
      %slice3A_135 = vector.extract_strided_slice %roll3A {offsets = [0, 2], sizes = [8, 1], strides = [1, 1]} : vector<8x128xf32> to vector<8x1xf32>
      %broadcast_in_dim3A_136 = vector.shape_cast %slice3A_135 : vector<8x1xf32> to vector<8x1xf32>
      %broadcast_in_dim3A_137 = vector.broadcast %broadcast_in_dim3A_136 : vector<8x1xf32> to vector<8x128xf32>
      %mul3A_138 = arith.constant 16 : i32
      %mul3A_139 = arith.muli %add3A_67, %mul3A_138 : i32
      %add3A_140 = arith.constant 2 : i32
      %add3A_141 = arith.addi %mul3A_139, %add3A_140 : i32
      %swap3A_142 = arith.constant 0 : index
      %swap3A_143 = arith.index_cast %add3A_141 : i32 to index
      %swap3A_144 = arith.constant 0 : index
      %swap3A_145 = arith.constant 0 : index
      %swap3A_146 = vector.load %arg4[%swap3A_142, %swap3A_143, %swap3A_144, %swap3A_145] : memref<3x512x8x128xf32, #tpu.memory_space<vmem>>, vector<1x1x8x128xf32>
      %swap3A_147 = vector.shape_cast %swap3A_146 : vector<1x1x8x128xf32> to vector<8x128xf32>
      %swap3A_148 = vector.shape_cast %broadcast_in_dim3A_137 : vector<8x128xf32> to vector<1x1x8x128xf32>
      tpu.vector_store %arg4[%swap3A_142, %swap3A_143, %swap3A_144, %swap3A_145], %swap3A_148 {strides = array<i32>} : memref<3x512x8x128xf32, #tpu.memory_space<vmem>>, vector<1x1x8x128xf32>,
      %slice3A_149 = vector.extract_strided_slice %roll3A {offsets = [0, 3], sizes = [8, 1], strides = [1, 1]} : vector<8x128xf32> to vector<8x1xf32>
      %broadcast_in_dim3A_150 = vector.shape_cast %slice3A_149 : vector<8x1xf32> to vector<8x1xf32>
      %broadcast_in_dim3A_151 = vector.broadcast %broadcast_in_dim3A_150 : vector<8x1xf32> to vector<8x128xf32>
      %mul3A_152 = arith.constant 16 : i32
      %mul3A_153 = arith.muli %add3A_67, %mul3A_152 : i32
      %add3A_154 = arith.constant 3 : i32
      %add3A_155 = arith.addi %mul3A_153, %add3A_154 : i32
      %swap3A_156 = arith.constant 0 : index
      %swap3A_157 = arith.index_cast %add3A_155 : i32 to index
      %swap3A_158 = arith.constant 0 : index
      %swap3A_159 = arith.constant 0 : index
      %swap3A_160 = vector.load %arg4[%swap3A_156, %swap3A_157, %swap3A_158, %swap3A_159] : memref<3x512x8x128xf32, #tpu.memory_space<vmem>>, vector<1x1x8x128xf32>
      %swap3A_161 = vector.shape_cast %swap3A_160 : vector<1x1x8x128xf32> to vector<8x128xf32>
      %swap3A_162 = vector.shape_cast %broadcast_in_dim3A_151 : vector<8x128xf32> to vector<1x1x8x128xf32>
      tpu.vector_store %arg4[%swap3A_156, %swap3A_157, %swap3A_158, %swap3A_159], %swap3A_162 {strides = array<i32>} : memref<3x512x8x128xf32, #tpu.memory_space<vmem>>, vector<1x1x8x128xf32>,
      %slice3A_163 = vector.extract_strided_slice %roll3A {offsets = [0, 4], sizes = [8, 1], strides = [1, 1]} : vector<8x128xf32> to vector<8x1xf32>
      %broadcast_in_dim3A_164 = vector.shape_cast %slice3A_163 : vector<8x1xf32> to vector<8x1xf32>
      %broadcast_in_dim3A_165 = vector.broadcast %broadcast_in_dim3A_164 : vector<8x1xf32> to vector<8x128xf32>
      %mul3A_166 = arith.constant 16 : i32
      %mul3A_167 = arith.muli %add3A_67, %mul3A_166 : i32
      %add3A_168 = arith.constant 4 : i32
      %add3A_169 = arith.addi %mul3A_167, %add3A_168 : i32
      %swap3A_170 = arith.constant 0 : index
      %swap3A_171 = arith.index_cast %add3A_169 : i32 to index
      %swap3A_172 = arith.constant 0 : index
      %swap3A_173 = arith.constant 0 : index
      %swap3A_174 = vector.load %arg4[%swap3A_170, %swap3A_171, %swap3A_172, %swap3A_173] : memref<3x512x8x128xf32, #tpu.memory_space<vmem>>, vector<1x1x8x128xf32>
      %swap3A_175 = vector.shape_cast %swap3A_174 : vector<1x1x8x128xf32> to vector<8x128xf32>
      %swap3A_176 = vector.shape_cast %broadcast_in_dim3A_165 : vector<8x128xf32> to vector<1x1x8x128xf32>
      tpu.vector_store %arg4[%swap3A_170, %swap3A_171, %swap3A_172, %swap3A_173], %swap3A_176 {strides = array<i32>} : memref<3x512x8x128xf32, #tpu.memory_space<vmem>>, vector<1x1x8x128xf32>,
      %slice3A_177 = vector.extract_strided_slice %roll3A {offsets = [0, 5], sizes = [8, 1], strides = [1, 1]} : vector<8x128xf32> to vector<8x1xf32>
      %broadcast_in_dim3A_178 = vector.shape_cast %slice3A_177 : vector<8x1xf32> to vector<8x1xf32>
      %broadcast_in_dim3A_179 = vector.broadcast %broadcast_in_dim3A_178 : vector<8x1xf32> to vector<8x128xf32>
      %mul3A_180 = arith.constant 16 : i32
      %mul3A_181 = arith.muli %add3A_67, %mul3A_180 : i32
      %add3A_182 = arith.constant 5 : i32
      %add3A_183 = arith.addi %mul3A_181, %add3A_182 : i32
      %swap3A_184 = arith.constant 0 : index
      %swap3A_185 = arith.index_cast %add3A_183 : i32 to index
      %swap3A_186 = arith.constant 0 : index
      %swap3A_187 = arith.constant 0 : index
      %swap3A_188 = vector.load %arg4[%swap3A_184, %swap3A_185, %swap3A_186, %swap3A_187] : memref<3x512x8x128xf32, #tpu.memory_space<vmem>>, vector<1x1x8x128xf32>
      %swap3A_189 = vector.shape_cast %swap3A_188 : vector<1x1x8x128xf32> to vector<8x128xf32>
      %swap3A_190 = vector.shape_cast %broadcast_in_dim3A_179 : vector<8x128xf32> to vector<1x1x8x128xf32>
      tpu.vector_store %arg4[%swap3A_184, %swap3A_185, %swap3A_186, %swap3A_187], %swap3A_190 {strides = array<i32>} : memref<3x512x8x128xf32, #tpu.memory_space<vmem>>, vector<1x1x8x128xf32>,
      %slice3A_191 = vector.extract_strided_slice %roll3A {offsets = [0, 6], sizes = [8, 1], strides = [1, 1]} : vector<8x128xf32> to vector<8x1xf32>
      %broadcast_in_dim3A_192 = vector.shape_cast %slice3A_191 : vector<8x1xf32> to vector<8x1xf32>
      %broadcast_in_dim3A_193 = vector.broadcast %broadcast_in_dim3A_192 : vector<8x1xf32> to vector<8x128xf32>
      %mul3A_194 = arith.constant 16 : i32
      %mul3A_195 = arith.muli %add3A_67, %mul3A_194 : i32
      %add3A_196 = arith.constant 6 : i32
      %add3A_197 = arith.addi %mul3A_195, %add3A_196 : i32
      %swap3A_198 = arith.constant 0 : index
      %swap3A_199 = arith.index_cast %add3A_197 : i32 to index
      %swap3A_200 = arith.constant 0 : index
      %swap3A_201 = arith.constant 0 : index
      %swap3A_202 = vector.load %arg4[%swap3A_198, %swap3A_199, %swap3A_200, %swap3A_201] : memref<3x512x8x128xf32, #tpu.memory_space<vmem>>, vector<1x1x8x128xf32>
      %swap3A_203 = vector.shape_cast %swap3A_202 : vector<1x1x8x128xf32> to vector<8x128xf32>
      %swap3A_204 = vector.shape_cast %broadcast_in_dim3A_193 : vector<8x128xf32> to vector<1x1x8x128xf32>
      tpu.vector_store %arg4[%swap3A_198, %swap3A_199, %swap3A_200, %swap3A_201], %swap3A_204 {strides = array<i32>} : memref<3x512x8x128xf32, #tpu.memory_space<vmem>>, vector<1x1x8x128xf32>,
      %slice3A_205 = vector.extract_strided_slice %roll3A {offsets = [0, 7], sizes = [8, 1], strides = [1, 1]} : vector<8x128xf32> to vector<8x1xf32>
      %broadcast_in_dim3A_206 = vector.shape_cast %slice3A_205 : vector<8x1xf32> to vector<8x1xf32>
      %broadcast_in_dim3A_207 = vector.broadcast %broadcast_in_dim3A_206 : vector<8x1xf32> to vector<8x128xf32>
      %mul3A_208 = arith.constant 16 : i32
      %mul3A_209 = arith.muli %add3A_67, %mul3A_208 : i32
      %add3A_210 = arith.constant 7 : i32
      %add3A_211 = arith.addi %mul3A_209, %add3A_210 : i32
      %swap3A_212 = arith.constant 0 : index
      %swap3A_213 = arith.index_cast %add3A_211 : i32 to index
      %swap3A_214 = arith.constant 0 : index
      %swap3A_215 = arith.constant 0 : index
      %swap3A_216 = vector.load %arg4[%swap3A_212, %swap3A_213, %swap3A_214, %swap3A_215] : memref<3x512x8x128xf32, #tpu.memory_space<vmem>>, vector<1x1x8x128xf32>
      %swap3A_217 = vector.shape_cast %swap3A_216 : vector<1x1x8x128xf32> to vector<8x128xf32>
      %swap3A_218 = vector.shape_cast %broadcast_in_dim3A_207 : vector<8x128xf32> to vector<1x1x8x128xf32>
      tpu.vector_store %arg4[%swap3A_212, %swap3A_213, %swap3A_214, %swap3A_215], %swap3A_218 {strides = array<i32>} : memref<3x512x8x128xf32, #tpu.memory_space<vmem>>, vector<1x1x8x128xf32>,
      %slice3A_219 = vector.extract_strided_slice %roll3A {offsets = [0, 8], sizes = [8, 1], strides = [1, 1]} : vector<8x128xf32> to vector<8x1xf32>
      %broadcast_in_dim3A_220 = vector.shape_cast %slice3A_219 : vector<8x1xf32> to vector<8x1xf32>
      %broadcast_in_dim3A_221 = vector.broadcast %broadcast_in_dim3A_220 : vector<8x1xf32> to vector<8x128xf32>
      %mul3A_222 = arith.constant 16 : i32
      %mul3A_223 = arith.muli %add3A_67, %mul3A_222 : i32
      %add3A_224 = arith.constant 8 : i32
      %add3A_225 = arith.addi %mul3A_223, %add3A_224 : i32
      %swap3A_226 = arith.constant 0 : index
      %swap3A_227 = arith.index_cast %add3A_225 : i32 to index
      %swap3A_228 = arith.constant 0 : index
      %swap3A_229 = arith.constant 0 : index
      %swap3A_230 = vector.load %arg4[%swap3A_226, %swap3A_227, %swap3A_228, %swap3A_229] : memref<3x512x8x128xf32, #tpu.memory_space<vmem>>, vector<1x1x8x128xf32>
      %swap3A_231 = vector.shape_cast %swap3A_230 : vector<1x1x8x128xf32> to vector<8x128xf32>
      %swap3A_232 = vector.shape_cast %broadcast_in_dim3A_221 : vector<8x128xf32> to vector<1x1x8x128xf32>
      tpu.vector_store %arg4[%swap3A_226, %swap3A_227, %swap3A_228, %swap3A_229], %swap3A_232 {strides = array<i32>} : memref<3x512x8x128xf32, #tpu.memory_space<vmem>>, vector<1x1x8x128xf32>,
      %slice3A_233 = vector.extract_strided_slice %roll3A {offsets = [0, 9], sizes = [8, 1], strides = [1, 1]} : vector<8x128xf32> to vector<8x1xf32>
      %broadcast_in_dim3A_234 = vector.shape_cast %slice3A_233 : vector<8x1xf32> to vector<8x1xf32>
      %broadcast_in_dim3A_235 = vector.broadcast %broadcast_in_dim3A_234 : vector<8x1xf32> to vector<8x128xf32>
      %mul3A_236 = arith.constant 16 : i32
      %mul3A_237 = arith.muli %add3A_67, %mul3A_236 : i32
      %add3A_238 = arith.constant 9 : i32
      %add3A_239 = arith.addi %mul3A_237, %add3A_238 : i32
      %swap3A_240 = arith.constant 0 : index
      %swap3A_241 = arith.index_cast %add3A_239 : i32 to index
      %swap3A_242 = arith.constant 0 : index
      %swap3A_243 = arith.constant 0 : index
      %swap3A_244 = vector.load %arg4[%swap3A_240, %swap3A_241, %swap3A_242, %swap3A_243] : memref<3x512x8x128xf32, #tpu.memory_space<vmem>>, vector<1x1x8x128xf32>
      %swap3A_245 = vector.shape_cast %swap3A_244 : vector<1x1x8x128xf32> to vector<8x128xf32>
      %swap3A_246 = vector.shape_cast %broadcast_in_dim3A_235 : vector<8x128xf32> to vector<1x1x8x128xf32>
      tpu.vector_store %arg4[%swap3A_240, %swap3A_241, %swap3A_242, %swap3A_243], %swap3A_246 {strides = array<i32>} : memref<3x512x8x128xf32, #tpu.memory_space<vmem>>, vector<1x1x8x128xf32>,
      %slice3A_247 = vector.extract_strided_slice %roll3A {offsets = [0, 10], sizes = [8, 1], strides = [1, 1]} : vector<8x128xf32> to vector<8x1xf32>
      %broadcast_in_dim3A_248 = vector.shape_cast %slice3A_247 : vector<8x1xf32> to vector<8x1xf32>
      %broadcast_in_dim3A_249 = vector.broadcast %broadcast_in_dim3A_248 : vector<8x1xf32> to vector<8x128xf32>
      %mul3A_250 = arith.constant 16 : i32
      %mul3A_251 = arith.muli %add3A_67, %mul3A_250 : i32
      %add3A_252 = arith.constant 10 : i32
      %add3A_253 = arith.addi %mul3A_251, %add3A_252 : i32
      %swap3A_254 = arith.constant 0 : index
      %swap3A_255 = arith.index_cast %add3A_253 : i32 to index
      %swap3A_256 = arith.constant 0 : index
      %swap3A_257 = arith.constant 0 : index
      %swap3A_258 = vector.load %arg4[%swap3A_254, %swap3A_255, %swap3A_256, %swap3A_257] : memref<3x512x8x128xf32, #tpu.memory_space<vmem>>, vector<1x1x8x128xf32>
      %swap3A_259 = vector.shape_cast %swap3A_258 : vector<1x1x8x128xf32> to vector<8x128xf32>
      %swap3A_260 = vector.shape_cast %broadcast_in_dim3A_249 : vector<8x128xf32> to vector<1x1x8x128xf32>
      tpu.vector_store %arg4[%swap3A_254, %swap3A_255, %swap3A_256, %swap3A_257], %swap3A_260 {strides = array<i32>} : memref<3x512x8x128xf32, #tpu.memory_space<vmem>>, vector<1x1x8x128xf32>,
      %slice3A_261 = vector.extract_strided_slice %roll3A {offsets = [0, 11], sizes = [8, 1], strides = [1, 1]} : vector<8x128xf32> to vector<8x1xf32>
      %broadcast_in_dim3A_262 = vector.shape_cast %slice3A_261 : vector<8x1xf32> to vector<8x1xf32>
      %broadcast_in_dim3A_263 = vector.broadcast %broadcast_in_dim3A_262 : vector<8x1xf32> to vector<8x128xf32>
      %mul3A_264 = arith.constant 16 : i32
      %mul3A_265 = arith.muli %add3A_67, %mul3A_264 : i32
      %add3A_266 = arith.constant 11 : i32
      %add3A_267 = arith.addi %mul3A_265, %add3A_266 : i32
      %swap3A_268 = arith.constant 0 : index
      %swap3A_269 = arith.index_cast %add3A_267 : i32 to index
      %swap3A_270 = arith.constant 0 : index
      %swap3A_271 = arith.constant 0 : index
      %swap3A_272 = vector.load %arg4[%swap3A_268, %swap3A_269, %swap3A_270, %swap3A_271] : memref<3x512x8x128xf32, #tpu.memory_space<vmem>>, vector<1x1x8x128xf32>
      %swap3A_273 = vector.shape_cast %swap3A_272 : vector<1x1x8x128xf32> to vector<8x128xf32>
      %swap3A_274 = vector.shape_cast %broadcast_in_dim3A_263 : vector<8x128xf32> to vector<1x1x8x128xf32>
      tpu.vector_store %arg4[%swap3A_268, %swap3A_269, %swap3A_270, %swap3A_271], %swap3A_274 {strides = array<i32>} : memref<3x512x8x128xf32, #tpu.memory_space<vmem>>, vector<1x1x8x128xf32>,
      %slice3A_275 = vector.extract_strided_slice %roll3A {offsets = [0, 12], sizes = [8, 1], strides = [1, 1]} : vector<8x128xf32> to vector<8x1xf32>
      %broadcast_in_dim3A_276 = vector.shape_cast %slice3A_275 : vector<8x1xf32> to vector<8x1xf32>
      %broadcast_in_dim3A_277 = vector.broadcast %broadcast_in_dim3A_276 : vector<8x1xf32> to vector<8x128xf32>
      %mul3A_278 = arith.constant 16 : i32
      %mul3A_279 = arith.muli %add3A_67, %mul3A_278 : i32
      %add3A_280 = arith.constant 12 : i32
      %add3A_281 = arith.addi %mul3A_279, %add3A_280 : i32
      %swap3A_282 = arith.constant 0 : index
      %swap3A_283 = arith.index_cast %add3A_281 : i32 to index
      %swap3A_284 = arith.constant 0 : index
      %swap3A_285 = arith.constant 0 : index
      %swap3A_286 = vector.load %arg4[%swap3A_282, %swap3A_283, %swap3A_284, %swap3A_285] : memref<3x512x8x128xf32, #tpu.memory_space<vmem>>, vector<1x1x8x128xf32>
      %swap3A_287 = vector.shape_cast %swap3A_286 : vector<1x1x8x128xf32> to vector<8x128xf32>
      %swap3A_288 = vector.shape_cast %broadcast_in_dim3A_277 : vector<8x128xf32> to vector<1x1x8x128xf32>
      tpu.vector_store %arg4[%swap3A_282, %swap3A_283, %swap3A_284, %swap3A_285], %swap3A_288 {strides = array<i32>} : memref<3x512x8x128xf32, #tpu.memory_space<vmem>>, vector<1x1x8x128xf32>,
      %slice3A_289 = vector.extract_strided_slice %roll3A {offsets = [0, 13], sizes = [8, 1], strides = [1, 1]} : vector<8x128xf32> to vector<8x1xf32>
      %broadcast_in_dim3A_290 = vector.shape_cast %slice3A_289 : vector<8x1xf32> to vector<8x1xf32>
      %broadcast_in_dim3A_291 = vector.broadcast %broadcast_in_dim3A_290 : vector<8x1xf32> to vector<8x128xf32>
      %mul3A_292 = arith.constant 16 : i32
      %mul3A_293 = arith.muli %add3A_67, %mul3A_292 : i32
      %add3A_294 = arith.constant 13 : i32
      %add3A_295 = arith.addi %mul3A_293, %add3A_294 : i32
      %swap3A_296 = arith.constant 0 : index
      %swap3A_297 = arith.index_cast %add3A_295 : i32 to index
      %swap3A_298 = arith.constant 0 : index
      %swap3A_299 = arith.constant 0 : index
      %swap3A_300 = vector.load %arg4[%swap3A_296, %swap3A_297, %swap3A_298, %swap3A_299] : memref<3x512x8x128xf32, #tpu.memory_space<vmem>>, vector<1x1x8x128xf32>
      %swap3A_301 = vector.shape_cast %swap3A_300 : vector<1x1x8x128xf32> to vector<8x128xf32>
      %swap3A_302 = vector.shape_cast %broadcast_in_dim3A_291 : vector<8x128xf32> to vector<1x1x8x128xf32>
      tpu.vector_store %arg4[%swap3A_296, %swap3A_297, %swap3A_298, %swap3A_299], %swap3A_302 {strides = array<i32>} : memref<3x512x8x128xf32, #tpu.memory_space<vmem>>, vector<1x1x8x128xf32>,
      %slice3A_303 = vector.extract_strided_slice %roll3A {offsets = [0, 14], sizes = [8, 1], strides = [1, 1]} : vector<8x128xf32> to vector<8x1xf32>
      %broadcast_in_dim3A_304 = vector.shape_cast %slice3A_303 : vector<8x1xf32> to vector<8x1xf32>
      %broadcast_in_dim3A_305 = vector.broadcast %broadcast_in_dim3A_304 : vector<8x1xf32> to vector<8x128xf32>
      %mul3A_306 = arith.constant 16 : i32
      %mul3A_307 = arith.muli %add3A_67, %mul3A_306 : i32
      %add3A_308 = arith.constant 14 : i32
      %add3A_309 = arith.addi %mul3A_307, %add3A_308 : i32
      %swap3A_310 = arith.constant 0 : index
      %swap3A_311 = arith.index_cast %add3A_309 : i32 to index
      %swap3A_312 = arith.constant 0 : index
      %swap3A_313 = arith.constant 0 : index
      %swap3A_314 = vector.load %arg4[%swap3A_310, %swap3A_311, %swap3A_312, %swap3A_313] : memref<3x512x8x128xf32, #tpu.memory_space<vmem>>, vector<1x1x8x128xf32>
      %swap3A_315 = vector.shape_cast %swap3A_314 : vector<1x1x8x128xf32> to vector<8x128xf32>
      %swap3A_316 = vector.shape_cast %broadcast_in_dim3A_305 : vector<8x128xf32> to vector<1x1x8x128xf32>
      tpu.vector_store %arg4[%swap3A_310, %swap3A_311, %swap3A_312, %swap3A_313], %swap3A_316 {strides = array<i32>} : memref<3x512x8x128xf32, #tpu.memory_space<vmem>>, vector<1x1x8x128xf32>,
      %slice3A_317 = vector.extract_strided_slice %roll3A {offsets = [0, 15], sizes = [8, 1], strides = [1, 1]} : vector<8x128xf32> to vector<8x1xf32>
      %broadcast_in_dim3A_318 = vector.shape_cast %slice3A_317 : vector<8x1xf32> to vector<8x1xf32>
      %broadcast_in_dim3A_319 = vector.broadcast %broadcast_in_dim3A_318 : vector<8x1xf32> to vector<8x128xf32>
      %mul3A_320 = arith.constant 16 : i32
      %mul3A_321 = arith.muli %add3A_67, %mul3A_320 : i32
      %add3A_322 = arith.constant 15 : i32
      %add3A_323 = arith.addi %mul3A_321, %add3A_322 : i32
      %swap3A_324 = arith.constant 0 : index
      %swap3A_325 = arith.index_cast %add3A_323 : i32 to index
      %swap3A_326 = arith.constant 0 : index
      %swap3A_327 = arith.constant 0 : index
      %swap3A_328 = vector.load %arg4[%swap3A_324, %swap3A_325, %swap3A_326, %swap3A_327] : memref<3x512x8x128xf32, #tpu.memory_space<vmem>>, vector<1x1x8x128xf32>
      %swap3A_329 = vector.shape_cast %swap3A_328 : vector<1x1x8x128xf32> to vector<8x128xf32>
      %swap3A_330 = vector.shape_cast %broadcast_in_dim3A_319 : vector<8x128xf32> to vector<1x1x8x128xf32>
      tpu.vector_store %arg4[%swap3A_324, %swap3A_325, %swap3A_326, %swap3A_327], %swap3A_330 {strides = array<i32>} : memref<3x512x8x128xf32, #tpu.memory_space<vmem>>, vector<1x1x8x128xf32>,
      %get3A_331 = arith.constant 1 : index
      %get3A_332 = arith.constant 0 : index
      %get3A_333 = arith.index_cast %multiple_of3A : i32 to index
      %get3A_334 = vector.load %arg0[%get3A_331, %get3A_332, %get3A_333] : memref<3x8x512xf32, #tpu.memory_space<vmem>>, vector<1x8x128xf32>
      %get3A_335 = vector.shape_cast %get3A_334 : vector<1x8x128xf32> to vector<8x128xf32>
      %neg3A_336 = arith.constant 0 : i32
      %neg3A_337 = arith.subi %neg3A_336, %mul3A_101 : i32
      %roll3A_338 = tpu.dynamic_rotate %get3A_335 by %neg3A_337 dim 1 : vector<8x128xf32>, i32 -> vector<8x128xf32>
      %slice3A_339 = vector.extract_strided_slice %roll3A_338 {offsets = [0, 0], sizes = [8, 1], strides = [1, 1]} : vector<8x128xf32> to vector<8x1xf32>
      %broadcast_in_dim3A_340 = vector.shape_cast %slice3A_339 : vector<8x1xf32> to vector<8x1xf32>
      %broadcast_in_dim3A_341 = vector.broadcast %broadcast_in_dim3A_340 : vector<8x1xf32> to vector<8x128xf32>
      %mul3A_342 = arith.constant 16 : i32
      %mul3A_343 = arith.muli %add3A_67, %mul3A_342 : i32
      %add3A_344 = arith.constant 0 : i32
      %add3A_345 = arith.addi %mul3A_343, %add3A_344 : i32
      %swap3A_346 = arith.constant 1 : index
      %swap3A_347 = arith.index_cast %add3A_345 : i32 to index
      %swap3A_348 = arith.constant 0 : index
      %swap3A_349 = arith.constant 0 : index
      %swap3A_350 = vector.load %arg4[%swap3A_346, %swap3A_347, %swap3A_348, %swap3A_349] : memref<3x512x8x128xf32, #tpu.memory_space<vmem>>, vector<1x1x8x128xf32>
      %swap3A_351 = vector.shape_cast %swap3A_350 : vector<1x1x8x128xf32> to vector<8x128xf32>
      %swap3A_352 = vector.shape_cast %broadcast_in_dim3A_341 : vector<8x128xf32> to vector<1x1x8x128xf32>
      tpu.vector_store %arg4[%swap3A_346, %swap3A_347, %swap3A_348, %swap3A_349], %swap3A_352 {strides = array<i32>} : memref<3x512x8x128xf32, #tpu.memory_space<vmem>>, vector<1x1x8x128xf32>,
      %slice3A_353 = vector.extract_strided_slice %roll3A_338 {offsets = [0, 1], sizes = [8, 1], strides = [1, 1]} : vector<8x128xf32> to vector<8x1xf32>
      %broadcast_in_dim3A_354 = vector.shape_cast %slice3A_353 : vector<8x1xf32> to vector<8x1xf32>
      %broadcast_in_dim3A_355 = vector.broadcast %broadcast_in_dim3A_354 : vector<8x1xf32> to vector<8x128xf32>
      %mul3A_356 = arith.constant 16 : i32
      %mul3A_357 = arith.muli %add3A_67, %mul3A_356 : i32
      %add3A_358 = arith.constant 1 : i32
      %add3A_359 = arith.addi %mul3A_357, %add3A_358 : i32
      %swap3A_360 = arith.constant 1 : index
      %swap3A_361 = arith.index_cast %add3A_359 : i32 to index
      %swap3A_362 = arith.constant 0 : index
      %swap3A_363 = arith.constant 0 : index
      %swap3A_364 = vector.load %arg4[%swap3A_360, %swap3A_361, %swap3A_362, %swap3A_363] : memref<3x512x8x128xf32, #tpu.memory_space<vmem>>, vector<1x1x8x128xf32>
      %swap3A_365 = vector.shape_cast %swap3A_364 : vector<1x1x8x128xf32> to vector<8x128xf32>
      %swap3A_366 = vector.shape_cast %broadcast_in_dim3A_355 : vector<8x128xf32> to vector<1x1x8x128xf32>
      tpu.vector_store %arg4[%swap3A_360, %swap3A_361, %swap3A_362, %swap3A_363], %swap3A_366 {strides = array<i32>} : memref<3x512x8x128xf32, #tpu.memory_space<vmem>>, vector<1x1x8x128xf32>,
      %slice3A_367 = vector.extract_strided_slice %roll3A_338 {offsets = [0, 2], sizes = [8, 1], strides = [1, 1]} : vector<8x128xf32> to vector<8x1xf32>
      %broadcast_in_dim3A_368 = vector.shape_cast %slice3A_367 : vector<8x1xf32> to vector<8x1xf32>
      %broadcast_in_dim3A_369 = vector.broadcast %broadcast_in_dim3A_368 : vector<8x1xf32> to vector<8x128xf32>
      %mul3A_370 = arith.constant 16 : i32
      %mul3A_371 = arith.muli %add3A_67, %mul3A_370 : i32
      %add3A_372 = arith.constant 2 : i32
      %add3A_373 = arith.addi %mul3A_371, %add3A_372 : i32
      %swap3A_374 = arith.constant 1 : index
      %swap3A_375 = arith.index_cast %add3A_373 : i32 to index
      %swap3A_376 = arith.constant 0 : index
      %swap3A_377 = arith.constant 0 : index
      %swap3A_378 = vector.load %arg4[%swap3A_374, %swap3A_375, %swap3A_376, %swap3A_377] : memref<3x512x8x128xf32, #tpu.memory_space<vmem>>, vector<1x1x8x128xf32>
      %swap3A_379 = vector.shape_cast %swap3A_378 : vector<1x1x8x128xf32> to vector<8x128xf32>
      %swap3A_380 = vector.shape_cast %broadcast_in_dim3A_369 : vector<8x128xf32> to vector<1x1x8x128xf32>
      tpu.vector_store %arg4[%swap3A_374, %swap3A_375, %swap3A_376, %swap3A_377], %swap3A_380 {strides = array<i32>} : memref<3x512x8x128xf32, #tpu.memory_space<vmem>>, vector<1x1x8x128xf32>,
      %slice3A_381 = vector.extract_strided_slice %roll3A_338 {offsets = [0, 3], sizes = [8, 1], strides = [1, 1]} : vector<8x128xf32> to vector<8x1xf32>
      %broadcast_in_dim3A_382 = vector.shape_cast %slice3A_381 : vector<8x1xf32> to vector<8x1xf32>
      %broadcast_in_dim3A_383 = vector.broadcast %broadcast_in_dim3A_382 : vector<8x1xf32> to vector<8x128xf32>
      %mul3A_384 = arith.constant 16 : i32
      %mul3A_385 = arith.muli %add3A_67, %mul3A_384 : i32
      %add3A_386 = arith.constant 3 : i32
      %add3A_387 = arith.addi %mul3A_385, %add3A_386 : i32
      %swap3A_388 = arith.constant 1 : index
      %swap3A_389 = arith.index_cast %add3A_387 : i32 to index
      %swap3A_390 = arith.constant 0 : index
      %swap3A_391 = arith.constant 0 : index
      %swap3A_392 = vector.load %arg4[%swap3A_388, %swap3A_389, %swap3A_390, %swap3A_391] : memref<3x512x8x128xf32, #tpu.memory_space<vmem>>, vector<1x1x8x128xf32>
      %swap3A_393 = vector.shape_cast %swap3A_392 : vector<1x1x8x128xf32> to vector<8x128xf32>
      %swap3A_394 = vector.shape_cast %broadcast_in_dim3A_383 : vector<8x128xf32> to vector<1x1x8x128xf32>
      tpu.vector_store %arg4[%swap3A_388, %swap3A_389, %swap3A_390, %swap3A_391], %swap3A_394 {strides = array<i32>} : memref<3x512x8x128xf32, #tpu.memory_space<vmem>>, vector<1x1x8x128xf32>,
      %slice3A_395 = vector.extract_strided_slice %roll3A_338 {offsets = [0, 4], sizes = [8, 1], strides = [1, 1]} : vector<8x128xf32> to vector<8x1xf32>
      %broadcast_in_dim3A_396 = vector.shape_cast %slice3A_395 : vector<8x1xf32> to vector<8x1xf32>
      %broadcast_in_dim3A_397 = vector.broadcast %broadcast_in_dim3A_396 : vector<8x1xf32> to vector<8x128xf32>
      %mul3A_398 = arith.constant 16 : i32
      %mul3A_399 = arith.muli %add3A_67, %mul3A_398 : i32
      %add3A_400 = arith.constant 4 : i32
      %add3A_401 = arith.addi %mul3A_399, %add3A_400 : i32
      %swap3A_402 = arith.constant 1 : index
      %swap3A_403 = arith.index_cast %add3A_401 : i32 to index
      %swap3A_404 = arith.constant 0 : index
      %swap3A_405 = arith.constant 0 : index
      %swap3A_406 = vector.load %arg4[%swap3A_402, %swap3A_403, %swap3A_404, %swap3A_405] : memref<3x512x8x128xf32, #tpu.memory_space<vmem>>, vector<1x1x8x128xf32>
      %swap3A_407 = vector.shape_cast %swap3A_406 : vector<1x1x8x128xf32> to vector<8x128xf32>
      %swap3A_408 = vector.shape_cast %broadcast_in_dim3A_397 : vector<8x128xf32> to vector<1x1x8x128xf32>
      tpu.vector_store %arg4[%swap3A_402, %swap3A_403, %swap3A_404, %swap3A_405], %swap3A_408 {strides = array<i32>} : memref<3x512x8x128xf32, #tpu.memory_space<vmem>>, vector<1x1x8x128xf32>,
      %slice3A_409 = vector.extract_strided_slice %roll3A_338 {offsets = [0, 5], sizes = [8, 1], strides = [1, 1]} : vector<8x128xf32> to vector<8x1xf32>
      %broadcast_in_dim3A_410 = vector.shape_cast %slice3A_409 : vector<8x1xf32> to vector<8x1xf32>
      %broadcast_in_dim3A_411 = vector.broadcast %broadcast_in_dim3A_410 : vector<8x1xf32> to vector<8x128xf32>
      %mul3A_412 = arith.constant 16 : i32
      %mul3A_413 = arith.muli %add3A_67, %mul3A_412 : i32
      %add3A_414 = arith.constant 5 : i32
      %add3A_415 = arith.addi %mul3A_413, %add3A_414 : i32
      %swap3A_416 = arith.constant 1 : index
      %swap3A_417 = arith.index_cast %add3A_415 : i32 to index
      %swap3A_418 = arith.constant 0 : index
      %swap3A_419 = arith.constant 0 : index
      %swap3A_420 = vector.load %arg4[%swap3A_416, %swap3A_417, %swap3A_418, %swap3A_419] : memref<3x512x8x128xf32, #tpu.memory_space<vmem>>, vector<1x1x8x128xf32>
      %swap3A_421 = vector.shape_cast %swap3A_420 : vector<1x1x8x128xf32> to vector<8x128xf32>
      %swap3A_422 = vector.shape_cast %broadcast_in_dim3A_411 : vector<8x128xf32> to vector<1x1x8x128xf32>
      tpu.vector_store %arg4[%swap3A_416, %swap3A_417, %swap3A_418, %swap3A_419], %swap3A_422 {strides = array<i32>} : memref<3x512x8x128xf32, #tpu.memory_space<vmem>>, vector<1x1x8x128xf32>,
      %slice3A_423 = vector.extract_strided_slice %roll3A_338 {offsets = [0, 6], sizes = [8, 1], strides = [1, 1]} : vector<8x128xf32> to vector<8x1xf32>
      %broadcast_in_dim3A_424 = vector.shape_cast %slice3A_423 : vector<8x1xf32> to vector<8x1xf32>
      %broadcast_in_dim3A_425 = vector.broadcast %broadcast_in_dim3A_424 : vector<8x1xf32> to vector<8x128xf32>
      %mul3A_426 = arith.constant 16 : i32
      %mul3A_427 = arith.muli %add3A_67, %mul3A_426 : i32
      %add3A_428 = arith.constant 6 : i32
      %add3A_429 = arith.addi %mul3A_427, %add3A_428 : i32
      %swap3A_430 = arith.constant 1 : index
      %swap3A_431 = arith.index_cast %add3A_429 : i32 to index
      %swap3A_432 = arith.constant 0 : index
      %swap3A_433 = arith.constant 0 : index
      %swap3A_434 = vector.load %arg4[%swap3A_430, %swap3A_431, %swap3A_432, %swap3A_433] : memref<3x512x8x128xf32, #tpu.memory_space<vmem>>, vector<1x1x8x128xf32>
      %swap3A_435 = vector.shape_cast %swap3A_434 : vector<1x1x8x128xf32> to vector<8x128xf32>
      %swap3A_436 = vector.shape_cast %broadcast_in_dim3A_425 : vector<8x128xf32> to vector<1x1x8x128xf32>
      tpu.vector_store %arg4[%swap3A_430, %swap3A_431, %swap3A_432, %swap3A_433], %swap3A_436 {strides = array<i32>} : memref<3x512x8x128xf32, #tpu.memory_space<vmem>>, vector<1x1x8x128xf32>,
      %slice3A_437 = vector.extract_strided_slice %roll3A_338 {offsets = [0, 7], sizes = [8, 1], strides = [1, 1]} : vector<8x128xf32> to vector<8x1xf32>
      %broadcast_in_dim3A_438 = vector.shape_cast %slice3A_437 : vector<8x1xf32> to vector<8x1xf32>
      %broadcast_in_dim3A_439 = vector.broadcast %broadcast_in_dim3A_438 : vector<8x1xf32> to vector<8x128xf32>
      %mul3A_440 = arith.constant 16 : i32
      %mul3A_441 = arith.muli %add3A_67, %mul3A_440 : i32
      %add3A_442 = arith.constant 7 : i32
      %add3A_443 = arith.addi %mul3A_441, %add3A_442 : i32
      %swap3A_444 = arith.constant 1 : index
      %swap3A_445 = arith.index_cast %add3A_443 : i32 to index
      %swap3A_446 = arith.constant 0 : index
      %swap3A_447 = arith.constant 0 : index
      %swap3A_448 = vector.load %arg4[%swap3A_444, %swap3A_445, %swap3A_446, %swap3A_447] : memref<3x512x8x128xf32, #tpu.memory_space<vmem>>, vector<1x1x8x128xf32>
      %swap3A_449 = vector.shape_cast %swap3A_448 : vector<1x1x8x128xf32> to vector<8x128xf32>
      %swap3A_450 = vector.shape_cast %broadcast_in_dim3A_439 : vector<8x128xf32> to vector<1x1x8x128xf32>
      tpu.vector_store %arg4[%swap3A_444, %swap3A_445, %swap3A_446, %swap3A_447], %swap3A_450 {strides = array<i32>} : memref<3x512x8x128xf32, #tpu.memory_space<vmem>>, vector<1x1x8x128xf32>,
      %slice3A_451 = vector.extract_strided_slice %roll3A_338 {offsets = [0, 8], sizes = [8, 1], strides = [1, 1]} : vector<8x128xf32> to vector<8x1xf32>
      %broadcast_in_dim3A_452 = vector.shape_cast %slice3A_451 : vector<8x1xf32> to vector<8x1xf32>
      %broadcast_in_dim3A_453 = vector.broadcast %broadcast_in_dim3A_452 : vector<8x1xf32> to vector<8x128xf32>
      %mul3A_454 = arith.constant 16 : i32
      %mul3A_455 = arith.muli %add3A_67, %mul3A_454 : i32
      %add3A_456 = arith.constant 8 : i32
      %add3A_457 = arith.addi %mul3A_455, %add3A_456 : i32
      %swap3A_458 = arith.constant 1 : index
      %swap3A_459 = arith.index_cast %add3A_457 : i32 to index
      %swap3A_460 = arith.constant 0 : index
      %swap3A_461 = arith.constant 0 : index
      %swap3A_462 = vector.load %arg4[%swap3A_458, %swap3A_459, %swap3A_460, %swap3A_461] : memref<3x512x8x128xf32, #tpu.memory_space<vmem>>, vector<1x1x8x128xf32>
      %swap3A_463 = vector.shape_cast %swap3A_462 : vector<1x1x8x128xf32> to vector<8x128xf32>
      %swap3A_464 = vector.shape_cast %broadcast_in_dim3A_453 : vector<8x128xf32> to vector<1x1x8x128xf32>
      tpu.vector_store %arg4[%swap3A_458, %swap3A_459, %swap3A_460, %swap3A_461], %swap3A_464 {strides = array<i32>} : memref<3x512x8x128xf32, #tpu.memory_space<vmem>>, vector<1x1x8x128xf32>,
      %slice3A_465 = vector.extract_strided_slice %roll3A_338 {offsets = [0, 9], sizes = [8, 1], strides = [1, 1]} : vector<8x128xf32> to vector<8x1xf32>
      %broadcast_in_dim3A_466 = vector.shape_cast %slice3A_465 : vector<8x1xf32> to vector<8x1xf32>
      %broadcast_in_dim3A_467 = vector.broadcast %broadcast_in_dim3A_466 : vector<8x1xf32> to vector<8x128xf32>
      %mul3A_468 = arith.constant 16 : i32
      %mul3A_469 = arith.muli %add3A_67, %mul3A_468 : i32
      %add3A_470 = arith.constant 9 : i32
      %add3A_471 = arith.addi %mul3A_469, %add3A_470 : i32
      %swap3A_472 = arith.constant 1 : index
      %swap3A_473 = arith.index_cast %add3A_471 : i32 to index
      %swap3A_474 = arith.constant 0 : index
      %swap3A_475 = arith.constant 0 : index
      %swap3A_476 = vector.load %arg4[%swap3A_472, %swap3A_473, %swap3A_474, %swap3A_475] : memref<3x512x8x128xf32, #tpu.memory_space<vmem>>, vector<1x1x8x128xf32>
      %swap3A_477 = vector.shape_cast %swap3A_476 : vector<1x1x8x128xf32> to vector<8x128xf32>
      %swap3A_478 = vector.shape_cast %broadcast_in_dim3A_467 : vector<8x128xf32> to vector<1x1x8x128xf32>
      tpu.vector_store %arg4[%swap3A_472, %swap3A_473, %swap3A_474, %swap3A_475], %swap3A_478 {strides = array<i32>} : memref<3x512x8x128xf32, #tpu.memory_space<vmem>>, vector<1x1x8x128xf32>,
      %slice3A_479 = vector.extract_strided_slice %roll3A_338 {offsets = [0, 10], sizes = [8, 1], strides = [1, 1]} : vector<8x128xf32> to vector<8x1xf32>
      %broadcast_in_dim3A_480 = vector.shape_cast %slice3A_479 : vector<8x1xf32> to vector<8x1xf32>
      %broadcast_in_dim3A_481 = vector.broadcast %broadcast_in_dim3A_480 : vector<8x1xf32> to vector<8x128xf32>
      %mul3A_482 = arith.constant 16 : i32
      %mul3A_483 = arith.muli %add3A_67, %mul3A_482 : i32
      %add3A_484 = arith.constant 10 : i32
      %add3A_485 = arith.addi %mul3A_483, %add3A_484 : i32
      %swap3A_486 = arith.constant 1 : index
      %swap3A_487 = arith.index_cast %add3A_485 : i32 to index
      %swap3A_488 = arith.constant 0 : index
      %swap3A_489 = arith.constant 0 : index
      %swap3A_490 = vector.load %arg4[%swap3A_486, %swap3A_487, %swap3A_488, %swap3A_489] : memref<3x512x8x128xf32, #tpu.memory_space<vmem>>, vector<1x1x8x128xf32>
      %swap3A_491 = vector.shape_cast %swap3A_490 : vector<1x1x8x128xf32> to vector<8x128xf32>
      %swap3A_492 = vector.shape_cast %broadcast_in_dim3A_481 : vector<8x128xf32> to vector<1x1x8x128xf32>
      tpu.vector_store %arg4[%swap3A_486, %swap3A_487, %swap3A_488, %swap3A_489], %swap3A_492 {strides = array<i32>} : memref<3x512x8x128xf32, #tpu.memory_space<vmem>>, vector<1x1x8x128xf32>,
      %slice3A_493 = vector.extract_strided_slice %roll3A_338 {offsets = [0, 11], sizes = [8, 1], strides = [1, 1]} : vector<8x128xf32> to vector<8x1xf32>
      %broadcast_in_dim3A_494 = vector.shape_cast %slice3A_493 : vector<8x1xf32> to vector<8x1xf32>
      %broadcast_in_dim3A_495 = vector.broadcast %broadcast_in_dim3A_494 : vector<8x1xf32> to vector<8x128xf32>
      %mul3A_496 = arith.constant 16 : i32
      %mul3A_497 = arith.muli %add3A_67, %mul3A_496 : i32
      %add3A_498 = arith.constant 11 : i32
      %add3A_499 = arith.addi %mul3A_497, %add3A_498 : i32
      %swap3A_500 = arith.constant 1 : index
      %swap3A_501 = arith.index_cast %add3A_499 : i32 to index
      %swap3A_502 = arith.constant 0 : index
      %swap3A_503 = arith.constant 0 : index
      %swap3A_504 = vector.load %arg4[%swap3A_500, %swap3A_501, %swap3A_502, %swap3A_503] : memref<3x512x8x128xf32, #tpu.memory_space<vmem>>, vector<1x1x8x128xf32>
      %swap3A_505 = vector.shape_cast %swap3A_504 : vector<1x1x8x128xf32> to vector<8x128xf32>
      %swap3A_506 = vector.shape_cast %broadcast_in_dim3A_495 : vector<8x128xf32> to vector<1x1x8x128xf32>
      tpu.vector_store %arg4[%swap3A_500, %swap3A_501, %swap3A_502, %swap3A_503], %swap3A_506 {strides = array<i32>} : memref<3x512x8x128xf32, #tpu.memory_space<vmem>>, vector<1x1x8x128xf32>,
      %slice3A_507 = vector.extract_strided_slice %roll3A_338 {offsets = [0, 12], sizes = [8, 1], strides = [1, 1]} : vector<8x128xf32> to vector<8x1xf32>
      %broadcast_in_dim3A_508 = vector.shape_cast %slice3A_507 : vector<8x1xf32> to vector<8x1xf32>
      %broadcast_in_dim3A_509 = vector.broadcast %broadcast_in_dim3A_508 : vector<8x1xf32> to vector<8x128xf32>
      %mul3A_510 = arith.constant 16 : i32
      %mul3A_511 = arith.muli %add3A_67, %mul3A_510 : i32
      %add3A_512 = arith.constant 12 : i32
      %add3A_513 = arith.addi %mul3A_511, %add3A_512 : i32
      %swap3A_514 = arith.constant 1 : index
      %swap3A_515 = arith.index_cast %add3A_513 : i32 to index
      %swap3A_516 = arith.constant 0 : index
      %swap3A_517 = arith.constant 0 : index
      %swap3A_518 = vector.load %arg4[%swap3A_514, %swap3A_515, %swap3A_516, %swap3A_517] : memref<3x512x8x128xf32, #tpu.memory_space<vmem>>, vector<1x1x8x128xf32>
      %swap3A_519 = vector.shape_cast %swap3A_518 : vector<1x1x8x128xf32> to vector<8x128xf32>
      %swap3A_520 = vector.shape_cast %broadcast_in_dim3A_509 : vector<8x128xf32> to vector<1x1x8x128xf32>
      tpu.vector_store %arg4[%swap3A_514, %swap3A_515, %swap3A_516, %swap3A_517], %swap3A_520 {strides = array<i32>} : memref<3x512x8x128xf32, #tpu.memory_space<vmem>>, vector<1x1x8x128xf32>,
      %slice3A_521 = vector.extract_strided_slice %roll3A_338 {offsets = [0, 13], sizes = [8, 1], strides = [1, 1]} : vector<8x128xf32> to vector<8x1xf32>
      %broadcast_in_dim3A_522 = vector.shape_cast %slice3A_521 : vector<8x1xf32> to vector<8x1xf32>
      %broadcast_in_dim3A_523 = vector.broadcast %broadcast_in_dim3A_522 : vector<8x1xf32> to vector<8x128xf32>
      %mul3A_524 = arith.constant 16 : i32
      %mul3A_525 = arith.muli %add3A_67, %mul3A_524 : i32
      %add3A_526 = arith.constant 13 : i32
      %add3A_527 = arith.addi %mul3A_525, %add3A_526 : i32
      %swap3A_528 = arith.constant 1 : index
      %swap3A_529 = arith.index_cast %add3A_527 : i32 to index
      %swap3A_530 = arith.constant 0 : index
      %swap3A_531 = arith.constant 0 : index
      %swap3A_532 = vector.load %arg4[%swap3A_528, %swap3A_529, %swap3A_530, %swap3A_531] : memref<3x512x8x128xf32, #tpu.memory_space<vmem>>, vector<1x1x8x128xf32>
      %swap3A_533 = vector.shape_cast %swap3A_532 : vector<1x1x8x128xf32> to vector<8x128xf32>
      %swap3A_534 = vector.shape_cast %broadcast_in_dim3A_523 : vector<8x128xf32> to vector<1x1x8x128xf32>
      tpu.vector_store %arg4[%swap3A_528, %swap3A_529, %swap3A_530, %swap3A_531], %swap3A_534 {strides = array<i32>} : memref<3x512x8x128xf32, #tpu.memory_space<vmem>>, vector<1x1x8x128xf32>,
      %slice3A_535 = vector.extract_strided_slice %roll3A_338 {offsets = [0, 14], sizes = [8, 1], strides = [1, 1]} : vector<8x128xf32> to vector<8x1xf32>
      %broadcast_in_dim3A_536 = vector.shape_cast %slice3A_535 : vector<8x1xf32> to vector<8x1xf32>
      %broadcast_in_dim3A_537 = vector.broadcast %broadcast_in_dim3A_536 : vector<8x1xf32> to vector<8x128xf32>
      %mul3A_538 = arith.constant 16 : i32
      %mul3A_539 = arith.muli %add3A_67, %mul3A_538 : i32
      %add3A_540 = arith.constant 14 : i32
      %add3A_541 = arith.addi %mul3A_539, %add3A_540 : i32
      %swap3A_542 = arith.constant 1 : index
      %swap3A_543 = arith.index_cast %add3A_541 : i32 to index
      %swap3A_544 = arith.constant 0 : index
      %swap3A_545 = arith.constant 0 : index
      %swap3A_546 = vector.load %arg4[%swap3A_542, %swap3A_543, %swap3A_544, %swap3A_545] : memref<3x512x8x128xf32, #tpu.memory_space<vmem>>, vector<1x1x8x128xf32>
      %swap3A_547 = vector.shape_cast %swap3A_546 : vector<1x1x8x128xf32> to vector<8x128xf32>
      %swap3A_548 = vector.shape_cast %broadcast_in_dim3A_537 : vector<8x128xf32> to vector<1x1x8x128xf32>
      tpu.vector_store %arg4[%swap3A_542, %swap3A_543, %swap3A_544, %swap3A_545], %swap3A_548 {strides = array<i32>} : memref<3x512x8x128xf32, #tpu.memory_space<vmem>>, vector<1x1x8x128xf32>,
      %slice3A_549 = vector.extract_strided_slice %roll3A_338 {offsets = [0, 15], sizes = [8, 1], strides = [1, 1]} : vector<8x128xf32> to vector<8x1xf32>
      %broadcast_in_dim3A_550 = vector.shape_cast %slice3A_549 : vector<8x1xf32> to vector<8x1xf32>
      %broadcast_in_dim3A_551 = vector.broadcast %broadcast_in_dim3A_550 : vector<8x1xf32> to vector<8x128xf32>
      %mul3A_552 = arith.constant 16 : i32
      %mul3A_553 = arith.muli %add3A_67, %mul3A_552 : i32
      %add3A_554 = arith.constant 15 : i32
      %add3A_555 = arith.addi %mul3A_553, %add3A_554 : i32
      %swap3A_556 = arith.constant 1 : index
      %swap3A_557 = arith.index_cast %add3A_555 : i32 to index
      %swap3A_558 = arith.constant 0 : index
      %swap3A_559 = arith.constant 0 : index
      %swap3A_560 = vector.load %arg4[%swap3A_556, %swap3A_557, %swap3A_558, %swap3A_559] : memref<3x512x8x128xf32, #tpu.memory_space<vmem>>, vector<1x1x8x128xf32>
      %swap3A_561 = vector.shape_cast %swap3A_560 : vector<1x1x8x128xf32> to vector<8x128xf32>
      %swap3A_562 = vector.shape_cast %broadcast_in_dim3A_551 : vector<8x128xf32> to vector<1x1x8x128xf32>
      tpu.vector_store %arg4[%swap3A_556, %swap3A_557, %swap3A_558, %swap3A_559], %swap3A_562 {strides = array<i32>} : memref<3x512x8x128xf32, #tpu.memory_space<vmem>>, vector<1x1x8x128xf32>,
      %get3A_563 = arith.constant 2 : index
      %get3A_564 = arith.constant 0 : index
      %get3A_565 = arith.index_cast %multiple_of3A : i32 to index
      %get3A_566 = vector.load %arg0[%get3A_563, %get3A_564, %get3A_565] : memref<3x8x512xf32, #tpu.memory_space<vmem>>, vector<1x8x128xf32>
      %get3A_567 = vector.shape_cast %get3A_566 : vector<1x8x128xf32> to vector<8x128xf32>
      %neg3A_568 = arith.constant 0 : i32
      %neg3A_569 = arith.subi %neg3A_568, %mul3A_101 : i32
      %roll3A_570 = tpu.dynamic_rotate %get3A_567 by %neg3A_569 dim 1 : vector<8x128xf32>, i32 -> vector<8x128xf32>
      %slice3A_571 = vector.extract_strided_slice %roll3A_570 {offsets = [0, 0], sizes = [8, 1], strides = [1, 1]} : vector<8x128xf32> to vector<8x1xf32>
      %broadcast_in_dim3A_572 = vector.shape_cast %slice3A_571 : vector<8x1xf32> to vector<8x1xf32>
      %broadcast_in_dim3A_573 = vector.broadcast %broadcast_in_dim3A_572 : vector<8x1xf32> to vector<8x128xf32>
      %mul3A_574 = arith.constant 16 : i32
      %mul3A_575 = arith.muli %add3A_67, %mul3A_574 : i32
      %add3A_576 = arith.constant 0 : i32
      %add3A_577 = arith.addi %mul3A_575, %add3A_576 : i32
      %swap3A_578 = arith.constant 2 : index
      %swap3A_579 = arith.index_cast %add3A_577 : i32 to index
      %swap3A_580 = arith.constant 0 : index
      %swap3A_581 = arith.constant 0 : index
      %swap3A_582 = vector.load %arg4[%swap3A_578, %swap3A_579, %swap3A_580, %swap3A_581] : memref<3x512x8x128xf32, #tpu.memory_space<vmem>>, vector<1x1x8x128xf32>
      %swap3A_583 = vector.shape_cast %swap3A_582 : vector<1x1x8x128xf32> to vector<8x128xf32>
      %swap3A_584 = vector.shape_cast %broadcast_in_dim3A_573 : vector<8x128xf32> to vector<1x1x8x128xf32>
      tpu.vector_store %arg4[%swap3A_578, %swap3A_579, %swap3A_580, %swap3A_581], %swap3A_584 {strides = array<i32>} : memref<3x512x8x128xf32, #tpu.memory_space<vmem>>, vector<1x1x8x128xf32>,
      %slice3A_585 = vector.extract_strided_slice %roll3A_570 {offsets = [0, 1], sizes = [8, 1], strides = [1, 1]} : vector<8x128xf32> to vector<8x1xf32>
      %broadcast_in_dim3A_586 = vector.shape_cast %slice3A_585 : vector<8x1xf32> to vector<8x1xf32>
      %broadcast_in_dim3A_587 = vector.broadcast %broadcast_in_dim3A_586 : vector<8x1xf32> to vector<8x128xf32>
      %mul3A_588 = arith.constant 16 : i32
      %mul3A_589 = arith.muli %add3A_67, %mul3A_588 : i32
      %add3A_590 = arith.constant 1 : i32
      %add3A_591 = arith.addi %mul3A_589, %add3A_590 : i32
      %swap3A_592 = arith.constant 2 : index
      %swap3A_593 = arith.index_cast %add3A_591 : i32 to index
      %swap3A_594 = arith.constant 0 : index
      %swap3A_595 = arith.constant 0 : index
      %swap3A_596 = vector.load %arg4[%swap3A_592, %swap3A_593, %swap3A_594, %swap3A_595] : memref<3x512x8x128xf32, #tpu.memory_space<vmem>>, vector<1x1x8x128xf32>
      %swap3A_597 = vector.shape_cast %swap3A_596 : vector<1x1x8x128xf32> to vector<8x128xf32>
      %swap3A_598 = vector.shape_cast %broadcast_in_dim3A_587 : vector<8x128xf32> to vector<1x1x8x128xf32>
      tpu.vector_store %arg4[%swap3A_592, %swap3A_593, %swap3A_594, %swap3A_595], %swap3A_598 {strides = array<i32>} : memref<3x512x8x128xf32, #tpu.memory_space<vmem>>, vector<1x1x8x128xf32>,
      %slice3A_599 = vector.extract_strided_slice %roll3A_570 {offsets = [0, 2], sizes = [8, 1], strides = [1, 1]} : vector<8x128xf32> to vector<8x1xf32>
      %broadcast_in_dim3A_600 = vector.shape_cast %slice3A_599 : vector<8x1xf32> to vector<8x1xf32>
      %broadcast_in_dim3A_601 = vector.broadcast %broadcast_in_dim3A_600 : vector<8x1xf32> to vector<8x128xf32>
      %mul3A_602 = arith.constant 16 : i32
      %mul3A_603 = arith.muli %add3A_67, %mul3A_602 : i32
      %add3A_604 = arith.constant 2 : i32
      %add3A_605 = arith.addi %mul3A_603, %add3A_604 : i32
      %swap3A_606 = arith.constant 2 : index
      %swap3A_607 = arith.index_cast %add3A_605 : i32 to index
      %swap3A_608 = arith.constant 0 : index
      %swap3A_609 = arith.constant 0 : index
      %swap3A_610 = vector.load %arg4[%swap3A_606, %swap3A_607, %swap3A_608, %swap3A_609] : memref<3x512x8x128xf32, #tpu.memory_space<vmem>>, vector<1x1x8x128xf32>
      %swap3A_611 = vector.shape_cast %swap3A_610 : vector<1x1x8x128xf32> to vector<8x128xf32>
      %swap3A_612 = vector.shape_cast %broadcast_in_dim3A_601 : vector<8x128xf32> to vector<1x1x8x128xf32>
      tpu.vector_store %arg4[%swap3A_606, %swap3A_607, %swap3A_608, %swap3A_609], %swap3A_612 {strides = array<i32>} : memref<3x512x8x128xf32, #tpu.memory_space<vmem>>, vector<1x1x8x128xf32>,
      %slice3A_613 = vector.extract_strided_slice %roll3A_570 {offsets = [0, 3], sizes = [8, 1], strides = [1, 1]} : vector<8x128xf32> to vector<8x1xf32>
      %broadcast_in_dim3A_614 = vector.shape_cast %slice3A_613 : vector<8x1xf32> to vector<8x1xf32>
      %broadcast_in_dim3A_615 = vector.broadcast %broadcast_in_dim3A_614 : vector<8x1xf32> to vector<8x128xf32>
      %mul3A_616 = arith.constant 16 : i32
      %mul3A_617 = arith.muli %add3A_67, %mul3A_616 : i32
      %add3A_618 = arith.constant 3 : i32
      %add3A_619 = arith.addi %mul3A_617, %add3A_618 : i32
      %swap3A_620 = arith.constant 2 : index
      %swap3A_621 = arith.index_cast %add3A_619 : i32 to index
      %swap3A_622 = arith.constant 0 : index
      %swap3A_623 = arith.constant 0 : index
      %swap3A_624 = vector.load %arg4[%swap3A_620, %swap3A_621, %swap3A_622, %swap3A_623] : memref<3x512x8x128xf32, #tpu.memory_space<vmem>>, vector<1x1x8x128xf32>
      %swap3A_625 = vector.shape_cast %swap3A_624 : vector<1x1x8x128xf32> to vector<8x128xf32>
      %swap3A_626 = vector.shape_cast %broadcast_in_dim3A_615 : vector<8x128xf32> to vector<1x1x8x128xf32>
      tpu.vector_store %arg4[%swap3A_620, %swap3A_621, %swap3A_622, %swap3A_623], %swap3A_626 {strides = array<i32>} : memref<3x512x8x128xf32, #tpu.memory_space<vmem>>, vector<1x1x8x128xf32>,
      %slice3A_627 = vector.extract_strided_slice %roll3A_570 {offsets = [0, 4], sizes = [8, 1], strides = [1, 1]} : vector<8x128xf32> to vector<8x1xf32>
      %broadcast_in_dim3A_628 = vector.shape_cast %slice3A_627 : vector<8x1xf32> to vector<8x1xf32>
      %broadcast_in_dim3A_629 = vector.broadcast %broadcast_in_dim3A_628 : vector<8x1xf32> to vector<8x128xf32>
      %mul3A_630 = arith.constant 16 : i32
      %mul3A_631 = arith.muli %add3A_67, %mul3A_630 : i32
      %add3A_632 = arith.constant 4 : i32
      %add3A_633 = arith.addi %mul3A_631, %add3A_632 : i32
      %swap3A_634 = arith.constant 2 : index
      %swap3A_635 = arith.index_cast %add3A_633 : i32 to index
      %swap3A_636 = arith.constant 0 : index
      %swap3A_637 = arith.constant 0 : index
      %swap3A_638 = vector.load %arg4[%swap3A_634, %swap3A_635, %swap3A_636, %swap3A_637] : memref<3x512x8x128xf32, #tpu.memory_space<vmem>>, vector<1x1x8x128xf32>
      %swap3A_639 = vector.shape_cast %swap3A_638 : vector<1x1x8x128xf32> to vector<8x128xf32>
      %swap3A_640 = vector.shape_cast %broadcast_in_dim3A_629 : vector<8x128xf32> to vector<1x1x8x128xf32>
      tpu.vector_store %arg4[%swap3A_634, %swap3A_635, %swap3A_636, %swap3A_637], %swap3A_640 {strides = array<i32>} : memref<3x512x8x128xf32, #tpu.memory_space<vmem>>, vector<1x1x8x128xf32>,
      %slice3A_641 = vector.extract_strided_slice %roll3A_570 {offsets = [0, 5], sizes = [8, 1], strides = [1, 1]} : vector<8x128xf32> to vector<8x1xf32>
      %broadcast_in_dim3A_642 = vector.shape_cast %slice3A_641 : vector<8x1xf32> to vector<8x1xf32>
      %broadcast_in_dim3A_643 = vector.broadcast %broadcast_in_dim3A_642 : vector<8x1xf32> to vector<8x128xf32>
      %mul3A_644 = arith.constant 16 : i32
      %mul3A_645 = arith.muli %add3A_67, %mul3A_644 : i32
      %add3A_646 = arith.constant 5 : i32
      %add3A_647 = arith.addi %mul3A_645, %add3A_646 : i32
      %swap3A_648 = arith.constant 2 : index
      %swap3A_649 = arith.index_cast %add3A_647 : i32 to index
      %swap3A_650 = arith.constant 0 : index
      %swap3A_651 = arith.constant 0 : index
      %swap3A_652 = vector.load %arg4[%swap3A_648, %swap3A_649, %swap3A_650, %swap3A_651] : memref<3x512x8x128xf32, #tpu.memory_space<vmem>>, vector<1x1x8x128xf32>
      %swap3A_653 = vector.shape_cast %swap3A_652 : vector<1x1x8x128xf32> to vector<8x128xf32>
      %swap3A_654 = vector.shape_cast %broadcast_in_dim3A_643 : vector<8x128xf32> to vector<1x1x8x128xf32>
      tpu.vector_store %arg4[%swap3A_648, %swap3A_649, %swap3A_650, %swap3A_651], %swap3A_654 {strides = array<i32>} : memref<3x512x8x128xf32, #tpu.memory_space<vmem>>, vector<1x1x8x128xf32>,
      %slice3A_655 = vector.extract_strided_slice %roll3A_570 {offsets = [0, 6], sizes = [8, 1], strides = [1, 1]} : vector<8x128xf32> to vector<8x1xf32>
      %broadcast_in_dim3A_656 = vector.shape_cast %slice3A_655 : vector<8x1xf32> to vector<8x1xf32>
      %broadcast_in_dim3A_657 = vector.broadcast %broadcast_in_dim3A_656 : vector<8x1xf32> to vector<8x128xf32>
      %mul3A_658 = arith.constant 16 : i32
      %mul3A_659 = arith.muli %add3A_67, %mul3A_658 : i32
      %add3A_660 = arith.constant 6 : i32
      %add3A_661 = arith.addi %mul3A_659, %add3A_660 : i32
      %swap3A_662 = arith.constant 2 : index
      %swap3A_663 = arith.index_cast %add3A_661 : i32 to index
      %swap3A_664 = arith.constant 0 : index
      %swap3A_665 = arith.constant 0 : index
      %swap3A_666 = vector.load %arg4[%swap3A_662, %swap3A_663, %swap3A_664, %swap3A_665] : memref<3x512x8x128xf32, #tpu.memory_space<vmem>>, vector<1x1x8x128xf32>
      %swap3A_667 = vector.shape_cast %swap3A_666 : vector<1x1x8x128xf32> to vector<8x128xf32>
      %swap3A_668 = vector.shape_cast %broadcast_in_dim3A_657 : vector<8x128xf32> to vector<1x1x8x128xf32>
      tpu.vector_store %arg4[%swap3A_662, %swap3A_663, %swap3A_664, %swap3A_665], %swap3A_668 {strides = array<i32>} : memref<3x512x8x128xf32, #tpu.memory_space<vmem>>, vector<1x1x8x128xf32>,
      %slice3A_669 = vector.extract_strided_slice %roll3A_570 {offsets = [0, 7], sizes = [8, 1], strides = [1, 1]} : vector<8x128xf32> to vector<8x1xf32>
      %broadcast_in_dim3A_670 = vector.shape_cast %slice3A_669 : vector<8x1xf32> to vector<8x1xf32>
      %broadcast_in_dim3A_671 = vector.broadcast %broadcast_in_dim3A_670 : vector<8x1xf32> to vector<8x128xf32>
      %mul3A_672 = arith.constant 16 : i32
      %mul3A_673 = arith.muli %add3A_67, %mul3A_672 : i32
      %add3A_674 = arith.constant 7 : i32
      %add3A_675 = arith.addi %mul3A_673, %add3A_674 : i32
      %swap3A_676 = arith.constant 2 : index
      %swap3A_677 = arith.index_cast %add3A_675 : i32 to index
      %swap3A_678 = arith.constant 0 : index
      %swap3A_679 = arith.constant 0 : index
      %swap3A_680 = vector.load %arg4[%swap3A_676, %swap3A_677, %swap3A_678, %swap3A_679] : memref<3x512x8x128xf32, #tpu.memory_space<vmem>>, vector<1x1x8x128xf32>
      %swap3A_681 = vector.shape_cast %swap3A_680 : vector<1x1x8x128xf32> to vector<8x128xf32>
      %swap3A_682 = vector.shape_cast %broadcast_in_dim3A_671 : vector<8x128xf32> to vector<1x1x8x128xf32>
      tpu.vector_store %arg4[%swap3A_676, %swap3A_677, %swap3A_678, %swap3A_679], %swap3A_682 {strides = array<i32>} : memref<3x512x8x128xf32, #tpu.memory_space<vmem>>, vector<1x1x8x128xf32>,
      %slice3A_683 = vector.extract_strided_slice %roll3A_570 {offsets = [0, 8], sizes = [8, 1], strides = [1, 1]} : vector<8x128xf32> to vector<8x1xf32>
      %broadcast_in_dim3A_684 = vector.shape_cast %slice3A_683 : vector<8x1xf32> to vector<8x1xf32>
      %broadcast_in_dim3A_685 = vector.broadcast %broadcast_in_dim3A_684 : vector<8x1xf32> to vector<8x128xf32>
      %mul3A_686 = arith.constant 16 : i32
      %mul3A_687 = arith.muli %add3A_67, %mul3A_686 : i32
      %add3A_688 = arith.constant 8 : i32
      %add3A_689 = arith.addi %mul3A_687, %add3A_688 : i32
      %swap3A_690 = arith.constant 2 : index
      %swap3A_691 = arith.index_cast %add3A_689 : i32 to index
      %swap3A_692 = arith.constant 0 : index
      %swap3A_693 = arith.constant 0 : index
      %swap3A_694 = vector.load %arg4[%swap3A_690, %swap3A_691, %swap3A_692, %swap3A_693] : memref<3x512x8x128xf32, #tpu.memory_space<vmem>>, vector<1x1x8x128xf32>
      %swap3A_695 = vector.shape_cast %swap3A_694 : vector<1x1x8x128xf32> to vector<8x128xf32>
      %swap3A_696 = vector.shape_cast %broadcast_in_dim3A_685 : vector<8x128xf32> to vector<1x1x8x128xf32>
      tpu.vector_store %arg4[%swap3A_690, %swap3A_691, %swap3A_692, %swap3A_693], %swap3A_696 {strides = array<i32>} : memref<3x512x8x128xf32, #tpu.memory_space<vmem>>, vector<1x1x8x128xf32>,
      %slice3A_697 = vector.extract_strided_slice %roll3A_570 {offsets = [0, 9], sizes = [8, 1], strides = [1, 1]} : vector<8x128xf32> to vector<8x1xf32>
      %broadcast_in_dim3A_698 = vector.shape_cast %slice3A_697 : vector<8x1xf32> to vector<8x1xf32>
      %broadcast_in_dim3A_699 = vector.broadcast %broadcast_in_dim3A_698 : vector<8x1xf32> to vector<8x128xf32>
      %mul3A_700 = arith.constant 16 : i32
      %mul3A_701 = arith.muli %add3A_67, %mul3A_700 : i32
      %add3A_702 = arith.constant 9 : i32
      %add3A_703 = arith.addi %mul3A_701, %add3A_702 : i32
      %swap3A_704 = arith.constant 2 : index
      %swap3A_705 = arith.index_cast %add3A_703 : i32 to index
      %swap3A_706 = arith.constant 0 : index
      %swap3A_707 = arith.constant 0 : index
      %swap3A_708 = vector.load %arg4[%swap3A_704, %swap3A_705, %swap3A_706, %swap3A_707] : memref<3x512x8x128xf32, #tpu.memory_space<vmem>>, vector<1x1x8x128xf32>
      %swap3A_709 = vector.shape_cast %swap3A_708 : vector<1x1x8x128xf32> to vector<8x128xf32>
      %swap3A_710 = vector.shape_cast %broadcast_in_dim3A_699 : vector<8x128xf32> to vector<1x1x8x128xf32>
      tpu.vector_store %arg4[%swap3A_704, %swap3A_705, %swap3A_706, %swap3A_707], %swap3A_710 {strides = array<i32>} : memref<3x512x8x128xf32, #tpu.memory_space<vmem>>, vector<1x1x8x128xf32>,
      %slice3A_711 = vector.extract_strided_slice %roll3A_570 {offsets = [0, 10], sizes = [8, 1], strides = [1, 1]} : vector<8x128xf32> to vector<8x1xf32>
      %broadcast_in_dim3A_712 = vector.shape_cast %slice3A_711 : vector<8x1xf32> to vector<8x1xf32>
      %broadcast_in_dim3A_713 = vector.broadcast %broadcast_in_dim3A_712 : vector<8x1xf32> to vector<8x128xf32>
      %mul3A_714 = arith.constant 16 : i32
      %mul3A_715 = arith.muli %add3A_67, %mul3A_714 : i32
      %add3A_716 = arith.constant 10 : i32
      %add3A_717 = arith.addi %mul3A_715, %add3A_716 : i32
      %swap3A_718 = arith.constant 2 : index
      %swap3A_719 = arith.index_cast %add3A_717 : i32 to index
      %swap3A_720 = arith.constant 0 : index
      %swap3A_721 = arith.constant 0 : index
      %swap3A_722 = vector.load %arg4[%swap3A_718, %swap3A_719, %swap3A_720, %swap3A_721] : memref<3x512x8x128xf32, #tpu.memory_space<vmem>>, vector<1x1x8x128xf32>
      %swap3A_723 = vector.shape_cast %swap3A_722 : vector<1x1x8x128xf32> to vector<8x128xf32>
      %swap3A_724 = vector.shape_cast %broadcast_in_dim3A_713 : vector<8x128xf32> to vector<1x1x8x128xf32>
      tpu.vector_store %arg4[%swap3A_718, %swap3A_719, %swap3A_720, %swap3A_721], %swap3A_724 {strides = array<i32>} : memref<3x512x8x128xf32, #tpu.memory_space<vmem>>, vector<1x1x8x128xf32>,
      %slice3A_725 = vector.extract_strided_slice %roll3A_570 {offsets = [0, 11], sizes = [8, 1], strides = [1, 1]} : vector<8x128xf32> to vector<8x1xf32>
      %broadcast_in_dim3A_726 = vector.shape_cast %slice3A_725 : vector<8x1xf32> to vector<8x1xf32>
      %broadcast_in_dim3A_727 = vector.broadcast %broadcast_in_dim3A_726 : vector<8x1xf32> to vector<8x128xf32>
      %mul3A_728 = arith.constant 16 : i32
      %mul3A_729 = arith.muli %add3A_67, %mul3A_728 : i32
      %add3A_730 = arith.constant 11 : i32
      %add3A_731 = arith.addi %mul3A_729, %add3A_730 : i32
      %swap3A_732 = arith.constant 2 : index
      %swap3A_733 = arith.index_cast %add3A_731 : i32 to index
      %swap3A_734 = arith.constant 0 : index
      %swap3A_735 = arith.constant 0 : index
      %swap3A_736 = vector.load %arg4[%swap3A_732, %swap3A_733, %swap3A_734, %swap3A_735] : memref<3x512x8x128xf32, #tpu.memory_space<vmem>>, vector<1x1x8x128xf32>
      %swap3A_737 = vector.shape_cast %swap3A_736 : vector<1x1x8x128xf32> to vector<8x128xf32>
      %swap3A_738 = vector.shape_cast %broadcast_in_dim3A_727 : vector<8x128xf32> to vector<1x1x8x128xf32>
      tpu.vector_store %arg4[%swap3A_732, %swap3A_733, %swap3A_734, %swap3A_735], %swap3A_738 {strides = array<i32>} : memref<3x512x8x128xf32, #tpu.memory_space<vmem>>, vector<1x1x8x128xf32>,
      %slice3A_739 = vector.extract_strided_slice %roll3A_570 {offsets = [0, 12], sizes = [8, 1], strides = [1, 1]} : vector<8x128xf32> to vector<8x1xf32>
      %broadcast_in_dim3A_740 = vector.shape_cast %slice3A_739 : vector<8x1xf32> to vector<8x1xf32>
      %broadcast_in_dim3A_741 = vector.broadcast %broadcast_in_dim3A_740 : vector<8x1xf32> to vector<8x128xf32>
      %mul3A_742 = arith.constant 16 : i32
      %mul3A_743 = arith.muli %add3A_67, %mul3A_742 : i32
      %add3A_744 = arith.constant 12 : i32
      %add3A_745 = arith.addi %mul3A_743, %add3A_744 : i32
      %swap3A_746 = arith.constant 2 : index
      %swap3A_747 = arith.index_cast %add3A_745 : i32 to index
      %swap3A_748 = arith.constant 0 : index
      %swap3A_749 = arith.constant 0 : index
      %swap3A_750 = vector.load %arg4[%swap3A_746, %swap3A_747, %swap3A_748, %swap3A_749] : memref<3x512x8x128xf32, #tpu.memory_space<vmem>>, vector<1x1x8x128xf32>
      %swap3A_751 = vector.shape_cast %swap3A_750 : vector<1x1x8x128xf32> to vector<8x128xf32>
      %swap3A_752 = vector.shape_cast %broadcast_in_dim3A_741 : vector<8x128xf32> to vector<1x1x8x128xf32>
      tpu.vector_store %arg4[%swap3A_746, %swap3A_747, %swap3A_748, %swap3A_749], %swap3A_752 {strides = array<i32>} : memref<3x512x8x128xf32, #tpu.memory_space<vmem>>, vector<1x1x8x128xf32>,
      %slice3A_753 = vector.extract_strided_slice %roll3A_570 {offsets = [0, 13], sizes = [8, 1], strides = [1, 1]} : vector<8x128xf32> to vector<8x1xf32>
      %broadcast_in_dim3A_754 = vector.shape_cast %slice3A_753 : vector<8x1xf32> to vector<8x1xf32>
      %broadcast_in_dim3A_755 = vector.broadcast %broadcast_in_dim3A_754 : vector<8x1xf32> to vector<8x128xf32>
      %mul3A_756 = arith.constant 16 : i32
      %mul3A_757 = arith.muli %add3A_67, %mul3A_756 : i32
      %add3A_758 = arith.constant 13 : i32
      %add3A_759 = arith.addi %mul3A_757, %add3A_758 : i32
      %swap3A_760 = arith.constant 2 : index
      %swap3A_761 = arith.index_cast %add3A_759 : i32 to index
      %swap3A_762 = arith.constant 0 : index
      %swap3A_763 = arith.constant 0 : index
      %swap3A_764 = vector.load %arg4[%swap3A_760, %swap3A_761, %swap3A_762, %swap3A_763] : memref<3x512x8x128xf32, #tpu.memory_space<vmem>>, vector<1x1x8x128xf32>
      %swap3A_765 = vector.shape_cast %swap3A_764 : vector<1x1x8x128xf32> to vector<8x128xf32>
      %swap3A_766 = vector.shape_cast %broadcast_in_dim3A_755 : vector<8x128xf32> to vector<1x1x8x128xf32>
      tpu.vector_store %arg4[%swap3A_760, %swap3A_761, %swap3A_762, %swap3A_763], %swap3A_766 {strides = array<i32>} : memref<3x512x8x128xf32, #tpu.memory_space<vmem>>, vector<1x1x8x128xf32>,
      %slice3A_767 = vector.extract_strided_slice %roll3A_570 {offsets = [0, 14], sizes = [8, 1], strides = [1, 1]} : vector<8x128xf32> to vector<8x1xf32>
      %broadcast_in_dim3A_768 = vector.shape_cast %slice3A_767 : vector<8x1xf32> to vector<8x1xf32>
      %broadcast_in_dim3A_769 = vector.broadcast %broadcast_in_dim3A_768 : vector<8x1xf32> to vector<8x128xf32>
      %mul3A_770 = arith.constant 16 : i32
      %mul3A_771 = arith.muli %add3A_67, %mul3A_770 : i32
      %add3A_772 = arith.constant 14 : i32
      %add3A_773 = arith.addi %mul3A_771, %add3A_772 : i32
      %swap3A_774 = arith.constant 2 : index
      %swap3A_775 = arith.index_cast %add3A_773 : i32 to index
      %swap3A_776 = arith.constant 0 : index
      %swap3A_777 = arith.constant 0 : index
      %swap3A_778 = vector.load %arg4[%swap3A_774, %swap3A_775, %swap3A_776, %swap3A_777] : memref<3x512x8x128xf32, #tpu.memory_space<vmem>>, vector<1x1x8x128xf32>
      %swap3A_779 = vector.shape_cast %swap3A_778 : vector<1x1x8x128xf32> to vector<8x128xf32>
      %swap3A_780 = vector.shape_cast %broadcast_in_dim3A_769 : vector<8x128xf32> to vector<1x1x8x128xf32>
      tpu.vector_store %arg4[%swap3A_774, %swap3A_775, %swap3A_776, %swap3A_777], %swap3A_780 {strides = array<i32>} : memref<3x512x8x128xf32, #tpu.memory_space<vmem>>, vector<1x1x8x128xf32>,
      %slice3A_781 = vector.extract_strided_slice %roll3A_570 {offsets = [0, 15], sizes = [8, 1], strides = [1, 1]} : vector<8x128xf32> to vector<8x1xf32>
      %broadcast_in_dim3A_782 = vector.shape_cast %slice3A_781 : vector<8x1xf32> to vector<8x1xf32>
      %broadcast_in_dim3A_783 = vector.broadcast %broadcast_in_dim3A_782 : vector<8x1xf32> to vector<8x128xf32>
      %mul3A_784 = arith.constant 16 : i32
      %mul3A_785 = arith.muli %add3A_67, %mul3A_784 : i32
      %add3A_786 = arith.constant 15 : i32
      %add3A_787 = arith.addi %mul3A_785, %add3A_786 : i32
      %swap3A_788 = arith.constant 2 : index
      %swap3A_789 = arith.index_cast %add3A_787 : i32 to index
      %swap3A_790 = arith.constant 0 : index
      %swap3A_791 = arith.constant 0 : index
      %swap3A_792 = vector.load %arg4[%swap3A_788, %swap3A_789, %swap3A_790, %swap3A_791] : memref<3x512x8x128xf32, #tpu.memory_space<vmem>>, vector<1x1x8x128xf32>
      %swap3A_793 = vector.shape_cast %swap3A_792 : vector<1x1x8x128xf32> to vector<8x128xf32>
      %swap3A_794 = vector.shape_cast %broadcast_in_dim3A_783 : vector<8x128xf32> to vector<1x1x8x128xf32>
      tpu.vector_store %arg4[%swap3A_788, %swap3A_789, %swap3A_790, %swap3A_791], %swap3A_794 {strides = array<i32>} : memref<3x512x8x128xf32, #tpu.memory_space<vmem>>, vector<1x1x8x128xf32>,
      %mul3A_795 = arith.constant 2 : i32
      %mul3A_796 = arith.muli %scan3A_65, %mul3A_795 : i32
      %add3A_797 = arith.constant 1 : i32
      %add3A_798 = arith.addi %mul3A_796, %add3A_797 : i32
      %jit3A_799 = arith.constant 8 : i32
      %div3A_800 = arith.divsi %add3A_798, %jit3A_799 : i32
      %sign3A_801 = arith.constant 0 : i32
      %sign3A_802 = arith.cmpi sgt, %add3A_798, %sign3A_801 : i32
      %sign3A_803 = arith.extui %sign3A_802 : i1 to i32
      %sign3A_804 = arith.constant 0 : i32
      %sign3A_805 = arith.cmpi slt, %add3A_798, %sign3A_804 : i32
      %sign3A_806 = arith.extui %sign3A_805 : i1 to i32
      %sign3A_807 = arith.subi %sign3A_803, %sign3A_806 : i32
      %sign3A_808 = arith.constant 0 : i32
      %sign3A_809 = arith.cmpi sgt, %jit3A_799, %sign3A_808 : i32
      %sign3A_810 = arith.extui %sign3A_809 : i1 to i32
      %sign3A_811 = arith.constant 0 : i32
      %sign3A_812 = arith.cmpi slt, %jit3A_799, %sign3A_811 : i32
      %sign3A_813 = arith.extui %sign3A_812 : i1 to i32
      %sign3A_814 = arith.subi %sign3A_810, %sign3A_813 : i32
      %ne3A_815 = arith.cmpi ne, %sign3A_807, %sign3A_814 : i32
      %rem3A_816 = arith.remsi %add3A_798, %jit3A_799 : i32
      %ne3A_817 = arith.constant 0 : i32
      %ne3A_818 = arith.cmpi ne, %rem3A_816, %ne3A_817 : i32
      %and3A_819 = arith.andi %ne3A_815, %ne3A_818 : i1
      %sub3A_820 = arith.constant 1 : i32
      %sub3A_821 = arith.subi %div3A_800, %sub3A_820 : i32
      %select_n3A_822 = arith.select %and3A_819, %sub3A_821, %div3A_800 : i32
      %mul3A_823 = arith.constant 128 : i32
      %mul3A_824 = arith.muli %select_n3A_822, %mul3A_823 : i32
      %multiple_of3A_825 = tpu.assume_multiple %mul3A_824, 128 : i32
      %jit3A_826 = arith.constant 8 : i32
      %eq3A_827 = arith.constant 0 : i32
      %eq3A_828 = arith.cmpi eq, %jit3A_826, %eq3A_827 : i32
      %jit3A_829 = arith.constant 1 : i32
      %select_n3A_830 = arith.select %eq3A_828, %jit3A_829, %jit3A_826 : i32
      %rem3A_831 = arith.remsi %add3A_798, %select_n3A_830 : i32
      %ne3A_832 = arith.constant 0 : i32
      %ne3A_833 = arith.cmpi ne, %rem3A_831, %ne3A_832 : i32
      %lt3A_834 = arith.constant 0 : i32
      %lt3A_835 = arith.cmpi slt, %rem3A_831, %lt3A_834 : i32
      %lt3A_836 = arith.constant 0 : i32
      %lt3A_837 = arith.cmpi slt, %select_n3A_830, %lt3A_836 : i32
      %ne3A_838 = arith.xori %lt3A_835, %lt3A_837 : i1
      %and3A_839 = arith.andi %ne3A_838, %ne3A_833 : i1
      %add3A_840 = arith.addi %rem3A_831, %select_n3A_830 : i32
      %select_n3A_841 = arith.select %and3A_839, %add3A_840, %rem3A_831 : i32
      %mul3A_842 = arith.constant 16 : i32
      %mul3A_843 = arith.muli %select_n3A_841, %mul3A_842 : i32
      %get3A_844 = arith.constant 0 : index
      %get3A_845 = arith.constant 0 : index
      %get3A_846 = arith.index_cast %multiple_of3A_825 : i32 to index
      %get3A_847 = vector.load %arg0[%get3A_844, %get3A_845, %get3A_846] : memref<3x8x512xf32, #tpu.memory_space<vmem>>, vector<1x8x128xf32>
      %get3A_848 = vector.shape_cast %get3A_847 : vector<1x8x128xf32> to vector<8x128xf32>
      %neg3A_849 = arith.constant 0 : i32
      %neg3A_850 = arith.subi %neg3A_849, %mul3A_843 : i32
      %roll3A_851 = tpu.dynamic_rotate %get3A_848 by %neg3A_850 dim 1 : vector<8x128xf32>, i32 -> vector<8x128xf32>
      %slice3A_852 = vector.extract_strided_slice %roll3A_851 {offsets = [0, 0], sizes = [8, 1], strides = [1, 1]} : vector<8x128xf32> to vector<8x1xf32>
      %broadcast_in_dim3A_853 = vector.shape_cast %slice3A_852 : vector<8x1xf32> to vector<8x1xf32>
      %broadcast_in_dim3A_854 = vector.broadcast %broadcast_in_dim3A_853 : vector<8x1xf32> to vector<8x128xf32>
      %mul3A_855 = arith.constant 16 : i32
      %mul3A_856 = arith.muli %add3A_798, %mul3A_855 : i32
      %add3A_857 = arith.constant 0 : i32
      %add3A_858 = arith.addi %mul3A_856, %add3A_857 : i32
      %swap3A_859 = arith.constant 0 : index
      %swap3A_860 = arith.index_cast %add3A_858 : i32 to index
      %swap3A_861 = arith.constant 0 : index
      %swap3A_862 = arith.constant 0 : index
      %swap3A_863 = vector.load %arg4[%swap3A_859, %swap3A_860, %swap3A_861, %swap3A_862] : memref<3x512x8x128xf32, #tpu.memory_space<vmem>>, vector<1x1x8x128xf32>
      %swap3A_864 = vector.shape_cast %swap3A_863 : vector<1x1x8x128xf32> to vector<8x128xf32>
      %swap3A_865 = vector.shape_cast %broadcast_in_dim3A_854 : vector<8x128xf32> to vector<1x1x8x128xf32>
      tpu.vector_store %arg4[%swap3A_859, %swap3A_860, %swap3A_861, %swap3A_862], %swap3A_865 {strides = array<i32>} : memref<3x512x8x128xf32, #tpu.memory_space<vmem>>, vector<1x1x8x128xf32>,
      %slice3A_866 = vector.extract_strided_slice %roll3A_851 {offsets = [0, 1], sizes = [8, 1], strides = [1, 1]} : vector<8x128xf32> to vector<8x1xf32>
      %broadcast_in_dim3A_867 = vector.shape_cast %slice3A_866 : vector<8x1xf32> to vector<8x1xf32>
      %broadcast_in_dim3A_868 = vector.broadcast %broadcast_in_dim3A_867 : vector<8x1xf32> to vector<8x128xf32>
      %mul3A_869 = arith.constant 16 : i32
      %mul3A_870 = arith.muli %add3A_798, %mul3A_869 : i32
      %add3A_871 = arith.constant 1 : i32
      %add3A_872 = arith.addi %mul3A_870, %add3A_871 : i32
      %swap3A_873 = arith.constant 0 : index
      %swap3A_874 = arith.index_cast %add3A_872 : i32 to index
      %swap3A_875 = arith.constant 0 : index
      %swap3A_876 = arith.constant 0 : index
      %swap3A_877 = vector.load %arg4[%swap3A_873, %swap3A_874, %swap3A_875, %swap3A_876] : memref<3x512x8x128xf32, #tpu.memory_space<vmem>>, vector<1x1x8x128xf32>
      %swap3A_878 = vector.shape_cast %swap3A_877 : vector<1x1x8x128xf32> to vector<8x128xf32>
      %swap3A_879 = vector.shape_cast %broadcast_in_dim3A_868 : vector<8x128xf32> to vector<1x1x8x128xf32>
      tpu.vector_store %arg4[%swap3A_873, %swap3A_874, %swap3A_875, %swap3A_876], %swap3A_879 {strides = array<i32>} : memref<3x512x8x128xf32, #tpu.memory_space<vmem>>, vector<1x1x8x128xf32>,
      %slice3A_880 = vector.extract_strided_slice %roll3A_851 {offsets = [0, 2], sizes = [8, 1], strides = [1, 1]} : vector<8x128xf32> to vector<8x1xf32>
      %broadcast_in_dim3A_881 = vector.shape_cast %slice3A_880 : vector<8x1xf32> to vector<8x1xf32>
      %broadcast_in_dim3A_882 = vector.broadcast %broadcast_in_dim3A_881 : vector<8x1xf32> to vector<8x128xf32>
      %mul3A_883 = arith.constant 16 : i32
      %mul3A_884 = arith.muli %add3A_798, %mul3A_883 : i32
      %add3A_885 = arith.constant 2 : i32
      %add3A_886 = arith.addi %mul3A_884, %add3A_885 : i32
      %swap3A_887 = arith.constant 0 : index
      %swap3A_888 = arith.index_cast %add3A_886 : i32 to index
      %swap3A_889 = arith.constant 0 : index
      %swap3A_890 = arith.constant 0 : index
      %swap3A_891 = vector.load %arg4[%swap3A_887, %swap3A_888, %swap3A_889, %swap3A_890] : memref<3x512x8x128xf32, #tpu.memory_space<vmem>>, vector<1x1x8x128xf32>
      %swap3A_892 = vector.shape_cast %swap3A_891 : vector<1x1x8x128xf32> to vector<8x128xf32>
      %swap3A_893 = vector.shape_cast %broadcast_in_dim3A_882 : vector<8x128xf32> to vector<1x1x8x128xf32>
      tpu.vector_store %arg4[%swap3A_887, %swap3A_888, %swap3A_889, %swap3A_890], %swap3A_893 {strides = array<i32>} : memref<3x512x8x128xf32, #tpu.memory_space<vmem>>, vector<1x1x8x128xf32>,
      %slice3A_894 = vector.extract_strided_slice %roll3A_851 {offsets = [0, 3], sizes = [8, 1], strides = [1, 1]} : vector<8x128xf32> to vector<8x1xf32>
      %broadcast_in_dim3A_895 = vector.shape_cast %slice3A_894 : vector<8x1xf32> to vector<8x1xf32>
      %broadcast_in_dim3A_896 = vector.broadcast %broadcast_in_dim3A_895 : vector<8x1xf32> to vector<8x128xf32>
      %mul3A_897 = arith.constant 16 : i32
      %mul3A_898 = arith.muli %add3A_798, %mul3A_897 : i32
      %add3A_899 = arith.constant 3 : i32
      %add3A_900 = arith.addi %mul3A_898, %add3A_899 : i32
      %swap3A_901 = arith.constant 0 : index
      %swap3A_902 = arith.index_cast %add3A_900 : i32 to index
      %swap3A_903 = arith.constant 0 : index
      %swap3A_904 = arith.constant 0 : index
      %swap3A_905 = vector.load %arg4[%swap3A_901, %swap3A_902, %swap3A_903, %swap3A_904] : memref<3x512x8x128xf32, #tpu.memory_space<vmem>>, vector<1x1x8x128xf32>
      %swap3A_906 = vector.shape_cast %swap3A_905 : vector<1x1x8x128xf32> to vector<8x128xf32>
      %swap3A_907 = vector.shape_cast %broadcast_in_dim3A_896 : vector<8x128xf32> to vector<1x1x8x128xf32>
      tpu.vector_store %arg4[%swap3A_901, %swap3A_902, %swap3A_903, %swap3A_904], %swap3A_907 {strides = array<i32>} : memref<3x512x8x128xf32, #tpu.memory_space<vmem>>, vector<1x1x8x128xf32>,
      %slice3A_908 = vector.extract_strided_slice %roll3A_851 {offsets = [0, 4], sizes = [8, 1], strides = [1, 1]} : vector<8x128xf32> to vector<8x1xf32>
      %broadcast_in_dim3A_909 = vector.shape_cast %slice3A_908 : vector<8x1xf32> to vector<8x1xf32>
      %broadcast_in_dim3A_910 = vector.broadcast %broadcast_in_dim3A_909 : vector<8x1xf32> to vector<8x128xf32>
      %mul3A_911 = arith.constant 16 : i32
      %mul3A_912 = arith.muli %add3A_798, %mul3A_911 : i32
      %add3A_913 = arith.constant 4 : i32
      %add3A_914 = arith.addi %mul3A_912, %add3A_913 : i32
      %swap3A_915 = arith.constant 0 : index
      %swap3A_916 = arith.index_cast %add3A_914 : i32 to index
      %swap3A_917 = arith.constant 0 : index
      %swap3A_918 = arith.constant 0 : index
      %swap3A_919 = vector.load %arg4[%swap3A_915, %swap3A_916, %swap3A_917, %swap3A_918] : memref<3x512x8x128xf32, #tpu.memory_space<vmem>>, vector<1x1x8x128xf32>
      %swap3A_920 = vector.shape_cast %swap3A_919 : vector<1x1x8x128xf32> to vector<8x128xf32>
      %swap3A_921 = vector.shape_cast %broadcast_in_dim3A_910 : vector<8x128xf32> to vector<1x1x8x128xf32>
      tpu.vector_store %arg4[%swap3A_915, %swap3A_916, %swap3A_917, %swap3A_918], %swap3A_921 {strides = array<i32>} : memref<3x512x8x128xf32, #tpu.memory_space<vmem>>, vector<1x1x8x128xf32>,
      %slice3A_922 = vector.extract_strided_slice %roll3A_851 {offsets = [0, 5], sizes = [8, 1], strides = [1, 1]} : vector<8x128xf32> to vector<8x1xf32>
      %broadcast_in_dim3A_923 = vector.shape_cast %slice3A_922 : vector<8x1xf32> to vector<8x1xf32>
      %broadcast_in_dim3A_924 = vector.broadcast %broadcast_in_dim3A_923 : vector<8x1xf32> to vector<8x128xf32>
      %mul3A_925 = arith.constant 16 : i32
      %mul3A_926 = arith.muli %add3A_798, %mul3A_925 : i32
      %add3A_927 = arith.constant 5 : i32
      %add3A_928 = arith.addi %mul3A_926, %add3A_927 : i32
      %swap3A_929 = arith.constant 0 : index
      %swap3A_930 = arith.index_cast %add3A_928 : i32 to index
      %swap3A_931 = arith.constant 0 : index
      %swap3A_932 = arith.constant 0 : index
      %swap3A_933 = vector.load %arg4[%swap3A_929, %swap3A_930, %swap3A_931, %swap3A_932] : memref<3x512x8x128xf32, #tpu.memory_space<vmem>>, vector<1x1x8x128xf32>
      %swap3A_934 = vector.shape_cast %swap3A_933 : vector<1x1x8x128xf32> to vector<8x128xf32>
      %swap3A_935 = vector.shape_cast %broadcast_in_dim3A_924 : vector<8x128xf32> to vector<1x1x8x128xf32>
      tpu.vector_store %arg4[%swap3A_929, %swap3A_930, %swap3A_931, %swap3A_932], %swap3A_935 {strides = array<i32>} : memref<3x512x8x128xf32, #tpu.memory_space<vmem>>, vector<1x1x8x128xf32>,
      %slice3A_936 = vector.extract_strided_slice %roll3A_851 {offsets = [0, 6], sizes = [8, 1], strides = [1, 1]} : vector<8x128xf32> to vector<8x1xf32>
      %broadcast_in_dim3A_937 = vector.shape_cast %slice3A_936 : vector<8x1xf32> to vector<8x1xf32>
      %broadcast_in_dim3A_938 = vector.broadcast %broadcast_in_dim3A_937 : vector<8x1xf32> to vector<8x128xf32>
      %mul3A_939 = arith.constant 16 : i32
      %mul3A_940 = arith.muli %add3A_798, %mul3A_939 : i32
      %add3A_941 = arith.constant 6 : i32
      %add3A_942 = arith.addi %mul3A_940, %add3A_941 : i32
      %swap3A_943 = arith.constant 0 : index
      %swap3A_944 = arith.index_cast %add3A_942 : i32 to index
      %swap3A_945 = arith.constant 0 : index
      %swap3A_946 = arith.constant 0 : index
      %swap3A_947 = vector.load %arg4[%swap3A_943, %swap3A_944, %swap3A_945, %swap3A_946] : memref<3x512x8x128xf32, #tpu.memory_space<vmem>>, vector<1x1x8x128xf32>
      %swap3A_948 = vector.shape_cast %swap3A_947 : vector<1x1x8x128xf32> to vector<8x128xf32>
      %swap3A_949 = vector.shape_cast %broadcast_in_dim3A_938 : vector<8x128xf32> to vector<1x1x8x128xf32>
      tpu.vector_store %arg4[%swap3A_943, %swap3A_944, %swap3A_945, %swap3A_946], %swap3A_949 {strides = array<i32>} : memref<3x512x8x128xf32, #tpu.memory_space<vmem>>, vector<1x1x8x128xf32>,
      %slice3A_950 = vector.extract_strided_slice %roll3A_851 {offsets = [0, 7], sizes = [8, 1], strides = [1, 1]} : vector<8x128xf32> to vector<8x1xf32>
      %broadcast_in_dim3A_951 = vector.shape_cast %slice3A_950 : vector<8x1xf32> to vector<8x1xf32>
      %broadcast_in_dim3A_952 = vector.broadcast %broadcast_in_dim3A_951 : vector<8x1xf32> to vector<8x128xf32>
      %mul3A_953 = arith.constant 16 : i32
      %mul3A_954 = arith.muli %add3A_798, %mul3A_953 : i32
      %add3A_955 = arith.constant 7 : i32
      %add3A_956 = arith.addi %mul3A_954, %add3A_955 : i32
      %swap3A_957 = arith.constant 0 : index
      %swap3A_958 = arith.index_cast %add3A_956 : i32 to index
      %swap3A_959 = arith.constant 0 : index
      %swap3A_960 = arith.constant 0 : index
      %swap3A_961 = vector.load %arg4[%swap3A_957, %swap3A_958, %swap3A_959, %swap3A_960] : memref<3x512x8x128xf32, #tpu.memory_space<vmem>>, vector<1x1x8x128xf32>
      %swap3A_962 = vector.shape_cast %swap3A_961 : vector<1x1x8x128xf32> to vector<8x128xf32>
      %swap3A_963 = vector.shape_cast %broadcast_in_dim3A_952 : vector<8x128xf32> to vector<1x1x8x128xf32>
      tpu.vector_store %arg4[%swap3A_957, %swap3A_958, %swap3A_959, %swap3A_960], %swap3A_963 {strides = array<i32>} : memref<3x512x8x128xf32, #tpu.memory_space<vmem>>, vector<1x1x8x128xf32>,
      %slice3A_964 = vector.extract_strided_slice %roll3A_851 {offsets = [0, 8], sizes = [8, 1], strides = [1, 1]} : vector<8x128xf32> to vector<8x1xf32>
      %broadcast_in_dim3A_965 = vector.shape_cast %slice3A_964 : vector<8x1xf32> to vector<8x1xf32>
      %broadcast_in_dim3A_966 = vector.broadcast %broadcast_in_dim3A_965 : vector<8x1xf32> to vector<8x128xf32>
      %mul3A_967 = arith.constant 16 : i32
      %mul3A_968 = arith.muli %add3A_798, %mul3A_967 : i32
      %add3A_969 = arith.constant 8 : i32
      %add3A_970 = arith.addi %mul3A_968, %add3A_969 : i32
      %swap3A_971 = arith.constant 0 : index
      %swap3A_972 = arith.index_cast %add3A_970 : i32 to index
      %swap3A_973 = arith.constant 0 : index
      %swap3A_974 = arith.constant 0 : index
      %swap3A_975 = vector.load %arg4[%swap3A_971, %swap3A_972, %swap3A_973, %swap3A_974] : memref<3x512x8x128xf32, #tpu.memory_space<vmem>>, vector<1x1x8x128xf32>
      %swap3A_976 = vector.shape_cast %swap3A_975 : vector<1x1x8x128xf32> to vector<8x128xf32>
      %swap3A_977 = vector.shape_cast %broadcast_in_dim3A_966 : vector<8x128xf32> to vector<1x1x8x128xf32>
      tpu.vector_store %arg4[%swap3A_971, %swap3A_972, %swap3A_973, %swap3A_974], %swap3A_977 {strides = array<i32>} : memref<3x512x8x128xf32, #tpu.memory_space<vmem>>, vector<1x1x8x128xf32>,
      %slice3A_978 = vector.extract_strided_slice %roll3A_851 {offsets = [0, 9], sizes = [8, 1], strides = [1, 1]} : vector<8x128xf32> to vector<8x1xf32>
      %broadcast_in_dim3A_979 = vector.shape_cast %slice3A_978 : vector<8x1xf32> to vector<8x1xf32>
      %broadcast_in_dim3A_980 = vector.broadcast %broadcast_in_dim3A_979 : vector<8x1xf32> to vector<8x128xf32>
      %mul3A_981 = arith.constant 16 : i32
      %mul3A_982 = arith.muli %add3A_798, %mul3A_981 : i32
      %add3A_983 = arith.constant 9 : i32
      %add3A_984 = arith.addi %mul3A_982, %add3A_983 : i32
      %swap3A_985 = arith.constant 0 : index
      %swap3A_986 = arith.index_cast %add3A_984 : i32 to index
      %swap3A_987 = arith.constant 0 : index
      %swap3A_988 = arith.constant 0 : index
      %swap3A_989 = vector.load %arg4[%swap3A_985, %swap3A_986, %swap3A_987, %swap3A_988] : memref<3x512x8x128xf32, #tpu.memory_space<vmem>>, vector<1x1x8x128xf32>
      %swap3A_990 = vector.shape_cast %swap3A_989 : vector<1x1x8x128xf32> to vector<8x128xf32>
      %swap3A_991 = vector.shape_cast %broadcast_in_dim3A_980 : vector<8x128xf32> to vector<1x1x8x128xf32>
      tpu.vector_store %arg4[%swap3A_985, %swap3A_986, %swap3A_987, %swap3A_988], %swap3A_991 {strides = array<i32>} : memref<3x512x8x128xf32, #tpu.memory_space<vmem>>, vector<1x1x8x128xf32>,
      %slice3A_992 = vector.extract_strided_slice %roll3A_851 {offsets = [0, 10], sizes = [8, 1], strides = [1, 1]} : vector<8x128xf32> to vector<8x1xf32>
      %broadcast_in_dim3A_993 = vector.shape_cast %slice3A_992 : vector<8x1xf32> to vector<8x1xf32>
      %broadcast_in_dim3A_994 = vector.broadcast %broadcast_in_dim3A_993 : vector<8x1xf32> to vector<8x128xf32>
      %mul3A_995 = arith.constant 16 : i32
      %mul3A_996 = arith.muli %add3A_798, %mul3A_995 : i32
      %add3A_997 = arith.constant 10 : i32
      %add3A_998 = arith.addi %mul3A_996, %add3A_997 : i32
      %swap3A_999 = arith.constant 0 : index
      %swap3A_1000 = arith.index_cast %add3A_998 : i32 to index
      %swap3A_1001 = arith.constant 0 : index
      %swap3A_1002 = arith.constant 0 : index
      %swap3A_1003 = vector.load %arg4[%swap3A_999, %swap3A_1000, %swap3A_1001, %swap3A_1002] : memref<3x512x8x128xf32, #tpu.memory_space<vmem>>, vector<1x1x8x128xf32>
      %swap3A_1004 = vector.shape_cast %swap3A_1003 : vector<1x1x8x128xf32> to vector<8x128xf32>
      %swap3A_1005 = vector.shape_cast %broadcast_in_dim3A_994 : vector<8x128xf32> to vector<1x1x8x128xf32>
      tpu.vector_store %arg4[%swap3A_999, %swap3A_1000, %swap3A_1001, %swap3A_1002], %swap3A_1005 {strides = array<i32>} : memref<3x512x8x128xf32, #tpu.memory_space<vmem>>, vector<1x1x8x128xf32>,
      %slice3A_1006 = vector.extract_strided_slice %roll3A_851 {offsets = [0, 11], sizes = [8, 1], strides = [1, 1]} : vector<8x128xf32> to vector<8x1xf32>
      %broadcast_in_dim3A_1007 = vector.shape_cast %slice3A_1006 : vector<8x1xf32> to vector<8x1xf32>
      %broadcast_in_dim3A_1008 = vector.broadcast %broadcast_in_dim3A_1007 : vector<8x1xf32> to vector<8x128xf32>
      %mul3A_1009 = arith.constant 16 : i32
      %mul3A_1010 = arith.muli %add3A_798, %mul3A_1009 : i32
      %add3A_1011 = arith.constant 11 : i32
      %add3A_1012 = arith.addi %mul3A_1010, %add3A_1011 : i32
      %swap3A_1013 = arith.constant 0 : index
      %swap3A_1014 = arith.index_cast %add3A_1012 : i32 to index
      %swap3A_1015 = arith.constant 0 : index
      %swap3A_1016 = arith.constant 0 : index
      %swap3A_1017 = vector.load %arg4[%swap3A_1013, %swap3A_1014, %swap3A_1015, %swap3A_1016] : memref<3x512x8x128xf32, #tpu.memory_space<vmem>>, vector<1x1x8x128xf32>
      %swap3A_1018 = vector.shape_cast %swap3A_1017 : vector<1x1x8x128xf32> to vector<8x128xf32>
      %swap3A_1019 = vector.shape_cast %broadcast_in_dim3A_1008 : vector<8x128xf32> to vector<1x1x8x128xf32>
      tpu.vector_store %arg4[%swap3A_1013, %swap3A_1014, %swap3A_1015, %swap3A_1016], %swap3A_1019 {strides = array<i32>} : memref<3x512x8x128xf32, #tpu.memory_space<vmem>>, vector<1x1x8x128xf32>,
      %slice3A_1020 = vector.extract_strided_slice %roll3A_851 {offsets = [0, 12], sizes = [8, 1], strides = [1, 1]} : vector<8x128xf32> to vector<8x1xf32>
      %broadcast_in_dim3A_1021 = vector.shape_cast %slice3A_1020 : vector<8x1xf32> to vector<8x1xf32>
      %broadcast_in_dim3A_1022 = vector.broadcast %broadcast_in_dim3A_1021 : vector<8x1xf32> to vector<8x128xf32>
      %mul3A_1023 = arith.constant 16 : i32
      %mul3A_1024 = arith.muli %add3A_798, %mul3A_1023 : i32
      %add3A_1025 = arith.constant 12 : i32
      %add3A_1026 = arith.addi %mul3A_1024, %add3A_1025 : i32
      %swap3A_1027 = arith.constant 0 : index
      %swap3A_1028 = arith.index_cast %add3A_1026 : i32 to index
      %swap3A_1029 = arith.constant 0 : index
      %swap3A_1030 = arith.constant 0 : index
      %swap3A_1031 = vector.load %arg4[%swap3A_1027, %swap3A_1028, %swap3A_1029, %swap3A_1030] : memref<3x512x8x128xf32, #tpu.memory_space<vmem>>, vector<1x1x8x128xf32>
      %swap3A_1032 = vector.shape_cast %swap3A_1031 : vector<1x1x8x128xf32> to vector<8x128xf32>
      %swap3A_1033 = vector.shape_cast %broadcast_in_dim3A_1022 : vector<8x128xf32> to vector<1x1x8x128xf32>
      tpu.vector_store %arg4[%swap3A_1027, %swap3A_1028, %swap3A_1029, %swap3A_1030], %swap3A_1033 {strides = array<i32>} : memref<3x512x8x128xf32, #tpu.memory_space<vmem>>, vector<1x1x8x128xf32>,
      %slice3A_1034 = vector.extract_strided_slice %roll3A_851 {offsets = [0, 13], sizes = [8, 1], strides = [1, 1]} : vector<8x128xf32> to vector<8x1xf32>
      %broadcast_in_dim3A_1035 = vector.shape_cast %slice3A_1034 : vector<8x1xf32> to vector<8x1xf32>
      %broadcast_in_dim3A_1036 = vector.broadcast %broadcast_in_dim3A_1035 : vector<8x1xf32> to vector<8x128xf32>
      %mul3A_1037 = arith.constant 16 : i32
      %mul3A_1038 = arith.muli %add3A_798, %mul3A_1037 : i32
      %add3A_1039 = arith.constant 13 : i32
      %add3A_1040 = arith.addi %mul3A_1038, %add3A_1039 : i32
      %swap3A_1041 = arith.constant 0 : index
      %swap3A_1042 = arith.index_cast %add3A_1040 : i32 to index
      %swap3A_1043 = arith.constant 0 : index
      %swap3A_1044 = arith.constant 0 : index
      %swap3A_1045 = vector.load %arg4[%swap3A_1041, %swap3A_1042, %swap3A_1043, %swap3A_1044] : memref<3x512x8x128xf32, #tpu.memory_space<vmem>>, vector<1x1x8x128xf32>
      %swap3A_1046 = vector.shape_cast %swap3A_1045 : vector<1x1x8x128xf32> to vector<8x128xf32>
      %swap3A_1047 = vector.shape_cast %broadcast_in_dim3A_1036 : vector<8x128xf32> to vector<1x1x8x128xf32>
      tpu.vector_store %arg4[%swap3A_1041, %swap3A_1042, %swap3A_1043, %swap3A_1044], %swap3A_1047 {strides = array<i32>} : memref<3x512x8x128xf32, #tpu.memory_space<vmem>>, vector<1x1x8x128xf32>,
      %slice3A_1048 = vector.extract_strided_slice %roll3A_851 {offsets = [0, 14], sizes = [8, 1], strides = [1, 1]} : vector<8x128xf32> to vector<8x1xf32>
      %broadcast_in_dim3A_1049 = vector.shape_cast %slice3A_1048 : vector<8x1xf32> to vector<8x1xf32>
      %broadcast_in_dim3A_1050 = vector.broadcast %broadcast_in_dim3A_1049 : vector<8x1xf32> to vector<8x128xf32>
      %mul3A_1051 = arith.constant 16 : i32
      %mul3A_1052 = arith.muli %add3A_798, %mul3A_1051 : i32
      %add3A_1053 = arith.constant 14 : i32
      %add3A_1054 = arith.addi %mul3A_1052, %add3A_1053 : i32
      %swap3A_1055 = arith.constant 0 : index
      %swap3A_1056 = arith.index_cast %add3A_1054 : i32 to index
      %swap3A_1057 = arith.constant 0 : index
      %swap3A_1058 = arith.constant 0 : index
      %swap3A_1059 = vector.load %arg4[%swap3A_1055, %swap3A_1056, %swap3A_1057, %swap3A_1058] : memref<3x512x8x128xf32, #tpu.memory_space<vmem>>, vector<1x1x8x128xf32>
      %swap3A_1060 = vector.shape_cast %swap3A_1059 : vector<1x1x8x128xf32> to vector<8x128xf32>
      %swap3A_1061 = vector.shape_cast %broadcast_in_dim3A_1050 : vector<8x128xf32> to vector<1x1x8x128xf32>
      tpu.vector_store %arg4[%swap3A_1055, %swap3A_1056, %swap3A_1057, %swap3A_1058], %swap3A_1061 {strides = array<i32>} : memref<3x512x8x128xf32, #tpu.memory_space<vmem>>, vector<1x1x8x128xf32>,
      %slice3A_1062 = vector.extract_strided_slice %roll3A_851 {offsets = [0, 15], sizes = [8, 1], strides = [1, 1]} : vector<8x128xf32> to vector<8x1xf32>
      %broadcast_in_dim3A_1063 = vector.shape_cast %slice3A_1062 : vector<8x1xf32> to vector<8x1xf32>
      %broadcast_in_dim3A_1064 = vector.broadcast %broadcast_in_dim3A_1063 : vector<8x1xf32> to vector<8x128xf32>
      %mul3A_1065 = arith.constant 16 : i32
      %mul3A_1066 = arith.muli %add3A_798, %mul3A_1065 : i32
      %add3A_1067 = arith.constant 15 : i32
      %add3A_1068 = arith.addi %mul3A_1066, %add3A_1067 : i32
      %swap3A_1069 = arith.constant 0 : index
      %swap3A_1070 = arith.index_cast %add3A_1068 : i32 to index
      %swap3A_1071 = arith.constant 0 : index
      %swap3A_1072 = arith.constant 0 : index
      %swap3A_1073 = vector.load %arg4[%swap3A_1069, %swap3A_1070, %swap3A_1071, %swap3A_1072] : memref<3x512x8x128xf32, #tpu.memory_space<vmem>>, vector<1x1x8x128xf32>
      %swap3A_1074 = vector.shape_cast %swap3A_1073 : vector<1x1x8x128xf32> to vector<8x128xf32>
      %swap3A_1075 = vector.shape_cast %broadcast_in_dim3A_1064 : vector<8x128xf32> to vector<1x1x8x128xf32>
      tpu.vector_store %arg4[%swap3A_1069, %swap3A_1070, %swap3A_1071, %swap3A_1072], %swap3A_1075 {strides = array<i32>} : memref<3x512x8x128xf32, #tpu.memory_space<vmem>>, vector<1x1x8x128xf32>,
      %get3A_1076 = arith.constant 1 : index
      %get3A_1077 = arith.constant 0 : index
      %get3A_1078 = arith.index_cast %multiple_of3A_825 : i32 to index
      %get3A_1079 = vector.load %arg0[%get3A_1076, %get3A_1077, %get3A_1078] : memref<3x8x512xf32, #tpu.memory_space<vmem>>, vector<1x8x128xf32>
      %get3A_1080 = vector.shape_cast %get3A_1079 : vector<1x8x128xf32> to vector<8x128xf32>
      %neg3A_1081 = arith.constant 0 : i32
      %neg3A_1082 = arith.subi %neg3A_1081, %mul3A_843 : i32
      %roll3A_1083 = tpu.dynamic_rotate %get3A_1080 by %neg3A_1082 dim 1 : vector<8x128xf32>, i32 -> vector<8x128xf32>
      %slice3A_1084 = vector.extract_strided_slice %roll3A_1083 {offsets = [0, 0], sizes = [8, 1], strides = [1, 1]} : vector<8x128xf32> to vector<8x1xf32>
      %broadcast_in_dim3A_1085 = vector.shape_cast %slice3A_1084 : vector<8x1xf32> to vector<8x1xf32>
      %broadcast_in_dim3A_1086 = vector.broadcast %broadcast_in_dim3A_1085 : vector<8x1xf32> to vector<8x128xf32>
      %mul3A_1087 = arith.constant 16 : i32
      %mul3A_1088 = arith.muli %add3A_798, %mul3A_1087 : i32
      %add3A_1089 = arith.constant 0 : i32
      %add3A_1090 = arith.addi %mul3A_1088, %add3A_1089 : i32
      %swap3A_1091 = arith.constant 1 : index
      %swap3A_1092 = arith.index_cast %add3A_1090 : i32 to index
      %swap3A_1093 = arith.constant 0 : index
      %swap3A_1094 = arith.constant 0 : index
      %swap3A_1095 = vector.load %arg4[%swap3A_1091, %swap3A_1092, %swap3A_1093, %swap3A_1094] : memref<3x512x8x128xf32, #tpu.memory_space<vmem>>, vector<1x1x8x128xf32>
      %swap3A_1096 = vector.shape_cast %swap3A_1095 : vector<1x1x8x128xf32> to vector<8x128xf32>
      %swap3A_1097 = vector.shape_cast %broadcast_in_dim3A_1086 : vector<8x128xf32> to vector<1x1x8x128xf32>
      tpu.vector_store %arg4[%swap3A_1091, %swap3A_1092, %swap3A_1093, %swap3A_1094], %swap3A_1097 {strides = array<i32>} : memref<3x512x8x128xf32, #tpu.memory_space<vmem>>, vector<1x1x8x128xf32>,
      %slice3A_1098 = vector.extract_strided_slice %roll3A_1083 {offsets = [0, 1], sizes = [8, 1], strides = [1, 1]} : vector<8x128xf32> to vector<8x1xf32>
      %broadcast_in_dim3A_1099 = vector.shape_cast %slice3A_1098 : vector<8x1xf32> to vector<8x1xf32>
      %broadcast_in_dim3A_1100 = vector.broadcast %broadcast_in_dim3A_1099 : vector<8x1xf32> to vector<8x128xf32>
      %mul3A_1101 = arith.constant 16 : i32
      %mul3A_1102 = arith.muli %add3A_798, %mul3A_1101 : i32
      %add3A_1103 = arith.constant 1 : i32
      %add3A_1104 = arith.addi %mul3A_1102, %add3A_1103 : i32
      %swap3A_1105 = arith.constant 1 : index
      %swap3A_1106 = arith.index_cast %add3A_1104 : i32 to index
      %swap3A_1107 = arith.constant 0 : index
      %swap3A_1108 = arith.constant 0 : index
      %swap3A_1109 = vector.load %arg4[%swap3A_1105, %swap3A_1106, %swap3A_1107, %swap3A_1108] : memref<3x512x8x128xf32, #tpu.memory_space<vmem>>, vector<1x1x8x128xf32>
      %swap3A_1110 = vector.shape_cast %swap3A_1109 : vector<1x1x8x128xf32> to vector<8x128xf32>
      %swap3A_1111 = vector.shape_cast %broadcast_in_dim3A_1100 : vector<8x128xf32> to vector<1x1x8x128xf32>
      tpu.vector_store %arg4[%swap3A_1105, %swap3A_1106, %swap3A_1107, %swap3A_1108], %swap3A_1111 {strides = array<i32>} : memref<3x512x8x128xf32, #tpu.memory_space<vmem>>, vector<1x1x8x128xf32>,
      %slice3A_1112 = vector.extract_strided_slice %roll3A_1083 {offsets = [0, 2], sizes = [8, 1], strides = [1, 1]} : vector<8x128xf32> to vector<8x1xf32>
      %broadcast_in_dim3A_1113 = vector.shape_cast %slice3A_1112 : vector<8x1xf32> to vector<8x1xf32>
      %broadcast_in_dim3A_1114 = vector.broadcast %broadcast_in_dim3A_1113 : vector<8x1xf32> to vector<8x128xf32>
      %mul3A_1115 = arith.constant 16 : i32
      %mul3A_1116 = arith.muli %add3A_798, %mul3A_1115 : i32
      %add3A_1117 = arith.constant 2 : i32
      %add3A_1118 = arith.addi %mul3A_1116, %add3A_1117 : i32
      %swap3A_1119 = arith.constant 1 : index
      %swap3A_1120 = arith.index_cast %add3A_1118 : i32 to index
      %swap3A_1121 = arith.constant 0 : index
      %swap3A_1122 = arith.constant 0 : index
      %swap3A_1123 = vector.load %arg4[%swap3A_1119, %swap3A_1120, %swap3A_1121, %swap3A_1122] : memref<3x512x8x128xf32, #tpu.memory_space<vmem>>, vector<1x1x8x128xf32>
      %swap3A_1124 = vector.shape_cast %swap3A_1123 : vector<1x1x8x128xf32> to vector<8x128xf32>
      %swap3A_1125 = vector.shape_cast %broadcast_in_dim3A_1114 : vector<8x128xf32> to vector<1x1x8x128xf32>
      tpu.vector_store %arg4[%swap3A_1119, %swap3A_1120, %swap3A_1121, %swap3A_1122], %swap3A_1125 {strides = array<i32>} : memref<3x512x8x128xf32, #tpu.memory_space<vmem>>, vector<1x1x8x128xf32>,
      %slice3A_1126 = vector.extract_strided_slice %roll3A_1083 {offsets = [0, 3], sizes = [8, 1], strides = [1, 1]} : vector<8x128xf32> to vector<8x1xf32>
      %broadcast_in_dim3A_1127 = vector.shape_cast %slice3A_1126 : vector<8x1xf32> to vector<8x1xf32>
      %broadcast_in_dim3A_1128 = vector.broadcast %broadcast_in_dim3A_1127 : vector<8x1xf32> to vector<8x128xf32>
      %mul3A_1129 = arith.constant 16 : i32
      %mul3A_1130 = arith.muli %add3A_798, %mul3A_1129 : i32
      %add3A_1131 = arith.constant 3 : i32
      %add3A_1132 = arith.addi %mul3A_1130, %add3A_1131 : i32
      %swap3A_1133 = arith.constant 1 : index
      %swap3A_1134 = arith.index_cast %add3A_1132 : i32 to index
      %swap3A_1135 = arith.constant 0 : index
      %swap3A_1136 = arith.constant 0 : index
      %swap3A_1137 = vector.load %arg4[%swap3A_1133, %swap3A_1134, %swap3A_1135, %swap3A_1136] : memref<3x512x8x128xf32, #tpu.memory_space<vmem>>, vector<1x1x8x128xf32>
      %swap3A_1138 = vector.shape_cast %swap3A_1137 : vector<1x1x8x128xf32> to vector<8x128xf32>
      %swap3A_1139 = vector.shape_cast %broadcast_in_dim3A_1128 : vector<8x128xf32> to vector<1x1x8x128xf32>
      tpu.vector_store %arg4[%swap3A_1133, %swap3A_1134, %swap3A_1135, %swap3A_1136], %swap3A_1139 {strides = array<i32>} : memref<3x512x8x128xf32, #tpu.memory_space<vmem>>, vector<1x1x8x128xf32>,
      %slice3A_1140 = vector.extract_strided_slice %roll3A_1083 {offsets = [0, 4], sizes = [8, 1], strides = [1, 1]} : vector<8x128xf32> to vector<8x1xf32>
      %broadcast_in_dim3A_1141 = vector.shape_cast %slice3A_1140 : vector<8x1xf32> to vector<8x1xf32>
      %broadcast_in_dim3A_1142 = vector.broadcast %broadcast_in_dim3A_1141 : vector<8x1xf32> to vector<8x128xf32>
      %mul3A_1143 = arith.constant 16 : i32
      %mul3A_1144 = arith.muli %add3A_798, %mul3A_1143 : i32
      %add3A_1145 = arith.constant 4 : i32
      %add3A_1146 = arith.addi %mul3A_1144, %add3A_1145 : i32
      %swap3A_1147 = arith.constant 1 : index
      %swap3A_1148 = arith.index_cast %add3A_1146 : i32 to index
      %swap3A_1149 = arith.constant 0 : index
      %swap3A_1150 = arith.constant 0 : index
      %swap3A_1151 = vector.load %arg4[%swap3A_1147, %swap3A_1148, %swap3A_1149, %swap3A_1150] : memref<3x512x8x128xf32, #tpu.memory_space<vmem>>, vector<1x1x8x128xf32>
      %swap3A_1152 = vector.shape_cast %swap3A_1151 : vector<1x1x8x128xf32> to vector<8x128xf32>
      %swap3A_1153 = vector.shape_cast %broadcast_in_dim3A_1142 : vector<8x128xf32> to vector<1x1x8x128xf32>
      tpu.vector_store %arg4[%swap3A_1147, %swap3A_1148, %swap3A_1149, %swap3A_1150], %swap3A_1153 {strides = array<i32>} : memref<3x512x8x128xf32, #tpu.memory_space<vmem>>, vector<1x1x8x128xf32>,
      %slice3A_1154 = vector.extract_strided_slice %roll3A_1083 {offsets = [0, 5], sizes = [8, 1], strides = [1, 1]} : vector<8x128xf32> to vector<8x1xf32>
      %broadcast_in_dim3A_1155 = vector.shape_cast %slice3A_1154 : vector<8x1xf32> to vector<8x1xf32>
      %broadcast_in_dim3A_1156 = vector.broadcast %broadcast_in_dim3A_1155 : vector<8x1xf32> to vector<8x128xf32>
      %mul3A_1157 = arith.constant 16 : i32
      %mul3A_1158 = arith.muli %add3A_798, %mul3A_1157 : i32
      %add3A_1159 = arith.constant 5 : i32
      %add3A_1160 = arith.addi %mul3A_1158, %add3A_1159 : i32
      %swap3A_1161 = arith.constant 1 : index
      %swap3A_1162 = arith.index_cast %add3A_1160 : i32 to index
      %swap3A_1163 = arith.constant 0 : index
      %swap3A_1164 = arith.constant 0 : index
      %swap3A_1165 = vector.load %arg4[%swap3A_1161, %swap3A_1162, %swap3A_1163, %swap3A_1164] : memref<3x512x8x128xf32, #tpu.memory_space<vmem>>, vector<1x1x8x128xf32>
      %swap3A_1166 = vector.shape_cast %swap3A_1165 : vector<1x1x8x128xf32> to vector<8x128xf32>
      %swap3A_1167 = vector.shape_cast %broadcast_in_dim3A_1156 : vector<8x128xf32> to vector<1x1x8x128xf32>
      tpu.vector_store %arg4[%swap3A_1161, %swap3A_1162, %swap3A_1163, %swap3A_1164], %swap3A_1167 {strides = array<i32>} : memref<3x512x8x128xf32, #tpu.memory_space<vmem>>, vector<1x1x8x128xf32>,
      %slice3A_1168 = vector.extract_strided_slice %roll3A_1083 {offsets = [0, 6], sizes = [8, 1], strides = [1, 1]} : vector<8x128xf32> to vector<8x1xf32>
      %broadcast_in_dim3A_1169 = vector.shape_cast %slice3A_1168 : vector<8x1xf32> to vector<8x1xf32>
      %broadcast_in_dim3A_1170 = vector.broadcast %broadcast_in_dim3A_1169 : vector<8x1xf32> to vector<8x128xf32>
      %mul3A_1171 = arith.constant 16 : i32
      %mul3A_1172 = arith.muli %add3A_798, %mul3A_1171 : i32
      %add3A_1173 = arith.constant 6 : i32
      %add3A_1174 = arith.addi %mul3A_1172, %add3A_1173 : i32
      %swap3A_1175 = arith.constant 1 : index
      %swap3A_1176 = arith.index_cast %add3A_1174 : i32 to index
      %swap3A_1177 = arith.constant 0 : index
      %swap3A_1178 = arith.constant 0 : index
      %swap3A_1179 = vector.load %arg4[%swap3A_1175, %swap3A_1176, %swap3A_1177, %swap3A_1178] : memref<3x512x8x128xf32, #tpu.memory_space<vmem>>, vector<1x1x8x128xf32>
      %swap3A_1180 = vector.shape_cast %swap3A_1179 : vector<1x1x8x128xf32> to vector<8x128xf32>
      %swap3A_1181 = vector.shape_cast %broadcast_in_dim3A_1170 : vector<8x128xf32> to vector<1x1x8x128xf32>
      tpu.vector_store %arg4[%swap3A_1175, %swap3A_1176, %swap3A_1177, %swap3A_1178], %swap3A_1181 {strides = array<i32>} : memref<3x512x8x128xf32, #tpu.memory_space<vmem>>, vector<1x1x8x128xf32>,
      %slice3A_1182 = vector.extract_strided_slice %roll3A_1083 {offsets = [0, 7], sizes = [8, 1], strides = [1, 1]} : vector<8x128xf32> to vector<8x1xf32>
      %broadcast_in_dim3A_1183 = vector.shape_cast %slice3A_1182 : vector<8x1xf32> to vector<8x1xf32>
      %broadcast_in_dim3A_1184 = vector.broadcast %broadcast_in_dim3A_1183 : vector<8x1xf32> to vector<8x128xf32>
      %mul3A_1185 = arith.constant 16 : i32
      %mul3A_1186 = arith.muli %add3A_798, %mul3A_1185 : i32
      %add3A_1187 = arith.constant 7 : i32
      %add3A_1188 = arith.addi %mul3A_1186, %add3A_1187 : i32
      %swap3A_1189 = arith.constant 1 : index
      %swap3A_1190 = arith.index_cast %add3A_1188 : i32 to index
      %swap3A_1191 = arith.constant 0 : index
      %swap3A_1192 = arith.constant 0 : index
      %swap3A_1193 = vector.load %arg4[%swap3A_1189, %swap3A_1190, %swap3A_1191, %swap3A_1192] : memref<3x512x8x128xf32, #tpu.memory_space<vmem>>, vector<1x1x8x128xf32>
      %swap3A_1194 = vector.shape_cast %swap3A_1193 : vector<1x1x8x128xf32> to vector<8x128xf32>
      %swap3A_1195 = vector.shape_cast %broadcast_in_dim3A_1184 : vector<8x128xf32> to vector<1x1x8x128xf32>
      tpu.vector_store %arg4[%swap3A_1189, %swap3A_1190, %swap3A_1191, %swap3A_1192], %swap3A_1195 {strides = array<i32>} : memref<3x512x8x128xf32, #tpu.memory_space<vmem>>, vector<1x1x8x128xf32>,
      %slice3A_1196 = vector.extract_strided_slice %roll3A_1083 {offsets = [0, 8], sizes = [8, 1], strides = [1, 1]} : vector<8x128xf32> to vector<8x1xf32>
      %broadcast_in_dim3A_1197 = vector.shape_cast %slice3A_1196 : vector<8x1xf32> to vector<8x1xf32>
      %broadcast_in_dim3A_1198 = vector.broadcast %broadcast_in_dim3A_1197 : vector<8x1xf32> to vector<8x128xf32>
      %mul3A_1199 = arith.constant 16 : i32
      %mul3A_1200 = arith.muli %add3A_798, %mul3A_1199 : i32
      %add3A_1201 = arith.constant 8 : i32
      %add3A_1202 = arith.addi %mul3A_1200, %add3A_1201 : i32
      %swap3A_1203 = arith.constant 1 : index
      %swap3A_1204 = arith.index_cast %add3A_1202 : i32 to index
      %swap3A_1205 = arith.constant 0 : index
      %swap3A_1206 = arith.constant 0 : index
      %swap3A_1207 = vector.load %arg4[%swap3A_1203, %swap3A_1204, %swap3A_1205, %swap3A_1206] : memref<3x512x8x128xf32, #tpu.memory_space<vmem>>, vector<1x1x8x128xf32>
      %swap3A_1208 = vector.shape_cast %swap3A_1207 : vector<1x1x8x128xf32> to vector<8x128xf32>
      %swap3A_1209 = vector.shape_cast %broadcast_in_dim3A_1198 : vector<8x128xf32> to vector<1x1x8x128xf32>
      tpu.vector_store %arg4[%swap3A_1203, %swap3A_1204, %swap3A_1205, %swap3A_1206], %swap3A_1209 {strides = array<i32>} : memref<3x512x8x128xf32, #tpu.memory_space<vmem>>, vector<1x1x8x128xf32>,
      %slice3A_1210 = vector.extract_strided_slice %roll3A_1083 {offsets = [0, 9], sizes = [8, 1], strides = [1, 1]} : vector<8x128xf32> to vector<8x1xf32>
      %broadcast_in_dim3A_1211 = vector.shape_cast %slice3A_1210 : vector<8x1xf32> to vector<8x1xf32>
      %broadcast_in_dim3A_1212 = vector.broadcast %broadcast_in_dim3A_1211 : vector<8x1xf32> to vector<8x128xf32>
      %mul3A_1213 = arith.constant 16 : i32
      %mul3A_1214 = arith.muli %add3A_798, %mul3A_1213 : i32
      %add3A_1215 = arith.constant 9 : i32
      %add3A_1216 = arith.addi %mul3A_1214, %add3A_1215 : i32
      %swap3A_1217 = arith.constant 1 : index
      %swap3A_1218 = arith.index_cast %add3A_1216 : i32 to index
      %swap3A_1219 = arith.constant 0 : index
      %swap3A_1220 = arith.constant 0 : index
      %swap3A_1221 = vector.load %arg4[%swap3A_1217, %swap3A_1218, %swap3A_1219, %swap3A_1220] : memref<3x512x8x128xf32, #tpu.memory_space<vmem>>, vector<1x1x8x128xf32>
      %swap3A_1222 = vector.shape_cast %swap3A_1221 : vector<1x1x8x128xf32> to vector<8x128xf32>
      %swap3A_1223 = vector.shape_cast %broadcast_in_dim3A_1212 : vector<8x128xf32> to vector<1x1x8x128xf32>
      tpu.vector_store %arg4[%swap3A_1217, %swap3A_1218, %swap3A_1219, %swap3A_1220], %swap3A_1223 {strides = array<i32>} : memref<3x512x8x128xf32, #tpu.memory_space<vmem>>, vector<1x1x8x128xf32>,
      %slice3A_1224 = vector.extract_strided_slice %roll3A_1083 {offsets = [0, 10], sizes = [8, 1], strides = [1, 1]} : vector<8x128xf32> to vector<8x1xf32>
      %broadcast_in_dim3A_1225 = vector.shape_cast %slice3A_1224 : vector<8x1xf32> to vector<8x1xf32>
      %broadcast_in_dim3A_1226 = vector.broadcast %broadcast_in_dim3A_1225 : vector<8x1xf32> to vector<8x128xf32>
      %mul3A_1227 = arith.constant 16 : i32
      %mul3A_1228 = arith.muli %add3A_798, %mul3A_1227 : i32
      %add3A_1229 = arith.constant 10 : i32
      %add3A_1230 = arith.addi %mul3A_1228, %add3A_1229 : i32
      %swap3A_1231 = arith.constant 1 : index
      %swap3A_1232 = arith.index_cast %add3A_1230 : i32 to index
      %swap3A_1233 = arith.constant 0 : index
      %swap3A_1234 = arith.constant 0 : index
      %swap3A_1235 = vector.load %arg4[%swap3A_1231, %swap3A_1232, %swap3A_1233, %swap3A_1234] : memref<3x512x8x128xf32, #tpu.memory_space<vmem>>, vector<1x1x8x128xf32>
      %swap3A_1236 = vector.shape_cast %swap3A_1235 : vector<1x1x8x128xf32> to vector<8x128xf32>
      %swap3A_1237 = vector.shape_cast %broadcast_in_dim3A_1226 : vector<8x128xf32> to vector<1x1x8x128xf32>
      tpu.vector_store %arg4[%swap3A_1231, %swap3A_1232, %swap3A_1233, %swap3A_1234], %swap3A_1237 {strides = array<i32>} : memref<3x512x8x128xf32, #tpu.memory_space<vmem>>, vector<1x1x8x128xf32>,
      %slice3A_1238 = vector.extract_strided_slice %roll3A_1083 {offsets = [0, 11], sizes = [8, 1], strides = [1, 1]} : vector<8x128xf32> to vector<8x1xf32>
      %broadcast_in_dim3A_1239 = vector.shape_cast %slice3A_1238 : vector<8x1xf32> to vector<8x1xf32>
      %broadcast_in_dim3A_1240 = vector.broadcast %broadcast_in_dim3A_1239 : vector<8x1xf32> to vector<8x128xf32>
      %mul3A_1241 = arith.constant 16 : i32
      %mul3A_1242 = arith.muli %add3A_798, %mul3A_1241 : i32
      %add3A_1243 = arith.constant 11 : i32
      %add3A_1244 = arith.addi %mul3A_1242, %add3A_1243 : i32
      %swap3A_1245 = arith.constant 1 : index
      %swap3A_1246 = arith.index_cast %add3A_1244 : i32 to index
      %swap3A_1247 = arith.constant 0 : index
      %swap3A_1248 = arith.constant 0 : index
      %swap3A_1249 = vector.load %arg4[%swap3A_1245, %swap3A_1246, %swap3A_1247, %swap3A_1248] : memref<3x512x8x128xf32, #tpu.memory_space<vmem>>, vector<1x1x8x128xf32>
      %swap3A_1250 = vector.shape_cast %swap3A_1249 : vector<1x1x8x128xf32> to vector<8x128xf32>
      %swap3A_1251 = vector.shape_cast %broadcast_in_dim3A_1240 : vector<8x128xf32> to vector<1x1x8x128xf32>
      tpu.vector_store %arg4[%swap3A_1245, %swap3A_1246, %swap3A_1247, %swap3A_1248], %swap3A_1251 {strides = array<i32>} : memref<3x512x8x128xf32, #tpu.memory_space<vmem>>, vector<1x1x8x128xf32>,
      %slice3A_1252 = vector.extract_strided_slice %roll3A_1083 {offsets = [0, 12], sizes = [8, 1], strides = [1, 1]} : vector<8x128xf32> to vector<8x1xf32>
      %broadcast_in_dim3A_1253 = vector.shape_cast %slice3A_1252 : vector<8x1xf32> to vector<8x1xf32>
      %broadcast_in_dim3A_1254 = vector.broadcast %broadcast_in_dim3A_1253 : vector<8x1xf32> to vector<8x128xf32>
      %mul3A_1255 = arith.constant 16 : i32
      %mul3A_1256 = arith.muli %add3A_798, %mul3A_1255 : i32
      %add3A_1257 = arith.constant 12 : i32
      %add3A_1258 = arith.addi %mul3A_1256, %add3A_1257 : i32
      %swap3A_1259 = arith.constant 1 : index
      %swap3A_1260 = arith.index_cast %add3A_1258 : i32 to index
      %swap3A_1261 = arith.constant 0 : index
      %swap3A_1262 = arith.constant 0 : index
      %swap3A_1263 = vector.load %arg4[%swap3A_1259, %swap3A_1260, %swap3A_1261, %swap3A_1262] : memref<3x512x8x128xf32, #tpu.memory_space<vmem>>, vector<1x1x8x128xf32>
      %swap3A_1264 = vector.shape_cast %swap3A_1263 : vector<1x1x8x128xf32> to vector<8x128xf32>
      %swap3A_1265 = vector.shape_cast %broadcast_in_dim3A_1254 : vector<8x128xf32> to vector<1x1x8x128xf32>
      tpu.vector_store %arg4[%swap3A_1259, %swap3A_1260, %swap3A_1261, %swap3A_1262], %swap3A_1265 {strides = array<i32>} : memref<3x512x8x128xf32, #tpu.memory_space<vmem>>, vector<1x1x8x128xf32>,
      %slice3A_1266 = vector.extract_strided_slice %roll3A_1083 {offsets = [0, 13], sizes = [8, 1], strides = [1, 1]} : vector<8x128xf32> to vector<8x1xf32>
      %broadcast_in_dim3A_1267 = vector.shape_cast %slice3A_1266 : vector<8x1xf32> to vector<8x1xf32>
      %broadcast_in_dim3A_1268 = vector.broadcast %broadcast_in_dim3A_1267 : vector<8x1xf32> to vector<8x128xf32>
      %mul3A_1269 = arith.constant 16 : i32
      %mul3A_1270 = arith.muli %add3A_798, %mul3A_1269 : i32
      %add3A_1271 = arith.constant 13 : i32
      %add3A_1272 = arith.addi %mul3A_1270, %add3A_1271 : i32
      %swap3A_1273 = arith.constant 1 : index
      %swap3A_1274 = arith.index_cast %add3A_1272 : i32 to index
      %swap3A_1275 = arith.constant 0 : index
      %swap3A_1276 = arith.constant 0 : index
      %swap3A_1277 = vector.load %arg4[%swap3A_1273, %swap3A_1274, %swap3A_1275, %swap3A_1276] : memref<3x512x8x128xf32, #tpu.memory_space<vmem>>, vector<1x1x8x128xf32>
      %swap3A_1278 = vector.shape_cast %swap3A_1277 : vector<1x1x8x128xf32> to vector<8x128xf32>
      %swap3A_1279 = vector.shape_cast %broadcast_in_dim3A_1268 : vector<8x128xf32> to vector<1x1x8x128xf32>
      tpu.vector_store %arg4[%swap3A_1273, %swap3A_1274, %swap3A_1275, %swap3A_1276], %swap3A_1279 {strides = array<i32>} : memref<3x512x8x128xf32, #tpu.memory_space<vmem>>, vector<1x1x8x128xf32>,
      %slice3A_1280 = vector.extract_strided_slice %roll3A_1083 {offsets = [0, 14], sizes = [8, 1], strides = [1, 1]} : vector<8x128xf32> to vector<8x1xf32>
      %broadcast_in_dim3A_1281 = vector.shape_cast %slice3A_1280 : vector<8x1xf32> to vector<8x1xf32>
      %broadcast_in_dim3A_1282 = vector.broadcast %broadcast_in_dim3A_1281 : vector<8x1xf32> to vector<8x128xf32>
      %mul3A_1283 = arith.constant 16 : i32
      %mul3A_1284 = arith.muli %add3A_798, %mul3A_1283 : i32
      %add3A_1285 = arith.constant 14 : i32
      %add3A_1286 = arith.addi %mul3A_1284, %add3A_1285 : i32
      %swap3A_1287 = arith.constant 1 : index
      %swap3A_1288 = arith.index_cast %add3A_1286 : i32 to index
      %swap3A_1289 = arith.constant 0 : index
      %swap3A_1290 = arith.constant 0 : index
      %swap3A_1291 = vector.load %arg4[%swap3A_1287, %swap3A_1288, %swap3A_1289, %swap3A_1290] : memref<3x512x8x128xf32, #tpu.memory_space<vmem>>, vector<1x1x8x128xf32>
      %swap3A_1292 = vector.shape_cast %swap3A_1291 : vector<1x1x8x128xf32> to vector<8x128xf32>
      %swap3A_1293 = vector.shape_cast %broadcast_in_dim3A_1282 : vector<8x128xf32> to vector<1x1x8x128xf32>
      tpu.vector_store %arg4[%swap3A_1287, %swap3A_1288, %swap3A_1289, %swap3A_1290], %swap3A_1293 {strides = array<i32>} : memref<3x512x8x128xf32, #tpu.memory_space<vmem>>, vector<1x1x8x128xf32>,
      %slice3A_1294 = vector.extract_strided_slice %roll3A_1083 {offsets = [0, 15], sizes = [8, 1], strides = [1, 1]} : vector<8x128xf32> to vector<8x1xf32>
      %broadcast_in_dim3A_1295 = vector.shape_cast %slice3A_1294 : vector<8x1xf32> to vector<8x1xf32>
      %broadcast_in_dim3A_1296 = vector.broadcast %broadcast_in_dim3A_1295 : vector<8x1xf32> to vector<8x128xf32>
      %mul3A_1297 = arith.constant 16 : i32
      %mul3A_1298 = arith.muli %add3A_798, %mul3A_1297 : i32
      %add3A_1299 = arith.constant 15 : i32
      %add3A_1300 = arith.addi %mul3A_1298, %add3A_1299 : i32
      %swap3A_1301 = arith.constant 1 : index
      %swap3A_1302 = arith.index_cast %add3A_1300 : i32 to index
      %swap3A_1303 = arith.constant 0 : index
      %swap3A_1304 = arith.constant 0 : index
      %swap3A_1305 = vector.load %arg4[%swap3A_1301, %swap3A_1302, %swap3A_1303, %swap3A_1304] : memref<3x512x8x128xf32, #tpu.memory_space<vmem>>, vector<1x1x8x128xf32>
      %swap3A_1306 = vector.shape_cast %swap3A_1305 : vector<1x1x8x128xf32> to vector<8x128xf32>
      %swap3A_1307 = vector.shape_cast %broadcast_in_dim3A_1296 : vector<8x128xf32> to vector<1x1x8x128xf32>
      tpu.vector_store %arg4[%swap3A_1301, %swap3A_1302, %swap3A_1303, %swap3A_1304], %swap3A_1307 {strides = array<i32>} : memref<3x512x8x128xf32, #tpu.memory_space<vmem>>, vector<1x1x8x128xf32>,
      %get3A_1308 = arith.constant 2 : index
      %get3A_1309 = arith.constant 0 : index
      %get3A_1310 = arith.index_cast %multiple_of3A_825 : i32 to index
      %get3A_1311 = vector.load %arg0[%get3A_1308, %get3A_1309, %get3A_1310] : memref<3x8x512xf32, #tpu.memory_space<vmem>>, vector<1x8x128xf32>
      %get3A_1312 = vector.shape_cast %get3A_1311 : vector<1x8x128xf32> to vector<8x128xf32>
      %neg3A_1313 = arith.constant 0 : i32
      %neg3A_1314 = arith.subi %neg3A_1313, %mul3A_843 : i32
      %roll3A_1315 = tpu.dynamic_rotate %get3A_1312 by %neg3A_1314 dim 1 : vector<8x128xf32>, i32 -> vector<8x128xf32>
      %slice3A_1316 = vector.extract_strided_slice %roll3A_1315 {offsets = [0, 0], sizes = [8, 1], strides = [1, 1]} : vector<8x128xf32> to vector<8x1xf32>
      %broadcast_in_dim3A_1317 = vector.shape_cast %slice3A_1316 : vector<8x1xf32> to vector<8x1xf32>
      %broadcast_in_dim3A_1318 = vector.broadcast %broadcast_in_dim3A_1317 : vector<8x1xf32> to vector<8x128xf32>
      %mul3A_1319 = arith.constant 16 : i32
      %mul3A_1320 = arith.muli %add3A_798, %mul3A_1319 : i32
      %add3A_1321 = arith.constant 0 : i32
      %add3A_1322 = arith.addi %mul3A_1320, %add3A_1321 : i32
      %swap3A_1323 = arith.constant 2 : index
      %swap3A_1324 = arith.index_cast %add3A_1322 : i32 to index
      %swap3A_1325 = arith.constant 0 : index
      %swap3A_1326 = arith.constant 0 : index
      %swap3A_1327 = vector.load %arg4[%swap3A_1323, %swap3A_1324, %swap3A_1325, %swap3A_1326] : memref<3x512x8x128xf32, #tpu.memory_space<vmem>>, vector<1x1x8x128xf32>
      %swap3A_1328 = vector.shape_cast %swap3A_1327 : vector<1x1x8x128xf32> to vector<8x128xf32>
      %swap3A_1329 = vector.shape_cast %broadcast_in_dim3A_1318 : vector<8x128xf32> to vector<1x1x8x128xf32>
      tpu.vector_store %arg4[%swap3A_1323, %swap3A_1324, %swap3A_1325, %swap3A_1326], %swap3A_1329 {strides = array<i32>} : memref<3x512x8x128xf32, #tpu.memory_space<vmem>>, vector<1x1x8x128xf32>,
      %slice3A_1330 = vector.extract_strided_slice %roll3A_1315 {offsets = [0, 1], sizes = [8, 1], strides = [1, 1]} : vector<8x128xf32> to vector<8x1xf32>
      %broadcast_in_dim3A_1331 = vector.shape_cast %slice3A_1330 : vector<8x1xf32> to vector<8x1xf32>
      %broadcast_in_dim3A_1332 = vector.broadcast %broadcast_in_dim3A_1331 : vector<8x1xf32> to vector<8x128xf32>
      %mul3A_1333 = arith.constant 16 : i32
      %mul3A_1334 = arith.muli %add3A_798, %mul3A_1333 : i32
      %add3A_1335 = arith.constant 1 : i32
      %add3A_1336 = arith.addi %mul3A_1334, %add3A_1335 : i32
      %swap3A_1337 = arith.constant 2 : index
      %swap3A_1338 = arith.index_cast %add3A_1336 : i32 to index
      %swap3A_1339 = arith.constant 0 : index
      %swap3A_1340 = arith.constant 0 : index
      %swap3A_1341 = vector.load %arg4[%swap3A_1337, %swap3A_1338, %swap3A_1339, %swap3A_1340] : memref<3x512x8x128xf32, #tpu.memory_space<vmem>>, vector<1x1x8x128xf32>
      %swap3A_1342 = vector.shape_cast %swap3A_1341 : vector<1x1x8x128xf32> to vector<8x128xf32>
      %swap3A_1343 = vector.shape_cast %broadcast_in_dim3A_1332 : vector<8x128xf32> to vector<1x1x8x128xf32>
      tpu.vector_store %arg4[%swap3A_1337, %swap3A_1338, %swap3A_1339, %swap3A_1340], %swap3A_1343 {strides = array<i32>} : memref<3x512x8x128xf32, #tpu.memory_space<vmem>>, vector<1x1x8x128xf32>,
      %slice3A_1344 = vector.extract_strided_slice %roll3A_1315 {offsets = [0, 2], sizes = [8, 1], strides = [1, 1]} : vector<8x128xf32> to vector<8x1xf32>
      %broadcast_in_dim3A_1345 = vector.shape_cast %slice3A_1344 : vector<8x1xf32> to vector<8x1xf32>
      %broadcast_in_dim3A_1346 = vector.broadcast %broadcast_in_dim3A_1345 : vector<8x1xf32> to vector<8x128xf32>
      %mul3A_1347 = arith.constant 16 : i32
      %mul3A_1348 = arith.muli %add3A_798, %mul3A_1347 : i32
      %add3A_1349 = arith.constant 2 : i32
      %add3A_1350 = arith.addi %mul3A_1348, %add3A_1349 : i32
      %swap3A_1351 = arith.constant 2 : index
      %swap3A_1352 = arith.index_cast %add3A_1350 : i32 to index
      %swap3A_1353 = arith.constant 0 : index
      %swap3A_1354 = arith.constant 0 : index
      %swap3A_1355 = vector.load %arg4[%swap3A_1351, %swap3A_1352, %swap3A_1353, %swap3A_1354] : memref<3x512x8x128xf32, #tpu.memory_space<vmem>>, vector<1x1x8x128xf32>
      %swap3A_1356 = vector.shape_cast %swap3A_1355 : vector<1x1x8x128xf32> to vector<8x128xf32>
      %swap3A_1357 = vector.shape_cast %broadcast_in_dim3A_1346 : vector<8x128xf32> to vector<1x1x8x128xf32>
      tpu.vector_store %arg4[%swap3A_1351, %swap3A_1352, %swap3A_1353, %swap3A_1354], %swap3A_1357 {strides = array<i32>} : memref<3x512x8x128xf32, #tpu.memory_space<vmem>>, vector<1x1x8x128xf32>,
      %slice3A_1358 = vector.extract_strided_slice %roll3A_1315 {offsets = [0, 3], sizes = [8, 1], strides = [1, 1]} : vector<8x128xf32> to vector<8x1xf32>
      %broadcast_in_dim3A_1359 = vector.shape_cast %slice3A_1358 : vector<8x1xf32> to vector<8x1xf32>
      %broadcast_in_dim3A_1360 = vector.broadcast %broadcast_in_dim3A_1359 : vector<8x1xf32> to vector<8x128xf32>
      %mul3A_1361 = arith.constant 16 : i32
      %mul3A_1362 = arith.muli %add3A_798, %mul3A_1361 : i32
      %add3A_1363 = arith.constant 3 : i32
      %add3A_1364 = arith.addi %mul3A_1362, %add3A_1363 : i32
      %swap3A_1365 = arith.constant 2 : index
      %swap3A_1366 = arith.index_cast %add3A_1364 : i32 to index
      %swap3A_1367 = arith.constant 0 : index
      %swap3A_1368 = arith.constant 0 : index
      %swap3A_1369 = vector.load %arg4[%swap3A_1365, %swap3A_1366, %swap3A_1367, %swap3A_1368] : memref<3x512x8x128xf32, #tpu.memory_space<vmem>>, vector<1x1x8x128xf32>
      %swap3A_1370 = vector.shape_cast %swap3A_1369 : vector<1x1x8x128xf32> to vector<8x128xf32>
      %swap3A_1371 = vector.shape_cast %broadcast_in_dim3A_1360 : vector<8x128xf32> to vector<1x1x8x128xf32>
      tpu.vector_store %arg4[%swap3A_1365, %swap3A_1366, %swap3A_1367, %swap3A_1368], %swap3A_1371 {strides = array<i32>} : memref<3x512x8x128xf32, #tpu.memory_space<vmem>>, vector<1x1x8x128xf32>,
      %slice3A_1372 = vector.extract_strided_slice %roll3A_1315 {offsets = [0, 4], sizes = [8, 1], strides = [1, 1]} : vector<8x128xf32> to vector<8x1xf32>
      %broadcast_in_dim3A_1373 = vector.shape_cast %slice3A_1372 : vector<8x1xf32> to vector<8x1xf32>
      %broadcast_in_dim3A_1374 = vector.broadcast %broadcast_in_dim3A_1373 : vector<8x1xf32> to vector<8x128xf32>
      %mul3A_1375 = arith.constant 16 : i32
      %mul3A_1376 = arith.muli %add3A_798, %mul3A_1375 : i32
      %add3A_1377 = arith.constant 4 : i32
      %add3A_1378 = arith.addi %mul3A_1376, %add3A_1377 : i32
      %swap3A_1379 = arith.constant 2 : index
      %swap3A_1380 = arith.index_cast %add3A_1378 : i32 to index
      %swap3A_1381 = arith.constant 0 : index
      %swap3A_1382 = arith.constant 0 : index
      %swap3A_1383 = vector.load %arg4[%swap3A_1379, %swap3A_1380, %swap3A_1381, %swap3A_1382] : memref<3x512x8x128xf32, #tpu.memory_space<vmem>>, vector<1x1x8x128xf32>
      %swap3A_1384 = vector.shape_cast %swap3A_1383 : vector<1x1x8x128xf32> to vector<8x128xf32>
      %swap3A_1385 = vector.shape_cast %broadcast_in_dim3A_1374 : vector<8x128xf32> to vector<1x1x8x128xf32>
      tpu.vector_store %arg4[%swap3A_1379, %swap3A_1380, %swap3A_1381, %swap3A_1382], %swap3A_1385 {strides = array<i32>} : memref<3x512x8x128xf32, #tpu.memory_space<vmem>>, vector<1x1x8x128xf32>,
      %slice3A_1386 = vector.extract_strided_slice %roll3A_1315 {offsets = [0, 5], sizes = [8, 1], strides = [1, 1]} : vector<8x128xf32> to vector<8x1xf32>
      %broadcast_in_dim3A_1387 = vector.shape_cast %slice3A_1386 : vector<8x1xf32> to vector<8x1xf32>
      %broadcast_in_dim3A_1388 = vector.broadcast %broadcast_in_dim3A_1387 : vector<8x1xf32> to vector<8x128xf32>
      %mul3A_1389 = arith.constant 16 : i32
      %mul3A_1390 = arith.muli %add3A_798, %mul3A_1389 : i32
      %add3A_1391 = arith.constant 5 : i32
      %add3A_1392 = arith.addi %mul3A_1390, %add3A_1391 : i32
      %swap3A_1393 = arith.constant 2 : index
      %swap3A_1394 = arith.index_cast %add3A_1392 : i32 to index
      %swap3A_1395 = arith.constant 0 : index
      %swap3A_1396 = arith.constant 0 : index
      %swap3A_1397 = vector.load %arg4[%swap3A_1393, %swap3A_1394, %swap3A_1395, %swap3A_1396] : memref<3x512x8x128xf32, #tpu.memory_space<vmem>>, vector<1x1x8x128xf32>
      %swap3A_1398 = vector.shape_cast %swap3A_1397 : vector<1x1x8x128xf32> to vector<8x128xf32>
      %swap3A_1399 = vector.shape_cast %broadcast_in_dim3A_1388 : vector<8x128xf32> to vector<1x1x8x128xf32>
      tpu.vector_store %arg4[%swap3A_1393, %swap3A_1394, %swap3A_1395, %swap3A_1396], %swap3A_1399 {strides = array<i32>} : memref<3x512x8x128xf32, #tpu.memory_space<vmem>>, vector<1x1x8x128xf32>,
      %slice3A_1400 = vector.extract_strided_slice %roll3A_1315 {offsets = [0, 6], sizes = [8, 1], strides = [1, 1]} : vector<8x128xf32> to vector<8x1xf32>
      %broadcast_in_dim3A_1401 = vector.shape_cast %slice3A_1400 : vector<8x1xf32> to vector<8x1xf32>
      %broadcast_in_dim3A_1402 = vector.broadcast %broadcast_in_dim3A_1401 : vector<8x1xf32> to vector<8x128xf32>
      %mul3A_1403 = arith.constant 16 : i32
      %mul3A_1404 = arith.muli %add3A_798, %mul3A_1403 : i32
      %add3A_1405 = arith.constant 6 : i32
      %add3A_1406 = arith.addi %mul3A_1404, %add3A_1405 : i32
      %swap3A_1407 = arith.constant 2 : index
      %swap3A_1408 = arith.index_cast %add3A_1406 : i32 to index
      %swap3A_1409 = arith.constant 0 : index
      %swap3A_1410 = arith.constant 0 : index
      %swap3A_1411 = vector.load %arg4[%swap3A_1407, %swap3A_1408, %swap3A_1409, %swap3A_1410] : memref<3x512x8x128xf32, #tpu.memory_space<vmem>>, vector<1x1x8x128xf32>
      %swap3A_1412 = vector.shape_cast %swap3A_1411 : vector<1x1x8x128xf32> to vector<8x128xf32>
      %swap3A_1413 = vector.shape_cast %broadcast_in_dim3A_1402 : vector<8x128xf32> to vector<1x1x8x128xf32>
      tpu.vector_store %arg4[%swap3A_1407, %swap3A_1408, %swap3A_1409, %swap3A_1410], %swap3A_1413 {strides = array<i32>} : memref<3x512x8x128xf32, #tpu.memory_space<vmem>>, vector<1x1x8x128xf32>,
      %slice3A_1414 = vector.extract_strided_slice %roll3A_1315 {offsets = [0, 7], sizes = [8, 1], strides = [1, 1]} : vector<8x128xf32> to vector<8x1xf32>
      %broadcast_in_dim3A_1415 = vector.shape_cast %slice3A_1414 : vector<8x1xf32> to vector<8x1xf32>
      %broadcast_in_dim3A_1416 = vector.broadcast %broadcast_in_dim3A_1415 : vector<8x1xf32> to vector<8x128xf32>
      %mul3A_1417 = arith.constant 16 : i32
      %mul3A_1418 = arith.muli %add3A_798, %mul3A_1417 : i32
      %add3A_1419 = arith.constant 7 : i32
      %add3A_1420 = arith.addi %mul3A_1418, %add3A_1419 : i32
      %swap3A_1421 = arith.constant 2 : index
      %swap3A_1422 = arith.index_cast %add3A_1420 : i32 to index
      %swap3A_1423 = arith.constant 0 : index
      %swap3A_1424 = arith.constant 0 : index
      %swap3A_1425 = vector.load %arg4[%swap3A_1421, %swap3A_1422, %swap3A_1423, %swap3A_1424] : memref<3x512x8x128xf32, #tpu.memory_space<vmem>>, vector<1x1x8x128xf32>
      %swap3A_1426 = vector.shape_cast %swap3A_1425 : vector<1x1x8x128xf32> to vector<8x128xf32>
      %swap3A_1427 = vector.shape_cast %broadcast_in_dim3A_1416 : vector<8x128xf32> to vector<1x1x8x128xf32>
      tpu.vector_store %arg4[%swap3A_1421, %swap3A_1422, %swap3A_1423, %swap3A_1424], %swap3A_1427 {strides = array<i32>} : memref<3x512x8x128xf32, #tpu.memory_space<vmem>>, vector<1x1x8x128xf32>,
      %slice3A_1428 = vector.extract_strided_slice %roll3A_1315 {offsets = [0, 8], sizes = [8, 1], strides = [1, 1]} : vector<8x128xf32> to vector<8x1xf32>
      %broadcast_in_dim3A_1429 = vector.shape_cast %slice3A_1428 : vector<8x1xf32> to vector<8x1xf32>
      %broadcast_in_dim3A_1430 = vector.broadcast %broadcast_in_dim3A_1429 : vector<8x1xf32> to vector<8x128xf32>
      %mul3A_1431 = arith.constant 16 : i32
      %mul3A_1432 = arith.muli %add3A_798, %mul3A_1431 : i32
      %add3A_1433 = arith.constant 8 : i32
      %add3A_1434 = arith.addi %mul3A_1432, %add3A_1433 : i32
      %swap3A_1435 = arith.constant 2 : index
      %swap3A_1436 = arith.index_cast %add3A_1434 : i32 to index
      %swap3A_1437 = arith.constant 0 : index
      %swap3A_1438 = arith.constant 0 : index
      %swap3A_1439 = vector.load %arg4[%swap3A_1435, %swap3A_1436, %swap3A_1437, %swap3A_1438] : memref<3x512x8x128xf32, #tpu.memory_space<vmem>>, vector<1x1x8x128xf32>
      %swap3A_1440 = vector.shape_cast %swap3A_1439 : vector<1x1x8x128xf32> to vector<8x128xf32>
      %swap3A_1441 = vector.shape_cast %broadcast_in_dim3A_1430 : vector<8x128xf32> to vector<1x1x8x128xf32>
      tpu.vector_store %arg4[%swap3A_1435, %swap3A_1436, %swap3A_1437, %swap3A_1438], %swap3A_1441 {strides = array<i32>} : memref<3x512x8x128xf32, #tpu.memory_space<vmem>>, vector<1x1x8x128xf32>,
      %slice3A_1442 = vector.extract_strided_slice %roll3A_1315 {offsets = [0, 9], sizes = [8, 1], strides = [1, 1]} : vector<8x128xf32> to vector<8x1xf32>
      %broadcast_in_dim3A_1443 = vector.shape_cast %slice3A_1442 : vector<8x1xf32> to vector<8x1xf32>
      %broadcast_in_dim3A_1444 = vector.broadcast %broadcast_in_dim3A_1443 : vector<8x1xf32> to vector<8x128xf32>
      %mul3A_1445 = arith.constant 16 : i32
      %mul3A_1446 = arith.muli %add3A_798, %mul3A_1445 : i32
      %add3A_1447 = arith.constant 9 : i32
      %add3A_1448 = arith.addi %mul3A_1446, %add3A_1447 : i32
      %swap3A_1449 = arith.constant 2 : index
      %swap3A_1450 = arith.index_cast %add3A_1448 : i32 to index
      %swap3A_1451 = arith.constant 0 : index
      %swap3A_1452 = arith.constant 0 : index
      %swap3A_1453 = vector.load %arg4[%swap3A_1449, %swap3A_1450, %swap3A_1451, %swap3A_1452] : memref<3x512x8x128xf32, #tpu.memory_space<vmem>>, vector<1x1x8x128xf32>
      %swap3A_1454 = vector.shape_cast %swap3A_1453 : vector<1x1x8x128xf32> to vector<8x128xf32>
      %swap3A_1455 = vector.shape_cast %broadcast_in_dim3A_1444 : vector<8x128xf32> to vector<1x1x8x128xf32>
      tpu.vector_store %arg4[%swap3A_1449, %swap3A_1450, %swap3A_1451, %swap3A_1452], %swap3A_1455 {strides = array<i32>} : memref<3x512x8x128xf32, #tpu.memory_space<vmem>>, vector<1x1x8x128xf32>,
      %slice3A_1456 = vector.extract_strided_slice %roll3A_1315 {offsets = [0, 10], sizes = [8, 1], strides = [1, 1]} : vector<8x128xf32> to vector<8x1xf32>
      %broadcast_in_dim3A_1457 = vector.shape_cast %slice3A_1456 : vector<8x1xf32> to vector<8x1xf32>
      %broadcast_in_dim3A_1458 = vector.broadcast %broadcast_in_dim3A_1457 : vector<8x1xf32> to vector<8x128xf32>
      %mul3A_1459 = arith.constant 16 : i32
      %mul3A_1460 = arith.muli %add3A_798, %mul3A_1459 : i32
      %add3A_1461 = arith.constant 10 : i32
      %add3A_1462 = arith.addi %mul3A_1460, %add3A_1461 : i32
      %swap3A_1463 = arith.constant 2 : index
      %swap3A_1464 = arith.index_cast %add3A_1462 : i32 to index
      %swap3A_1465 = arith.constant 0 : index
      %swap3A_1466 = arith.constant 0 : index
      %swap3A_1467 = vector.load %arg4[%swap3A_1463, %swap3A_1464, %swap3A_1465, %swap3A_1466] : memref<3x512x8x128xf32, #tpu.memory_space<vmem>>, vector<1x1x8x128xf32>
      %swap3A_1468 = vector.shape_cast %swap3A_1467 : vector<1x1x8x128xf32> to vector<8x128xf32>
      %swap3A_1469 = vector.shape_cast %broadcast_in_dim3A_1458 : vector<8x128xf32> to vector<1x1x8x128xf32>
      tpu.vector_store %arg4[%swap3A_1463, %swap3A_1464, %swap3A_1465, %swap3A_1466], %swap3A_1469 {strides = array<i32>} : memref<3x512x8x128xf32, #tpu.memory_space<vmem>>, vector<1x1x8x128xf32>,
      %slice3A_1470 = vector.extract_strided_slice %roll3A_1315 {offsets = [0, 11], sizes = [8, 1], strides = [1, 1]} : vector<8x128xf32> to vector<8x1xf32>
      %broadcast_in_dim3A_1471 = vector.shape_cast %slice3A_1470 : vector<8x1xf32> to vector<8x1xf32>
      %broadcast_in_dim3A_1472 = vector.broadcast %broadcast_in_dim3A_1471 : vector<8x1xf32> to vector<8x128xf32>
      %mul3A_1473 = arith.constant 16 : i32
      %mul3A_1474 = arith.muli %add3A_798, %mul3A_1473 : i32
      %add3A_1475 = arith.constant 11 : i32
      %add3A_1476 = arith.addi %mul3A_1474, %add3A_1475 : i32
      %swap3A_1477 = arith.constant 2 : index
      %swap3A_1478 = arith.index_cast %add3A_1476 : i32 to index
      %swap3A_1479 = arith.constant 0 : index
      %swap3A_1480 = arith.constant 0 : index
      %swap3A_1481 = vector.load %arg4[%swap3A_1477, %swap3A_1478, %swap3A_1479, %swap3A_1480] : memref<3x512x8x128xf32, #tpu.memory_space<vmem>>, vector<1x1x8x128xf32>
      %swap3A_1482 = vector.shape_cast %swap3A_1481 : vector<1x1x8x128xf32> to vector<8x128xf32>
      %swap3A_1483 = vector.shape_cast %broadcast_in_dim3A_1472 : vector<8x128xf32> to vector<1x1x8x128xf32>
      tpu.vector_store %arg4[%swap3A_1477, %swap3A_1478, %swap3A_1479, %swap3A_1480], %swap3A_1483 {strides = array<i32>} : memref<3x512x8x128xf32, #tpu.memory_space<vmem>>, vector<1x1x8x128xf32>,
      %slice3A_1484 = vector.extract_strided_slice %roll3A_1315 {offsets = [0, 12], sizes = [8, 1], strides = [1, 1]} : vector<8x128xf32> to vector<8x1xf32>
      %broadcast_in_dim3A_1485 = vector.shape_cast %slice3A_1484 : vector<8x1xf32> to vector<8x1xf32>
      %broadcast_in_dim3A_1486 = vector.broadcast %broadcast_in_dim3A_1485 : vector<8x1xf32> to vector<8x128xf32>
      %mul3A_1487 = arith.constant 16 : i32
      %mul3A_1488 = arith.muli %add3A_798, %mul3A_1487 : i32
      %add3A_1489 = arith.constant 12 : i32
      %add3A_1490 = arith.addi %mul3A_1488, %add3A_1489 : i32
      %swap3A_1491 = arith.constant 2 : index
      %swap3A_1492 = arith.index_cast %add3A_1490 : i32 to index
      %swap3A_1493 = arith.constant 0 : index
      %swap3A_1494 = arith.constant 0 : index
      %swap3A_1495 = vector.load %arg4[%swap3A_1491, %swap3A_1492, %swap3A_1493, %swap3A_1494] : memref<3x512x8x128xf32, #tpu.memory_space<vmem>>, vector<1x1x8x128xf32>
      %swap3A_1496 = vector.shape_cast %swap3A_1495 : vector<1x1x8x128xf32> to vector<8x128xf32>
      %swap3A_1497 = vector.shape_cast %broadcast_in_dim3A_1486 : vector<8x128xf32> to vector<1x1x8x128xf32>
      tpu.vector_store %arg4[%swap3A_1491, %swap3A_1492, %swap3A_1493, %swap3A_1494], %swap3A_1497 {strides = array<i32>} : memref<3x512x8x128xf32, #tpu.memory_space<vmem>>, vector<1x1x8x128xf32>,
      %slice3A_1498 = vector.extract_strided_slice %roll3A_1315 {offsets = [0, 13], sizes = [8, 1], strides = [1, 1]} : vector<8x128xf32> to vector<8x1xf32>
      %broadcast_in_dim3A_1499 = vector.shape_cast %slice3A_1498 : vector<8x1xf32> to vector<8x1xf32>
      %broadcast_in_dim3A_1500 = vector.broadcast %broadcast_in_dim3A_1499 : vector<8x1xf32> to vector<8x128xf32>
      %mul3A_1501 = arith.constant 16 : i32
      %mul3A_1502 = arith.muli %add3A_798, %mul3A_1501 : i32
      %add3A_1503 = arith.constant 13 : i32
      %add3A_1504 = arith.addi %mul3A_1502, %add3A_1503 : i32
      %swap3A_1505 = arith.constant 2 : index
      %swap3A_1506 = arith.index_cast %add3A_1504 : i32 to index
      %swap3A_1507 = arith.constant 0 : index
      %swap3A_1508 = arith.constant 0 : index
      %swap3A_1509 = vector.load %arg4[%swap3A_1505, %swap3A_1506, %swap3A_1507, %swap3A_1508] : memref<3x512x8x128xf32, #tpu.memory_space<vmem>>, vector<1x1x8x128xf32>
      %swap3A_1510 = vector.shape_cast %swap3A_1509 : vector<1x1x8x128xf32> to vector<8x128xf32>
      %swap3A_1511 = vector.shape_cast %broadcast_in_dim3A_1500 : vector<8x128xf32> to vector<1x1x8x128xf32>
      tpu.vector_store %arg4[%swap3A_1505, %swap3A_1506, %swap3A_1507, %swap3A_1508], %swap3A_1511 {strides = array<i32>} : memref<3x512x8x128xf32, #tpu.memory_space<vmem>>, vector<1x1x8x128xf32>,
      %slice3A_1512 = vector.extract_strided_slice %roll3A_1315 {offsets = [0, 14], sizes = [8, 1], strides = [1, 1]} : vector<8x128xf32> to vector<8x1xf32>
      %broadcast_in_dim3A_1513 = vector.shape_cast %slice3A_1512 : vector<8x1xf32> to vector<8x1xf32>
      %broadcast_in_dim3A_1514 = vector.broadcast %broadcast_in_dim3A_1513 : vector<8x1xf32> to vector<8x128xf32>
      %mul3A_1515 = arith.constant 16 : i32
      %mul3A_1516 = arith.muli %add3A_798, %mul3A_1515 : i32
      %add3A_1517 = arith.constant 14 : i32
      %add3A_1518 = arith.addi %mul3A_1516, %add3A_1517 : i32
      %swap3A_1519 = arith.constant 2 : index
      %swap3A_1520 = arith.index_cast %add3A_1518 : i32 to index
      %swap3A_1521 = arith.constant 0 : index
      %swap3A_1522 = arith.constant 0 : index
      %swap3A_1523 = vector.load %arg4[%swap3A_1519, %swap3A_1520, %swap3A_1521, %swap3A_1522] : memref<3x512x8x128xf32, #tpu.memory_space<vmem>>, vector<1x1x8x128xf32>
      %swap3A_1524 = vector.shape_cast %swap3A_1523 : vector<1x1x8x128xf32> to vector<8x128xf32>
      %swap3A_1525 = vector.shape_cast %broadcast_in_dim3A_1514 : vector<8x128xf32> to vector<1x1x8x128xf32>
      tpu.vector_store %arg4[%swap3A_1519, %swap3A_1520, %swap3A_1521, %swap3A_1522], %swap3A_1525 {strides = array<i32>} : memref<3x512x8x128xf32, #tpu.memory_space<vmem>>, vector<1x1x8x128xf32>,
      %slice3A_1526 = vector.extract_strided_slice %roll3A_1315 {offsets = [0, 15], sizes = [8, 1], strides = [1, 1]} : vector<8x128xf32> to vector<8x1xf32>
      %broadcast_in_dim3A_1527 = vector.shape_cast %slice3A_1526 : vector<8x1xf32> to vector<8x1xf32>
      %broadcast_in_dim3A_1528 = vector.broadcast %broadcast_in_dim3A_1527 : vector<8x1xf32> to vector<8x128xf32>
      %mul3A_1529 = arith.constant 16 : i32
      %mul3A_1530 = arith.muli %add3A_798, %mul3A_1529 : i32
      %add3A_1531 = arith.constant 15 : i32
      %add3A_1532 = arith.addi %mul3A_1530, %add3A_1531 : i32
      %swap3A_1533 = arith.constant 2 : index
      %swap3A_1534 = arith.index_cast %add3A_1532 : i32 to index
      %swap3A_1535 = arith.constant 0 : index
      %swap3A_1536 = arith.constant 0 : index
      %swap3A_1537 = vector.load %arg4[%swap3A_1533, %swap3A_1534, %swap3A_1535, %swap3A_1536] : memref<3x512x8x128xf32, #tpu.memory_space<vmem>>, vector<1x1x8x128xf32>
      %swap3A_1538 = vector.shape_cast %swap3A_1537 : vector<1x1x8x128xf32> to vector<8x128xf32>
      %swap3A_1539 = vector.shape_cast %broadcast_in_dim3A_1528 : vector<8x128xf32> to vector<1x1x8x128xf32>
      tpu.vector_store %arg4[%swap3A_1533, %swap3A_1534, %swap3A_1535, %swap3A_1536], %swap3A_1539 {strides = array<i32>} : memref<3x512x8x128xf32, #tpu.memory_space<vmem>>, vector<1x1x8x128xf32>,
    }
    %scan3A_44 = arith.constant 16 : i32
    %scan3A_45 = arith.constant 0 : i32
    %scan3A_46 = arith.constant 128 : i32
    %scan3A_47 = arith.addi %scan3A_45, %scan3A_46 : i32
    %scan3A_48 = arith.constant 1 : i32
    scf.for %scan3A_65 = %scan3A_45 to %scan3A_47 step %scan3A_48  : i32 {
      %mul3A = arith.constant 4 : i32
      %mul3A_66 = arith.muli %scan3A_65, %mul3A : i32
      %add3A = arith.constant 0 : i32
      %add3A_67 = arith.addi %mul3A_66, %add3A : i32
      %get3A_68 = arith.constant 0 : index
      %get3A_69 = arith.index_cast %add3A_67 : i32 to index
      %get3A_70 = arith.constant 0 : index
      %get3A_71 = arith.constant 0 : index
      %get3A_72 = vector.load %arg4[%get3A_68, %get3A_69, %get3A_70, %get3A_71] : memref<3x512x8x128xf32, #tpu.memory_space<vmem>>, vector<1x1x8x128xf32>
      %get3A_73 = vector.shape_cast %get3A_72 : vector<1x1x8x128xf32> to vector<8x128xf32>
      %get3A_74 = arith.constant 1 : index
      %get3A_75 = arith.index_cast %add3A_67 : i32 to index
      %get3A_76 = arith.constant 0 : index
      %get3A_77 = arith.constant 0 : index
      %get3A_78 = vector.load %arg4[%get3A_74, %get3A_75, %get3A_76, %get3A_77] : memref<3x512x8x128xf32, #tpu.memory_space<vmem>>, vector<1x1x8x128xf32>
      %get3A_79 = vector.shape_cast %get3A_78 : vector<1x1x8x128xf32> to vector<8x128xf32>
      %get3A_80 = arith.constant 2 : index
      %get3A_81 = arith.index_cast %add3A_67 : i32 to index
      %get3A_82 = arith.constant 0 : index
      %get3A_83 = arith.constant 0 : index
      %get3A_84 = vector.load %arg4[%get3A_80, %get3A_81, %get3A_82, %get3A_83] : memref<3x512x8x128xf32, #tpu.memory_space<vmem>>, vector<1x1x8x128xf32>
      %get3A_85 = vector.shape_cast %get3A_84 : vector<1x1x8x128xf32> to vector<8x128xf32>
      %broadcast_in_dim3A_86 = arith.constant 0x7F800000 : f32
      %broadcast_in_dim3A_87 = vector.broadcast %broadcast_in_dim3A_86 : f32 to vector<8x128xf32>
      %mul3A_88 = arith.constant 4 : i32
      %mul3A_89 = arith.muli %scan3A_65, %mul3A_88 : i32
      %add3A_90 = arith.constant 1 : i32
      %add3A_91 = arith.addi %mul3A_89, %add3A_90 : i32
      %get3A_92 = arith.constant 0 : index
      %get3A_93 = arith.index_cast %add3A_91 : i32 to index
      %get3A_94 = arith.constant 0 : index
      %get3A_95 = arith.constant 0 : index
      %get3A_96 = vector.load %arg4[%get3A_92, %get3A_93, %get3A_94, %get3A_95] : memref<3x512x8x128xf32, #tpu.memory_space<vmem>>, vector<1x1x8x128xf32>
      %get3A_97 = vector.shape_cast %get3A_96 : vector<1x1x8x128xf32> to vector<8x128xf32>
      %get3A_98 = arith.constant 1 : index
      %get3A_99 = arith.index_cast %add3A_91 : i32 to index
      %get3A_100 = arith.constant 0 : index
      %get3A_101 = arith.constant 0 : index
      %get3A_102 = vector.load %arg4[%get3A_98, %get3A_99, %get3A_100, %get3A_101] : memref<3x512x8x128xf32, #tpu.memory_space<vmem>>, vector<1x1x8x128xf32>
      %get3A_103 = vector.shape_cast %get3A_102 : vector<1x1x8x128xf32> to vector<8x128xf32>
      %get3A_104 = arith.constant 2 : index
      %get3A_105 = arith.index_cast %add3A_91 : i32 to index
      %get3A_106 = arith.constant 0 : index
      %get3A_107 = arith.constant 0 : index
      %get3A_108 = vector.load %arg4[%get3A_104, %get3A_105, %get3A_106, %get3A_107] : memref<3x512x8x128xf32, #tpu.memory_space<vmem>>, vector<1x1x8x128xf32>
      %get3A_109 = vector.shape_cast %get3A_108 : vector<1x1x8x128xf32> to vector<8x128xf32>
      %broadcast_in_dim3A_110 = arith.constant 0x7F800000 : f32
      %broadcast_in_dim3A_111 = vector.broadcast %broadcast_in_dim3A_110 : f32 to vector<8x128xf32>
      %mul3A_112 = arith.constant 4 : i32
      %mul3A_113 = arith.muli %scan3A_65, %mul3A_112 : i32
      %add3A_114 = arith.constant 2 : i32
      %add3A_115 = arith.addi %mul3A_113, %add3A_114 : i32
      %get3A_116 = arith.constant 0 : index
      %get3A_117 = arith.index_cast %add3A_115 : i32 to index
      %get3A_118 = arith.constant 0 : index
      %get3A_119 = arith.constant 0 : index
      %get3A_120 = vector.load %arg4[%get3A_116, %get3A_117, %get3A_118, %get3A_119] : memref<3x512x8x128xf32, #tpu.memory_space<vmem>>, vector<1x1x8x128xf32>
      %get3A_121 = vector.shape_cast %get3A_120 : vector<1x1x8x128xf32> to vector<8x128xf32>
      %get3A_122 = arith.constant 1 : index
      %get3A_123 = arith.index_cast %add3A_115 : i32 to index
      %get3A_124 = arith.constant 0 : index
      %get3A_125 = arith.constant 0 : index
      %get3A_126 = vector.load %arg4[%get3A_122, %get3A_123, %get3A_124, %get3A_125] : memref<3x512x8x128xf32, #tpu.memory_space<vmem>>, vector<1x1x8x128xf32>
      %get3A_127 = vector.shape_cast %get3A_126 : vector<1x1x8x128xf32> to vector<8x128xf32>
      %get3A_128 = arith.constant 2 : index
      %get3A_129 = arith.index_cast %add3A_115 : i32 to index
      %get3A_130 = arith.constant 0 : index
      %get3A_131 = arith.constant 0 : index
      %get3A_132 = vector.load %arg4[%get3A_128, %get3A_129, %get3A_130, %get3A_131] : memref<3x512x8x128xf32, #tpu.memory_space<vmem>>, vector<1x1x8x128xf32>
      %get3A_133 = vector.shape_cast %get3A_132 : vector<1x1x8x128xf32> to vector<8x128xf32>
      %broadcast_in_dim3A_134 = arith.constant 0x7F800000 : f32
      %broadcast_in_dim3A_135 = vector.broadcast %broadcast_in_dim3A_134 : f32 to vector<8x128xf32>
      %mul3A_136 = arith.constant 4 : i32
      %mul3A_137 = arith.muli %scan3A_65, %mul3A_136 : i32
      %add3A_138 = arith.constant 3 : i32
      %add3A_139 = arith.addi %mul3A_137, %add3A_138 : i32
      %get3A_140 = arith.constant 0 : index
      %get3A_141 = arith.index_cast %add3A_139 : i32 to index
      %get3A_142 = arith.constant 0 : index
      %get3A_143 = arith.constant 0 : index
      %get3A_144 = vector.load %arg4[%get3A_140, %get3A_141, %get3A_142, %get3A_143] : memref<3x512x8x128xf32, #tpu.memory_space<vmem>>, vector<1x1x8x128xf32>
      %get3A_145 = vector.shape_cast %get3A_144 : vector<1x1x8x128xf32> to vector<8x128xf32>
      %get3A_146 = arith.constant 1 : index
      %get3A_147 = arith.index_cast %add3A_139 : i32 to index
      %get3A_148 = arith.constant 0 : index
      %get3A_149 = arith.constant 0 : index
      %get3A_150 = vector.load %arg4[%get3A_146, %get3A_147, %get3A_148, %get3A_149] : memref<3x512x8x128xf32, #tpu.memory_space<vmem>>, vector<1x1x8x128xf32>
      %get3A_151 = vector.shape_cast %get3A_150 : vector<1x1x8x128xf32> to vector<8x128xf32>
      %get3A_152 = arith.constant 2 : index
      %get3A_153 = arith.index_cast %add3A_139 : i32 to index
      %get3A_154 = arith.constant 0 : index
      %get3A_155 = arith.constant 0 : index
      %get3A_156 = vector.load %arg4[%get3A_152, %get3A_153, %get3A_154, %get3A_155] : memref<3x512x8x128xf32, #tpu.memory_space<vmem>>, vector<1x1x8x128xf32>
      %get3A_157 = vector.shape_cast %get3A_156 : vector<1x1x8x128xf32> to vector<8x128xf32>
      %broadcast_in_dim3A_158 = arith.constant 0x7F800000 : f32
      %broadcast_in_dim3A_159 = vector.broadcast %broadcast_in_dim3A_158 : f32 to vector<8x128xf32>
      %scan3A_160 = arith.constant 0 : i32
      %scan3A_161 = arith.constant 32 : i32
      %scan3A_162 = arith.addi %scan3A_160, %scan3A_161 : i32
      %scan3A_163 = arith.constant 4 : i32
      %scan3A_164:4 = scf.for %scan3A_230 = %scan3A_160 to %scan3A_162 step %scan3A_163 iter_args(%scan3A_231 = %broadcast_in_dim3A_87, %scan3A_232 = %broadcast_in_dim3A_111, %scan3A_233 = %broadcast_in_dim3A_135, %scan3A_234 = %broadcast_in_dim3A_159) -> (vector<8x128xf32>, vector<8x128xf32>, vector<8x128xf32>, vector<8x128xf32>)  : i32 {
        %mul3A_235 = arith.constant 128 : i32
        %mul3A_236 = arith.muli %scan3A_230, %mul3A_235 : i32
        %multiple_of3A = tpu.assume_multiple %mul3A_236, 128 : i32
        %get3A_237 = arith.constant 0 : index
        %get3A_238 = arith.constant 0 : index
        %get3A_239 = arith.index_cast %multiple_of3A : i32 to index
        %get3A_240 = vector.load %arg3[%get3A_237, %get3A_238, %get3A_239] : memref<4x8x4096xf32, #tpu.memory_space<vmem>>, vector<1x8x128xf32>
        %get3A_241 = vector.shape_cast %get3A_240 : vector<1x8x128xf32> to vector<8x128xf32>
        %get3A_242 = arith.constant 1 : index
        %get3A_243 = arith.constant 0 : index
        %get3A_244 = arith.index_cast %multiple_of3A : i32 to index
        %get3A_245 = vector.load %arg3[%get3A_242, %get3A_243, %get3A_244] : memref<4x8x4096xf32, #tpu.memory_space<vmem>>, vector<1x8x128xf32>
        %get3A_246 = vector.shape_cast %get3A_245 : vector<1x8x128xf32> to vector<8x128xf32>
        %get3A_247 = arith.constant 2 : index
        %get3A_248 = arith.constant 0 : index
        %get3A_249 = arith.index_cast %multiple_of3A : i32 to index
        %get3A_250 = vector.load %arg3[%get3A_247, %get3A_248, %get3A_249] : memref<4x8x4096xf32, #tpu.memory_space<vmem>>, vector<1x8x128xf32>
        %get3A_251 = vector.shape_cast %get3A_250 : vector<1x8x128xf32> to vector<8x128xf32>
        %get3A_252 = arith.constant 3 : index
        %get3A_253 = arith.constant 0 : index
        %get3A_254 = arith.index_cast %multiple_of3A : i32 to index
        %get3A_255 = vector.load %arg3[%get3A_252, %get3A_253, %get3A_254] : memref<4x8x4096xf32, #tpu.memory_space<vmem>>, vector<1x8x128xf32>
        %get3A_256 = vector.shape_cast %get3A_255 : vector<1x8x128xf32> to vector<8x128xf32>
        %mul3A_257 = arith.mulf %get3A_241, %get3A_73 : vector<8x128xf32>
        %add3A_258 = arith.addf %get3A_256, %mul3A_257 : vector<8x128xf32>
        %mul3A_259 = arith.mulf %get3A_246, %get3A_79 : vector<8x128xf32>
        %add3A_260 = arith.addf %add3A_258, %mul3A_259 : vector<8x128xf32>
        %mul3A_261 = arith.mulf %get3A_251, %get3A_85 : vector<8x128xf32>
        %add3A_262 = arith.addf %add3A_260, %mul3A_261 : vector<8x128xf32>
        %min3A = arith.minimumf %scan3A_231, %add3A_262 : vector<8x128xf32>
        %mul3A_263 = arith.mulf %get3A_241, %get3A_97 : vector<8x128xf32>
        %add3A_264 = arith.addf %get3A_256, %mul3A_263 : vector<8x128xf32>
        %mul3A_265 = arith.mulf %get3A_246, %get3A_103 : vector<8x128xf32>
        %add3A_266 = arith.addf %add3A_264, %mul3A_265 : vector<8x128xf32>
        %mul3A_267 = arith.mulf %get3A_251, %get3A_109 : vector<8x128xf32>
        %add3A_268 = arith.addf %add3A_266, %mul3A_267 : vector<8x128xf32>
        %min3A_269 = arith.minimumf %scan3A_232, %add3A_268 : vector<8x128xf32>
        %mul3A_270 = arith.mulf %get3A_241, %get3A_121 : vector<8x128xf32>
        %add3A_271 = arith.addf %get3A_256, %mul3A_270 : vector<8x128xf32>
        %mul3A_272 = arith.mulf %get3A_246, %get3A_127 : vector<8x128xf32>
        %add3A_273 = arith.addf %add3A_271, %mul3A_272 : vector<8x128xf32>
        %mul3A_274 = arith.mulf %get3A_251, %get3A_133 : vector<8x128xf32>
        %add3A_275 = arith.addf %add3A_273, %mul3A_274 : vector<8x128xf32>
        %min3A_276 = arith.minimumf %scan3A_233, %add3A_275 : vector<8x128xf32>
        %mul3A_277 = arith.mulf %get3A_241, %get3A_145 : vector<8x128xf32>
        %add3A_278 = arith.addf %get3A_256, %mul3A_277 : vector<8x128xf32>
        %mul3A_279 = arith.mulf %get3A_246, %get3A_151 : vector<8x128xf32>
        %add3A_280 = arith.addf %add3A_278, %mul3A_279 : vector<8x128xf32>
        %mul3A_281 = arith.mulf %get3A_251, %get3A_157 : vector<8x128xf32>
        %add3A_282 = arith.addf %add3A_280, %mul3A_281 : vector<8x128xf32>
        %min3A_283 = arith.minimumf %scan3A_234, %add3A_282 : vector<8x128xf32>
        %scan3A_284 = arith.constant 1 : i32
        %scan3A_285 = arith.addi %scan3A_230, %scan3A_284 : i32
        %mul3A_286 = arith.constant 128 : i32
        %mul3A_287 = arith.muli %scan3A_285, %mul3A_286 : i32
        %multiple_of3A_288 = tpu.assume_multiple %mul3A_287, 128 : i32
        %get3A_289 = arith.constant 0 : index
        %get3A_290 = arith.constant 0 : index
        %get3A_291 = arith.index_cast %multiple_of3A_288 : i32 to index
        %get3A_292 = vector.load %arg3[%get3A_289, %get3A_290, %get3A_291] : memref<4x8x4096xf32, #tpu.memory_space<vmem>>, vector<1x8x128xf32>
        %get3A_293 = vector.shape_cast %get3A_292 : vector<1x8x128xf32> to vector<8x128xf32>
        %get3A_294 = arith.constant 1 : index
        %get3A_295 = arith.constant 0 : index
        %get3A_296 = arith.index_cast %multiple_of3A_288 : i32 to index
        %get3A_297 = vector.load %arg3[%get3A_294, %get3A_295, %get3A_296] : memref<4x8x4096xf32, #tpu.memory_space<vmem>>, vector<1x8x128xf32>
        %get3A_298 = vector.shape_cast %get3A_297 : vector<1x8x128xf32> to vector<8x128xf32>
        %get3A_299 = arith.constant 2 : index
        %get3A_300 = arith.constant 0 : index
        %get3A_301 = arith.index_cast %multiple_of3A_288 : i32 to index
        %get3A_302 = vector.load %arg3[%get3A_299, %get3A_300, %get3A_301] : memref<4x8x4096xf32, #tpu.memory_space<vmem>>, vector<1x8x128xf32>
        %get3A_303 = vector.shape_cast %get3A_302 : vector<1x8x128xf32> to vector<8x128xf32>
        %get3A_304 = arith.constant 3 : index
        %get3A_305 = arith.constant 0 : index
        %get3A_306 = arith.index_cast %multiple_of3A_288 : i32 to index
        %get3A_307 = vector.load %arg3[%get3A_304, %get3A_305, %get3A_306] : memref<4x8x4096xf32, #tpu.memory_space<vmem>>, vector<1x8x128xf32>
        %get3A_308 = vector.shape_cast %get3A_307 : vector<1x8x128xf32> to vector<8x128xf32>
        %mul3A_309 = arith.mulf %get3A_293, %get3A_73 : vector<8x128xf32>
        %add3A_310 = arith.addf %get3A_308, %mul3A_309 : vector<8x128xf32>
        %mul3A_311 = arith.mulf %get3A_298, %get3A_79 : vector<8x128xf32>
        %add3A_312 = arith.addf %add3A_310, %mul3A_311 : vector<8x128xf32>
        %mul3A_313 = arith.mulf %get3A_303, %get3A_85 : vector<8x128xf32>
        %add3A_314 = arith.addf %add3A_312, %mul3A_313 : vector<8x128xf32>
        %min3A_315 = arith.minimumf %min3A, %add3A_314 : vector<8x128xf32>
        %mul3A_316 = arith.mulf %get3A_293, %get3A_97 : vector<8x128xf32>
        %add3A_317 = arith.addf %get3A_308, %mul3A_316 : vector<8x128xf32>
        %mul3A_318 = arith.mulf %get3A_298, %get3A_103 : vector<8x128xf32>
        %add3A_319 = arith.addf %add3A_317, %mul3A_318 : vector<8x128xf32>
        %mul3A_320 = arith.mulf %get3A_303, %get3A_109 : vector<8x128xf32>
        %add3A_321 = arith.addf %add3A_319, %mul3A_320 : vector<8x128xf32>
        %min3A_322 = arith.minimumf %min3A_269, %add3A_321 : vector<8x128xf32>
        %mul3A_323 = arith.mulf %get3A_293, %get3A_121 : vector<8x128xf32>
        %add3A_324 = arith.addf %get3A_308, %mul3A_323 : vector<8x128xf32>
        %mul3A_325 = arith.mulf %get3A_298, %get3A_127 : vector<8x128xf32>
        %add3A_326 = arith.addf %add3A_324, %mul3A_325 : vector<8x128xf32>
        %mul3A_327 = arith.mulf %get3A_303, %get3A_133 : vector<8x128xf32>
        %add3A_328 = arith.addf %add3A_326, %mul3A_327 : vector<8x128xf32>
        %min3A_329 = arith.minimumf %min3A_276, %add3A_328 : vector<8x128xf32>
        %mul3A_330 = arith.mulf %get3A_293, %get3A_145 : vector<8x128xf32>
        %add3A_331 = arith.addf %get3A_308, %mul3A_330 : vector<8x128xf32>
        %mul3A_332 = arith.mulf %get3A_298, %get3A_151 : vector<8x128xf32>
        %add3A_333 = arith.addf %add3A_331, %mul3A_332 : vector<8x128xf32>
        %mul3A_334 = arith.mulf %get3A_303, %get3A_157 : vector<8x128xf32>
        %add3A_335 = arith.addf %add3A_333, %mul3A_334 : vector<8x128xf32>
        %min3A_336 = arith.minimumf %min3A_283, %add3A_335 : vector<8x128xf32>
        %scan3A_337 = arith.constant 2 : i32
        %scan3A_338 = arith.addi %scan3A_230, %scan3A_337 : i32
        %mul3A_339 = arith.constant 128 : i32
        %mul3A_340 = arith.muli %scan3A_338, %mul3A_339 : i32
        %multiple_of3A_341 = tpu.assume_multiple %mul3A_340, 128 : i32
        %get3A_342 = arith.constant 0 : index
        %get3A_343 = arith.constant 0 : index
        %get3A_344 = arith.index_cast %multiple_of3A_341 : i32 to index
        %get3A_345 = vector.load %arg3[%get3A_342, %get3A_343, %get3A_344] : memref<4x8x4096xf32, #tpu.memory_space<vmem>>, vector<1x8x128xf32>
        %get3A_346 = vector.shape_cast %get3A_345 : vector<1x8x128xf32> to vector<8x128xf32>
        %get3A_347 = arith.constant 1 : index
        %get3A_348 = arith.constant 0 : index
        %get3A_349 = arith.index_cast %multiple_of3A_341 : i32 to index
        %get3A_350 = vector.load %arg3[%get3A_347, %get3A_348, %get3A_349] : memref<4x8x4096xf32, #tpu.memory_space<vmem>>, vector<1x8x128xf32>
        %get3A_351 = vector.shape_cast %get3A_350 : vector<1x8x128xf32> to vector<8x128xf32>
        %get3A_352 = arith.constant 2 : index
        %get3A_353 = arith.constant 0 : index
        %get3A_354 = arith.index_cast %multiple_of3A_341 : i32 to index
        %get3A_355 = vector.load %arg3[%get3A_352, %get3A_353, %get3A_354] : memref<4x8x4096xf32, #tpu.memory_space<vmem>>, vector<1x8x128xf32>
        %get3A_356 = vector.shape_cast %get3A_355 : vector<1x8x128xf32> to vector<8x128xf32>
        %get3A_357 = arith.constant 3 : index
        %get3A_358 = arith.constant 0 : index
        %get3A_359 = arith.index_cast %multiple_of3A_341 : i32 to index
        %get3A_360 = vector.load %arg3[%get3A_357, %get3A_358, %get3A_359] : memref<4x8x4096xf32, #tpu.memory_space<vmem>>, vector<1x8x128xf32>
        %get3A_361 = vector.shape_cast %get3A_360 : vector<1x8x128xf32> to vector<8x128xf32>
        %mul3A_362 = arith.mulf %get3A_346, %get3A_73 : vector<8x128xf32>
        %add3A_363 = arith.addf %get3A_361, %mul3A_362 : vector<8x128xf32>
        %mul3A_364 = arith.mulf %get3A_351, %get3A_79 : vector<8x128xf32>
        %add3A_365 = arith.addf %add3A_363, %mul3A_364 : vector<8x128xf32>
        %mul3A_366 = arith.mulf %get3A_356, %get3A_85 : vector<8x128xf32>
        %add3A_367 = arith.addf %add3A_365, %mul3A_366 : vector<8x128xf32>
        %min3A_368 = arith.minimumf %min3A_315, %add3A_367 : vector<8x128xf32>
        %mul3A_369 = arith.mulf %get3A_346, %get3A_97 : vector<8x128xf32>
        %add3A_370 = arith.addf %get3A_361, %mul3A_369 : vector<8x128xf32>
        %mul3A_371 = arith.mulf %get3A_351, %get3A_103 : vector<8x128xf32>
        %add3A_372 = arith.addf %add3A_370, %mul3A_371 : vector<8x128xf32>
        %mul3A_373 = arith.mulf %get3A_356, %get3A_109 : vector<8x128xf32>
        %add3A_374 = arith.addf %add3A_372, %mul3A_373 : vector<8x128xf32>
        %min3A_375 = arith.minimumf %min3A_322, %add3A_374 : vector<8x128xf32>
        %mul3A_376 = arith.mulf %get3A_346, %get3A_121 : vector<8x128xf32>
        %add3A_377 = arith.addf %get3A_361, %mul3A_376 : vector<8x128xf32>
        %mul3A_378 = arith.mulf %get3A_351, %get3A_127 : vector<8x128xf32>
        %add3A_379 = arith.addf %add3A_377, %mul3A_378 : vector<8x128xf32>
        %mul3A_380 = arith.mulf %get3A_356, %get3A_133 : vector<8x128xf32>
        %add3A_381 = arith.addf %add3A_379, %mul3A_380 : vector<8x128xf32>
        %min3A_382 = arith.minimumf %min3A_329, %add3A_381 : vector<8x128xf32>
        %mul3A_383 = arith.mulf %get3A_346, %get3A_145 : vector<8x128xf32>
        %add3A_384 = arith.addf %get3A_361, %mul3A_383 : vector<8x128xf32>
        %mul3A_385 = arith.mulf %get3A_351, %get3A_151 : vector<8x128xf32>
        %add3A_386 = arith.addf %add3A_384, %mul3A_385 : vector<8x128xf32>
        %mul3A_387 = arith.mulf %get3A_356, %get3A_157 : vector<8x128xf32>
        %add3A_388 = arith.addf %add3A_386, %mul3A_387 : vector<8x128xf32>
        %min3A_389 = arith.minimumf %min3A_336, %add3A_388 : vector<8x128xf32>
        %scan3A_390 = arith.constant 3 : i32
        %scan3A_391 = arith.addi %scan3A_230, %scan3A_390 : i32
        %mul3A_392 = arith.constant 128 : i32
        %mul3A_393 = arith.muli %scan3A_391, %mul3A_392 : i32
        %multiple_of3A_394 = tpu.assume_multiple %mul3A_393, 128 : i32
        %get3A_395 = arith.constant 0 : index
        %get3A_396 = arith.constant 0 : index
        %get3A_397 = arith.index_cast %multiple_of3A_394 : i32 to index
        %get3A_398 = vector.load %arg3[%get3A_395, %get3A_396, %get3A_397] : memref<4x8x4096xf32, #tpu.memory_space<vmem>>, vector<1x8x128xf32>
        %get3A_399 = vector.shape_cast %get3A_398 : vector<1x8x128xf32> to vector<8x128xf32>
        %get3A_400 = arith.constant 1 : index
        %get3A_401 = arith.constant 0 : index
        %get3A_402 = arith.index_cast %multiple_of3A_394 : i32 to index
        %get3A_403 = vector.load %arg3[%get3A_400, %get3A_401, %get3A_402] : memref<4x8x4096xf32, #tpu.memory_space<vmem>>, vector<1x8x128xf32>
        %get3A_404 = vector.shape_cast %get3A_403 : vector<1x8x128xf32> to vector<8x128xf32>
        %get3A_405 = arith.constant 2 : index
        %get3A_406 = arith.constant 0 : index
        %get3A_407 = arith.index_cast %multiple_of3A_394 : i32 to index
        %get3A_408 = vector.load %arg3[%get3A_405, %get3A_406, %get3A_407] : memref<4x8x4096xf32, #tpu.memory_space<vmem>>, vector<1x8x128xf32>
        %get3A_409 = vector.shape_cast %get3A_408 : vector<1x8x128xf32> to vector<8x128xf32>
        %get3A_410 = arith.constant 3 : index
        %get3A_411 = arith.constant 0 : index
        %get3A_412 = arith.index_cast %multiple_of3A_394 : i32 to index
        %get3A_413 = vector.load %arg3[%get3A_410, %get3A_411, %get3A_412] : memref<4x8x4096xf32, #tpu.memory_space<vmem>>, vector<1x8x128xf32>
        %get3A_414 = vector.shape_cast %get3A_413 : vector<1x8x128xf32> to vector<8x128xf32>
        %mul3A_415 = arith.mulf %get3A_399, %get3A_73 : vector<8x128xf32>
        %add3A_416 = arith.addf %get3A_414, %mul3A_415 : vector<8x128xf32>
        %mul3A_417 = arith.mulf %get3A_404, %get3A_79 : vector<8x128xf32>
        %add3A_418 = arith.addf %add3A_416, %mul3A_417 : vector<8x128xf32>
        %mul3A_419 = arith.mulf %get3A_409, %get3A_85 : vector<8x128xf32>
        %add3A_420 = arith.addf %add3A_418, %mul3A_419 : vector<8x128xf32>
        %min3A_421 = arith.minimumf %min3A_368, %add3A_420 : vector<8x128xf32>
        %mul3A_422 = arith.mulf %get3A_399, %get3A_97 : vector<8x128xf32>
        %add3A_423 = arith.addf %get3A_414, %mul3A_422 : vector<8x128xf32>
        %mul3A_424 = arith.mulf %get3A_404, %get3A_103 : vector<8x128xf32>
        %add3A_425 = arith.addf %add3A_423, %mul3A_424 : vector<8x128xf32>
        %mul3A_426 = arith.mulf %get3A_409, %get3A_109 : vector<8x128xf32>
        %add3A_427 = arith.addf %add3A_425, %mul3A_426 : vector<8x128xf32>
        %min3A_428 = arith.minimumf %min3A_375, %add3A_427 : vector<8x128xf32>
        %mul3A_429 = arith.mulf %get3A_399, %get3A_121 : vector<8x128xf32>
        %add3A_430 = arith.addf %get3A_414, %mul3A_429 : vector<8x128xf32>
        %mul3A_431 = arith.mulf %get3A_404, %get3A_127 : vector<8x128xf32>
        %add3A_432 = arith.addf %add3A_430, %mul3A_431 : vector<8x128xf32>
        %mul3A_433 = arith.mulf %get3A_409, %get3A_133 : vector<8x128xf32>
        %add3A_434 = arith.addf %add3A_432, %mul3A_433 : vector<8x128xf32>
        %min3A_435 = arith.minimumf %min3A_382, %add3A_434 : vector<8x128xf32>
        %mul3A_436 = arith.mulf %get3A_399, %get3A_145 : vector<8x128xf32>
        %add3A_437 = arith.addf %get3A_414, %mul3A_436 : vector<8x128xf32>
        %mul3A_438 = arith.mulf %get3A_404, %get3A_151 : vector<8x128xf32>
        %add3A_439 = arith.addf %add3A_437, %mul3A_438 : vector<8x128xf32>
        %mul3A_440 = arith.mulf %get3A_409, %get3A_157 : vector<8x128xf32>
        %add3A_441 = arith.addf %add3A_439, %mul3A_440 : vector<8x128xf32>
        %min3A_442 = arith.minimumf %min3A_389, %add3A_441 : vector<8x128xf32>
        scf.yield %min3A_421, %min3A_428, %min3A_435, %min3A_442 : vector<8x128xf32>, vector<8x128xf32>, vector<8x128xf32>, vector<8x128xf32>
      }
      %scan3A_165 = arith.constant 32 : i32
      %mul3A_166 = arith.mulf %get3A_73, %get3A_73 : vector<8x128xf32>
      %mul3A_167 = arith.mulf %get3A_79, %get3A_79 : vector<8x128xf32>
      %add3A_168 = arith.addf %mul3A_166, %mul3A_167 : vector<8x128xf32>
      %mul3A_169 = arith.mulf %get3A_85, %get3A_85 : vector<8x128xf32>
      %add3A_170 = arith.addf %add3A_168, %mul3A_169 : vector<8x128xf32>
      %add3A_171 = arith.addf %scan3A_164#0, %add3A_170 : vector<8x128xf32>
      %mul3A_172 = arith.constant 4 : i32
      %mul3A_173 = arith.muli %scan3A_65, %mul3A_172 : i32
      %add3A_174 = arith.constant 0 : i32
      %add3A_175 = arith.addi %mul3A_173, %add3A_174 : i32
      %swap3A_176 = arith.index_cast %add3A_175 : i32 to index
      %swap3A_177 = arith.constant 0 : index
      %swap3A_178 = arith.constant 0 : index
      %swap3A_179 = vector.load %arg5[%swap3A_176, %swap3A_177, %swap3A_178] : memref<512x8x128xf32, #tpu.memory_space<vmem>>, vector<1x8x128xf32>
      %swap3A_180 = vector.shape_cast %swap3A_179 : vector<1x8x128xf32> to vector<8x128xf32>
      %swap3A_181 = vector.shape_cast %add3A_171 : vector<8x128xf32> to vector<1x8x128xf32>
      tpu.vector_store %arg5[%swap3A_176, %swap3A_177, %swap3A_178], %swap3A_181 {strides = array<i32>} : memref<512x8x128xf32, #tpu.memory_space<vmem>>, vector<1x8x128xf32>,
      %mul3A_182 = arith.mulf %get3A_97, %get3A_97 : vector<8x128xf32>
      %mul3A_183 = arith.mulf %get3A_103, %get3A_103 : vector<8x128xf32>
      %add3A_184 = arith.addf %mul3A_182, %mul3A_183 : vector<8x128xf32>
      %mul3A_185 = arith.mulf %get3A_109, %get3A_109 : vector<8x128xf32>
      %add3A_186 = arith.addf %add3A_184, %mul3A_185 : vector<8x128xf32>
      %add3A_187 = arith.addf %scan3A_164#1, %add3A_186 : vector<8x128xf32>
      %mul3A_188 = arith.constant 4 : i32
      %mul3A_189 = arith.muli %scan3A_65, %mul3A_188 : i32
      %add3A_190 = arith.constant 1 : i32
      %add3A_191 = arith.addi %mul3A_189, %add3A_190 : i32
      %swap3A_192 = arith.index_cast %add3A_191 : i32 to index
      %swap3A_193 = arith.constant 0 : index
      %swap3A_194 = arith.constant 0 : index
      %swap3A_195 = vector.load %arg5[%swap3A_192, %swap3A_193, %swap3A_194] : memref<512x8x128xf32, #tpu.memory_space<vmem>>, vector<1x8x128xf32>
      %swap3A_196 = vector.shape_cast %swap3A_195 : vector<1x8x128xf32> to vector<8x128xf32>
      %swap3A_197 = vector.shape_cast %add3A_187 : vector<8x128xf32> to vector<1x8x128xf32>
      tpu.vector_store %arg5[%swap3A_192, %swap3A_193, %swap3A_194], %swap3A_197 {strides = array<i32>} : memref<512x8x128xf32, #tpu.memory_space<vmem>>, vector<1x8x128xf32>,
      %mul3A_198 = arith.mulf %get3A_121, %get3A_121 : vector<8x128xf32>
      %mul3A_199 = arith.mulf %get3A_127, %get3A_127 : vector<8x128xf32>
      %add3A_200 = arith.addf %mul3A_198, %mul3A_199 : vector<8x128xf32>
      %mul3A_201 = arith.mulf %get3A_133, %get3A_133 : vector<8x128xf32>
      %add3A_202 = arith.addf %add3A_200, %mul3A_201 : vector<8x128xf32>
      %add3A_203 = arith.addf %scan3A_164#2, %add3A_202 : vector<8x128xf32>
      %mul3A_204 = arith.constant 4 : i32
      %mul3A_205 = arith.muli %scan3A_65, %mul3A_204 : i32
      %add3A_206 = arith.constant 2 : i32
      %add3A_207 = arith.addi %mul3A_205, %add3A_206 : i32
      %swap3A_208 = arith.index_cast %add3A_207 : i32 to index
      %swap3A_209 = arith.constant 0 : index
      %swap3A_210 = arith.constant 0 : index
      %swap3A_211 = vector.load %arg5[%swap3A_208, %swap3A_209, %swap3A_210] : memref<512x8x128xf32, #tpu.memory_space<vmem>>, vector<1x8x128xf32>
      %swap3A_212 = vector.shape_cast %swap3A_211 : vector<1x8x128xf32> to vector<8x128xf32>
      %swap3A_213 = vector.shape_cast %add3A_203 : vector<8x128xf32> to vector<1x8x128xf32>
      tpu.vector_store %arg5[%swap3A_208, %swap3A_209, %swap3A_210], %swap3A_213 {strides = array<i32>} : memref<512x8x128xf32, #tpu.memory_space<vmem>>, vector<1x8x128xf32>,
      %mul3A_214 = arith.mulf %get3A_145, %get3A_145 : vector<8x128xf32>
      %mul3A_215 = arith.mulf %get3A_151, %get3A_151 : vector<8x128xf32>
      %add3A_216 = arith.addf %mul3A_214, %mul3A_215 : vector<8x128xf32>
      %mul3A_217 = arith.mulf %get3A_157, %get3A_157 : vector<8x128xf32>
      %add3A_218 = arith.addf %add3A_216, %mul3A_217 : vector<8x128xf32>
      %add3A_219 = arith.addf %scan3A_164#3, %add3A_218 : vector<8x128xf32>
      %mul3A_220 = arith.constant 4 : i32
      %mul3A_221 = arith.muli %scan3A_65, %mul3A_220 : i32
      %add3A_222 = arith.constant 3 : i32
      %add3A_223 = arith.addi %mul3A_221, %add3A_222 : i32
      %swap3A_224 = arith.index_cast %add3A_223 : i32 to index
      %swap3A_225 = arith.constant 0 : index
      %swap3A_226 = arith.constant 0 : index
      %swap3A_227 = vector.load %arg5[%swap3A_224, %swap3A_225, %swap3A_226] : memref<512x8x128xf32, #tpu.memory_space<vmem>>, vector<1x8x128xf32>
      %swap3A_228 = vector.shape_cast %swap3A_227 : vector<1x8x128xf32> to vector<8x128xf32>
      %swap3A_229 = vector.shape_cast %add3A_219 : vector<8x128xf32> to vector<1x8x128xf32>
      tpu.vector_store %arg5[%swap3A_224, %swap3A_225, %swap3A_226], %swap3A_229 {strides = array<i32>} : memref<512x8x128xf32, #tpu.memory_space<vmem>>, vector<1x8x128xf32>,
    }
    %scan3A_49 = arith.constant 128 : i32
    %broadcast_in_dim3A_50 = arith.constant 0.000000e+00 : f32
    %broadcast_in_dim3A_51 = vector.broadcast %broadcast_in_dim3A_50 : f32 to vector<8x1xf32>
    %scan3A_52 = arith.constant 0 : i32
    %scan3A_53 = arith.constant 512 : i32
    %scan3A_54 = arith.addi %scan3A_52, %scan3A_53 : i32
    %scan3A_55 = arith.constant 16 : i32
    %scan3A_56 = scf.for %scan3A_65 = %scan3A_52 to %scan3A_54 step %scan3A_55 iter_args(%scan3A_66 = %broadcast_in_dim3A_51) -> (vector<8x1xf32>)  : i32 {
      %get3A_67 = arith.index_cast %scan3A_65 : i32 to index
      %get3A_68 = arith.constant 0 : index
      %get3A_69 = arith.constant 0 : index
      %get3A_70 = vector.load %arg5[%get3A_67, %get3A_68, %get3A_69] : memref<512x8x128xf32, #tpu.memory_space<vmem>>, vector<1x8x128xf32>
      %get3A_71 = vector.shape_cast %get3A_70 : vector<1x8x128xf32> to vector<8x128xf32>
      %reduce_min3A = arith.constant dense<0x7F800000> : vector<8xf32>
      %reduce_min3A_72 = vector.multi_reduction <minimumf>, %get3A_71, %reduce_min3A [1] : vector<8x128xf32> to vector<8xf32>
      %broadcast_in_dim3A_73 = vector.shape_cast %reduce_min3A_72 : vector<8xf32> to vector<8x1xf32>
      %add3A = arith.addf %scan3A_66, %broadcast_in_dim3A_73 : vector<8x1xf32>
      %scan3A_74 = arith.constant 1 : i32
      %scan3A_75 = arith.addi %scan3A_65, %scan3A_74 : i32
      %get3A_76 = arith.index_cast %scan3A_75 : i32 to index
      %get3A_77 = arith.constant 0 : index
      %get3A_78 = arith.constant 0 : index
      %get3A_79 = vector.load %arg5[%get3A_76, %get3A_77, %get3A_78] : memref<512x8x128xf32, #tpu.memory_space<vmem>>, vector<1x8x128xf32>
      %get3A_80 = vector.shape_cast %get3A_79 : vector<1x8x128xf32> to vector<8x128xf32>
      %reduce_min3A_81 = arith.constant dense<0x7F800000> : vector<8xf32>
      %reduce_min3A_82 = vector.multi_reduction <minimumf>, %get3A_80, %reduce_min3A_81 [1] : vector<8x128xf32> to vector<8xf32>
      %broadcast_in_dim3A_83 = vector.shape_cast %reduce_min3A_82 : vector<8xf32> to vector<8x1xf32>
      %add3A_84 = arith.addf %add3A, %broadcast_in_dim3A_83 : vector<8x1xf32>
      %scan3A_85 = arith.constant 2 : i32
      %scan3A_86 = arith.addi %scan3A_65, %scan3A_85 : i32
      %get3A_87 = arith.index_cast %scan3A_86 : i32 to index
      %get3A_88 = arith.constant 0 : index
      %get3A_89 = arith.constant 0 : index
      %get3A_90 = vector.load %arg5[%get3A_87, %get3A_88, %get3A_89] : memref<512x8x128xf32, #tpu.memory_space<vmem>>, vector<1x8x128xf32>
      %get3A_91 = vector.shape_cast %get3A_90 : vector<1x8x128xf32> to vector<8x128xf32>
      %reduce_min3A_92 = arith.constant dense<0x7F800000> : vector<8xf32>
      %reduce_min3A_93 = vector.multi_reduction <minimumf>, %get3A_91, %reduce_min3A_92 [1] : vector<8x128xf32> to vector<8xf32>
      %broadcast_in_dim3A_94 = vector.shape_cast %reduce_min3A_93 : vector<8xf32> to vector<8x1xf32>
      %add3A_95 = arith.addf %add3A_84, %broadcast_in_dim3A_94 : vector<8x1xf32>
      %scan3A_96 = arith.constant 3 : i32
      %scan3A_97 = arith.addi %scan3A_65, %scan3A_96 : i32
      %get3A_98 = arith.index_cast %scan3A_97 : i32 to index
      %get3A_99 = arith.constant 0 : index
      %get3A_100 = arith.constant 0 : index
      %get3A_101 = vector.load %arg5[%get3A_98, %get3A_99, %get3A_100] : memref<512x8x128xf32, #tpu.memory_space<vmem>>, vector<1x8x128xf32>
      %get3A_102 = vector.shape_cast %get3A_101 : vector<1x8x128xf32> to vector<8x128xf32>
      %reduce_min3A_103 = arith.constant dense<0x7F800000> : vector<8xf32>
      %reduce_min3A_104 = vector.multi_reduction <minimumf>, %get3A_102, %reduce_min3A_103 [1] : vector<8x128xf32> to vector<8xf32>
      %broadcast_in_dim3A_105 = vector.shape_cast %reduce_min3A_104 : vector<8xf32> to vector<8x1xf32>
      %add3A_106 = arith.addf %add3A_95, %broadcast_in_dim3A_105 : vector<8x1xf32>
      %scan3A_107 = arith.constant 4 : i32
      %scan3A_108 = arith.addi %scan3A_65, %scan3A_107 : i32
      %get3A_109 = arith.index_cast %scan3A_108 : i32 to index
      %get3A_110 = arith.constant 0 : index
      %get3A_111 = arith.constant 0 : index
      %get3A_112 = vector.load %arg5[%get3A_109, %get3A_110, %get3A_111] : memref<512x8x128xf32, #tpu.memory_space<vmem>>, vector<1x8x128xf32>
      %get3A_113 = vector.shape_cast %get3A_112 : vector<1x8x128xf32> to vector<8x128xf32>
      %reduce_min3A_114 = arith.constant dense<0x7F800000> : vector<8xf32>
      %reduce_min3A_115 = vector.multi_reduction <minimumf>, %get3A_113, %reduce_min3A_114 [1] : vector<8x128xf32> to vector<8xf32>
      %broadcast_in_dim3A_116 = vector.shape_cast %reduce_min3A_115 : vector<8xf32> to vector<8x1xf32>
      %add3A_117 = arith.addf %add3A_106, %broadcast_in_dim3A_116 : vector<8x1xf32>
      %scan3A_118 = arith.constant 5 : i32
      %scan3A_119 = arith.addi %scan3A_65, %scan3A_118 : i32
      %get3A_120 = arith.index_cast %scan3A_119 : i32 to index
      %get3A_121 = arith.constant 0 : index
      %get3A_122 = arith.constant 0 : index
      %get3A_123 = vector.load %arg5[%get3A_120, %get3A_121, %get3A_122] : memref<512x8x128xf32, #tpu.memory_space<vmem>>, vector<1x8x128xf32>
      %get3A_124 = vector.shape_cast %get3A_123 : vector<1x8x128xf32> to vector<8x128xf32>
      %reduce_min3A_125 = arith.constant dense<0x7F800000> : vector<8xf32>
      %reduce_min3A_126 = vector.multi_reduction <minimumf>, %get3A_124, %reduce_min3A_125 [1] : vector<8x128xf32> to vector<8xf32>
      %broadcast_in_dim3A_127 = vector.shape_cast %reduce_min3A_126 : vector<8xf32> to vector<8x1xf32>
      %add3A_128 = arith.addf %add3A_117, %broadcast_in_dim3A_127 : vector<8x1xf32>
      %scan3A_129 = arith.constant 6 : i32
      %scan3A_130 = arith.addi %scan3A_65, %scan3A_129 : i32
      %get3A_131 = arith.index_cast %scan3A_130 : i32 to index
      %get3A_132 = arith.constant 0 : index
      %get3A_133 = arith.constant 0 : index
      %get3A_134 = vector.load %arg5[%get3A_131, %get3A_132, %get3A_133] : memref<512x8x128xf32, #tpu.memory_space<vmem>>, vector<1x8x128xf32>
      %get3A_135 = vector.shape_cast %get3A_134 : vector<1x8x128xf32> to vector<8x128xf32>
      %reduce_min3A_136 = arith.constant dense<0x7F800000> : vector<8xf32>
      %reduce_min3A_137 = vector.multi_reduction <minimumf>, %get3A_135, %reduce_min3A_136 [1] : vector<8x128xf32> to vector<8xf32>
      %broadcast_in_dim3A_138 = vector.shape_cast %reduce_min3A_137 : vector<8xf32> to vector<8x1xf32>
      %add3A_139 = arith.addf %add3A_128, %broadcast_in_dim3A_138 : vector<8x1xf32>
      %scan3A_140 = arith.constant 7 : i32
      %scan3A_141 = arith.addi %scan3A_65, %scan3A_140 : i32
      %get3A_142 = arith.index_cast %scan3A_141 : i32 to index
      %get3A_143 = arith.constant 0 : index
      %get3A_144 = arith.constant 0 : index
      %get3A_145 = vector.load %arg5[%get3A_142, %get3A_143, %get3A_144] : memref<512x8x128xf32, #tpu.memory_space<vmem>>, vector<1x8x128xf32>
      %get3A_146 = vector.shape_cast %get3A_145 : vector<1x8x128xf32> to vector<8x128xf32>
      %reduce_min3A_147 = arith.constant dense<0x7F800000> : vector<8xf32>
      %reduce_min3A_148 = vector.multi_reduction <minimumf>, %get3A_146, %reduce_min3A_147 [1] : vector<8x128xf32> to vector<8xf32>
      %broadcast_in_dim3A_149 = vector.shape_cast %reduce_min3A_148 : vector<8xf32> to vector<8x1xf32>
      %add3A_150 = arith.addf %add3A_139, %broadcast_in_dim3A_149 : vector<8x1xf32>
      %scan3A_151 = arith.constant 8 : i32
      %scan3A_152 = arith.addi %scan3A_65, %scan3A_151 : i32
      %get3A_153 = arith.index_cast %scan3A_152 : i32 to index
      %get3A_154 = arith.constant 0 : index
      %get3A_155 = arith.constant 0 : index
      %get3A_156 = vector.load %arg5[%get3A_153, %get3A_154, %get3A_155] : memref<512x8x128xf32, #tpu.memory_space<vmem>>, vector<1x8x128xf32>
      %get3A_157 = vector.shape_cast %get3A_156 : vector<1x8x128xf32> to vector<8x128xf32>
      %reduce_min3A_158 = arith.constant dense<0x7F800000> : vector<8xf32>
      %reduce_min3A_159 = vector.multi_reduction <minimumf>, %get3A_157, %reduce_min3A_158 [1] : vector<8x128xf32> to vector<8xf32>
      %broadcast_in_dim3A_160 = vector.shape_cast %reduce_min3A_159 : vector<8xf32> to vector<8x1xf32>
      %add3A_161 = arith.addf %add3A_150, %broadcast_in_dim3A_160 : vector<8x1xf32>
      %scan3A_162 = arith.constant 9 : i32
      %scan3A_163 = arith.addi %scan3A_65, %scan3A_162 : i32
      %get3A_164 = arith.index_cast %scan3A_163 : i32 to index
      %get3A_165 = arith.constant 0 : index
      %get3A_166 = arith.constant 0 : index
      %get3A_167 = vector.load %arg5[%get3A_164, %get3A_165, %get3A_166] : memref<512x8x128xf32, #tpu.memory_space<vmem>>, vector<1x8x128xf32>
      %get3A_168 = vector.shape_cast %get3A_167 : vector<1x8x128xf32> to vector<8x128xf32>
      %reduce_min3A_169 = arith.constant dense<0x7F800000> : vector<8xf32>
      %reduce_min3A_170 = vector.multi_reduction <minimumf>, %get3A_168, %reduce_min3A_169 [1] : vector<8x128xf32> to vector<8xf32>
      %broadcast_in_dim3A_171 = vector.shape_cast %reduce_min3A_170 : vector<8xf32> to vector<8x1xf32>
      %add3A_172 = arith.addf %add3A_161, %broadcast_in_dim3A_171 : vector<8x1xf32>
      %scan3A_173 = arith.constant 10 : i32
      %scan3A_174 = arith.addi %scan3A_65, %scan3A_173 : i32
      %get3A_175 = arith.index_cast %scan3A_174 : i32 to index
      %get3A_176 = arith.constant 0 : index
      %get3A_177 = arith.constant 0 : index
      %get3A_178 = vector.load %arg5[%get3A_175, %get3A_176, %get3A_177] : memref<512x8x128xf32, #tpu.memory_space<vmem>>, vector<1x8x128xf32>
      %get3A_179 = vector.shape_cast %get3A_178 : vector<1x8x128xf32> to vector<8x128xf32>
      %reduce_min3A_180 = arith.constant dense<0x7F800000> : vector<8xf32>
      %reduce_min3A_181 = vector.multi_reduction <minimumf>, %get3A_179, %reduce_min3A_180 [1] : vector<8x128xf32> to vector<8xf32>
      %broadcast_in_dim3A_182 = vector.shape_cast %reduce_min3A_181 : vector<8xf32> to vector<8x1xf32>
      %add3A_183 = arith.addf %add3A_172, %broadcast_in_dim3A_182 : vector<8x1xf32>
      %scan3A_184 = arith.constant 11 : i32
      %scan3A_185 = arith.addi %scan3A_65, %scan3A_184 : i32
      %get3A_186 = arith.index_cast %scan3A_185 : i32 to index
      %get3A_187 = arith.constant 0 : index
      %get3A_188 = arith.constant 0 : index
      %get3A_189 = vector.load %arg5[%get3A_186, %get3A_187, %get3A_188] : memref<512x8x128xf32, #tpu.memory_space<vmem>>, vector<1x8x128xf32>
      %get3A_190 = vector.shape_cast %get3A_189 : vector<1x8x128xf32> to vector<8x128xf32>
      %reduce_min3A_191 = arith.constant dense<0x7F800000> : vector<8xf32>
      %reduce_min3A_192 = vector.multi_reduction <minimumf>, %get3A_190, %reduce_min3A_191 [1] : vector<8x128xf32> to vector<8xf32>
      %broadcast_in_dim3A_193 = vector.shape_cast %reduce_min3A_192 : vector<8xf32> to vector<8x1xf32>
      %add3A_194 = arith.addf %add3A_183, %broadcast_in_dim3A_193 : vector<8x1xf32>
      %scan3A_195 = arith.constant 12 : i32
      %scan3A_196 = arith.addi %scan3A_65, %scan3A_195 : i32
      %get3A_197 = arith.index_cast %scan3A_196 : i32 to index
      %get3A_198 = arith.constant 0 : index
      %get3A_199 = arith.constant 0 : index
      %get3A_200 = vector.load %arg5[%get3A_197, %get3A_198, %get3A_199] : memref<512x8x128xf32, #tpu.memory_space<vmem>>, vector<1x8x128xf32>
      %get3A_201 = vector.shape_cast %get3A_200 : vector<1x8x128xf32> to vector<8x128xf32>
      %reduce_min3A_202 = arith.constant dense<0x7F800000> : vector<8xf32>
      %reduce_min3A_203 = vector.multi_reduction <minimumf>, %get3A_201, %reduce_min3A_202 [1] : vector<8x128xf32> to vector<8xf32>
      %broadcast_in_dim3A_204 = vector.shape_cast %reduce_min3A_203 : vector<8xf32> to vector<8x1xf32>
      %add3A_205 = arith.addf %add3A_194, %broadcast_in_dim3A_204 : vector<8x1xf32>
      %scan3A_206 = arith.constant 13 : i32
      %scan3A_207 = arith.addi %scan3A_65, %scan3A_206 : i32
      %get3A_208 = arith.index_cast %scan3A_207 : i32 to index
      %get3A_209 = arith.constant 0 : index
      %get3A_210 = arith.constant 0 : index
      %get3A_211 = vector.load %arg5[%get3A_208, %get3A_209, %get3A_210] : memref<512x8x128xf32, #tpu.memory_space<vmem>>, vector<1x8x128xf32>
      %get3A_212 = vector.shape_cast %get3A_211 : vector<1x8x128xf32> to vector<8x128xf32>
      %reduce_min3A_213 = arith.constant dense<0x7F800000> : vector<8xf32>
      %reduce_min3A_214 = vector.multi_reduction <minimumf>, %get3A_212, %reduce_min3A_213 [1] : vector<8x128xf32> to vector<8xf32>
      %broadcast_in_dim3A_215 = vector.shape_cast %reduce_min3A_214 : vector<8xf32> to vector<8x1xf32>
      %add3A_216 = arith.addf %add3A_205, %broadcast_in_dim3A_215 : vector<8x1xf32>
      %scan3A_217 = arith.constant 14 : i32
      %scan3A_218 = arith.addi %scan3A_65, %scan3A_217 : i32
      %get3A_219 = arith.index_cast %scan3A_218 : i32 to index
      %get3A_220 = arith.constant 0 : index
      %get3A_221 = arith.constant 0 : index
      %get3A_222 = vector.load %arg5[%get3A_219, %get3A_220, %get3A_221] : memref<512x8x128xf32, #tpu.memory_space<vmem>>, vector<1x8x128xf32>
      %get3A_223 = vector.shape_cast %get3A_222 : vector<1x8x128xf32> to vector<8x128xf32>
      %reduce_min3A_224 = arith.constant dense<0x7F800000> : vector<8xf32>
      %reduce_min3A_225 = vector.multi_reduction <minimumf>, %get3A_223, %reduce_min3A_224 [1] : vector<8x128xf32> to vector<8xf32>
      %broadcast_in_dim3A_226 = vector.shape_cast %reduce_min3A_225 : vector<8xf32> to vector<8x1xf32>
      %add3A_227 = arith.addf %add3A_216, %broadcast_in_dim3A_226 : vector<8x1xf32>
      %scan3A_228 = arith.constant 15 : i32
      %scan3A_229 = arith.addi %scan3A_65, %scan3A_228 : i32
      %get3A_230 = arith.index_cast %scan3A_229 : i32 to index
      %get3A_231 = arith.constant 0 : index
      %get3A_232 = arith.constant 0 : index
      %get3A_233 = vector.load %arg5[%get3A_230, %get3A_231, %get3A_232] : memref<512x8x128xf32, #tpu.memory_space<vmem>>, vector<1x8x128xf32>
      %get3A_234 = vector.shape_cast %get3A_233 : vector<1x8x128xf32> to vector<8x128xf32>
      %reduce_min3A_235 = arith.constant dense<0x7F800000> : vector<8xf32>
      %reduce_min3A_236 = vector.multi_reduction <minimumf>, %get3A_234, %reduce_min3A_235 [1] : vector<8x128xf32> to vector<8xf32>
      %broadcast_in_dim3A_237 = vector.shape_cast %reduce_min3A_236 : vector<8xf32> to vector<8x1xf32>
      %add3A_238 = arith.addf %add3A_227, %broadcast_in_dim3A_237 : vector<8x1xf32>
      scf.yield %add3A_238 : vector<8x1xf32>
    }
    %scan3A_57 = arith.constant 512 : i32
    %reduce_sum3A = vector.shape_cast %scan3A_56 : vector<8x1xf32> to vector<1x8x1xf32>
    %reduce_sum3A_58 = arith.constant dense<0.000000e+00> : vector<1xf32>
    %reduce_sum3A_59 = vector.multi_reduction <add>, %reduce_sum3A, %reduce_sum3A_58 [1, 2] : vector<1x8x1xf32> to vector<1xf32>
    %reduce_sum3A_60 = vector.shape_cast %reduce_sum3A_59 : vector<1xf32> to vector<1x1x1xf32>
    %reduce_sum3A_61 = vector.extract %reduce_sum3A_60[0, 0, 0] : f32 from vector<1x1x1xf32>
    %swap3A_62 = arith.constant 0 : index
    %swap3A_63 = arith.constant 0 : index
    %swap3A_64 = memref.load %arg2[%swap3A_62, %swap3A_63] : memref<1x1xf32, #tpu.memory_space<smem>>
    memref.store %reduce_sum3A_61, %arg2[%swap3A_62, %swap3A_63] : memref<1x1xf32, #tpu.memory_space<smem>>
    return
  }
}

</mosaic_0001>

<sc_bundles>
// kernel: kernel.4.cloned.1.call-start
scs
__scs_entry_jumppad:
0x0: {  	(pc) =	sbr.rel $0x88, $3  }
0x1: {  	(tag) =	ssettag $0x0;
	lr =	simm.s32 $0x1  }
0x2: {  	[smem:$0x3F9F] =	sst lr;
	_ =	strace $0xD0000000  }
0x3: {  	_ = 	snop  }
0x4: {  	_ = 	snop  }
0x5: {  	_ = 	snop  }
0x6: {  	_ = 	snop  }
0x7: {  	_ = 	snop  }
__scs_overlays_trampoline_lowered:
0x8: {  	[smem:$0x3FAE] =	sst s0  }
0x9: {  	[smem:$0x3FAF] =	sst s1  }
0xa: {  	[smem:$0x3FB0] =	sst s2  }
0xb: {  	[smem:$0x3FB1] =	sst s3  }
0xc: {  	[smem:$0x3FB2] =	sst s4  }
0xd: {  	[smem:$0x3FB3] =	sst s5  }
0xe: {  	[smem:$0x3FB4] =	sst s6  }
0xf: {  	[smem:$0x3FB5] =	sst s7  }
0x10: {  	[smem:$0x3FB6] =	sst s8  }
0x11: {  	[smem:$0x3FB7] =	sst s9;
	s0 =	simm.s32 @!p0 $0x0  }
0x12: {  	s1 =	sld [smem:$0x3F9D];
	s0 =	simm.s32 @p0 $0x1  }
0x13: {  	[smem:$0x3FB8] =	sst s0;
	s0 =	simm.s32 @!p1 $0x0  }
0x14: {  	s2 =	sld [smem:$0x3F9C];
	s0 =	simm.s32 @p1 $0x1  }
0x15: {  	[smem:$0x3FB9] =	sst s0;
	s0 =	simm.s32 @!p2 $0x0  }
0x16: {  	s3 =	sld [smem:$0x3FDB];
	s0 =	simm.s32 @p2 $0x1  }
0x17: {  	s4 =	simm.s32 $0x1BF5;
	[smem:$0x3FBB] =	sst s0  }
0x18: {  	s0 =	sld [smem:$0x3F9E];
	_ =	swait.ge [sflag:s4], $0x0  }
0x19: {  	s7 =	sld [smem:$0x3F9F]  }
0x1a: {  	s8 =	sadd.s32 $0xFFFFE003, lr  }
0x1b: {  	s9 =	sadd.s32 $0xFFFFFEF7, lr;
	s5 =	simm.s32 $0xFFFFFFFF;
	p2 =	slt.u32 s8, $0xFFFFF086  }
0x1c: {  	p1 =	slt.u32 s9, $0xF7A;
	s5 =	simm.s32 @!p2 $0x0  }
0x1d: {  	s5 =	simm.s32 @p1 $0x1;
	p0 =	seq.s32 s7, s2  }
0x1e: {  	s7 =	smul.u32 @!p0 $0xF7A, s2;
	p2 =	seq.s32 @!p0 s5, $0x0  }
0x1f: {  	s9 =	smul.u32 $0xF7A, s1;
	s8 =	simm.s32 @!p0 $0x1BF5;
	p2 =	por !p2, p0  }
0x20: {  	[sflag:s8] =	ssyncset.s32 @!p0 $0xFFFFF086;
	s6 =	sadd.s32 @!p0 s3, s7;
	s7 =	simm.s32 @!p0 $0x108  }
0x21: {  	s3 =	sadd.s32 s3, s9;
	s6 =	sadd.s32 @!p0 $0x88, s6;
	s7 =	simm.s32 @p2 $0x1082  }
0x22: {  	[simem:s7], [sflag:s8] =	dma.local @!p0 [hbm:s6], $0xF7A  }
0x23: {  	s9 =	sor.u32 $0xD0000000, s2;
	s6 =	simm.s32 $0x108;
	_ =	swait.ge @!p0 [sflag:s8], $0x0  }
0x24: {  	s3 =	sadd.s32 $0x88, s3;
	s6 =	simm.s32 @!p1 $0x1082;
	[sflag:s4] =	ssyncset.s32 $0xFFFFF086  }
0x25: {  	[simem:s6], [sflag:s4] =	dma.local [hbm:s3], $0xF7A  }
0x26: {  	[smem:$0x3F9F] =	sst s1;
	(tag) =	ssettag s2;
	_ =	strace s9  }
0x27: {  	s1 =	sld [smem:$0x3FAF]  }
0x28: {  	s2 =	sld [smem:$0x3FB0]  }
0x29: {  	s4 =	sld [smem:$0x3FB2]  }
0x2a: {  	p0 =	seq.s32 s5, $0x0;
	s5 =	sld [smem:$0x3FB3]  }
0x2b: {  	s6 =	sld [smem:$0x3FB4]  }
0x2c: {  	s7 =	sld [smem:$0x3FB5]  }
0x2d: {  	s3 =	simm.s32 $0x108;
	s8 =	sld [smem:$0x3FB6]  }
0x2e: {  	s3 =	simm.s32 @!p0 $0x1082;
	s9 =	sld [smem:$0x3FB7]  }
0x2f: {  	lr =	sadd.s32 s0, s3;
	s0 =	sld [smem:$0x3FAE]  }
0x30: {  	s3 =	sld [smem:$0x3FB1]  }
0x31: {  	[smem:$0x3FBA] =	sst s10  }
0x32: {  	s10 =	sld [smem:$0x3FB8];
	_ =	sdelay $0x3  }
0x33: {  	p0 =	seq.s32 s10, $0x1;
	s10 =	sld [smem:$0x3FBA];
	_ =	sdelay $0x3  }
0x34: {  	[smem:$0x3FBA] =	sst s10  }
0x35: {  	s10 =	sld [smem:$0x3FB9];
	_ =	sdelay $0x3  }
0x36: {  	p1 =	seq.s32 s10, $0x1;
	s10 =	sld [smem:$0x3FBA];
	_ =	sdelay $0x3  }
0x37: {  	[smem:$0x3FBA] =	sst s10  }
0x38: {  	s10 =	sld [smem:$0x3FBB]  }
0x39: {  	_ = 	snop;
	(pc) =	sbr.ind lr, $3  }
0x3a: {  	_ = 	snop  }
0x3b: {  	_ = 	snop  }
0x3c: {  	p2 =	seq.s32 s10, $0x1;
	s10 =	sld [smem:$0x3FBA]  }
0x3d: {  	_ =	shalt  }
0x3e: {  	_ =	shalt  }
0x3f: {  	_ =	shalt  }
0x40: {  	_ =	shalt  }
0x41: {  	_ =	shalt  }
0x42: {  	_ =	shalt  }
0x43: {  	_ =	shalt  }
0x44: {  	_ =	shalt  }
0x45: {  	_ =	shalt  }
0x46: {  	_ =	shalt  }
0x47: {  	_ =	shalt  }
0x48: {  	_ =	shalt  }
0x49: {  	_ =	shalt  }
0x4a: {  	_ =	shalt  }
0x4b: {  	_ =	shalt  }
0x4c: {  	_ =	shalt  }
0x4d: {  	_ =	shalt  }
0x4e: {  	_ =	shalt  }
0x4f: {  	_ =	shalt  }
0x50: {  	_ =	shalt  }
0x51: {  	_ =	shalt  }
0x52: {  	_ =	shalt  }
0x53: {  	_ =	shalt  }
0x54: {  	_ =	shalt  }
0x55: {  	_ =	shalt  }
0x56: {  	_ =	shalt  }
0x57: {  	_ =	shalt  }
0x58: {  	_ =	shalt  }
0x59: {  	_ =	shalt  }
0x5a: {  	_ =	shalt  }
0x5b: {  	_ =	shalt  }
0x5c: {  	_ =	shalt  }
0x5d: {  	_ =	shalt  }
0x5e: {  	_ =	shalt  }
0x5f: {  	_ =	shalt  }
0x60: {  	_ =	shalt  }
0x61: {  	_ =	shalt  }
0x62: {  	_ =	shalt  }
0x63: {  	_ =	shalt  }
0x64: {  	_ =	shalt  }
0x65: {  	_ =	shalt  }
0x66: {  	_ =	shalt  }
0x67: {  	_ =	shalt  }
0x68: {  	_ =	shalt  }
0x69: {  	_ =	shalt  }
0x6a: {  	_ =	shalt  }
0x6b: {  	_ =	shalt  }
0x6c: {  	_ =	shalt  }
0x6d: {  	_ =	shalt  }
0x6e: {  	_ =	shalt  }
0x6f: {  	_ =	shalt  }
0x70: {  	_ =	shalt  }
0x71: {  	_ =	shalt  }
0x72: {  	_ =	shalt  }
0x73: {  	_ =	shalt  }
0x74: {  	_ =	shalt  }
0x75: {  	_ =	shalt  }
0x76: {  	_ =	shalt  }
0x77: {  	_ =	shalt  }
0x78: {  	_ =	shalt  }
0x79: {  	_ =	shalt  }
0x7a: {  	_ =	shalt  }
0x7b: {  	_ =	shalt  }
0x7c: {  	_ =	shalt  }
0x7d: {  	_ =	shalt  }
0x7e: {  	_ =	shalt  }
0x7f: {  	_ =	shalt  }
0x80: {  	_ =	shalt  }
0x81: {  	_ =	shalt  }
0x82: {  	_ =	shalt  }
0x83: {  	_ =	shalt  }
0x84: {  	_ =	shalt  }
0x85: {  	_ =	shalt  }
0x86: {  	_ =	shalt  }
0x87: {  	_ =	shalt  }
.Lfunc_end0:
.L_simem_size_0:
called_computation_lowered:
.L_overlay_start_0:
0x88: {  	s2 =	sld [smem:$0x3FD9]  }
0x89: {  	s3 =	sld [smem:$0x3FFE];
	_ =	sdelay $0x1  }
0x8a: {  	s1 =	srdreg.scid  }
0x8b: {  	s0 =	sand.u32 $0x1, s1  }
0x8c: {  	s16 =	sshll.u32 s0, $0xA;
	s2 =	sadd.s32 s3, s2  }
0x8d: {  	s2 =	sadd.s32 s2, s16  }
0x8e: {  	[smem:$0x3FC6] =	sst s2  }
0x8f: {  	_ = 	snop  }
0x90: {  	(tm) =	ssettm $0x1  }
0x91: {  	s17 =	sld [smem:$0x3FFB];
	_ =	sdelay $0x3  }
0x92: {  	_ =	strace s17  }
0x93: {  	s2 =	sld [smem:$0x3FFC];
	_ =	sdelay $0x3  }
0x94: {  	_ =	strace s2  }
0x95: {  	s2 =	sld [smem:$0x3FFD];
	_ =	sdelay $0x3  }
0x96: {  	_ =	strace s2  }
0x97: {  	_ =	strace $0x8FFFFFFF  }
0x98: {  	s18 =	sld [smem:$0x3FDB];
	_ =	sdelay $0x1  }
0x99: {  	s19 =	simm.s32 $_scs_section_size  }
0x9a: {  	s4 =	simm.s32 $_size__tile_overlayer_lowered;
	s5 =	simm.s32 $_tile_overlayer_lowered  }
0x9b: {  	s22 =	simm.s32 $0x1BFF;
	s21 =	sshll.u32 s5, $0x1;
	s2 =	sadd.s32 s19, s18  }
0x9c: {  	s6 =	simm.s32 $0x0;
	s20 =	sshll.u32 s4, $0x1;
	s4 =	sadd.s32 s21, s2  }
0x9d: {  	[timem:s6], [sflag:s22] =	dma.local [hbm:s4], s20  }
0x9e: {  	_ =	swait.ge [sflag:s22], s20  }
0x9f: {  	s3 =	ssub.s32 $0x0, s20;
	[sflag:s22] =	ssyncset.done $0x0  }
0xa0: {  	[sflag:s22] =	ssyncadd.s32 s3;
	_ =	sdelay $0x1  }
0xa1: {  	s23 =	simm.s32 $0x1B8B  }
0xa2: {  	_ =	swait.ge [sflag:s23], $0x1  }
0xa3: {  	[sflag:s23] =	ssyncset.done $0x0  }
0xa4: {  	s25 =	simm.s32 $0x1B8E;
	s24 =	sld [smem:$0x3FFE];
	[sflag:s23] =	ssyncadd.s32 $0xFFFFFFFF  }
0xa5: {  	s26 =	simm.s32 $execute0_lowered;
	[smem:$0x3FD2] =	sst s25  }
0xa6: {  	s4 =	sshll.u32 s26, $0x1;
	_ =	strace $0x80000046;
	[dreg:$0x1] =	wrdreg $0xFFFFFFFF  }
0xa7: {  	s28 =	simm.s32 $_size_execute0_lowered;
	s2 =	sadd.s32 s2, s4;
	[dreg:$0x0] =	wrdreg $0x0  }
0xa8: {  	s4 =	sshll.u32 s28, $0x1;
	[dreg:$0x2] =	wrdreg s2  }
0xa9: {  	[dreg:$0x3] =	wrdreg s4  }
0xaa: {  	[dreg:$0x4] =	wrdreg $0xC0  }
0xab: {  	_ =	task [dreg:s6], $0x5FFFF  }
0xac: {  	[dreg:$0x1] =	wrdreg $0xFFFFFFFF  }
0xad: {  	[dreg:$0x0] =	wrdreg $0x60  }
0xae: {  	[dreg:$0x2] =	wrdreg s24  }
0xaf: {  	[dreg:$0x3] =	wrdreg $0x9  }
0xb0: {  	_ =	task.clear_ibuf [dreg:s6], $0x4FFFF;
	_ =	strace $0x90000046  }
0xb1: {  	s29 =	simm.s32 $0x9;
	_ =	strace $0x80000048  }
0xb2: {  	_ =	swait.ge [sflag:s29], $0x1  }
0xb3: {  	[sflag:s29] =	ssyncadd.s32 $0xFFFFFFFF  }
0xb4: {  	_ =	strace $0x90000048  }
0xb5: {  	_ =	sfence  }
0xb6: {  	s30 =	sld [smem:$0x0];
	_ =	sdelay $0x2  }
0xb7: {  	s31 =	sshll.u32 s1, $0xD;
	s1 =	sshrl.u32 s1, $0x2  }
0xb8: {  	s3 =	sand.u32 $0x4000, s31;
	s1 =	sadd.s32 s1, s30  }
0xb9: {  	s0 =	sor.u32 s3, s0;
	s1 =	sshll.u32 s1, $0x11  }
0xba: {  	s0 =	sor.u32 s1, s0  }
0xbb: {  	s0 =	sadd.s32 $0x8F2B, s0  }
0xbc: {  	[sflag:s0] =	ssyncadd.remote.s32 $0x1  }
0xbd: {  	_ =	sfence.sel $0xFFFF  }
0xbe: {  	[dreg:$0x0] =	wrdreg $0xFFFFFFFF;
	(pc) =	sbr.abs _section_cstart, $3  }
0xbf: {  	[dreg:$0x1] =	wrdreg $0xFFFFFFFF  }
0xc0: {  	_ =	task.clear_ibuf [dreg:s6], $0x2FFFF;
	_ =	strace $0x9FFFFFFF  }
0xc1: {  	(tm) =	ssettm $0x7FFFFFFF  }
tec
execute0_lowered:
.L_overlay_start_1:
0x0: {  	(tag) =	ssettag $0x1  }
0x1: {  	s1 =	srdreg.scid;
	s0 =	stileid.u32  }
0x2: {  	s1 =	sand.u32 $0x1, s1;
	s2 =	sshll.u32 s0, $0x1  }
0x3: {  	s3 =	sor.u32 s1, s2  }
0x4: {  	s5 =	rddreg [dreg:$0x0];
	s6 =	sshll.u32 s3, $0x1  }
0x5: {  	s2 =	simm.s32 $0x0;
	s6 =	sadd.s32 s6, s5  }
0x6: {  	[smem:$0x7FF] =	sst s2;
	s21 =	sadd.s32 $0x26400, s6  }
0x7: {  	_ =	strace $0x80000047;
	s22 =	sadd.s32 $0x26440, s6;
	[dreg:$0x4] =	wrdreg s21  }
0x8: {  	s23 =	sadd.s32 $0x26480, s6;
	[dreg:$0x5] =	wrdreg s22  }
0x9: {  	s24 =	sadd.s32 $0x264C0, s6;
	[dreg:$0x6] =	wrdreg s23  }
0xa: {  	s25 =	sadd.s32 $0x26500, s6;
	[dreg:$0x7] =	wrdreg s24  }
0xb: {  	s26 =	sadd.s32 $0x26540, s6;
	[dreg:$0x8] =	wrdreg s25  }
0xc: {  	s0 =	sadd.s32 $0x26580, s6;
	[dreg:$0x9] =	wrdreg s26  }
0xd: {  	s8 =	sadd.s32 $0x26600, s6;
	[dreg:$0xa] =	wrdreg s0  }
0xe: {  	s9 =	sadd.s32 $0x26640, s6;
	[dreg:$0xc] =	wrdreg s8  }
0xf: {  	s10 =	sadd.s32 $0x26680, s6;
	[dreg:$0xd] =	wrdreg s9  }
0x10: {  	s11 =	sadd.s32 $0x266C0, s6;
	[dreg:$0xe] =	wrdreg s10  }
0x11: {  	s12 =	sadd.s32 $0x26700, s6;
	[dreg:$0xf] =	wrdreg s11  }
0x12: {  	s13 =	sadd.s32 $0x26740, s6;
	[dreg:$0x10] =	wrdreg s12  }
0x13: {  	s14 =	sadd.s32 $0x26780, s6;
	[dreg:$0x11] =	wrdreg s13  }
0x14: {  	s15 =	sadd.s32 $0x267C0, s6;
	[dreg:$0x12] =	wrdreg s14  }
0x15: {  	s16 =	sadd.s32 $0x26800, s6;
	[dreg:$0x13] =	wrdreg s15  }
0x16: {  	s17 =	sadd.s32 $0x26840, s6;
	[dreg:$0x14] =	wrdreg s16  }
0x17: {  	s4 =	smul.u32 $0x30, s3;
	s18 =	sadd.s32 $0x26880, s6;
	[dreg:$0x15] =	wrdreg s17  }
0x18: {  	s19 =	sadd.s32 $0x268C0, s6;
	[dreg:$0x16] =	wrdreg s18  }
0x19: {  	s4 =	sadd.s32 s4, s5;
	s20 =	sadd.s32 $0x26900, s6;
	[dreg:$0x17] =	wrdreg s19  }
0x1a: {  	s7 =	sadd.s32 $0x25E00, s4;
	[dreg:$0x18] =	wrdreg s20  }
0x1b: {  	s4 =	sadd.s32 $0x25800, s4;
	[dreg:$0x2] =	wrdreg s7  }
0x1c: {  	s21 =	sadd.s32 $0x26940, s6;
	[dreg:$0x3] =	wrdreg s4  }
0x1d: {  	s3 =	sshll.u32 s3, $0x4;
	s22 =	sadd.s32 $0x26980, s6;
	[dreg:$0x19] =	wrdreg s21  }
0x1e: {  	s3 =	sadd.s32 s3, s5;
	s23 =	sadd.s32 $0x269C0, s6;
	[dreg:$0x1a] =	wrdreg s22  }
0x1f: {  	s24 =	sadd.s32 $0x26A00, s3;
	[dreg:$0x1b] =	wrdreg s23  }
0x20: {  	s25 =	sadd.s32 $0x26C00, s3;
	[dreg:$0x1c] =	wrdreg s24  }
0x21: {  	s26 =	sadd.s32 $0x26E00, s3;
	[dreg:$0x1d] =	wrdreg s25  }
0x22: {  	s3 =	sadd.s32 $0x27000, s3;
	[dreg:$0x1e] =	wrdreg s26  }
0x23: {  	s0 =	simm.s32 $0x100;
	[dreg:$0x1f] =	wrdreg s3  }
0x24: {  	s8 =	simm.s32 $0x280;
	[smem:$0x7F4] =	sst s0  }
0x25: {  	s9 =	simm.s32 $0x580;
	[smem:$0x7F7] =	sst s8  }
0x26: {  	s10 =	simm.s32 $0x310;
	[smem:$0x7F3] =	sst s9  }
0x27: {  	s11 =	simm.s32 $0x320;
	[smem:$0x7F9] =	sst s10  }
0x28: {  	s12 =	simm.s32 $0x330;
	[smem:$0x7FA] =	sst s11  }
0x29: {  	s13 =	simm.s32 $0x340;
	[smem:$0x7FB] =	sst s12  }
0x2a: {  	s14 =	simm.s32 $0x350;
	[smem:$0x7F8] =	sst s13  }
0x2b: {  	s16 =	simm.s32 $0x360;
	[smem:$0x7FC] =	sst s14  }
0x2c: {  	s7 =	sadd.s32 $0x265C0, s6;
	[smem:$0x7FD] =	sst s16  }
0x2d: {  	s4 =	simm.s32 $0x480;
	[dreg:$0xb] =	wrdreg s7  }
0x2e: {  	s6 =	simm.s32 $0x200;
	[smem:$0x7F5] =	sst s4  }
0x2f: {  	[smem:$0x7F6] =	sst s6  }
0x30: {  	s7 =	simm.s32 $0x500;
	s15 =	rddreg [dreg:$0x2]  }
0x31: {  	s3 =	simm.s32 $0x3;
	[smem:$0x7F2] =	sst s7  }
0x32: {  	[tilespmem:s2], [sflag:$0x3] =	stream.linear.gather [hbm4b:s15+s2], $0x180, $0x38;
	[tilespmem:$0x800] =	vst v63  }
0x33: {  	_ =	swait.ge [sflag:s3], $0x180  }
0x34: {  	[sflag:s3] =	ssyncset.done $0x0  }
0x35: {  	s4 =	simm.s32 $0x180;
	s17 =	rddreg [dreg:$0x3];
	[sflag:s3] =	ssyncadd.s32 $0xFFFFFE80  }
0x36: {  	[tilespmem:s4], [sflag:$0x3] =	stream.linear.gather [hbm4b:s17+s2], $0x180, $0x38;
	[tilespmem:$0x800] =	vst v63  }
0x37: {  	s5 =	sadd.s32 $0xE00, s5;
	_ =	swait.ge [sflag:s3], $0x180  }
0x38: {  	s6 =	simm.s32 $0x80;
	[sflag:s3] =	ssyncset.done $0x0;
	s10 =	sld [smem:$0x7F2]  }
0x39: {  	s7 =	simm.s32 $0x300;
	s11 =	sld [smem:$0x7F3];
	[sflag:s3] =	ssyncadd.s32 $0xFFFFFE80  }
0x3a: {  	[tilespmem:s7], [sflag:$0x1] =	stream.indirect.gather [hbm4b:s5+s6], $0x1, s2, s6, $0xb8;
	[tilespmem:$0x800] =	vst v63  }
0x3b: {  	s8 =	simm.s32 $0x380;
	s12 =	sld [smem:$0x7F4]  }
0x3c: {  	[tilespmem:s8], [sflag:$0x1] =	stream.indirect.gather [hbm4b:s5+s6], $0x1, s6, s6, $0xb8;
	[tilespmem:$0x800] =	vst v63  }
0x3d: {  	s9 =	simm.s32 $0x400;
	s13 =	sld [smem:$0x7F5]  }
0x3e: {  	[tilespmem:s9], [sflag:$0x1] =	stream.indirect.gather [hbm4b:s5+s6], $0x1, s12, s6, $0xb8;
	[tilespmem:$0x800] =	vst v63  }
0x3f: {  	s18 =	sld [smem:$0x7F6]  }
0x40: {  	[tilespmem:s13], [sflag:$0x1] =	stream.indirect.gather [hbm4b:s5+s6], $0x1, s4, s6, $0xb8;
	[tilespmem:$0x800] =	vst v63  }
0x41: {  	s19 =	sld [smem:$0x7F7]  }
0x42: {  	[tilespmem:s10], [sflag:$0x1] =	stream.indirect.gather [hbm4b:s5+s6], $0x1, s18, s6, $0xb8;
	[tilespmem:$0x800] =	vst v63  }
0x43: {  	s10 =	simm.s32 $0x1  }
0x44: {  	[tilespmem:s11], [sflag:$0x1] =	stream.indirect.gather [hbm4b:s5+s6], $0x1, s19, s6, $0xb8;
	[tilespmem:$0x800] =	vst v63  }
0x45: {  	_ =	swait.ge [sflag:s10], $0x80  }
0x46: {  	[sflag:s10] =	ssyncset.done $0x0  }
0x47: {  	[sflag:s10] =	ssyncadd.s32 $0xFFFFFF80  }
0x48: {  	_ =	swait.ge [sflag:s10], $0x80  }
0x49: {  	[sflag:s10] =	ssyncset.done $0x0  }
0x4a: {  	[sflag:s10] =	ssyncadd.s32 $0xFFFFFF80  }
0x4b: {  	_ =	swait.ge [sflag:s10], $0x80  }
0x4c: {  	[sflag:s10] =	ssyncset.done $0x0  }
0x4d: {  	[sflag:s10] =	ssyncadd.s32 $0xFFFFFF80  }
0x4e: {  	_ =	swait.ge [sflag:s10], $0x80  }
0x4f: {  	[sflag:s10] =	ssyncset.done $0x0  }
0x50: {  	[sflag:s10] =	ssyncadd.s32 $0xFFFFFF80  }
0x51: {  	_ =	swait.ge [sflag:s10], $0x80  }
0x52: {  	[sflag:s10] =	ssyncset.done $0x0  }
0x53: {  	[sflag:s10] =	ssyncadd.s32 $0xFFFFFF80  }
0x54: {  	_ =	swait.ge [sflag:s10], $0x80  }
0x55: {  	s20 =	rddreg [dreg:$0x6]  }
0x56: {  	s21 =	rddreg [dreg:$0x5]  }
0x57: {  	s22 =	sld [smem:$0x7F8]  }
0x58: {  	s14 =	sld [smem:$0x7F9]  }
0x59: {  	s15 =	rddreg [dreg:$0x4]  }
0x5a: {  	s16 =	sld [smem:$0x7FA];
	[sflag:s10] =	ssyncset.done $0x0  }
0x5b: {  	s17 =	sld [smem:$0x7FB];
	[sflag:s10] =	ssyncadd.s32 $0xFFFFFF80  }
0x5c: {  	[hbm4b:s15+s2] =	stream.linear.scatter [tilespmem:s7], [sflag:$0x2], $0x10, $0x38;
	[tilespmem:$0x800] =	vst v63  }
0x5d: {  	s18 =	rddreg [dreg:$0x7]  }
0x5e: {  	[hbm4b:s21+s2] =	stream.linear.scatter [tilespmem:s14], [sflag:$0x2], $0x10, $0x38;
	[tilespmem:$0x800] =	vst v63  }
0x5f: {  	s23 =	rddreg [dreg:$0x8]  }
0x60: {  	[hbm4b:s20+s2] =	stream.linear.scatter [tilespmem:s16], [sflag:$0x2], $0x10, $0x38;
	[tilespmem:$0x800] =	vst v63  }
0x61: {  	s24 =	sld [smem:$0x7FC]  }
0x62: {  	[hbm4b:s18+s2] =	stream.linear.scatter [tilespmem:s17], [sflag:$0x2], $0x10, $0x38;
	[tilespmem:$0x800] =	vst v63  }
0x63: {  	s25 =	rddreg [dreg:$0x9]  }
0x64: {  	[hbm4b:s23+s2] =	stream.linear.scatter [tilespmem:s22], [sflag:$0x2], $0x10, $0x38;
	[tilespmem:$0x800] =	vst v63  }
0x65: {  	s0 =	sld [smem:$0x7FD]  }
0x66: {  	[hbm4b:s25+s2] =	stream.linear.scatter [tilespmem:s24], [sflag:$0x2], $0x10, $0x38;
	[tilespmem:$0x800] =	vst v63  }
0x67: {  	s26 =	rddreg [dreg:$0xa]  }
0x68: {  	[hbm4b:s26+s2] =	stream.linear.scatter [tilespmem:s0], [sflag:$0x2], $0x10, $0x38;
	[tilespmem:$0x800] =	vst v63  }
0x69: {  	s11 =	rddreg [dreg:$0xb];
	s15 =	simm.s32 $0x370  }
0x6a: {  	[hbm4b:s11+s2] =	stream.linear.scatter [tilespmem:s15], [sflag:$0x2], $0x10, $0x38;
	[tilespmem:$0x800] =	vst v63  }
0x6b: {  	s16 =	rddreg [dreg:$0xc]  }
0x6c: {  	[hbm4b:s16+s2] =	stream.linear.scatter [tilespmem:s8], [sflag:$0x2], $0x10, $0x38;
	[tilespmem:$0x800] =	vst v63  }
0x6d: {  	s17 =	rddreg [dreg:$0xd];
	s18 =	simm.s32 $0x390  }
0x6e: {  	[hbm4b:s17+s2] =	stream.linear.scatter [tilespmem:s18], [sflag:$0x2], $0x10, $0x38;
	[tilespmem:$0x800] =	vst v63  }
0x6f: {  	s19 =	rddreg [dreg:$0xe];
	s20 =	simm.s32 $0x3A0  }
0x70: {  	[hbm4b:s19+s2] =	stream.linear.scatter [tilespmem:s20], [sflag:$0x2], $0x10, $0x38;
	[tilespmem:$0x800] =	vst v63  }
0x71: {  	s21 =	rddreg [dreg:$0xf];
	s22 =	simm.s32 $0x3B0  }
0x72: {  	[hbm4b:s21+s2] =	stream.linear.scatter [tilespmem:s22], [sflag:$0x2], $0x10, $0x38;
	[tilespmem:$0x800] =	vst v63  }
0x73: {  	s23 =	rddreg [dreg:$0x10];
	s24 =	simm.s32 $0x3C0  }
0x74: {  	[hbm4b:s23+s2] =	stream.linear.scatter [tilespmem:s24], [sflag:$0x2], $0x10, $0x38;
	[tilespmem:$0x800] =	vst v63  }
0x75: {  	s25 =	rddreg [dreg:$0x11];
	s26 =	simm.s32 $0x3D0  }
0x76: {  	[hbm4b:s25+s2] =	stream.linear.scatter [tilespmem:s26], [sflag:$0x2], $0x10, $0x38;
	[tilespmem:$0x800] =	vst v63  }
0x77: {  	s11 =	simm.s32 $0x3E0;
	s19 =	rddreg [dreg:$0x12]  }
0x78: {  	[hbm4b:s19+s2] =	stream.linear.scatter [tilespmem:s11], [sflag:$0x2], $0x10, $0x38;
	[tilespmem:$0x800] =	vst v63  }
0x79: {  	s18 =	simm.s32 $0x3F0;
	s20 =	rddreg [dreg:$0x13]  }
0x7a: {  	[hbm4b:s20+s2] =	stream.linear.scatter [tilespmem:s18], [sflag:$0x2], $0x10, $0x38;
	[tilespmem:$0x800] =	vst v63  }
0x7b: {  	s12 =	rddreg [dreg:$0x14]  }
0x7c: {  	[hbm4b:s12+s2] =	stream.linear.scatter [tilespmem:s9], [sflag:$0x2], $0x10, $0x38;
	[tilespmem:$0x800] =	vst v63  }
0x7d: {  	s13 =	rddreg [dreg:$0x15];
	s19 =	simm.s32 $0x410  }
0x7e: {  	[hbm4b:s13+s2] =	stream.linear.scatter [tilespmem:s19], [sflag:$0x2], $0x10, $0x38;
	[tilespmem:$0x800] =	vst v63  }
0x7f: {  	s21 =	rddreg [dreg:$0x16];
	s20 =	simm.s32 $0x420  }
0x80: {  	[hbm4b:s21+s2] =	stream.linear.scatter [tilespmem:s20], [sflag:$0x2], $0x10, $0x38;
	[tilespmem:$0x800] =	vst v63  }
0x81: {  	s22 =	rddreg [dreg:$0x17];
	s21 =	simm.s32 $0x430  }
0x82: {  	[hbm4b:s22+s2] =	stream.linear.scatter [tilespmem:s21], [sflag:$0x2], $0x10, $0x38;
	[tilespmem:$0x800] =	vst v63  }
0x83: {  	s23 =	rddreg [dreg:$0x18];
	s22 =	simm.s32 $0x440  }
0x84: {  	[hbm4b:s23+s2] =	stream.linear.scatter [tilespmem:s22], [sflag:$0x2], $0x10, $0x38;
	[tilespmem:$0x800] =	vst v63  }
0x85: {  	s24 =	rddreg [dreg:$0x19];
	s23 =	simm.s32 $0x450  }
0x86: {  	[hbm4b:s24+s2] =	stream.linear.scatter [tilespmem:s23], [sflag:$0x2], $0x10, $0x38;
	[tilespmem:$0x800] =	vst v63  }
0x87: {  	s25 =	rddreg [dreg:$0x1a];
	s24 =	simm.s32 $0x460  }
0x88: {  	[hbm4b:s25+s2] =	stream.linear.scatter [tilespmem:s24], [sflag:$0x2], $0x10, $0x38;
	[tilespmem:$0x800] =	vst v63  }
0x89: {  	s26 =	rddreg [dreg:$0x1b];
	s25 =	simm.s32 $0x470  }
0x8a: {  	[hbm4b:s26+s2] =	stream.linear.scatter [tilespmem:s25], [sflag:$0x2], $0x10, $0x38;
	[tilespmem:$0x800] =	vst v63  }
0x8b: {  	v0 =	vld [tilespmem:$0x5A0]  }
0x8c: {  	v1 =	vld [tilespmem:$0x560]  }
0x8d: {  	v2 =	vld [tilespmem:$0x590]  }
0x8e: {  	v3 =	vld [tilespmem:$0x5E0]  }
0x8f: {  	v4 =	vld [tilespmem:$0x4E0]  }
0x90: {  	v5 =	vld [tilespmem:$0x530]  }
0x91: {  	v6 =	vld [tilespmem:$0x4B0]  }
0x92: {  	v9 =	vld [tilespmem:$0x490]  }
0x93: {  	v10 =	vld [tilespmem:$0x5B0];
	v7 =	vmul.f32 $-2.000000000e+00, v0  }
0x94: {  	v20 =	vld [tilespmem:$0x500];
	v8 =	vmul.f32 $-2.000000000e+00, v1  }
0x95: {  	v22 =	vld [tilespmem:$0x510];
	v11 =	vmul.f32 $-2.000000000e+00, v3;
	[tilespmem:$0x720] =	vst v7  }
0x96: {  	v14 =	vld [tilespmem:$0x4A0];
	v13 =	vmul.f32 $-2.000000000e+00, v5;
	[tilespmem:$0x6E0] =	vst v8  }
0x97: {  	v16 =	vld [tilespmem:$0x580];
	v21 =	vmul.f32 $-2.000000000e+00, v2;
	[tilespmem:$0x760] =	vst v11  }
0x98: {  	v26 =	vld [tilespmem:$0x480];
	v24 =	vmul.f32 $-2.000000000e+00, v9;
	[tilespmem:$0x6B0] =	vst v13  }
0x99: {  	v28 =	vld [tilespmem:$0x520];
	v27 =	vmul.f32 $-2.000000000e+00, v20;
	[tilespmem:$0x710] =	vst v21  }
0x9a: {  	v30 =	vld [tilespmem:$0x4C0];
	v1 =	vmul.f32 v1, v1;
	v29 =	vmul.f32 $-2.000000000e+00, v22;
	[tilespmem:$0x610] =	vst v24  }
0x9b: {  	v33 =	vld [tilespmem:$0x5D0];
	v3 =	vmul.f32 v3, v3;
	v31 =	vmul.f32 $-2.000000000e+00, v14;
	[tilespmem:$0x680] =	vst v27  }
0x9c: {  	v34 =	vld [tilespmem:$0x550];
	v12 =	vmul.f32 v4, v4;
	v32 =	vmul.f32 $-2.000000000e+00, v16;
	[tilespmem:$0x690] =	vst v29  }
0x9d: {  	v36 =	vld [tilespmem:$0x5C0];
	v5 =	vmul.f32 v5, v5;
	v35 =	vmul.f32 $-2.000000000e+00, v26;
	[tilespmem:$0x620] =	vst v31  }
0x9e: {  	v38 =	vld [tilespmem:$0x570];
	v23 =	vmul.f32 v6, v6;
	v4 =	vmul.f32 $-2.000000000e+00, v4;
	[tilespmem:$0x700] =	vst v32  }
0x9f: {  	v40 =	vld [tilespmem:$0x4D0];
	v15 =	vmul.f32 v10, v10;
	v37 =	vmul.f32 $-2.000000000e+00, v30;
	[tilespmem:$0x600] =	vst v35  }
0xa0: {  	v17 =	vld [tilespmem:$0x540];
	v9 =	vmul.f32 v9, v9;
	v41 =	vmul.f32 $-2.000000000e+00, v33;
	[tilespmem:$0x660] =	vst v4  }
0xa1: {  	v2 =	vmul.f32 v2, v2;
	v18 =	vmul.f32 $-2.000000000e+00, v34;
	[tilespmem:$0x640] =	vst v37  }
0xa2: {  	v43 =	vld [tilespmem:$0x4F0];
	v39 =	vmul.f32 v28, v28;
	v44 =	vmul.f32 $-2.000000000e+00, v36;
	[tilespmem:$0x750] =	vst v41  }
0xa3: {  	v45 =	vld [tilespmem:$0x5F0];
	v42 =	vmul.f32 v14, v14;
	v46 =	vmul.f32 $-2.000000000e+00, v38;
	[tilespmem:$0x6D0] =	vst v18  }
0xa4: {  	v0 =	vmul.f32 v0, v0;
	v48 =	vmul.f32 $-2.000000000e+00, v40;
	[tilespmem:$0x740] =	vst v44  }
0xa5: {  	v47 =	vmul.f32 v30, v30;
	v49 =	vmul.f32 $-2.000000000e+00, v17;
	[tilespmem:$0x6F0] =	vst v46  }
0xa6: {  	v50 =	vmul.f32 v17, v17;
	v6 =	vmul.f32 $-2.000000000e+00, v6;
	[tilespmem:$0x650] =	vst v48  }
0xa7: {  	v51 =	vmul.f32 v43, v43;
	v52 =	vmul.f32 $-2.000000000e+00, v43;
	[tilespmem:$0x6C0] =	vst v49  }
0xa8: {  	v56 =	vmul.f32 v40, v40;
	v61 =	vmul.f32 $-2.000000000e+00, v45;
	v1 =	vadd.f32 v1, v12;
	[tilespmem:$0x630] =	vst v6  }
0xa9: {  	v57 =	vmul.f32 v34, v34;
	v62 =	vmul.f32 $-2.000000000e+00, v10;
	v25 =	vadd.f32 v5, v23;
	[tilespmem:$0x670] =	vst v52  }
0xaa: {  	v59 =	vmul.f32 v33, v33;
	v4 =	vadd.f32 v39, v42;
	[tilespmem:$0x770] =	vst v61;
	v1 =	vadd.f32 v3, v1  }
0xab: {  	v11 =	vmul.f32 v22, v22;
	v60 =	vadd.f32 v57, v56;
	[tilespmem:$0x730] =	vst v62;
	v3 =	vadd.f32 v15, v25  }
0xac: {  	v7 =	vmul.f32 v20, v20;
	v5 =	vmul.f32 v26, v26;
	v0 =	vadd.f32 v0, v4;
	[tilespmem:$0x7E0] =	vst v1  }
0xad: {  	v9 =	vadd.f32 v11, v9;
	v11 =	vmul.f32 v38, v38;
	v63 =	vadd.f32 v59, v60;
	[tilespmem:$0x7B0] =	vst v3  }
0xae: {  	v55 =	vmul.f32 v16, v16;
	v5 =	vadd.f32 v7, v5;
	v1 =	vmul.f32 $-2.000000000e+00, v28;
	[tilespmem:$0x7A0] =	vst v0  }
0xaf: {  	v54 =	vmul.f32 v45, v45;
	v2 =	vadd.f32 v2, v9;
	v53 =	vadd.f32 v11, v51;
	[tilespmem:$0x7D0] =	vst v63  }
0xb0: {  	v3 =	vmul.f32 v36, v36;
	v58 =	vadd.f32 v55, v5;
	[tilespmem:$0x6A0] =	vst v1;
	v1 =	vadd.f32 v50, v47  }
0xb1: {  	[tilespmem:$0x790] =	vst v2;
	v4 =	vadd.f32 v54, v53  }
0xb2: {  	[tilespmem:$0x780] =	vst v58;
	v1 =	vadd.f32 v3, v1  }
0xb3: {  	[tilespmem:$0x7F0] =	vst v4  }
0xb4: {  	s28 =	simm.s32 $0x600;
	s14 =	rddreg [dreg:$0x1c];
	[tilespmem:$0x7C0] =	vst v1  }
0xb5: {  	[hbm4b:s14+s2] =	stream.linear.scatter [tilespmem:s28], [sflag:$0x2], $0x80, $0x38;
	[tilespmem:$0x800] =	vst v63  }
0xb6: {  	s29 =	simm.s32 $0x680;
	s30 =	rddreg [dreg:$0x1d]  }
0xb7: {  	[hbm4b:s30+s2] =	stream.linear.scatter [tilespmem:s29], [sflag:$0x2], $0x80, $0x38;
	[tilespmem:$0x800] =	vst v63  }
0xb8: {  	s15 =	rddreg [dreg:$0x1e];
	s30 =	simm.s32 $0x700  }
0xb9: {  	[hbm4b:s15+s2] =	stream.linear.scatter [tilespmem:s30], [sflag:$0x2], $0x80, $0x38;
	[tilespmem:$0x800] =	vst v63  }
0xba: {  	s31 =	simm.s32 $0x780;
	s16 =	rddreg [dreg:$0x1f];
	s26 =	simm.s32 $0x2  }
0xbb: {  	[hbm4b:s16+s2] =	stream.linear.scatter [tilespmem:s31], [sflag:$0x2], $0x80, $0x38;
	[tilespmem:$0x800] =	vst v63  }
0xbc: {  	_ =	swait.ge [sflag:s26], $0x10  }
0xbd: {  	[sflag:s26] =	ssyncset.done $0x0  }
0xbe: {  	[sflag:s26] =	ssyncadd.s32 $0xFFFFFFF0  }
0xbf: {  	_ =	swait.ge [sflag:s26], $0x10  }
0xc0: {  	[sflag:s26] =	ssyncset.done $0x0  }
0xc1: {  	[sflag:s26] =	ssyncadd.s32 $0xFFFFFFF0  }
0xc2: {  	_ =	swait.ge [sflag:s26], $0x10  }
0xc3: {  	[sflag:s26] =	ssyncset.done $0x0  }
0xc4: {  	[sflag:s26] =	ssyncadd.s32 $0xFFFFFFF0  }
0xc5: {  	_ =	swait.ge [sflag:s26], $0x10  }
0xc6: {  	[sflag:s26] =	ssyncset.done $0x0  }
0xc7: {  	[sflag:s26] =	ssyncadd.s32 $0xFFFFFFF0  }
0xc8: {  	_ =	swait.ge [sflag:s26], $0x10  }
0xc9: {  	[sflag:s26] =	ssyncset.done $0x0  }
0xca: {  	[sflag:s26] =	ssyncadd.s32 $0xFFFFFFF0  }
0xcb: {  	_ =	swait.ge [sflag:s26], $0x10  }
0xcc: {  	[sflag:s26] =	ssyncset.done $0x0  }
0xcd: {  	[sflag:s26] =	ssyncadd.s32 $0xFFFFFFF0  }
0xce: {  	_ =	swait.ge [sflag:s26], $0x10  }
0xcf: {  	[sflag:s26] =	ssyncset.done $0x0  }
0xd0: {  	[sflag:s26] =	ssyncadd.s32 $0xFFFFFFF0  }
0xd1: {  	_ =	swait.ge [sflag:s26], $0x10  }
0xd2: {  	[sflag:s26] =	ssyncset.done $0x0  }
0xd3: {  	[sflag:s26] =	ssyncadd.s32 $0xFFFFFFF0  }
0xd4: {  	_ =	swait.ge [sflag:s26], $0x10  }
0xd5: {  	[sflag:s26] =	ssyncset.done $0x0  }
0xd6: {  	[sflag:s26] =	ssyncadd.s32 $0xFFFFFFF0  }
0xd7: {  	_ =	swait.ge [sflag:s26], $0x10  }
0xd8: {  	[sflag:s26] =	ssyncset.done $0x0  }
0xd9: {  	[sflag:s26] =	ssyncadd.s32 $0xFFFFFFF0  }
0xda: {  	_ =	swait.ge [sflag:s26], $0x10  }
0xdb: {  	[sflag:s26] =	ssyncset.done $0x0  }
0xdc: {  	[sflag:s26] =	ssyncadd.s32 $0xFFFFFFF0  }
0xdd: {  	_ =	swait.ge [sflag:s26], $0x10  }
0xde: {  	[sflag:s26] =	ssyncset.done $0x0  }
0xdf: {  	[sflag:s26] =	ssyncadd.s32 $0xFFFFFFF0  }
0xe0: {  	s17 =	ssub.s32 $0x2, s1;
	_ =	swait.ge [sflag:s26], $0x10  }
0xe1: {  	s1 =	sshrl.u32 s17, $0x1;
	[sflag:s26] =	ssyncset.done $0x0  }
0xe2: {  	s0 =	ssub.s32 s17, s1;
	[sflag:s26] =	ssyncadd.s32 $0xFFFFFFF0  }
0xe3: {  	s0 =	smax.u32 s0, $0x1;
	_ =	swait.ge [sflag:s26], $0x10  }
0xe4: {  	p0 =	sne.s32 s0, $0x1;
	[sflag:s26] =	ssyncset.done $0x0  }
.Ltmp0:
0xe5: {  	[sflag:s26] =	ssyncadd.s32 $0xFFFFFFF0;
	(pc) =	sbr.rel @!p0 .LBB2_2-.Ltmp0, $4  }
0xe6: {  	_ =	swait.ge [sflag:s26], $0x10  }
0xe7: {  	[sflag:s26] =	ssyncset.done $0x0  }
0xe8: {  	[sflag:s26] =	ssyncadd.s32 $0xFFFFFFF0  }
0xe9: {  	s1 =	sadd.s32 $0xFFFFFFFF, s0;
	_ =	swait.ge [sflag:s26], $0x10  }
.LBB2_1:
0xea: {  	[sflag:s26] =	ssyncset.done $0x0  }
0xeb: {  	[sflag:s26] =	ssyncadd.s32 $0xFFFFFFF0  }
0xec: {  	_ =	swait.ge [sflag:s26], $0x10  }
0xed: {  	[sflag:s26] =	ssyncset.done $0x0  }
0xee: {  	[sflag:s26] =	ssyncadd.s32 $0xFFFFFFF0  }
0xef: {  	_ =	swait.ge [sflag:s26], $0x10  }
0xf0: {  	[sflag:s26] =	ssyncset.done $0x0  }
0xf1: {  	[sflag:s26] =	ssyncadd.s32 $0xFFFFFFF0  }
0xf2: {  	_ =	swait.ge [sflag:s26], $0x10  }
0xf3: {  	[sflag:s26] =	ssyncset.done $0x0  }
0xf4: {  	[sflag:s26] =	ssyncadd.s32 $0xFFFFFFF0  }
0xf5: {  	_ =	swait.ge [sflag:s26], $0x10  }
0xf6: {  	[sflag:s26] =	ssyncset.done $0x0  }
0xf7: {  	[sflag:s26] =	ssyncadd.s32 $0xFFFFFFF0  }
0xf8: {  	_ =	swait.ge [sflag:s26], $0x10  }
0xf9: {  	[sflag:s26] =	ssyncset.done $0x0  }
0xfa: {  	[sflag:s26] =	ssyncadd.s32 $0xFFFFFFF0  }
0xfb: {  	_ =	swait.ge [sflag:s26], $0x10  }
0xfc: {  	[sflag:s26] =	ssyncset.done $0x0  }
0xfd: {  	[sflag:s26] =	ssyncadd.s32 $0xFFFFFFF0  }
0xfe: {  	_ =	swait.ge [sflag:s26], $0x10  }
0xff: {  	[sflag:s26] =	ssyncset.done $0x0  }
0x100: {  	[sflag:s26] =	ssyncadd.s32 $0xFFFFFFF0  }
0x101: {  	_ =	swait.ge [sflag:s26], $0x10  }
0x102: {  	[sflag:s26] =	ssyncset.done $0x0  }
0x103: {  	[sflag:s26] =	ssyncadd.s32 $0xFFFFFFF0  }
0x104: {  	_ =	swait.ge [sflag:s26], $0x80  }
0x105: {  	[sflag:s26] =	ssyncset.done $0x0  }
0x106: {  	[sflag:s26] =	ssyncadd.s32 $0xFFFFFF80  }
0x107: {  	_ =	swait.ge [sflag:s26], $0x80  }
0x108: {  	[sflag:s26] =	ssyncset.done $0x0  }
0x109: {  	[sflag:s26] =	ssyncadd.s32 $0xFFFFFF80  }
0x10a: {  	_ =	swait.ge [sflag:s26], $0x80  }
0x10b: {  	[sflag:s26] =	ssyncset.done $0x0  }
0x10c: {  	[sflag:s26] =	ssyncadd.s32 $0xFFFFFF80  }
0x10d: {  	_ =	swait.ge [sflag:s26], $0x80  }
0x10e: {  	[sflag:s26] =	ssyncset.done $0x0  }
0x10f: {  	s0 =	rddreg [dreg:$0x2];
	[sflag:s26] =	ssyncadd.s32 $0xFFFFFF80  }
0x110: {  	[tilespmem:s2], [sflag:$0x3] =	stream.linear.gather [hbm4b:s0+s2], $0x180, $0x38;
	[tilespmem:$0x800] =	vst v63  }
0x111: {  	_ =	swait.ge [sflag:s3], $0x180  }
0x112: {  	[sflag:s3] =	ssyncset.done $0x0  }
0x113: {  	s14 =	rddreg [dreg:$0x3];
	[sflag:s3] =	ssyncadd.s32 $0xFFFFFE80  }
0x114: {  	[tilespmem:s4], [sflag:$0x3] =	stream.linear.gather [hbm4b:s14+s2], $0x180, $0x38;
	[tilespmem:$0x800] =	vst v63  }
0x115: {  	_ =	swait.ge [sflag:s3], $0x180  }
0x116: {  	[sflag:s3] =	ssyncset.done $0x0;
	s15 =	sld [smem:$0x7F2]  }
0x117: {  	s11 =	sld [smem:$0x7F3];
	[sflag:s3] =	ssyncadd.s32 $0xFFFFFE80  }
0x118: {  	[tilespmem:s7], [sflag:$0x1] =	stream.indirect.gather [hbm4b:s5+s6], $0x1, s2, s6, $0xb8;
	[tilespmem:$0x800] =	vst v63  }
0x119: {  	s12 =	sld [smem:$0x7F4]  }
0x11a: {  	[tilespmem:s8], [sflag:$0x1] =	stream.indirect.gather [hbm4b:s5+s6], $0x1, s6, s6, $0xb8;
	[tilespmem:$0x800] =	vst v63  }
0x11b: {  	s13 =	sld [smem:$0x7F5]  }
0x11c: {  	[tilespmem:s9], [sflag:$0x1] =	stream.indirect.gather [hbm4b:s5+s6], $0x1, s12, s6, $0xb8;
	[tilespmem:$0x800] =	vst v63  }
0x11d: {  	s16 =	sld [smem:$0x7F6]  }
0x11e: {  	[tilespmem:s13], [sflag:$0x1] =	stream.indirect.gather [hbm4b:s5+s6], $0x1, s4, s6, $0xb8;
	[tilespmem:$0x800] =	vst v63  }
0x11f: {  	s17 =	sld [smem:$0x7F7]  }
0x120: {  	[tilespmem:s15], [sflag:$0x1] =	stream.indirect.gather [hbm4b:s5+s6], $0x1, s16, s6, $0xb8;
	[tilespmem:$0x800] =	vst v63  }
0x121: {  	_ = 	snop  }
0x122: {  	[tilespmem:s11], [sflag:$0x1] =	stream.indirect.gather [hbm4b:s5+s6], $0x1, s17, s6, $0xb8;
	[tilespmem:$0x800] =	vst v63  }
0x123: {  	_ =	swait.ge [sflag:s10], $0x80  }
0x124: {  	[sflag:s10] =	ssyncset.done $0x0  }
0x125: {  	[sflag:s10] =	ssyncadd.s32 $0xFFFFFF80  }
0x126: {  	_ =	swait.ge [sflag:s10], $0x80  }
0x127: {  	[sflag:s10] =	ssyncset.done $0x0  }
0x128: {  	[sflag:s10] =	ssyncadd.s32 $0xFFFFFF80  }
0x129: {  	_ =	swait.ge [sflag:s10], $0x80  }
0x12a: {  	[sflag:s10] =	ssyncset.done $0x0  }
0x12b: {  	[sflag:s10] =	ssyncadd.s32 $0xFFFFFF80  }
0x12c: {  	_ =	swait.ge [sflag:s10], $0x80  }
0x12d: {  	[sflag:s10] =	ssyncset.done $0x0  }
0x12e: {  	[sflag:s10] =	ssyncadd.s32 $0xFFFFFF80  }
0x12f: {  	_ =	swait.ge [sflag:s10], $0x80  }
0x130: {  	[sflag:s10] =	ssyncset.done $0x0  }
0x131: {  	[sflag:s10] =	ssyncadd.s32 $0xFFFFFF80  }
0x132: {  	_ =	swait.ge [sflag:s10], $0x80  }
0x133: {  	s0 =	rddreg [dreg:$0x6]  }
0x134: {  	s11 =	rddreg [dreg:$0x5]  }
0x135: {  	s12 =	sld [smem:$0x7F8]  }
0x136: {  	s13 =	sld [smem:$0x7F9]  }
0x137: {  	s14 =	rddreg [dreg:$0x4]  }
0x138: {  	[sflag:s10] =	ssyncset.done $0x0;
	s15 =	sld [smem:$0x7FA]  }
0x139: {  	s16 =	sld [smem:$0x7FB];
	[sflag:s10] =	ssyncadd.s32 $0xFFFFFF80  }
0x13a: {  	[hbm4b:s14+s2] =	stream.linear.scatter [tilespmem:s7], [sflag:$0x2], $0x10, $0x38;
	[tilespmem:$0x800] =	vst v63  }
0x13b: {  	s17 =	rddreg [dreg:$0x7]  }
0x13c: {  	[hbm4b:s11+s2] =	stream.linear.scatter [tilespmem:s13], [sflag:$0x2], $0x10, $0x38;
	[tilespmem:$0x800] =	vst v63  }
0x13d: {  	s14 =	rddreg [dreg:$0x8]  }
0x13e: {  	[hbm4b:s0+s2] =	stream.linear.scatter [tilespmem:s15], [sflag:$0x2], $0x10, $0x38;
	[tilespmem:$0x800] =	vst v63  }
0x13f: {  	s13 =	sld [smem:$0x7FC]  }
0x140: {  	[hbm4b:s17+s2] =	stream.linear.scatter [tilespmem:s16], [sflag:$0x2], $0x10, $0x38;
	[tilespmem:$0x800] =	vst v63  }
0x141: {  	s15 =	rddreg [dreg:$0x9]  }
0x142: {  	[hbm4b:s14+s2] =	stream.linear.scatter [tilespmem:s12], [sflag:$0x2], $0x10, $0x38;
	[tilespmem:$0x800] =	vst v63  }
0x143: {  	s17 =	sld [smem:$0x7FD]  }
0x144: {  	[hbm4b:s15+s2] =	stream.linear.scatter [tilespmem:s13], [sflag:$0x2], $0x10, $0x38;
	[tilespmem:$0x800] =	vst v63  }
0x145: {  	s16 =	rddreg [dreg:$0xa]  }
0x146: {  	[hbm4b:s16+s2] =	stream.linear.scatter [tilespmem:s17], [sflag:$0x2], $0x10, $0x38;
	[tilespmem:$0x800] =	vst v63  }
0x147: {  	s11 =	rddreg [dreg:$0xb];
	s14 =	simm.s32 $0x370  }
0x148: {  	[hbm4b:s11+s2] =	stream.linear.scatter [tilespmem:s14], [sflag:$0x2], $0x10, $0x38;
	[tilespmem:$0x800] =	vst v63  }
0x149: {  	s13 =	rddreg [dreg:$0xc]  }
0x14a: {  	[hbm4b:s13+s2] =	stream.linear.scatter [tilespmem:s8], [sflag:$0x2], $0x10, $0x38;
	[tilespmem:$0x800] =	vst v63  }
0x14b: {  	s15 =	rddreg [dreg:$0xd];
	s17 =	simm.s32 $0x390  }
0x14c: {  	[hbm4b:s15+s2] =	stream.linear.scatter [tilespmem:s17], [sflag:$0x2], $0x10, $0x38;
	[tilespmem:$0x800] =	vst v63  }
0x14d: {  	s16 =	rddreg [dreg:$0xe];
	s14 =	simm.s32 $0x3A0  }
0x14e: {  	[hbm4b:s16+s2] =	stream.linear.scatter [tilespmem:s14], [sflag:$0x2], $0x10, $0x38;
	[tilespmem:$0x800] =	vst v63  }
0x14f: {  	s13 =	rddreg [dreg:$0xf];
	s16 =	simm.s32 $0x3B0  }
0x150: {  	[hbm4b:s13+s2] =	stream.linear.scatter [tilespmem:s16], [sflag:$0x2], $0x10, $0x38;
	[tilespmem:$0x800] =	vst v63  }
0x151: {  	s15 =	rddreg [dreg:$0x10];
	s13 =	simm.s32 $0x3C0  }
0x152: {  	[hbm4b:s15+s2] =	stream.linear.scatter [tilespmem:s13], [sflag:$0x2], $0x10, $0x38;
	[tilespmem:$0x800] =	vst v63  }
0x153: {  	s17 =	rddreg [dreg:$0x11];
	s15 =	simm.s32 $0x3D0  }
0x154: {  	[hbm4b:s17+s2] =	stream.linear.scatter [tilespmem:s15], [sflag:$0x2], $0x10, $0x38;
	[tilespmem:$0x800] =	vst v63  }
0x155: {  	s14 =	rddreg [dreg:$0x12];
	s17 =	simm.s32 $0x3E0  }
0x156: {  	[hbm4b:s14+s2] =	stream.linear.scatter [tilespmem:s17], [sflag:$0x2], $0x10, $0x38;
	[tilespmem:$0x800] =	vst v63  }
0x157: {  	s16 =	rddreg [dreg:$0x13]  }
0x158: {  	[hbm4b:s16+s2] =	stream.linear.scatter [tilespmem:s18], [sflag:$0x2], $0x10, $0x38;
	[tilespmem:$0x800] =	vst v63  }
0x159: {  	s12 =	rddreg [dreg:$0x14]  }
0x15a: {  	[hbm4b:s12+s2] =	stream.linear.scatter [tilespmem:s9], [sflag:$0x2], $0x10, $0x38;
	[tilespmem:$0x800] =	vst v63  }
0x15b: {  	s13 =	rddreg [dreg:$0x15]  }
0x15c: {  	[hbm4b:s13+s2] =	stream.linear.scatter [tilespmem:s19], [sflag:$0x2], $0x10, $0x38;
	[tilespmem:$0x800] =	vst v63  }
0x15d: {  	s14 =	rddreg [dreg:$0x16]  }
0x15e: {  	[hbm4b:s14+s2] =	stream.linear.scatter [tilespmem:s20], [sflag:$0x2], $0x10, $0x38;
	[tilespmem:$0x800] =	vst v63  }
0x15f: {  	s15 =	rddreg [dreg:$0x17]  }
0x160: {  	[hbm4b:s15+s2] =	stream.linear.scatter [tilespmem:s21], [sflag:$0x2], $0x10, $0x38;
	[tilespmem:$0x800] =	vst v63  }
0x161: {  	s16 =	rddreg [dreg:$0x18]  }
0x162: {  	[hbm4b:s16+s2] =	stream.linear.scatter [tilespmem:s22], [sflag:$0x2], $0x10, $0x38;
	[tilespmem:$0x800] =	vst v63  }
0x163: {  	s17 =	rddreg [dreg:$0x19]  }
0x164: {  	[hbm4b:s17+s2] =	stream.linear.scatter [tilespmem:s23], [sflag:$0x2], $0x10, $0x38;
	[tilespmem:$0x800] =	vst v63  }
0x165: {  	s12 =	rddreg [dreg:$0x1a]  }
0x166: {  	[hbm4b:s12+s2] =	stream.linear.scatter [tilespmem:s24], [sflag:$0x2], $0x10, $0x38;
	[tilespmem:$0x800] =	vst v63  }
0x167: {  	s13 =	rddreg [dreg:$0x1b]  }
0x168: {  	[hbm4b:s13+s2] =	stream.linear.scatter [tilespmem:s25], [sflag:$0x2], $0x10, $0x38;
	[tilespmem:$0x800] =	vst v63  }
0x169: {  	v0 =	vld [tilespmem:$0x5A0]  }
0x16a: {  	v1 =	vld [tilespmem:$0x560]  }
0x16b: {  	v2 =	vld [tilespmem:$0x590]  }
0x16c: {  	v3 =	vld [tilespmem:$0x5E0]  }
0x16d: {  	v4 =	vld [tilespmem:$0x5B0]  }
0x16e: {  	v6 =	vld [tilespmem:$0x4E0]  }
0x16f: {  	v7 =	vld [tilespmem:$0x530]  }
0x170: {  	v29 =	vld [tilespmem:$0x4B0]  }
0x171: {  	v30 =	vld [tilespmem:$0x490];
	v5 =	vmul.f32 $-2.000000000e+00, v0  }
0x172: {  	v11 =	vld [tilespmem:$0x500];
	v8 =	vmul.f32 $-2.000000000e+00, v1  }
0x173: {  	v14 =	vld [tilespmem:$0x4A0];
	v10 =	vmul.f32 $-2.000000000e+00, v3;
	[tilespmem:$0x720] =	vst v5  }
0x174: {  	v17 =	vld [tilespmem:$0x580];
	v15 =	vmul.f32 $-2.000000000e+00, v7;
	[tilespmem:$0x6E0] =	vst v8  }
0x175: {  	v9 =	vld [tilespmem:$0x520];
	v12 =	vmul.f32 $-2.000000000e+00, v2;
	[tilespmem:$0x760] =	vst v10  }
0x176: {  	v35 =	vld [tilespmem:$0x4C0];
	v18 =	vmul.f32 $-2.000000000e+00, v30;
	[tilespmem:$0x6B0] =	vst v15  }
0x177: {  	v45 =	vld [tilespmem:$0x5D0];
	v34 =	vmul.f32 v11, v11;
	v11 =	vmul.f32 $-2.000000000e+00, v11;
	[tilespmem:$0x710] =	vst v12  }
0x178: {  	v41 =	vld [tilespmem:$0x550];
	v36 =	vmul.f32 v14, v14;
	v14 =	vmul.f32 $-2.000000000e+00, v14;
	[tilespmem:$0x610] =	vst v18  }
0x179: {  	v31 =	vld [tilespmem:$0x510];
	v42 =	vmul.f32 v17, v17;
	v17 =	vmul.f32 $-2.000000000e+00, v17;
	[tilespmem:$0x680] =	vst v11  }
0x17a: {  	v48 =	vld [tilespmem:$0x570];
	v13 =	vmul.f32 v6, v6;
	v6 =	vmul.f32 $-2.000000000e+00, v6;
	[tilespmem:$0x620] =	vst v14  }
0x17b: {  	v38 =	vld [tilespmem:$0x4D0];
	v1 =	vmul.f32 v1, v1;
	v44 =	vmul.f32 $-2.000000000e+00, v35;
	[tilespmem:$0x700] =	vst v17  }
0x17c: {  	v37 =	vld [tilespmem:$0x540];
	v3 =	vmul.f32 v3, v3;
	v54 =	vmul.f32 $-2.000000000e+00, v45;
	[tilespmem:$0x660] =	vst v6  }
0x17d: {  	v51 =	vld [tilespmem:$0x5F0];
	v7 =	vmul.f32 v7, v7;
	v49 =	vmul.f32 $-2.000000000e+00, v41;
	[tilespmem:$0x640] =	vst v44  }
0x17e: {  	v16 =	vmul.f32 v4, v4;
	v53 =	vmul.f32 $-2.000000000e+00, v9;
	[tilespmem:$0x750] =	vst v54  }
0x17f: {  	v32 =	vld [tilespmem:$0x480];
	v2 =	vmul.f32 v2, v2;
	v57 =	vmul.f32 $-2.000000000e+00, v48;
	[tilespmem:$0x6D0] =	vst v49  }
0x180: {  	v33 =	vmul.f32 v29, v29;
	v56 =	vmul.f32 $-2.000000000e+00, v38;
	[tilespmem:$0x6A0] =	vst v53  }
0x181: {  	v19 =	vmul.f32 v9, v9;
	v52 =	vmul.f32 $-2.000000000e+00, v37;
	[tilespmem:$0x6F0] =	vst v57  }
0x182: {  	v43 =	vld [tilespmem:$0x5C0];
	v20 =	vmul.f32 v31, v31;
	v62 =	vmul.f32 $-2.000000000e+00, v51;
	[tilespmem:$0x650] =	vst v56  }
0x183: {  	v46 =	vld [tilespmem:$0x4F0];
	v0 =	vmul.f32 v0, v0;
	v4 =	vmul.f32 $-2.000000000e+00, v4;
	[tilespmem:$0x6C0] =	vst v52  }
0x184: {  	v39 =	vmul.f32 v32, v32;
	v10 =	vmul.f32 $-2.000000000e+00, v31;
	[tilespmem:$0x770] =	vst v62  }
0x185: {  	v47 =	vmul.f32 v35, v35;
	v1 =	vadd.f32 v1, v13;
	v13 =	vmul.f32 $-2.000000000e+00, v32;
	[tilespmem:$0x730] =	vst v4  }
0x186: {  	v50 =	vmul.f32 v38, v38;
	v7 =	vadd.f32 v7, v33;
	v5 =	vmul.f32 $-2.000000000e+00, v29;
	[tilespmem:$0x690] =	vst v10  }
0x187: {  	v8 =	vmul.f32 v30, v30;
	v40 =	vadd.f32 v19, v36;
	v1 =	vadd.f32 v3, v1;
	[tilespmem:$0x600] =	vst v13  }
0x188: {  	v55 =	vmul.f32 v43, v43;
	v58 =	vmul.f32 v46, v46;
	v7 =	vadd.f32 v16, v7;
	[tilespmem:$0x630] =	vst v5  }
0x189: {  	v18 =	vmul.f32 v37, v37;
	v8 =	vadd.f32 v20, v8;
	v0 =	vadd.f32 v0, v40;
	[tilespmem:$0x7E0] =	vst v1  }
0x18a: {  	v12 =	vmul.f32 v48, v48;
	v3 =	vmul.f32 $-2.000000000e+00, v46;
	[tilespmem:$0x7B0] =	vst v7  }
0x18b: {  	v59 =	vmul.f32 v41, v41;
	v2 =	vadd.f32 v2, v8;
	v8 =	vadd.f32 v18, v47;
	[tilespmem:$0x7A0] =	vst v0  }
0x18c: {  	v61 =	vmul.f32 v51, v51;
	v60 =	vadd.f32 v12, v58;
	v7 =	vmul.f32 $-2.000000000e+00, v43;
	[tilespmem:$0x670] =	vst v3  }
0x18d: {  	v1 =	vadd.f32 v34, v39;
	[tilespmem:$0x790] =	vst v2;
	v8 =	vadd.f32 v55, v8  }
0x18e: {  	v11 =	vmul.f32 v45, v45;
	[tilespmem:$0x740] =	vst v7;
	v2 =	vadd.f32 v59, v50;
	v7 =	vadd.f32 v61, v60  }
0x18f: {  	v1 =	vadd.f32 v42, v1;
	[tilespmem:$0x7C0] =	vst v8  }
0x190: {  	v63 =	vadd.f32 v11, v2;
	[tilespmem:$0x7F0] =	vst v7  }
0x191: {  	[tilespmem:$0x780] =	vst v1  }
0x192: {  	s14 =	rddreg [dreg:$0x1c];
	[tilespmem:$0x7D0] =	vst v63  }
0x193: {  	[hbm4b:s14+s2] =	stream.linear.scatter [tilespmem:s28], [sflag:$0x2], $0x80, $0x38;
	[tilespmem:$0x800] =	vst v63  }
0x194: {  	s15 =	rddreg [dreg:$0x1d]  }
0x195: {  	[hbm4b:s15+s2] =	stream.linear.scatter [tilespmem:s29], [sflag:$0x2], $0x80, $0x38;
	[tilespmem:$0x800] =	vst v63  }
0x196: {  	s16 =	rddreg [dreg:$0x1e]  }
0x197: {  	[hbm4b:s16+s2] =	stream.linear.scatter [tilespmem:s30], [sflag:$0x2], $0x80, $0x38;
	[tilespmem:$0x800] =	vst v63  }
0x198: {  	s17 =	rddreg [dreg:$0x1f]  }
0x199: {  	[hbm4b:s17+s2] =	stream.linear.scatter [tilespmem:s31], [sflag:$0x2], $0x80, $0x38;
	[tilespmem:$0x800] =	vst v63  }
0x19a: {  	_ =	swait.ge [sflag:s26], $0x10  }
0x19b: {  	[sflag:s26] =	ssyncset.done $0x0  }
0x19c: {  	[sflag:s26] =	ssyncadd.s32 $0xFFFFFFF0  }
0x19d: {  	_ =	swait.ge [sflag:s26], $0x10  }
0x19e: {  	[sflag:s26] =	ssyncset.done $0x0  }
0x19f: {  	[sflag:s26] =	ssyncadd.s32 $0xFFFFFFF0  }
0x1a0: {  	_ =	swait.ge [sflag:s26], $0x10  }
0x1a1: {  	[sflag:s26] =	ssyncset.done $0x0  }
0x1a2: {  	[sflag:s26] =	ssyncadd.s32 $0xFFFFFFF0  }
0x1a3: {  	_ =	swait.ge [sflag:s26], $0x10  }
0x1a4: {  	[sflag:s26] =	ssyncset.done $0x0  }
0x1a5: {  	[sflag:s26] =	ssyncadd.s32 $0xFFFFFFF0  }
0x1a6: {  	_ =	swait.ge [sflag:s26], $0x10  }
0x1a7: {  	[sflag:s26] =	ssyncset.done $0x0  }
0x1a8: {  	[sflag:s26] =	ssyncadd.s32 $0xFFFFFFF0  }
0x1a9: {  	_ =	swait.ge [sflag:s26], $0x10  }
0x1aa: {  	[sflag:s26] =	ssyncset.done $0x0  }
0x1ab: {  	[sflag:s26] =	ssyncadd.s32 $0xFFFFFFF0  }
0x1ac: {  	_ =	swait.ge [sflag:s26], $0x10  }
0x1ad: {  	[sflag:s26] =	ssyncset.done $0x0  }
0x1ae: {  	[sflag:s26] =	ssyncadd.s32 $0xFFFFFFF0  }
0x1af: {  	_ =	swait.ge [sflag:s26], $0x10  }
0x1b0: {  	[sflag:s26] =	ssyncset.done $0x0  }
0x1b1: {  	[sflag:s26] =	ssyncadd.s32 $0xFFFFFFF0  }
0x1b2: {  	_ =	swait.ge [sflag:s26], $0x10  }
0x1b3: {  	[sflag:s26] =	ssyncset.done $0x0  }
0x1b4: {  	[sflag:s26] =	ssyncadd.s32 $0xFFFFFFF0  }
0x1b5: {  	_ =	swait.ge [sflag:s26], $0x10  }
0x1b6: {  	[sflag:s26] =	ssyncset.done $0x0  }
0x1b7: {  	[sflag:s26] =	ssyncadd.s32 $0xFFFFFFF0  }
0x1b8: {  	_ =	swait.ge [sflag:s26], $0x10  }
0x1b9: {  	[sflag:s26] =	ssyncset.done $0x0  }
0x1ba: {  	[sflag:s26] =	ssyncadd.s32 $0xFFFFFFF0  }
0x1bb: {  	_ =	swait.ge [sflag:s26], $0x10  }
0x1bc: {  	[sflag:s26] =	ssyncset.done $0x0  }
0x1bd: {  	[sflag:s26] =	ssyncadd.s32 $0xFFFFFFF0  }
0x1be: {  	_ =	swait.ge [sflag:s26], $0x10  }
0x1bf: {  	[sflag:s26] =	ssyncset.done $0x0  }
0x1c0: {  	[sflag:s26] =	ssyncadd.s32 $0xFFFFFFF0  }
0x1c1: {  	_ =	swait.ge [sflag:s26], $0x10  }
0x1c2: {  	p0 =	sne.s32 s1, $0x1;
	[sflag:s26] =	ssyncset.done $0x0  }
.Ltmp1:
0x1c3: {  	[sflag:s26] =	ssyncadd.s32 $0xFFFFFFF0;
	(pc) =	sbr.rel @p0 .LBB2_1-.Ltmp1, $4  }
0x1c4: {  	_ =	swait.ge [sflag:s26], $0x10  }
0x1c5: {  	[sflag:s26] =	ssyncset.done $0x0  }
0x1c6: {  	[sflag:s26] =	ssyncadd.s32 $0xFFFFFFF0  }
0x1c7: {  	s1 =	sadd.s32 $0xFFFFFFFF, s1;
	_ =	swait.ge [sflag:s26], $0x10  }
.LBB2_2:
0x1c8: {  	[sflag:s26] =	ssyncset.done $0x0  }
0x1c9: {  	[sflag:s26] =	ssyncadd.s32 $0xFFFFFFF0  }
0x1ca: {  	_ =	swait.ge [sflag:s26], $0x10  }
0x1cb: {  	[sflag:s26] =	ssyncset.done $0x0  }
0x1cc: {  	[sflag:s26] =	ssyncadd.s32 $0xFFFFFFF0  }
0x1cd: {  	_ =	swait.ge [sflag:s26], $0x10  }
0x1ce: {  	[sflag:s26] =	ssyncset.done $0x0  }
0x1cf: {  	[sflag:s26] =	ssyncadd.s32 $0xFFFFFFF0  }
0x1d0: {  	_ =	swait.ge [sflag:s26], $0x10  }
0x1d1: {  	[sflag:s26] =	ssyncset.done $0x0  }
0x1d2: {  	[sflag:s26] =	ssyncadd.s32 $0xFFFFFFF0  }
0x1d3: {  	_ =	swait.ge [sflag:s26], $0x10  }
0x1d4: {  	[sflag:s26] =	ssyncset.done $0x0  }
0x1d5: {  	[sflag:s26] =	ssyncadd.s32 $0xFFFFFFF0  }
0x1d6: {  	_ =	swait.ge [sflag:s26], $0x10  }
0x1d7: {  	[sflag:s26] =	ssyncset.done $0x0  }
0x1d8: {  	[sflag:s26] =	ssyncadd.s32 $0xFFFFFFF0  }
0x1d9: {  	_ =	swait.ge [sflag:s26], $0x10  }
0x1da: {  	[sflag:s26] =	ssyncset.done $0x0  }
0x1db: {  	[sflag:s26] =	ssyncadd.s32 $0xFFFFFFF0  }
0x1dc: {  	_ =	swait.ge [sflag:s26], $0x10  }
0x1dd: {  	[sflag:s26] =	ssyncset.done $0x0  }
0x1de: {  	[sflag:s26] =	ssyncadd.s32 $0xFFFFFFF0  }
0x1df: {  	_ =	swait.ge [sflag:s26], $0x10  }
0x1e0: {  	[sflag:s26] =	ssyncset.done $0x0  }
0x1e1: {  	[sflag:s26] =	ssyncadd.s32 $0xFFFFFFF0  }
0x1e2: {  	_ =	swait.ge [sflag:s26], $0x80  }
0x1e3: {  	[sflag:s26] =	ssyncset.done $0x0  }
0x1e4: {  	[sflag:s26] =	ssyncadd.s32 $0xFFFFFF80  }
0x1e5: {  	_ =	swait.ge [sflag:s26], $0x80  }
0x1e6: {  	[sflag:s26] =	ssyncset.done $0x0  }
0x1e7: {  	[sflag:s26] =	ssyncadd.s32 $0xFFFFFF80  }
0x1e8: {  	_ =	swait.ge [sflag:s26], $0x80  }
0x1e9: {  	[sflag:s26] =	ssyncset.done $0x0  }
0x1ea: {  	[sflag:s26] =	ssyncadd.s32 $0xFFFFFF80  }
0x1eb: {  	_ =	swait.ge [sflag:s26], $0x80  }
0x1ec: {  	[sflag:s26] =	ssyncset.done $0x0  }
0x1ed: {  	[sflag:s26] =	ssyncadd.s32 $0xFFFFFF80  }
0x1ee: {  	_ =	sfence.sel $0x180000  }
0x1ef: {  	[bflag:$0x0] =	sbarrier.arrive $0xFFFF  }
0x1f0: {  	_ =	strace $0x90000047  }
0x1f1: {  	s0 =	stileid.u32;
	[bflag:$0x2] =	sbarrier.arrive $0xFFFF  }
0x1f2: {  	p0 =	sne.s32 s0, $0x0;
	s0 =	rddreg [dreg:$0x1]  }
0x1f3: {  	s0 =	sadd.s32 @!p0 $0x100000, s0  }
0x1f4: {  	[sflag:s0] =	ssyncadd.tile.s32 @!p0 $0x1;
	_ =	shalt  }
.Lfunc_end2:
_tile_overlayer_lowered:
.L_overlay_start_2:
0x1f5: {  	(tag) =	ssettag $0x2  }
0x1f6: {  	s0 =	rddreg [dreg:$0x0];
	s2 =	stileid.u32  }
0x1f7: {  	s1 =	rddreg [dreg:$0x1];
	p0 =	sne.s32 s2, $0x0  }
0x1f8: {  	s3 =	rddreg [dreg:$0x2];
	[bflag:$0x3] =	sbarrier.arrive $0xFFFF;
	s2 =	simm.s32 @!p0 $0x1C03  }
0x1f9: {  	[timem:s3], [sflag:s2] =	dma.local @!p0 [hbm:s0], s1  }
0x1fa: {  	s0 =	simm.s32 @!p0 $0x3  }
0x1fb: {  	_ =	swait.ge @!p0 [sflag:s0], s1  }
0x1fc: {  	s1 =	ssub.s32 @!p0 $0x0, s1;
	[sflag:s0] =	ssyncset.done @!p0 $0x0  }
0x1fd: {  	[sflag:s0] =	ssyncadd.s32 @!p0 s1  }
0x1fe: {  	[bflag:$0x3] =	sbarrier.arrive $0xFFFF  }
0x1ff: {  	_ =	shalt  }

</sc_bundles>
